<compile_context>
chip_gen: v7x
topology: tpu7x:2x2x1
jax: 0.10.2.dev20260603
libtpu: 0.0.44.dev20260713+nightly
codegen_flags: <defaults>
</compile_context>

<pallas_src>
import functools

import jax
import jax.numpy as jnp
from jax import lax
from jax.experimental import pallas as pl
from jax.experimental.pallas import tpu as pltpu
from jax.experimental.pallas import tpu_sc as plsc

_DIM = 64
_LANES = 16
_GRPS = _DIM // _LANES
_NC, _NS = 2, 16
_NW = _NC * _NS
_VB = 8192
_CHUNK = 80
_GPB = 4
_WPR = _DIM // 2


def _bf16_bits(x):
    u = lax.bitcast_convert_type(x, jnp.int32)
    return u + jnp.int32(0x7FFF) + ((u >> 16) & jnp.int32(1))


def _tc_relayout_body(g1_ref, g2_ref, g3_ref, g4_ref, o_ref):
    packed = []
    for g_ref in (g1_ref, g2_ref, g3_ref, g4_ref):
        g = g_ref[...]
        hi = _bf16_bits(g[:_WPR, :]) & jnp.int32(-65536)
        lo = lax.shift_right_logical(_bf16_bits(g[_WPR:, :]), 16)
        packed.append(hi | lo)
    o_ref[...] = jnp.concatenate(packed, axis=0).T


def _tc_relayout(at):
    vocab = at.shape[1]
    grid = (vocab + _GPB * _VB - 1) // (_GPB * _VB)
    last = vocab // _VB
    specs = [
        pl.BlockSpec((_WPR * 2, _VB),
                     functools.partial(
                         lambda k, i: (0, jnp.minimum(_GPB * i + k, last)), k))
        for k in range(_GPB)
    ]
    out = pl.pallas_call(
        _tc_relayout_body,
        grid=(grid,),
        in_specs=specs,
        out_specs=pl.BlockSpec((_VB, 128), lambda i: (i, 0)),
        out_shape=jax.ShapeDtypeStruct((grid * _VB, 128), jnp.int32),
    )(at, at, at, at)
    return out.reshape(grid * _GPB * _VB, _WPR)


_NBUF = 10


def _sc_embed_body(nbags_w, nchunks, seqlen,
                   x_hbm, tab_hbm, out_hbm,
                   idxc_v, *rest):
    bufs, sems = rest[:_NBUF], rest[_NBUF + 1:2 * _NBUF + 1]
    outb_v = rest[_NBUF]
    wid = lax.axis_index("s") * _NC + lax.axis_index("c")
    pltpu.sync_copy(x_hbm.at[pl.ds(wid * nchunks, nchunks)], idxc_v)

    bpq = 4
    cpq = bpq * seqlen // _CHUNK

    for k in range(_NBUF):
        pltpu.async_copy(tab_hbm.at[idxc_v.at[k]], bufs[k], sems[k])

    def _accum(buf, lo, hi, accs):
        def _row(r, a):
            w0 = buf[r, pl.ds(0, _LANES)]
            w1 = buf[r, pl.ds(_LANES, _LANES)]
            bc = functools.partial(lax.bitcast_convert_type,
                                   new_dtype=jnp.float32)
            return (
                a[0] + bc(w0),
                a[1] + bc(w1),
                a[2] + bc(w0 << 16),
                a[3] + bc(w1 << 16),
            )
        return list(lax.fori_loop(lo, hi, _row, tuple(accs), unroll=8))

    @pl.loop(0, nbags_w // bpq)
    def _quad(quad):
        accs = [[jnp.zeros((_LANES,), jnp.float32) for _ in range(_GRPS)]
                for _ in range(bpq)]
        for c in range(cpq):
            buf, sem = bufs[c % _NBUF], sems[c % _NBUF]
            cid = quad * cpq + c
            pltpu.make_async_copy(tab_hbm.at[idxc_v.at[0]], buf, sem).wait()
            for b in range(bpq):
                lo = max(0, seqlen * b - _CHUNK * c)
                hi = min(_CHUNK, seqlen * (b + 1) - _CHUNK * c)
                if hi > lo:
                    accs[b] = _accum(buf, lo, hi, accs[b])

            @pl.when(cid + _NBUF < nchunks)
            def _():
                pltpu.async_copy(tab_hbm.at[idxc_v.at[cid + _NBUF]], buf, sem)

        scale = 1.0 / seqlen
        for b in range(bpq):
            for g in range(_GRPS):
                outb_v[bpq * quad + b, pl.ds(_LANES * g, _LANES)] = (
                    accs[b][g] * scale)

    pltpu.sync_copy(outb_v, out_hbm.at[pl.ds(wid * nbags_w, nbags_w)])


@functools.partial(jax.jit, static_argnums=(2, 3))
def _sc_embed(x_chunks, table, batch, seqlen):
    nbags_w = batch // _NW
    nchunks_w = x_chunks.shape[0] // _NW
    mesh = plsc.VectorSubcoreMesh(core_axis_name="c", subcore_axis_name="s",
                                  num_cores=_NC, num_subcores=_NS)
    body = functools.partial(_sc_embed_body, nbags_w, nchunks_w, seqlen)
    return pl.kernel(
        body,
        out_type=jax.ShapeDtypeStruct((batch, _DIM), jnp.float32),
        mesh=mesh,
        compiler_params=pltpu.CompilerParams(use_tc_tiling_on_sc=False),
        scratch_types=(
            [pltpu.VMEM((nchunks_w, _CHUNK), jnp.int32)]
            + [pltpu.VMEM((_CHUNK, _WPR), jnp.int32)] * _NBUF
            + [pltpu.VMEM((nbags_w, _DIM), jnp.float32)]
            + [pltpu.SemaphoreType.DMA] * _NBUF
        ),
    )(x_chunks, table)


def _tc_head_body(e_ref, w_ref, o_ref):
    logits = lax.dot_general(w_ref[...], e_ref[...],
                             (((1,), (1,)), ((), ())),
                             preferred_element_type=jnp.float32)
    m = jnp.max(logits, axis=0, keepdims=True)
    l = logits - m
    o_ref[...] = l - jnp.log(jnp.sum(jnp.exp(l), axis=0, keepdims=True))


def _tc_head(embeds, w):
    batch = embeds.shape[0]
    classes = w.shape[0]
    blk = 2048
    out_t = pl.pallas_call(
        _tc_head_body,
        grid=(batch // blk,),
        in_specs=[
            pl.BlockSpec((blk, _DIM), lambda i: (i, 0)),
            pl.BlockSpec((classes, _DIM), lambda i: (0, 0)),
        ],
        out_specs=pl.BlockSpec((classes, blk), lambda i: (0, i)),
        out_shape=jax.ShapeDtypeStruct((classes, batch), jnp.float32),
    )(embeds, w)
    return out_t.T


def kernel(x, A, B):
    batch, seqlen = x.shape
    xi = x.astype(jnp.int32)
    xr = ((xi & jnp.int32(~(_GPB * _VB - 1)))
          | ((xi & jnp.int32(_VB - 1)) << 2)
          | ((xi >> (_VB.bit_length() - 1)) & jnp.int32(_GPB - 1)))
    x_chunks = xr.reshape(batch * seqlen // _CHUNK, _CHUNK)
    table = _tc_relayout(A.T)
    embeds = _sc_embed(x_chunks, table, batch, seqlen)
    return _tc_head(embeds, B)

# --- scband reference (transcript-rebuilt; emitter-appended) ---
"""Pipeline reference for scband-fast-text-57698590654728 (READ-ONLY COPY).

The authoritative reference and input builder live on the scoring server;
editing this copy changes nothing except your own understanding.
"""

import jax, jax.numpy as jnp
import numpy as np

VOCAB = 1000000
DIM = 64
CLASSES = 1000
BATCH = 4096
SEQLEN = 200

def setup_inputs(seed: int = 0) -> dict:
    key = jax.random.key(seed)
    k1, k2 = jax.random.split(key)
    x = jax.random.randint(k1, (BATCH, SEQLEN), 0, VOCAB, dtype=jnp.int64) if jax.config.jax_enable_x64 else jax.random.randint(k1, (BATCH, SEQLEN), 0, VOCAB, dtype=jnp.int32)
    A = jax.random.uniform(k2, (VOCAB, DIM), dtype=jnp.float32, minval=-1.0 / DIM, maxval=1.0 / DIM)
    B = jnp.zeros((CLASSES, DIM), dtype=jnp.float32)
    return {"x": x, "A": A, "B": B}

def reference(x, A, B):
    # nn.EmbeddingBag(mode='mean'): gather rows then mean over the bag (seq) dim
    embeds = jnp.take(A, x, axis=0).mean(axis=1)  # [B, DIM]
    logits = embeds @ B.T  # [B, CLASSES]
    return jax.nn.log_softmax(logits, axis=-1)

if __name__ == "__main__":
    import jax
    _d = setup_inputs()
    print(jax.jit(kernel)(*tuple(_d.values())))

</pallas_src>

<mosaic_0001>
#map = affine_map<(d0, d1) -> (0, 0)>
module attributes {stable_mosaic.version = 14 : i64} {
  func.func @_sc_embed_body(%arg0: i32, %arg1: i32, %arg2: memref<10240x80xi32, #tpu.memory_space<hbm>>, %arg3: memref<1015808x32xi32, #tpu.memory_space<hbm>>, %arg4: memref<4096x64xf32, #tpu.memory_space<hbm>>, %arg5: memref<320x80xi32, #tpu.memory_space<vmem>>, %arg6: memref<80x32xi32, #tpu.memory_space<vmem>>, %arg7: memref<80x32xi32, #tpu.memory_space<vmem>>, %arg8: memref<80x32xi32, #tpu.memory_space<vmem>>, %arg9: memref<80x32xi32, #tpu.memory_space<vmem>>, %arg10: memref<80x32xi32, #tpu.memory_space<vmem>>, %arg11: memref<80x32xi32, #tpu.memory_space<vmem>>, %arg12: memref<80x32xi32, #tpu.memory_space<vmem>>, %arg13: memref<80x32xi32, #tpu.memory_space<vmem>>, %arg14: memref<80x32xi32, #tpu.memory_space<vmem>>, %arg15: memref<80x32xi32, #tpu.memory_space<vmem>>, %arg16: memref<128x64xf32, #tpu.memory_space<vmem>>, %arg17: memref<!tpu.dma_semaphore, #tpu.memory_space<semaphore_mem>>, %arg18: memref<!tpu.dma_semaphore, #tpu.memory_space<semaphore_mem>>, %arg19: memref<!tpu.dma_semaphore, #tpu.memory_space<semaphore_mem>>, %arg20: memref<!tpu.dma_semaphore, #tpu.memory_space<semaphore_mem>>, %arg21: memref<!tpu.dma_semaphore, #tpu.memory_space<semaphore_mem>>, %arg22: memref<!tpu.dma_semaphore, #tpu.memory_space<semaphore_mem>>, %arg23: memref<!tpu.dma_semaphore, #tpu.memory_space<semaphore_mem>>, %arg24: memref<!tpu.dma_semaphore, #tpu.memory_space<semaphore_mem>>, %arg25: memref<!tpu.dma_semaphore, #tpu.memory_space<semaphore_mem>>, %arg26: memref<!tpu.dma_semaphore, #tpu.memory_space<semaphore_mem>>) attributes {dimension_semantics = [#tpu.dimension_semantics<core_parallel>, #tpu.dimension_semantics<subcore_parallel>], iteration_bounds = array<i64: 2, 16>, scalar_prefetch = 0 : i64, scratch_operands = 22 : i64, tpu.core_type = #tpu.core_type<sc_vector_subcore>, window_params = [{transform_indices = #map}, {transform_indices = #map}, {transform_indices = #map}]} {
    %mul3A = arith.constant 2 : i32
    %mul3A_0 = arith.muli %arg1, %mul3A : i32
    %add3A = arith.addi %mul3A_0, %arg0 : i32
    %mul3A_1 = arith.constant 320 : i32
    %mul3A_2 = arith.muli %add3A, %mul3A_1 : i32
    "tpu.region"() ({
      %run_scoped3A = tpu.sem_alloc : memref<!tpu.dma_semaphore, #tpu.memory_space<semaphore_mem>>
      %dma_start3A_78 = arith.constant 0 : i32
      %dma_start3A_79 = tpu.memref_slice %arg2[%mul3A_2, %dma_start3A_78] : memref<10240x80xi32, #tpu.memory_space<hbm>> -> memref<320x80xi32, #tpu.memory_space<hbm>>
      %dma_start3A_80 = arith.constant 0 : i32
      %dma_start3A_81 = tpu.memref_slice %arg2[%mul3A_2, %dma_start3A_80] : memref<10240x80xi32, #tpu.memory_space<hbm>> -> memref<320x80xi32, #tpu.memory_space<hbm>>
      tpu.enqueue_dma source(%dma_start3A_81 : memref<320x80xi32, #tpu.memory_space<hbm>>) target(%arg5 : memref<320x80xi32, #tpu.memory_space<vmem>>) target_semaphore(%run_scoped3A : memref<!tpu.dma_semaphore, #tpu.memory_space<semaphore_mem>>)
      %dma_wait3A = arith.constant 0 : i32
      %dma_wait3A_82 = tpu.memref_slice %arg2[%mul3A_2, %dma_wait3A] : memref<10240x80xi32, #tpu.memory_space<hbm>> -> memref<320x80xi32, #tpu.memory_space<hbm>>
      %dma_wait3A_83 = arith.constant 0 : i32
      %dma_wait3A_84 = tpu.memref_slice %arg2[%mul3A_2, %dma_wait3A_83] : memref<10240x80xi32, #tpu.memory_space<hbm>> -> memref<320x80xi32, #tpu.memory_space<hbm>>
      tpu.wait_dma2 semaphore(%run_scoped3A : memref<!tpu.dma_semaphore, #tpu.memory_space<semaphore_mem>>) src(%dma_wait3A_84 : memref<320x80xi32, #tpu.memory_space<hbm>>) dst(%arg5 : memref<320x80xi32, #tpu.memory_space<vmem>>)
      tpu.yield
    }) : () -> ()
    %dma_start3A = arith.constant 0 : i32
    %dma_start3A_3 = arith.constant 0 : i32
    %dma_start3A_4 = tpu.memref_slice %arg5[%dma_start3A, %dma_start3A_3] : memref<320x80xi32, #tpu.memory_space<vmem>> -> memref<1x80xi32, #tpu.memory_space<vmem>>
    %dma_start3A_5 = tpu.memref_squeeze %dma_start3A_4 : memref<1x80xi32, #tpu.memory_space<vmem>> -> memref<80xi32, #tpu.memory_space<vmem>>
    %dma_start3A_6 = arith.constant 0 : i32
    %dma_start3A_7 = arith.constant 0 : i32
    %dma_start3A_8 = tpu.memref_slice %arg3[%dma_start3A_6, %dma_start3A_7] : memref<1015808x32xi32, #tpu.memory_space<hbm>> -> memref<1015808x32xi32, #tpu.memory_space<hbm>>
    tpu.enqueue_indirect_dma source(%dma_start3A_8 : memref<1015808x32xi32, #tpu.memory_space<hbm>>) target(%arg6 : memref<80x32xi32, #tpu.memory_space<vmem>>) offsets(%dma_start3A_5 : memref<80xi32, #tpu.memory_space<vmem>>) semaphore(%arg17 : memref<!tpu.dma_semaphore, #tpu.memory_space<semaphore_mem>>)
    %dma_start3A_9 = arith.constant 1 : i32
    %dma_start3A_10 = arith.constant 0 : i32
    %dma_start3A_11 = tpu.memref_slice %arg5[%dma_start3A_9, %dma_start3A_10] : memref<320x80xi32, #tpu.memory_space<vmem>> -> memref<1x80xi32, #tpu.memory_space<vmem>>
    %dma_start3A_12 = tpu.memref_squeeze %dma_start3A_11 : memref<1x80xi32, #tpu.memory_space<vmem>> -> memref<80xi32, #tpu.memory_space<vmem>>
    %dma_start3A_13 = arith.constant 0 : i32
    %dma_start3A_14 = arith.constant 0 : i32
    %dma_start3A_15 = tpu.memref_slice %arg3[%dma_start3A_13, %dma_start3A_14] : memref<1015808x32xi32, #tpu.memory_space<hbm>> -> memref<1015808x32xi32, #tpu.memory_space<hbm>>
    tpu.enqueue_indirect_dma source(%dma_start3A_15 : memref<1015808x32xi32, #tpu.memory_space<hbm>>) target(%arg7 : memref<80x32xi32, #tpu.memory_space<vmem>>) offsets(%dma_start3A_12 : memref<80xi32, #tpu.memory_space<vmem>>) semaphore(%arg18 : memref<!tpu.dma_semaphore, #tpu.memory_space<semaphore_mem>>)
    %dma_start3A_16 = arith.constant 2 : i32
    %dma_start3A_17 = arith.constant 0 : i32
    %dma_start3A_18 = tpu.memref_slice %arg5[%dma_start3A_16, %dma_start3A_17] : memref<320x80xi32, #tpu.memory_space<vmem>> -> memref<1x80xi32, #tpu.memory_space<vmem>>
    %dma_start3A_19 = tpu.memref_squeeze %dma_start3A_18 : memref<1x80xi32, #tpu.memory_space<vmem>> -> memref<80xi32, #tpu.memory_space<vmem>>
    %dma_start3A_20 = arith.constant 0 : i32
    %dma_start3A_21 = arith.constant 0 : i32
    %dma_start3A_22 = tpu.memref_slice %arg3[%dma_start3A_20, %dma_start3A_21] : memref<1015808x32xi32, #tpu.memory_space<hbm>> -> memref<1015808x32xi32, #tpu.memory_space<hbm>>
    tpu.enqueue_indirect_dma source(%dma_start3A_22 : memref<1015808x32xi32, #tpu.memory_space<hbm>>) target(%arg8 : memref<80x32xi32, #tpu.memory_space<vmem>>) offsets(%dma_start3A_19 : memref<80xi32, #tpu.memory_space<vmem>>) semaphore(%arg19 : memref<!tpu.dma_semaphore, #tpu.memory_space<semaphore_mem>>)
    %dma_start3A_23 = arith.constant 3 : i32
    %dma_start3A_24 = arith.constant 0 : i32
    %dma_start3A_25 = tpu.memref_slice %arg5[%dma_start3A_23, %dma_start3A_24] : memref<320x80xi32, #tpu.memory_space<vmem>> -> memref<1x80xi32, #tpu.memory_space<vmem>>
    %dma_start3A_26 = tpu.memref_squeeze %dma_start3A_25 : memref<1x80xi32, #tpu.memory_space<vmem>> -> memref<80xi32, #tpu.memory_space<vmem>>
    %dma_start3A_27 = arith.constant 0 : i32
    %dma_start3A_28 = arith.constant 0 : i32
    %dma_start3A_29 = tpu.memref_slice %arg3[%dma_start3A_27, %dma_start3A_28] : memref<1015808x32xi32, #tpu.memory_space<hbm>> -> memref<1015808x32xi32, #tpu.memory_space<hbm>>
    tpu.enqueue_indirect_dma source(%dma_start3A_29 : memref<1015808x32xi32, #tpu.memory_space<hbm>>) target(%arg9 : memref<80x32xi32, #tpu.memory_space<vmem>>) offsets(%dma_start3A_26 : memref<80xi32, #tpu.memory_space<vmem>>) semaphore(%arg20 : memref<!tpu.dma_semaphore, #tpu.memory_space<semaphore_mem>>)
    %dma_start3A_30 = arith.constant 4 : i32
    %dma_start3A_31 = arith.constant 0 : i32
    %dma_start3A_32 = tpu.memref_slice %arg5[%dma_start3A_30, %dma_start3A_31] : memref<320x80xi32, #tpu.memory_space<vmem>> -> memref<1x80xi32, #tpu.memory_space<vmem>>
    %dma_start3A_33 = tpu.memref_squeeze %dma_start3A_32 : memref<1x80xi32, #tpu.memory_space<vmem>> -> memref<80xi32, #tpu.memory_space<vmem>>
    %dma_start3A_34 = arith.constant 0 : i32
    %dma_start3A_35 = arith.constant 0 : i32
    %dma_start3A_36 = tpu.memref_slice %arg3[%dma_start3A_34, %dma_start3A_35] : memref<1015808x32xi32, #tpu.memory_space<hbm>> -> memref<1015808x32xi32, #tpu.memory_space<hbm>>
    tpu.enqueue_indirect_dma source(%dma_start3A_36 : memref<1015808x32xi32, #tpu.memory_space<hbm>>) target(%arg10 : memref<80x32xi32, #tpu.memory_space<vmem>>) offsets(%dma_start3A_33 : memref<80xi32, #tpu.memory_space<vmem>>) semaphore(%arg21 : memref<!tpu.dma_semaphore, #tpu.memory_space<semaphore_mem>>)
    %dma_start3A_37 = arith.constant 5 : i32
    %dma_start3A_38 = arith.constant 0 : i32
    %dma_start3A_39 = tpu.memref_slice %arg5[%dma_start3A_37, %dma_start3A_38] : memref<320x80xi32, #tpu.memory_space<vmem>> -> memref<1x80xi32, #tpu.memory_space<vmem>>
    %dma_start3A_40 = tpu.memref_squeeze %dma_start3A_39 : memref<1x80xi32, #tpu.memory_space<vmem>> -> memref<80xi32, #tpu.memory_space<vmem>>
    %dma_start3A_41 = arith.constant 0 : i32
    %dma_start3A_42 = arith.constant 0 : i32
    %dma_start3A_43 = tpu.memref_slice %arg3[%dma_start3A_41, %dma_start3A_42] : memref<1015808x32xi32, #tpu.memory_space<hbm>> -> memref<1015808x32xi32, #tpu.memory_space<hbm>>
    tpu.enqueue_indirect_dma source(%dma_start3A_43 : memref<1015808x32xi32, #tpu.memory_space<hbm>>) target(%arg11 : memref<80x32xi32, #tpu.memory_space<vmem>>) offsets(%dma_start3A_40 : memref<80xi32, #tpu.memory_space<vmem>>) semaphore(%arg22 : memref<!tpu.dma_semaphore, #tpu.memory_space<semaphore_mem>>)
    %dma_start3A_44 = arith.constant 6 : i32
    %dma_start3A_45 = arith.constant 0 : i32
    %dma_start3A_46 = tpu.memref_slice %arg5[%dma_start3A_44, %dma_start3A_45] : memref<320x80xi32, #tpu.memory_space<vmem>> -> memref<1x80xi32, #tpu.memory_space<vmem>>
    %dma_start3A_47 = tpu.memref_squeeze %dma_start3A_46 : memref<1x80xi32, #tpu.memory_space<vmem>> -> memref<80xi32, #tpu.memory_space<vmem>>
    %dma_start3A_48 = arith.constant 0 : i32
    %dma_start3A_49 = arith.constant 0 : i32
    %dma_start3A_50 = tpu.memref_slice %arg3[%dma_start3A_48, %dma_start3A_49] : memref<1015808x32xi32, #tpu.memory_space<hbm>> -> memref<1015808x32xi32, #tpu.memory_space<hbm>>
    tpu.enqueue_indirect_dma source(%dma_start3A_50 : memref<1015808x32xi32, #tpu.memory_space<hbm>>) target(%arg12 : memref<80x32xi32, #tpu.memory_space<vmem>>) offsets(%dma_start3A_47 : memref<80xi32, #tpu.memory_space<vmem>>) semaphore(%arg23 : memref<!tpu.dma_semaphore, #tpu.memory_space<semaphore_mem>>)
    %dma_start3A_51 = arith.constant 7 : i32
    %dma_start3A_52 = arith.constant 0 : i32
    %dma_start3A_53 = tpu.memref_slice %arg5[%dma_start3A_51, %dma_start3A_52] : memref<320x80xi32, #tpu.memory_space<vmem>> -> memref<1x80xi32, #tpu.memory_space<vmem>>
    %dma_start3A_54 = tpu.memref_squeeze %dma_start3A_53 : memref<1x80xi32, #tpu.memory_space<vmem>> -> memref<80xi32, #tpu.memory_space<vmem>>
    %dma_start3A_55 = arith.constant 0 : i32
    %dma_start3A_56 = arith.constant 0 : i32
    %dma_start3A_57 = tpu.memref_slice %arg3[%dma_start3A_55, %dma_start3A_56] : memref<1015808x32xi32, #tpu.memory_space<hbm>> -> memref<1015808x32xi32, #tpu.memory_space<hbm>>
    tpu.enqueue_indirect_dma source(%dma_start3A_57 : memref<1015808x32xi32, #tpu.memory_space<hbm>>) target(%arg13 : memref<80x32xi32, #tpu.memory_space<vmem>>) offsets(%dma_start3A_54 : memref<80xi32, #tpu.memory_space<vmem>>) semaphore(%arg24 : memref<!tpu.dma_semaphore, #tpu.memory_space<semaphore_mem>>)
    %dma_start3A_58 = arith.constant 8 : i32
    %dma_start3A_59 = arith.constant 0 : i32
    %dma_start3A_60 = tpu.memref_slice %arg5[%dma_start3A_58, %dma_start3A_59] : memref<320x80xi32, #tpu.memory_space<vmem>> -> memref<1x80xi32, #tpu.memory_space<vmem>>
    %dma_start3A_61 = tpu.memref_squeeze %dma_start3A_60 : memref<1x80xi32, #tpu.memory_space<vmem>> -> memref<80xi32, #tpu.memory_space<vmem>>
    %dma_start3A_62 = arith.constant 0 : i32
    %dma_start3A_63 = arith.constant 0 : i32
    %dma_start3A_64 = tpu.memref_slice %arg3[%dma_start3A_62, %dma_start3A_63] : memref<1015808x32xi32, #tpu.memory_space<hbm>> -> memref<1015808x32xi32, #tpu.memory_space<hbm>>
    tpu.enqueue_indirect_dma source(%dma_start3A_64 : memref<1015808x32xi32, #tpu.memory_space<hbm>>) target(%arg14 : memref<80x32xi32, #tpu.memory_space<vmem>>) offsets(%dma_start3A_61 : memref<80xi32, #tpu.memory_space<vmem>>) semaphore(%arg25 : memref<!tpu.dma_semaphore, #tpu.memory_space<semaphore_mem>>)
    %dma_start3A_65 = arith.constant 9 : i32
    %dma_start3A_66 = arith.constant 0 : i32
    %dma_start3A_67 = tpu.memref_slice %arg5[%dma_start3A_65, %dma_start3A_66] : memref<320x80xi32, #tpu.memory_space<vmem>> -> memref<1x80xi32, #tpu.memory_space<vmem>>
    %dma_start3A_68 = tpu.memref_squeeze %dma_start3A_67 : memref<1x80xi32, #tpu.memory_space<vmem>> -> memref<80xi32, #tpu.memory_space<vmem>>
    %dma_start3A_69 = arith.constant 0 : i32
    %dma_start3A_70 = arith.constant 0 : i32
    %dma_start3A_71 = tpu.memref_slice %arg3[%dma_start3A_69, %dma_start3A_70] : memref<1015808x32xi32, #tpu.memory_space<hbm>> -> memref<1015808x32xi32, #tpu.memory_space<hbm>>
    tpu.enqueue_indirect_dma source(%dma_start3A_71 : memref<1015808x32xi32, #tpu.memory_space<hbm>>) target(%arg15 : memref<80x32xi32, #tpu.memory_space<vmem>>) offsets(%dma_start3A_68 : memref<80xi32, #tpu.memory_space<vmem>>) semaphore(%arg26 : memref<!tpu.dma_semaphore, #tpu.memory_space<semaphore_mem>>)
    %scan3A = arith.constant 0 : i32
    %scan3A_72 = arith.constant 32 : i32
    %scan3A_73 = arith.addi %scan3A, %scan3A_72 : i32
    %scan3A_74 = arith.constant 1 : i32
    scf.for %scan3A_78 = %scan3A to %scan3A_73 step %scan3A_74  : i32 {
      %mul3A_79 = arith.constant 1 : i32
      %mul3A_80 = arith.muli %scan3A_78, %mul3A_79 : i32
      %add3A_81 = arith.constant 0 : i32
      %add3A_82 = arith.addi %add3A_81, %mul3A_80 : i32
      %broadcast_in_dim3A = arith.constant 0.000000e+00 : f32
      %broadcast_in_dim3A_83 = vector.broadcast %broadcast_in_dim3A : f32 to vector<16xf32>
      %broadcast_in_dim3A_84 = arith.constant 0.000000e+00 : f32
      %broadcast_in_dim3A_85 = vector.broadcast %broadcast_in_dim3A_84 : f32 to vector<16xf32>
      %broadcast_in_dim3A_86 = arith.constant 0.000000e+00 : f32
      %broadcast_in_dim3A_87 = vector.broadcast %broadcast_in_dim3A_86 : f32 to vector<16xf32>
      %broadcast_in_dim3A_88 = arith.constant 0.000000e+00 : f32
      %broadcast_in_dim3A_89 = vector.broadcast %broadcast_in_dim3A_88 : f32 to vector<16xf32>
      %broadcast_in_dim3A_90 = arith.constant 0.000000e+00 : f32
      %broadcast_in_dim3A_91 = vector.broadcast %broadcast_in_dim3A_90 : f32 to vector<16xf32>
      %broadcast_in_dim3A_92 = arith.constant 0.000000e+00 : f32
      %broadcast_in_dim3A_93 = vector.broadcast %broadcast_in_dim3A_92 : f32 to vector<16xf32>
      %broadcast_in_dim3A_94 = arith.constant 0.000000e+00 : f32
      %broadcast_in_dim3A_95 = vector.broadcast %broadcast_in_dim3A_94 : f32 to vector<16xf32>
      %broadcast_in_dim3A_96 = arith.constant 0.000000e+00 : f32
      %broadcast_in_dim3A_97 = vector.broadcast %broadcast_in_dim3A_96 : f32 to vector<16xf32>
      %broadcast_in_dim3A_98 = arith.constant 0.000000e+00 : f32
      %broadcast_in_dim3A_99 = vector.broadcast %broadcast_in_dim3A_98 : f32 to vector<16xf32>
      %broadcast_in_dim3A_100 = arith.constant 0.000000e+00 : f32
      %broadcast_in_dim3A_101 = vector.broadcast %broadcast_in_dim3A_100 : f32 to vector<16xf32>
      %broadcast_in_dim3A_102 = arith.constant 0.000000e+00 : f32
      %broadcast_in_dim3A_103 = vector.broadcast %broadcast_in_dim3A_102 : f32 to vector<16xf32>
      %broadcast_in_dim3A_104 = arith.constant 0.000000e+00 : f32
      %broadcast_in_dim3A_105 = vector.broadcast %broadcast_in_dim3A_104 : f32 to vector<16xf32>
      %broadcast_in_dim3A_106 = arith.constant 0.000000e+00 : f32
      %broadcast_in_dim3A_107 = vector.broadcast %broadcast_in_dim3A_106 : f32 to vector<16xf32>
      %broadcast_in_dim3A_108 = arith.constant 0.000000e+00 : f32
      %broadcast_in_dim3A_109 = vector.broadcast %broadcast_in_dim3A_108 : f32 to vector<16xf32>
      %broadcast_in_dim3A_110 = arith.constant 0.000000e+00 : f32
      %broadcast_in_dim3A_111 = vector.broadcast %broadcast_in_dim3A_110 : f32 to vector<16xf32>
      %broadcast_in_dim3A_112 = arith.constant 0.000000e+00 : f32
      %broadcast_in_dim3A_113 = vector.broadcast %broadcast_in_dim3A_112 : f32 to vector<16xf32>
      %mul3A_114 = arith.constant 10 : i32
      %mul3A_115 = arith.muli %add3A_82, %mul3A_114 : i32
      %add3A_116 = arith.constant 0 : i32
      %add3A_117 = arith.addi %mul3A_115, %add3A_116 : i32
      %dma_wait3A = arith.constant 0 : i32
      %dma_wait3A_118 = arith.constant 0 : i32
      %dma_wait3A_119 = tpu.memref_slice %arg5[%dma_wait3A, %dma_wait3A_118] : memref<320x80xi32, #tpu.memory_space<vmem>> -> memref<1x80xi32, #tpu.memory_space<vmem>>
      %dma_wait3A_120 = tpu.memref_squeeze %dma_wait3A_119 : memref<1x80xi32, #tpu.memory_space<vmem>> -> memref<80xi32, #tpu.memory_space<vmem>>
      %dma_wait3A_121 = arith.constant 0 : i32
      %dma_wait3A_122 = arith.constant 0 : i32
      %dma_wait3A_123 = tpu.memref_slice %arg3[%dma_wait3A_121, %dma_wait3A_122] : memref<1015808x32xi32, #tpu.memory_space<hbm>> -> memref<1015808x32xi32, #tpu.memory_space<hbm>>
      tpu.wait_indirect_dma semaphore(%arg17 : memref<!tpu.dma_semaphore, #tpu.memory_space<semaphore_mem>>) src(%dma_wait3A_123 : memref<1015808x32xi32, #tpu.memory_space<hbm>>) dst(%arg6 : memref<80x32xi32, #tpu.memory_space<vmem>>)
      %scan3A_124 = arith.constant 0 : i32
      %scan3A_125 = arith.constant 80 : i32
      %scan3A_126 = arith.addi %scan3A_124, %scan3A_125 : i32
      %scan3A_127 = arith.constant 8 : i32
      %scan3A_128:4 = scf.for %scan3A_553 = %scan3A_124 to %scan3A_126 step %scan3A_127 iter_args(%scan3A_554 = %broadcast_in_dim3A_83, %scan3A_555 = %broadcast_in_dim3A_85, %scan3A_556 = %broadcast_in_dim3A_87, %scan3A_557 = %broadcast_in_dim3A_89) -> (vector<16xf32>, vector<16xf32>, vector<16xf32>, vector<16xf32>)  : i32 {
        %get3A = arith.index_cast %scan3A_553 : i32 to index
        %get3A_558 = arith.constant 0 : index
        %get3A_559 = tpu.vector_load %arg6[%get3A, %get3A_558] {strides = array<i32>} : memref<80x32xi32, #tpu.memory_space<vmem>>, vector<1x16xi32>,
        %get3A_560 = vector.shape_cast %get3A_559 : vector<1x16xi32> to vector<16xi32>
        %get3A_561 = arith.index_cast %scan3A_553 : i32 to index
        %get3A_562 = arith.constant 16 : index
        %get3A_563 = tpu.vector_load %arg6[%get3A_561, %get3A_562] {strides = array<i32>} : memref<80x32xi32, #tpu.memory_space<vmem>>, vector<1x16xi32>,
        %get3A_564 = vector.shape_cast %get3A_563 : vector<1x16xi32> to vector<16xi32>
        %bitcast_convert_type3A = tpu.bitcast %get3A_560 : vector<16xi32> -> vector<16xf32>
        %add3A_565 = arith.addf %scan3A_554, %bitcast_convert_type3A : vector<16xf32>
        %bitcast_convert_type3A_566 = tpu.bitcast %get3A_564 : vector<16xi32> -> vector<16xf32>
        %add3A_567 = arith.addf %scan3A_555, %bitcast_convert_type3A_566 : vector<16xf32>
        %shift_left3A = arith.constant 16 : i32
        %shift_left3A_568 = vector.broadcast %shift_left3A : i32 to vector<16xi32>
        %shift_left3A_569 = arith.shli %get3A_560, %shift_left3A_568 : vector<16xi32>
        %bitcast_convert_type3A_570 = tpu.bitcast %shift_left3A_569 : vector<16xi32> -> vector<16xf32>
        %add3A_571 = arith.addf %scan3A_556, %bitcast_convert_type3A_570 : vector<16xf32>
        %shift_left3A_572 = arith.constant 16 : i32
        %shift_left3A_573 = vector.broadcast %shift_left3A_572 : i32 to vector<16xi32>
        %shift_left3A_574 = arith.shli %get3A_564, %shift_left3A_573 : vector<16xi32>
        %bitcast_convert_type3A_575 = tpu.bitcast %shift_left3A_574 : vector<16xi32> -> vector<16xf32>
        %add3A_576 = arith.addf %scan3A_557, %bitcast_convert_type3A_575 : vector<16xf32>
        %scan3A_577 = arith.constant 1 : i32
        %scan3A_578 = arith.addi %scan3A_553, %scan3A_577 : i32
        %get3A_579 = arith.index_cast %scan3A_578 : i32 to index
        %get3A_580 = arith.constant 0 : index
        %get3A_581 = tpu.vector_load %arg6[%get3A_579, %get3A_580] {strides = array<i32>} : memref<80x32xi32, #tpu.memory_space<vmem>>, vector<1x16xi32>,
        %get3A_582 = vector.shape_cast %get3A_581 : vector<1x16xi32> to vector<16xi32>
        %get3A_583 = arith.index_cast %scan3A_578 : i32 to index
        %get3A_584 = arith.constant 16 : index
        %get3A_585 = tpu.vector_load %arg6[%get3A_583, %get3A_584] {strides = array<i32>} : memref<80x32xi32, #tpu.memory_space<vmem>>, vector<1x16xi32>,
        %get3A_586 = vector.shape_cast %get3A_585 : vector<1x16xi32> to vector<16xi32>
        %bitcast_convert_type3A_587 = tpu.bitcast %get3A_582 : vector<16xi32> -> vector<16xf32>
        %add3A_588 = arith.addf %add3A_565, %bitcast_convert_type3A_587 : vector<16xf32>
        %bitcast_convert_type3A_589 = tpu.bitcast %get3A_586 : vector<16xi32> -> vector<16xf32>
        %add3A_590 = arith.addf %add3A_567, %bitcast_convert_type3A_589 : vector<16xf32>
        %shift_left3A_591 = arith.constant 16 : i32
        %shift_left3A_592 = vector.broadcast %shift_left3A_591 : i32 to vector<16xi32>
        %shift_left3A_593 = arith.shli %get3A_582, %shift_left3A_592 : vector<16xi32>
        %bitcast_convert_type3A_594 = tpu.bitcast %shift_left3A_593 : vector<16xi32> -> vector<16xf32>
        %add3A_595 = arith.addf %add3A_571, %bitcast_convert_type3A_594 : vector<16xf32>
        %shift_left3A_596 = arith.constant 16 : i32
        %shift_left3A_597 = vector.broadcast %shift_left3A_596 : i32 to vector<16xi32>
        %shift_left3A_598 = arith.shli %get3A_586, %shift_left3A_597 : vector<16xi32>
        %bitcast_convert_type3A_599 = tpu.bitcast %shift_left3A_598 : vector<16xi32> -> vector<16xf32>
        %add3A_600 = arith.addf %add3A_576, %bitcast_convert_type3A_599 : vector<16xf32>
        %scan3A_601 = arith.constant 2 : i32
        %scan3A_602 = arith.addi %scan3A_553, %scan3A_601 : i32
        %get3A_603 = arith.index_cast %scan3A_602 : i32 to index
        %get3A_604 = arith.constant 0 : index
        %get3A_605 = tpu.vector_load %arg6[%get3A_603, %get3A_604] {strides = array<i32>} : memref<80x32xi32, #tpu.memory_space<vmem>>, vector<1x16xi32>,
        %get3A_606 = vector.shape_cast %get3A_605 : vector<1x16xi32> to vector<16xi32>
        %get3A_607 = arith.index_cast %scan3A_602 : i32 to index
        %get3A_608 = arith.constant 16 : index
        %get3A_609 = tpu.vector_load %arg6[%get3A_607, %get3A_608] {strides = array<i32>} : memref<80x32xi32, #tpu.memory_space<vmem>>, vector<1x16xi32>,
        %get3A_610 = vector.shape_cast %get3A_609 : vector<1x16xi32> to vector<16xi32>
        %bitcast_convert_type3A_611 = tpu.bitcast %get3A_606 : vector<16xi32> -> vector<16xf32>
        %add3A_612 = arith.addf %add3A_588, %bitcast_convert_type3A_611 : vector<16xf32>
        %bitcast_convert_type3A_613 = tpu.bitcast %get3A_610 : vector<16xi32> -> vector<16xf32>
        %add3A_614 = arith.addf %add3A_590, %bitcast_convert_type3A_613 : vector<16xf32>
        %shift_left3A_615 = arith.constant 16 : i32
        %shift_left3A_616 = vector.broadcast %shift_left3A_615 : i32 to vector<16xi32>
        %shift_left3A_617 = arith.shli %get3A_606, %shift_left3A_616 : vector<16xi32>
        %bitcast_convert_type3A_618 = tpu.bitcast %shift_left3A_617 : vector<16xi32> -> vector<16xf32>
        %add3A_619 = arith.addf %add3A_595, %bitcast_convert_type3A_618 : vector<16xf32>
        %shift_left3A_620 = arith.constant 16 : i32
        %shift_left3A_621 = vector.broadcast %shift_left3A_620 : i32 to vector<16xi32>
        %shift_left3A_622 = arith.shli %get3A_610, %shift_left3A_621 : vector<16xi32>
        %bitcast_convert_type3A_623 = tpu.bitcast %shift_left3A_622 : vector<16xi32> -> vector<16xf32>
        %add3A_624 = arith.addf %add3A_600, %bitcast_convert_type3A_623 : vector<16xf32>
        %scan3A_625 = arith.constant 3 : i32
        %scan3A_626 = arith.addi %scan3A_553, %scan3A_625 : i32
        %get3A_627 = arith.index_cast %scan3A_626 : i32 to index
        %get3A_628 = arith.constant 0 : index
        %get3A_629 = tpu.vector_load %arg6[%get3A_627, %get3A_628] {strides = array<i32>} : memref<80x32xi32, #tpu.memory_space<vmem>>, vector<1x16xi32>,
        %get3A_630 = vector.shape_cast %get3A_629 : vector<1x16xi32> to vector<16xi32>
        %get3A_631 = arith.index_cast %scan3A_626 : i32 to index
        %get3A_632 = arith.constant 16 : index
        %get3A_633 = tpu.vector_load %arg6[%get3A_631, %get3A_632] {strides = array<i32>} : memref<80x32xi32, #tpu.memory_space<vmem>>, vector<1x16xi32>,
        %get3A_634 = vector.shape_cast %get3A_633 : vector<1x16xi32> to vector<16xi32>
        %bitcast_convert_type3A_635 = tpu.bitcast %get3A_630 : vector<16xi32> -> vector<16xf32>
        %add3A_636 = arith.addf %add3A_612, %bitcast_convert_type3A_635 : vector<16xf32>
        %bitcast_convert_type3A_637 = tpu.bitcast %get3A_634 : vector<16xi32> -> vector<16xf32>
        %add3A_638 = arith.addf %add3A_614, %bitcast_convert_type3A_637 : vector<16xf32>
        %shift_left3A_639 = arith.constant 16 : i32
        %shift_left3A_640 = vector.broadcast %shift_left3A_639 : i32 to vector<16xi32>
        %shift_left3A_641 = arith.shli %get3A_630, %shift_left3A_640 : vector<16xi32>
        %bitcast_convert_type3A_642 = tpu.bitcast %shift_left3A_641 : vector<16xi32> -> vector<16xf32>
        %add3A_643 = arith.addf %add3A_619, %bitcast_convert_type3A_642 : vector<16xf32>
        %shift_left3A_644 = arith.constant 16 : i32
        %shift_left3A_645 = vector.broadcast %shift_left3A_644 : i32 to vector<16xi32>
        %shift_left3A_646 = arith.shli %get3A_634, %shift_left3A_645 : vector<16xi32>
        %bitcast_convert_type3A_647 = tpu.bitcast %shift_left3A_646 : vector<16xi32> -> vector<16xf32>
        %add3A_648 = arith.addf %add3A_624, %bitcast_convert_type3A_647 : vector<16xf32>
        %scan3A_649 = arith.constant 4 : i32
        %scan3A_650 = arith.addi %scan3A_553, %scan3A_649 : i32
        %get3A_651 = arith.index_cast %scan3A_650 : i32 to index
        %get3A_652 = arith.constant 0 : index
        %get3A_653 = tpu.vector_load %arg6[%get3A_651, %get3A_652] {strides = array<i32>} : memref<80x32xi32, #tpu.memory_space<vmem>>, vector<1x16xi32>,
        %get3A_654 = vector.shape_cast %get3A_653 : vector<1x16xi32> to vector<16xi32>
        %get3A_655 = arith.index_cast %scan3A_650 : i32 to index
        %get3A_656 = arith.constant 16 : index
        %get3A_657 = tpu.vector_load %arg6[%get3A_655, %get3A_656] {strides = array<i32>} : memref<80x32xi32, #tpu.memory_space<vmem>>, vector<1x16xi32>,
        %get3A_658 = vector.shape_cast %get3A_657 : vector<1x16xi32> to vector<16xi32>
        %bitcast_convert_type3A_659 = tpu.bitcast %get3A_654 : vector<16xi32> -> vector<16xf32>
        %add3A_660 = arith.addf %add3A_636, %bitcast_convert_type3A_659 : vector<16xf32>
        %bitcast_convert_type3A_661 = tpu.bitcast %get3A_658 : vector<16xi32> -> vector<16xf32>
        %add3A_662 = arith.addf %add3A_638, %bitcast_convert_type3A_661 : vector<16xf32>
        %shift_left3A_663 = arith.constant 16 : i32
        %shift_left3A_664 = vector.broadcast %shift_left3A_663 : i32 to vector<16xi32>
        %shift_left3A_665 = arith.shli %get3A_654, %shift_left3A_664 : vector<16xi32>
        %bitcast_convert_type3A_666 = tpu.bitcast %shift_left3A_665 : vector<16xi32> -> vector<16xf32>
        %add3A_667 = arith.addf %add3A_643, %bitcast_convert_type3A_666 : vector<16xf32>
        %shift_left3A_668 = arith.constant 16 : i32
        %shift_left3A_669 = vector.broadcast %shift_left3A_668 : i32 to vector<16xi32>
        %shift_left3A_670 = arith.shli %get3A_658, %shift_left3A_669 : vector<16xi32>
        %bitcast_convert_type3A_671 = tpu.bitcast %shift_left3A_670 : vector<16xi32> -> vector<16xf32>
        %add3A_672 = arith.addf %add3A_648, %bitcast_convert_type3A_671 : vector<16xf32>
        %scan3A_673 = arith.constant 5 : i32
        %scan3A_674 = arith.addi %scan3A_553, %scan3A_673 : i32
        %get3A_675 = arith.index_cast %scan3A_674 : i32 to index
        %get3A_676 = arith.constant 0 : index
        %get3A_677 = tpu.vector_load %arg6[%get3A_675, %get3A_676] {strides = array<i32>} : memref<80x32xi32, #tpu.memory_space<vmem>>, vector<1x16xi32>,
        %get3A_678 = vector.shape_cast %get3A_677 : vector<1x16xi32> to vector<16xi32>
        %get3A_679 = arith.index_cast %scan3A_674 : i32 to index
        %get3A_680 = arith.constant 16 : index
        %get3A_681 = tpu.vector_load %arg6[%get3A_679, %get3A_680] {strides = array<i32>} : memref<80x32xi32, #tpu.memory_space<vmem>>, vector<1x16xi32>,
        %get3A_682 = vector.shape_cast %get3A_681 : vector<1x16xi32> to vector<16xi32>
        %bitcast_convert_type3A_683 = tpu.bitcast %get3A_678 : vector<16xi32> -> vector<16xf32>
        %add3A_684 = arith.addf %add3A_660, %bitcast_convert_type3A_683 : vector<16xf32>
        %bitcast_convert_type3A_685 = tpu.bitcast %get3A_682 : vector<16xi32> -> vector<16xf32>
        %add3A_686 = arith.addf %add3A_662, %bitcast_convert_type3A_685 : vector<16xf32>
        %shift_left3A_687 = arith.constant 16 : i32
        %shift_left3A_688 = vector.broadcast %shift_left3A_687 : i32 to vector<16xi32>
        %shift_left3A_689 = arith.shli %get3A_678, %shift_left3A_688 : vector<16xi32>
        %bitcast_convert_type3A_690 = tpu.bitcast %shift_left3A_689 : vector<16xi32> -> vector<16xf32>
        %add3A_691 = arith.addf %add3A_667, %bitcast_convert_type3A_690 : vector<16xf32>
        %shift_left3A_692 = arith.constant 16 : i32
        %shift_left3A_693 = vector.broadcast %shift_left3A_692 : i32 to vector<16xi32>
        %shift_left3A_694 = arith.shli %get3A_682, %shift_left3A_693 : vector<16xi32>
        %bitcast_convert_type3A_695 = tpu.bitcast %shift_left3A_694 : vector<16xi32> -> vector<16xf32>
        %add3A_696 = arith.addf %add3A_672, %bitcast_convert_type3A_695 : vector<16xf32>
        %scan3A_697 = arith.constant 6 : i32
        %scan3A_698 = arith.addi %scan3A_553, %scan3A_697 : i32
        %get3A_699 = arith.index_cast %scan3A_698 : i32 to index
        %get3A_700 = arith.constant 0 : index
        %get3A_701 = tpu.vector_load %arg6[%get3A_699, %get3A_700] {strides = array<i32>} : memref<80x32xi32, #tpu.memory_space<vmem>>, vector<1x16xi32>,
        %get3A_702 = vector.shape_cast %get3A_701 : vector<1x16xi32> to vector<16xi32>
        %get3A_703 = arith.index_cast %scan3A_698 : i32 to index
        %get3A_704 = arith.constant 16 : index
        %get3A_705 = tpu.vector_load %arg6[%get3A_703, %get3A_704] {strides = array<i32>} : memref<80x32xi32, #tpu.memory_space<vmem>>, vector<1x16xi32>,
        %get3A_706 = vector.shape_cast %get3A_705 : vector<1x16xi32> to vector<16xi32>
        %bitcast_convert_type3A_707 = tpu.bitcast %get3A_702 : vector<16xi32> -> vector<16xf32>
        %add3A_708 = arith.addf %add3A_684, %bitcast_convert_type3A_707 : vector<16xf32>
        %bitcast_convert_type3A_709 = tpu.bitcast %get3A_706 : vector<16xi32> -> vector<16xf32>
        %add3A_710 = arith.addf %add3A_686, %bitcast_convert_type3A_709 : vector<16xf32>
        %shift_left3A_711 = arith.constant 16 : i32
        %shift_left3A_712 = vector.broadcast %shift_left3A_711 : i32 to vector<16xi32>
        %shift_left3A_713 = arith.shli %get3A_702, %shift_left3A_712 : vector<16xi32>
        %bitcast_convert_type3A_714 = tpu.bitcast %shift_left3A_713 : vector<16xi32> -> vector<16xf32>
        %add3A_715 = arith.addf %add3A_691, %bitcast_convert_type3A_714 : vector<16xf32>
        %shift_left3A_716 = arith.constant 16 : i32
        %shift_left3A_717 = vector.broadcast %shift_left3A_716 : i32 to vector<16xi32>
        %shift_left3A_718 = arith.shli %get3A_706, %shift_left3A_717 : vector<16xi32>
        %bitcast_convert_type3A_719 = tpu.bitcast %shift_left3A_718 : vector<16xi32> -> vector<16xf32>
        %add3A_720 = arith.addf %add3A_696, %bitcast_convert_type3A_719 : vector<16xf32>
        %scan3A_721 = arith.constant 7 : i32
        %scan3A_722 = arith.addi %scan3A_553, %scan3A_721 : i32
        %get3A_723 = arith.index_cast %scan3A_722 : i32 to index
        %get3A_724 = arith.constant 0 : index
        %get3A_725 = tpu.vector_load %arg6[%get3A_723, %get3A_724] {strides = array<i32>} : memref<80x32xi32, #tpu.memory_space<vmem>>, vector<1x16xi32>,
        %get3A_726 = vector.shape_cast %get3A_725 : vector<1x16xi32> to vector<16xi32>
        %get3A_727 = arith.index_cast %scan3A_722 : i32 to index
        %get3A_728 = arith.constant 16 : index
        %get3A_729 = tpu.vector_load %arg6[%get3A_727, %get3A_728] {strides = array<i32>} : memref<80x32xi32, #tpu.memory_space<vmem>>, vector<1x16xi32>,
        %get3A_730 = vector.shape_cast %get3A_729 : vector<1x16xi32> to vector<16xi32>
        %bitcast_convert_type3A_731 = tpu.bitcast %get3A_726 : vector<16xi32> -> vector<16xf32>
        %add3A_732 = arith.addf %add3A_708, %bitcast_convert_type3A_731 : vector<16xf32>
        %bitcast_convert_type3A_733 = tpu.bitcast %get3A_730 : vector<16xi32> -> vector<16xf32>
        %add3A_734 = arith.addf %add3A_710, %bitcast_convert_type3A_733 : vector<16xf32>
        %shift_left3A_735 = arith.constant 16 : i32
        %shift_left3A_736 = vector.broadcast %shift_left3A_735 : i32 to vector<16xi32>
        %shift_left3A_737 = arith.shli %get3A_726, %shift_left3A_736 : vector<16xi32>
        %bitcast_convert_type3A_738 = tpu.bitcast %shift_left3A_737 : vector<16xi32> -> vector<16xf32>
        %add3A_739 = arith.addf %add3A_715, %bitcast_convert_type3A_738 : vector<16xf32>
        %shift_left3A_740 = arith.constant 16 : i32
        %shift_left3A_741 = vector.broadcast %shift_left3A_740 : i32 to vector<16xi32>
        %shift_left3A_742 = arith.shli %get3A_730, %shift_left3A_741 : vector<16xi32>
        %bitcast_convert_type3A_743 = tpu.bitcast %shift_left3A_742 : vector<16xi32> -> vector<16xf32>
        %add3A_744 = arith.addf %add3A_720, %bitcast_convert_type3A_743 : vector<16xf32>
        scf.yield %add3A_732, %add3A_734, %add3A_739, %add3A_744 : vector<16xf32>, vector<16xf32>, vector<16xf32>, vector<16xf32>
      }
      %scan3A_129 = arith.constant 80 : i32
      %add3A_130 = arith.constant 10 : i32
      %add3A_131 = arith.addi %add3A_117, %add3A_130 : i32
      %lt3A = arith.constant 320 : i32
      %lt3A_132 = arith.cmpi slt, %add3A_131, %lt3A : i32
      %convert_element_type3A = arith.extui %lt3A_132 : i1 to i32
      %cond3A = arith.constant 0 : i32
      %cond3A_133 = arith.cmpi ne, %convert_element_type3A, %cond3A : i32
      scf.if %cond3A_133 {
        %add3A_553 = arith.constant 10 : i32
        %add3A_554 = arith.addi %add3A_117, %add3A_553 : i32
        %dma_start3A_555 = arith.constant 0 : i32
        %dma_start3A_556 = tpu.memref_slice %arg5[%add3A_554, %dma_start3A_555] : memref<320x80xi32, #tpu.memory_space<vmem>> -> memref<1x80xi32, #tpu.memory_space<vmem>>
        %dma_start3A_557 = tpu.memref_squeeze %dma_start3A_556 : memref<1x80xi32, #tpu.memory_space<vmem>> -> memref<80xi32, #tpu.memory_space<vmem>>
        %dma_start3A_558 = arith.constant 0 : i32
        %dma_start3A_559 = arith.constant 0 : i32
        %dma_start3A_560 = tpu.memref_slice %arg3[%dma_start3A_558, %dma_start3A_559] : memref<1015808x32xi32, #tpu.memory_space<hbm>> -> memref<1015808x32xi32, #tpu.memory_space<hbm>>
        tpu.enqueue_indirect_dma source(%dma_start3A_560 : memref<1015808x32xi32, #tpu.memory_space<hbm>>) target(%arg6 : memref<80x32xi32, #tpu.memory_space<vmem>>) offsets(%dma_start3A_557 : memref<80xi32, #tpu.memory_space<vmem>>) semaphore(%arg17 : memref<!tpu.dma_semaphore, #tpu.memory_space<semaphore_mem>>)
      } else {
      }
      %mul3A_134 = arith.constant 10 : i32
      %mul3A_135 = arith.muli %add3A_82, %mul3A_134 : i32
      %add3A_136 = arith.constant 1 : i32
      %add3A_137 = arith.addi %mul3A_135, %add3A_136 : i32
      %dma_wait3A_138 = arith.constant 0 : i32
      %dma_wait3A_139 = arith.constant 0 : i32
      %dma_wait3A_140 = tpu.memref_slice %arg5[%dma_wait3A_138, %dma_wait3A_139] : memref<320x80xi32, #tpu.memory_space<vmem>> -> memref<1x80xi32, #tpu.memory_space<vmem>>
      %dma_wait3A_141 = tpu.memref_squeeze %dma_wait3A_140 : memref<1x80xi32, #tpu.memory_space<vmem>> -> memref<80xi32, #tpu.memory_space<vmem>>
      %dma_wait3A_142 = arith.constant 0 : i32
      %dma_wait3A_143 = arith.constant 0 : i32
      %dma_wait3A_144 = tpu.memref_slice %arg3[%dma_wait3A_142, %dma_wait3A_143] : memref<1015808x32xi32, #tpu.memory_space<hbm>> -> memref<1015808x32xi32, #tpu.memory_space<hbm>>
      tpu.wait_indirect_dma semaphore(%arg18 : memref<!tpu.dma_semaphore, #tpu.memory_space<semaphore_mem>>) src(%dma_wait3A_144 : memref<1015808x32xi32, #tpu.memory_space<hbm>>) dst(%arg7 : memref<80x32xi32, #tpu.memory_space<vmem>>)
      %scan3A_145 = arith.constant 0 : i32
      %scan3A_146 = arith.constant 80 : i32
      %scan3A_147 = arith.addi %scan3A_145, %scan3A_146 : i32
      %scan3A_148 = arith.constant 8 : i32
      %scan3A_149:4 = scf.for %scan3A_553 = %scan3A_145 to %scan3A_147 step %scan3A_148 iter_args(%scan3A_554 = %scan3A_128#0, %scan3A_555 = %scan3A_128#1, %scan3A_556 = %scan3A_128#2, %scan3A_557 = %scan3A_128#3) -> (vector<16xf32>, vector<16xf32>, vector<16xf32>, vector<16xf32>)  : i32 {
        %get3A = arith.index_cast %scan3A_553 : i32 to index
        %get3A_558 = arith.constant 0 : index
        %get3A_559 = tpu.vector_load %arg7[%get3A, %get3A_558] {strides = array<i32>} : memref<80x32xi32, #tpu.memory_space<vmem>>, vector<1x16xi32>,
        %get3A_560 = vector.shape_cast %get3A_559 : vector<1x16xi32> to vector<16xi32>
        %get3A_561 = arith.index_cast %scan3A_553 : i32 to index
        %get3A_562 = arith.constant 16 : index
        %get3A_563 = tpu.vector_load %arg7[%get3A_561, %get3A_562] {strides = array<i32>} : memref<80x32xi32, #tpu.memory_space<vmem>>, vector<1x16xi32>,
        %get3A_564 = vector.shape_cast %get3A_563 : vector<1x16xi32> to vector<16xi32>
        %bitcast_convert_type3A = tpu.bitcast %get3A_560 : vector<16xi32> -> vector<16xf32>
        %add3A_565 = arith.addf %scan3A_554, %bitcast_convert_type3A : vector<16xf32>
        %bitcast_convert_type3A_566 = tpu.bitcast %get3A_564 : vector<16xi32> -> vector<16xf32>
        %add3A_567 = arith.addf %scan3A_555, %bitcast_convert_type3A_566 : vector<16xf32>
        %shift_left3A = arith.constant 16 : i32
        %shift_left3A_568 = vector.broadcast %shift_left3A : i32 to vector<16xi32>
        %shift_left3A_569 = arith.shli %get3A_560, %shift_left3A_568 : vector<16xi32>
        %bitcast_convert_type3A_570 = tpu.bitcast %shift_left3A_569 : vector<16xi32> -> vector<16xf32>
        %add3A_571 = arith.addf %scan3A_556, %bitcast_convert_type3A_570 : vector<16xf32>
        %shift_left3A_572 = arith.constant 16 : i32
        %shift_left3A_573 = vector.broadcast %shift_left3A_572 : i32 to vector<16xi32>
        %shift_left3A_574 = arith.shli %get3A_564, %shift_left3A_573 : vector<16xi32>
        %bitcast_convert_type3A_575 = tpu.bitcast %shift_left3A_574 : vector<16xi32> -> vector<16xf32>
        %add3A_576 = arith.addf %scan3A_557, %bitcast_convert_type3A_575 : vector<16xf32>
        %scan3A_577 = arith.constant 1 : i32
        %scan3A_578 = arith.addi %scan3A_553, %scan3A_577 : i32
        %get3A_579 = arith.index_cast %scan3A_578 : i32 to index
        %get3A_580 = arith.constant 0 : index
        %get3A_581 = tpu.vector_load %arg7[%get3A_579, %get3A_580] {strides = array<i32>} : memref<80x32xi32, #tpu.memory_space<vmem>>, vector<1x16xi32>,
        %get3A_582 = vector.shape_cast %get3A_581 : vector<1x16xi32> to vector<16xi32>
        %get3A_583 = arith.index_cast %scan3A_578 : i32 to index
        %get3A_584 = arith.constant 16 : index
        %get3A_585 = tpu.vector_load %arg7[%get3A_583, %get3A_584] {strides = array<i32>} : memref<80x32xi32, #tpu.memory_space<vmem>>, vector<1x16xi32>,
        %get3A_586 = vector.shape_cast %get3A_585 : vector<1x16xi32> to vector<16xi32>
        %bitcast_convert_type3A_587 = tpu.bitcast %get3A_582 : vector<16xi32> -> vector<16xf32>
        %add3A_588 = arith.addf %add3A_565, %bitcast_convert_type3A_587 : vector<16xf32>
        %bitcast_convert_type3A_589 = tpu.bitcast %get3A_586 : vector<16xi32> -> vector<16xf32>
        %add3A_590 = arith.addf %add3A_567, %bitcast_convert_type3A_589 : vector<16xf32>
        %shift_left3A_591 = arith.constant 16 : i32
        %shift_left3A_592 = vector.broadcast %shift_left3A_591 : i32 to vector<16xi32>
        %shift_left3A_593 = arith.shli %get3A_582, %shift_left3A_592 : vector<16xi32>
        %bitcast_convert_type3A_594 = tpu.bitcast %shift_left3A_593 : vector<16xi32> -> vector<16xf32>
        %add3A_595 = arith.addf %add3A_571, %bitcast_convert_type3A_594 : vector<16xf32>
        %shift_left3A_596 = arith.constant 16 : i32
        %shift_left3A_597 = vector.broadcast %shift_left3A_596 : i32 to vector<16xi32>
        %shift_left3A_598 = arith.shli %get3A_586, %shift_left3A_597 : vector<16xi32>
        %bitcast_convert_type3A_599 = tpu.bitcast %shift_left3A_598 : vector<16xi32> -> vector<16xf32>
        %add3A_600 = arith.addf %add3A_576, %bitcast_convert_type3A_599 : vector<16xf32>
        %scan3A_601 = arith.constant 2 : i32
        %scan3A_602 = arith.addi %scan3A_553, %scan3A_601 : i32
        %get3A_603 = arith.index_cast %scan3A_602 : i32 to index
        %get3A_604 = arith.constant 0 : index
        %get3A_605 = tpu.vector_load %arg7[%get3A_603, %get3A_604] {strides = array<i32>} : memref<80x32xi32, #tpu.memory_space<vmem>>, vector<1x16xi32>,
        %get3A_606 = vector.shape_cast %get3A_605 : vector<1x16xi32> to vector<16xi32>
        %get3A_607 = arith.index_cast %scan3A_602 : i32 to index
        %get3A_608 = arith.constant 16 : index
        %get3A_609 = tpu.vector_load %arg7[%get3A_607, %get3A_608] {strides = array<i32>} : memref<80x32xi32, #tpu.memory_space<vmem>>, vector<1x16xi32>,
        %get3A_610 = vector.shape_cast %get3A_609 : vector<1x16xi32> to vector<16xi32>
        %bitcast_convert_type3A_611 = tpu.bitcast %get3A_606 : vector<16xi32> -> vector<16xf32>
        %add3A_612 = arith.addf %add3A_588, %bitcast_convert_type3A_611 : vector<16xf32>
        %bitcast_convert_type3A_613 = tpu.bitcast %get3A_610 : vector<16xi32> -> vector<16xf32>
        %add3A_614 = arith.addf %add3A_590, %bitcast_convert_type3A_613 : vector<16xf32>
        %shift_left3A_615 = arith.constant 16 : i32
        %shift_left3A_616 = vector.broadcast %shift_left3A_615 : i32 to vector<16xi32>
        %shift_left3A_617 = arith.shli %get3A_606, %shift_left3A_616 : vector<16xi32>
        %bitcast_convert_type3A_618 = tpu.bitcast %shift_left3A_617 : vector<16xi32> -> vector<16xf32>
        %add3A_619 = arith.addf %add3A_595, %bitcast_convert_type3A_618 : vector<16xf32>
        %shift_left3A_620 = arith.constant 16 : i32
        %shift_left3A_621 = vector.broadcast %shift_left3A_620 : i32 to vector<16xi32>
        %shift_left3A_622 = arith.shli %get3A_610, %shift_left3A_621 : vector<16xi32>
        %bitcast_convert_type3A_623 = tpu.bitcast %shift_left3A_622 : vector<16xi32> -> vector<16xf32>
        %add3A_624 = arith.addf %add3A_600, %bitcast_convert_type3A_623 : vector<16xf32>
        %scan3A_625 = arith.constant 3 : i32
        %scan3A_626 = arith.addi %scan3A_553, %scan3A_625 : i32
        %get3A_627 = arith.index_cast %scan3A_626 : i32 to index
        %get3A_628 = arith.constant 0 : index
        %get3A_629 = tpu.vector_load %arg7[%get3A_627, %get3A_628] {strides = array<i32>} : memref<80x32xi32, #tpu.memory_space<vmem>>, vector<1x16xi32>,
        %get3A_630 = vector.shape_cast %get3A_629 : vector<1x16xi32> to vector<16xi32>
        %get3A_631 = arith.index_cast %scan3A_626 : i32 to index
        %get3A_632 = arith.constant 16 : index
        %get3A_633 = tpu.vector_load %arg7[%get3A_631, %get3A_632] {strides = array<i32>} : memref<80x32xi32, #tpu.memory_space<vmem>>, vector<1x16xi32>,
        %get3A_634 = vector.shape_cast %get3A_633 : vector<1x16xi32> to vector<16xi32>
        %bitcast_convert_type3A_635 = tpu.bitcast %get3A_630 : vector<16xi32> -> vector<16xf32>
        %add3A_636 = arith.addf %add3A_612, %bitcast_convert_type3A_635 : vector<16xf32>
        %bitcast_convert_type3A_637 = tpu.bitcast %get3A_634 : vector<16xi32> -> vector<16xf32>
        %add3A_638 = arith.addf %add3A_614, %bitcast_convert_type3A_637 : vector<16xf32>
        %shift_left3A_639 = arith.constant 16 : i32
        %shift_left3A_640 = vector.broadcast %shift_left3A_639 : i32 to vector<16xi32>
        %shift_left3A_641 = arith.shli %get3A_630, %shift_left3A_640 : vector<16xi32>
        %bitcast_convert_type3A_642 = tpu.bitcast %shift_left3A_641 : vector<16xi32> -> vector<16xf32>
        %add3A_643 = arith.addf %add3A_619, %bitcast_convert_type3A_642 : vector<16xf32>
        %shift_left3A_644 = arith.constant 16 : i32
        %shift_left3A_645 = vector.broadcast %shift_left3A_644 : i32 to vector<16xi32>
        %shift_left3A_646 = arith.shli %get3A_634, %shift_left3A_645 : vector<16xi32>
        %bitcast_convert_type3A_647 = tpu.bitcast %shift_left3A_646 : vector<16xi32> -> vector<16xf32>
        %add3A_648 = arith.addf %add3A_624, %bitcast_convert_type3A_647 : vector<16xf32>
        %scan3A_649 = arith.constant 4 : i32
        %scan3A_650 = arith.addi %scan3A_553, %scan3A_649 : i32
        %get3A_651 = arith.index_cast %scan3A_650 : i32 to index
        %get3A_652 = arith.constant 0 : index
        %get3A_653 = tpu.vector_load %arg7[%get3A_651, %get3A_652] {strides = array<i32>} : memref<80x32xi32, #tpu.memory_space<vmem>>, vector<1x16xi32>,
        %get3A_654 = vector.shape_cast %get3A_653 : vector<1x16xi32> to vector<16xi32>
        %get3A_655 = arith.index_cast %scan3A_650 : i32 to index
        %get3A_656 = arith.constant 16 : index
        %get3A_657 = tpu.vector_load %arg7[%get3A_655, %get3A_656] {strides = array<i32>} : memref<80x32xi32, #tpu.memory_space<vmem>>, vector<1x16xi32>,
        %get3A_658 = vector.shape_cast %get3A_657 : vector<1x16xi32> to vector<16xi32>
        %bitcast_convert_type3A_659 = tpu.bitcast %get3A_654 : vector<16xi32> -> vector<16xf32>
        %add3A_660 = arith.addf %add3A_636, %bitcast_convert_type3A_659 : vector<16xf32>
        %bitcast_convert_type3A_661 = tpu.bitcast %get3A_658 : vector<16xi32> -> vector<16xf32>
        %add3A_662 = arith.addf %add3A_638, %bitcast_convert_type3A_661 : vector<16xf32>
        %shift_left3A_663 = arith.constant 16 : i32
        %shift_left3A_664 = vector.broadcast %shift_left3A_663 : i32 to vector<16xi32>
        %shift_left3A_665 = arith.shli %get3A_654, %shift_left3A_664 : vector<16xi32>
        %bitcast_convert_type3A_666 = tpu.bitcast %shift_left3A_665 : vector<16xi32> -> vector<16xf32>
        %add3A_667 = arith.addf %add3A_643, %bitcast_convert_type3A_666 : vector<16xf32>
        %shift_left3A_668 = arith.constant 16 : i32
        %shift_left3A_669 = vector.broadcast %shift_left3A_668 : i32 to vector<16xi32>
        %shift_left3A_670 = arith.shli %get3A_658, %shift_left3A_669 : vector<16xi32>
        %bitcast_convert_type3A_671 = tpu.bitcast %shift_left3A_670 : vector<16xi32> -> vector<16xf32>
        %add3A_672 = arith.addf %add3A_648, %bitcast_convert_type3A_671 : vector<16xf32>
        %scan3A_673 = arith.constant 5 : i32
        %scan3A_674 = arith.addi %scan3A_553, %scan3A_673 : i32
        %get3A_675 = arith.index_cast %scan3A_674 : i32 to index
        %get3A_676 = arith.constant 0 : index
        %get3A_677 = tpu.vector_load %arg7[%get3A_675, %get3A_676] {strides = array<i32>} : memref<80x32xi32, #tpu.memory_space<vmem>>, vector<1x16xi32>,
        %get3A_678 = vector.shape_cast %get3A_677 : vector<1x16xi32> to vector<16xi32>
        %get3A_679 = arith.index_cast %scan3A_674 : i32 to index
        %get3A_680 = arith.constant 16 : index
        %get3A_681 = tpu.vector_load %arg7[%get3A_679, %get3A_680] {strides = array<i32>} : memref<80x32xi32, #tpu.memory_space<vmem>>, vector<1x16xi32>,
        %get3A_682 = vector.shape_cast %get3A_681 : vector<1x16xi32> to vector<16xi32>
        %bitcast_convert_type3A_683 = tpu.bitcast %get3A_678 : vector<16xi32> -> vector<16xf32>
        %add3A_684 = arith.addf %add3A_660, %bitcast_convert_type3A_683 : vector<16xf32>
        %bitcast_convert_type3A_685 = tpu.bitcast %get3A_682 : vector<16xi32> -> vector<16xf32>
        %add3A_686 = arith.addf %add3A_662, %bitcast_convert_type3A_685 : vector<16xf32>
        %shift_left3A_687 = arith.constant 16 : i32
        %shift_left3A_688 = vector.broadcast %shift_left3A_687 : i32 to vector<16xi32>
        %shift_left3A_689 = arith.shli %get3A_678, %shift_left3A_688 : vector<16xi32>
        %bitcast_convert_type3A_690 = tpu.bitcast %shift_left3A_689 : vector<16xi32> -> vector<16xf32>
        %add3A_691 = arith.addf %add3A_667, %bitcast_convert_type3A_690 : vector<16xf32>
        %shift_left3A_692 = arith.constant 16 : i32
        %shift_left3A_693 = vector.broadcast %shift_left3A_692 : i32 to vector<16xi32>
        %shift_left3A_694 = arith.shli %get3A_682, %shift_left3A_693 : vector<16xi32>
        %bitcast_convert_type3A_695 = tpu.bitcast %shift_left3A_694 : vector<16xi32> -> vector<16xf32>
        %add3A_696 = arith.addf %add3A_672, %bitcast_convert_type3A_695 : vector<16xf32>
        %scan3A_697 = arith.constant 6 : i32
        %scan3A_698 = arith.addi %scan3A_553, %scan3A_697 : i32
        %get3A_699 = arith.index_cast %scan3A_698 : i32 to index
        %get3A_700 = arith.constant 0 : index
        %get3A_701 = tpu.vector_load %arg7[%get3A_699, %get3A_700] {strides = array<i32>} : memref<80x32xi32, #tpu.memory_space<vmem>>, vector<1x16xi32>,
        %get3A_702 = vector.shape_cast %get3A_701 : vector<1x16xi32> to vector<16xi32>
        %get3A_703 = arith.index_cast %scan3A_698 : i32 to index
        %get3A_704 = arith.constant 16 : index
        %get3A_705 = tpu.vector_load %arg7[%get3A_703, %get3A_704] {strides = array<i32>} : memref<80x32xi32, #tpu.memory_space<vmem>>, vector<1x16xi32>,
        %get3A_706 = vector.shape_cast %get3A_705 : vector<1x16xi32> to vector<16xi32>
        %bitcast_convert_type3A_707 = tpu.bitcast %get3A_702 : vector<16xi32> -> vector<16xf32>
        %add3A_708 = arith.addf %add3A_684, %bitcast_convert_type3A_707 : vector<16xf32>
        %bitcast_convert_type3A_709 = tpu.bitcast %get3A_706 : vector<16xi32> -> vector<16xf32>
        %add3A_710 = arith.addf %add3A_686, %bitcast_convert_type3A_709 : vector<16xf32>
        %shift_left3A_711 = arith.constant 16 : i32
        %shift_left3A_712 = vector.broadcast %shift_left3A_711 : i32 to vector<16xi32>
        %shift_left3A_713 = arith.shli %get3A_702, %shift_left3A_712 : vector<16xi32>
        %bitcast_convert_type3A_714 = tpu.bitcast %shift_left3A_713 : vector<16xi32> -> vector<16xf32>
        %add3A_715 = arith.addf %add3A_691, %bitcast_convert_type3A_714 : vector<16xf32>
        %shift_left3A_716 = arith.constant 16 : i32
        %shift_left3A_717 = vector.broadcast %shift_left3A_716 : i32 to vector<16xi32>
        %shift_left3A_718 = arith.shli %get3A_706, %shift_left3A_717 : vector<16xi32>
        %bitcast_convert_type3A_719 = tpu.bitcast %shift_left3A_718 : vector<16xi32> -> vector<16xf32>
        %add3A_720 = arith.addf %add3A_696, %bitcast_convert_type3A_719 : vector<16xf32>
        %scan3A_721 = arith.constant 7 : i32
        %scan3A_722 = arith.addi %scan3A_553, %scan3A_721 : i32
        %get3A_723 = arith.index_cast %scan3A_722 : i32 to index
        %get3A_724 = arith.constant 0 : index
        %get3A_725 = tpu.vector_load %arg7[%get3A_723, %get3A_724] {strides = array<i32>} : memref<80x32xi32, #tpu.memory_space<vmem>>, vector<1x16xi32>,
        %get3A_726 = vector.shape_cast %get3A_725 : vector<1x16xi32> to vector<16xi32>
        %get3A_727 = arith.index_cast %scan3A_722 : i32 to index
        %get3A_728 = arith.constant 16 : index
        %get3A_729 = tpu.vector_load %arg7[%get3A_727, %get3A_728] {strides = array<i32>} : memref<80x32xi32, #tpu.memory_space<vmem>>, vector<1x16xi32>,
        %get3A_730 = vector.shape_cast %get3A_729 : vector<1x16xi32> to vector<16xi32>
        %bitcast_convert_type3A_731 = tpu.bitcast %get3A_726 : vector<16xi32> -> vector<16xf32>
        %add3A_732 = arith.addf %add3A_708, %bitcast_convert_type3A_731 : vector<16xf32>
        %bitcast_convert_type3A_733 = tpu.bitcast %get3A_730 : vector<16xi32> -> vector<16xf32>
        %add3A_734 = arith.addf %add3A_710, %bitcast_convert_type3A_733 : vector<16xf32>
        %shift_left3A_735 = arith.constant 16 : i32
        %shift_left3A_736 = vector.broadcast %shift_left3A_735 : i32 to vector<16xi32>
        %shift_left3A_737 = arith.shli %get3A_726, %shift_left3A_736 : vector<16xi32>
        %bitcast_convert_type3A_738 = tpu.bitcast %shift_left3A_737 : vector<16xi32> -> vector<16xf32>
        %add3A_739 = arith.addf %add3A_715, %bitcast_convert_type3A_738 : vector<16xf32>
        %shift_left3A_740 = arith.constant 16 : i32
        %shift_left3A_741 = vector.broadcast %shift_left3A_740 : i32 to vector<16xi32>
        %shift_left3A_742 = arith.shli %get3A_730, %shift_left3A_741 : vector<16xi32>
        %bitcast_convert_type3A_743 = tpu.bitcast %shift_left3A_742 : vector<16xi32> -> vector<16xf32>
        %add3A_744 = arith.addf %add3A_720, %bitcast_convert_type3A_743 : vector<16xf32>
        scf.yield %add3A_732, %add3A_734, %add3A_739, %add3A_744 : vector<16xf32>, vector<16xf32>, vector<16xf32>, vector<16xf32>
      }
      %scan3A_150 = arith.constant 80 : i32
      %add3A_151 = arith.constant 10 : i32
      %add3A_152 = arith.addi %add3A_137, %add3A_151 : i32
      %lt3A_153 = arith.constant 320 : i32
      %lt3A_154 = arith.cmpi slt, %add3A_152, %lt3A_153 : i32
      %convert_element_type3A_155 = arith.extui %lt3A_154 : i1 to i32
      %cond3A_156 = arith.constant 0 : i32
      %cond3A_157 = arith.cmpi ne, %convert_element_type3A_155, %cond3A_156 : i32
      scf.if %cond3A_157 {
        %add3A_553 = arith.constant 10 : i32
        %add3A_554 = arith.addi %add3A_137, %add3A_553 : i32
        %dma_start3A_555 = arith.constant 0 : i32
        %dma_start3A_556 = tpu.memref_slice %arg5[%add3A_554, %dma_start3A_555] : memref<320x80xi32, #tpu.memory_space<vmem>> -> memref<1x80xi32, #tpu.memory_space<vmem>>
        %dma_start3A_557 = tpu.memref_squeeze %dma_start3A_556 : memref<1x80xi32, #tpu.memory_space<vmem>> -> memref<80xi32, #tpu.memory_space<vmem>>
        %dma_start3A_558 = arith.constant 0 : i32
        %dma_start3A_559 = arith.constant 0 : i32
        %dma_start3A_560 = tpu.memref_slice %arg3[%dma_start3A_558, %dma_start3A_559] : memref<1015808x32xi32, #tpu.memory_space<hbm>> -> memref<1015808x32xi32, #tpu.memory_space<hbm>>
        tpu.enqueue_indirect_dma source(%dma_start3A_560 : memref<1015808x32xi32, #tpu.memory_space<hbm>>) target(%arg7 : memref<80x32xi32, #tpu.memory_space<vmem>>) offsets(%dma_start3A_557 : memref<80xi32, #tpu.memory_space<vmem>>) semaphore(%arg18 : memref<!tpu.dma_semaphore, #tpu.memory_space<semaphore_mem>>)
      } else {
      }
      %mul3A_158 = arith.constant 10 : i32
      %mul3A_159 = arith.muli %add3A_82, %mul3A_158 : i32
      %add3A_160 = arith.constant 2 : i32
      %add3A_161 = arith.addi %mul3A_159, %add3A_160 : i32
      %dma_wait3A_162 = arith.constant 0 : i32
      %dma_wait3A_163 = arith.constant 0 : i32
      %dma_wait3A_164 = tpu.memref_slice %arg5[%dma_wait3A_162, %dma_wait3A_163] : memref<320x80xi32, #tpu.memory_space<vmem>> -> memref<1x80xi32, #tpu.memory_space<vmem>>
      %dma_wait3A_165 = tpu.memref_squeeze %dma_wait3A_164 : memref<1x80xi32, #tpu.memory_space<vmem>> -> memref<80xi32, #tpu.memory_space<vmem>>
      %dma_wait3A_166 = arith.constant 0 : i32
      %dma_wait3A_167 = arith.constant 0 : i32
      %dma_wait3A_168 = tpu.memref_slice %arg3[%dma_wait3A_166, %dma_wait3A_167] : memref<1015808x32xi32, #tpu.memory_space<hbm>> -> memref<1015808x32xi32, #tpu.memory_space<hbm>>
      tpu.wait_indirect_dma semaphore(%arg19 : memref<!tpu.dma_semaphore, #tpu.memory_space<semaphore_mem>>) src(%dma_wait3A_168 : memref<1015808x32xi32, #tpu.memory_space<hbm>>) dst(%arg8 : memref<80x32xi32, #tpu.memory_space<vmem>>)
      %scan3A_169 = arith.constant 0 : i32
      %scan3A_170 = arith.constant 40 : i32
      %scan3A_171 = arith.addi %scan3A_169, %scan3A_170 : i32
      %scan3A_172 = arith.constant 8 : i32
      %scan3A_173:4 = scf.for %scan3A_553 = %scan3A_169 to %scan3A_171 step %scan3A_172 iter_args(%scan3A_554 = %scan3A_149#0, %scan3A_555 = %scan3A_149#1, %scan3A_556 = %scan3A_149#2, %scan3A_557 = %scan3A_149#3) -> (vector<16xf32>, vector<16xf32>, vector<16xf32>, vector<16xf32>)  : i32 {
        %get3A = arith.index_cast %scan3A_553 : i32 to index
        %get3A_558 = arith.constant 0 : index
        %get3A_559 = tpu.vector_load %arg8[%get3A, %get3A_558] {strides = array<i32>} : memref<80x32xi32, #tpu.memory_space<vmem>>, vector<1x16xi32>,
        %get3A_560 = vector.shape_cast %get3A_559 : vector<1x16xi32> to vector<16xi32>
        %get3A_561 = arith.index_cast %scan3A_553 : i32 to index
        %get3A_562 = arith.constant 16 : index
        %get3A_563 = tpu.vector_load %arg8[%get3A_561, %get3A_562] {strides = array<i32>} : memref<80x32xi32, #tpu.memory_space<vmem>>, vector<1x16xi32>,
        %get3A_564 = vector.shape_cast %get3A_563 : vector<1x16xi32> to vector<16xi32>
        %bitcast_convert_type3A = tpu.bitcast %get3A_560 : vector<16xi32> -> vector<16xf32>
        %add3A_565 = arith.addf %scan3A_554, %bitcast_convert_type3A : vector<16xf32>
        %bitcast_convert_type3A_566 = tpu.bitcast %get3A_564 : vector<16xi32> -> vector<16xf32>
        %add3A_567 = arith.addf %scan3A_555, %bitcast_convert_type3A_566 : vector<16xf32>
        %shift_left3A = arith.constant 16 : i32
        %shift_left3A_568 = vector.broadcast %shift_left3A : i32 to vector<16xi32>
        %shift_left3A_569 = arith.shli %get3A_560, %shift_left3A_568 : vector<16xi32>
        %bitcast_convert_type3A_570 = tpu.bitcast %shift_left3A_569 : vector<16xi32> -> vector<16xf32>
        %add3A_571 = arith.addf %scan3A_556, %bitcast_convert_type3A_570 : vector<16xf32>
        %shift_left3A_572 = arith.constant 16 : i32
        %shift_left3A_573 = vector.broadcast %shift_left3A_572 : i32 to vector<16xi32>
        %shift_left3A_574 = arith.shli %get3A_564, %shift_left3A_573 : vector<16xi32>
        %bitcast_convert_type3A_575 = tpu.bitcast %shift_left3A_574 : vector<16xi32> -> vector<16xf32>
        %add3A_576 = arith.addf %scan3A_557, %bitcast_convert_type3A_575 : vector<16xf32>
        %scan3A_577 = arith.constant 1 : i32
        %scan3A_578 = arith.addi %scan3A_553, %scan3A_577 : i32
        %get3A_579 = arith.index_cast %scan3A_578 : i32 to index
        %get3A_580 = arith.constant 0 : index
        %get3A_581 = tpu.vector_load %arg8[%get3A_579, %get3A_580] {strides = array<i32>} : memref<80x32xi32, #tpu.memory_space<vmem>>, vector<1x16xi32>,
        %get3A_582 = vector.shape_cast %get3A_581 : vector<1x16xi32> to vector<16xi32>
        %get3A_583 = arith.index_cast %scan3A_578 : i32 to index
        %get3A_584 = arith.constant 16 : index
        %get3A_585 = tpu.vector_load %arg8[%get3A_583, %get3A_584] {strides = array<i32>} : memref<80x32xi32, #tpu.memory_space<vmem>>, vector<1x16xi32>,
        %get3A_586 = vector.shape_cast %get3A_585 : vector<1x16xi32> to vector<16xi32>
        %bitcast_convert_type3A_587 = tpu.bitcast %get3A_582 : vector<16xi32> -> vector<16xf32>
        %add3A_588 = arith.addf %add3A_565, %bitcast_convert_type3A_587 : vector<16xf32>
        %bitcast_convert_type3A_589 = tpu.bitcast %get3A_586 : vector<16xi32> -> vector<16xf32>
        %add3A_590 = arith.addf %add3A_567, %bitcast_convert_type3A_589 : vector<16xf32>
        %shift_left3A_591 = arith.constant 16 : i32
        %shift_left3A_592 = vector.broadcast %shift_left3A_591 : i32 to vector<16xi32>
        %shift_left3A_593 = arith.shli %get3A_582, %shift_left3A_592 : vector<16xi32>
        %bitcast_convert_type3A_594 = tpu.bitcast %shift_left3A_593 : vector<16xi32> -> vector<16xf32>
        %add3A_595 = arith.addf %add3A_571, %bitcast_convert_type3A_594 : vector<16xf32>
        %shift_left3A_596 = arith.constant 16 : i32
        %shift_left3A_597 = vector.broadcast %shift_left3A_596 : i32 to vector<16xi32>
        %shift_left3A_598 = arith.shli %get3A_586, %shift_left3A_597 : vector<16xi32>
        %bitcast_convert_type3A_599 = tpu.bitcast %shift_left3A_598 : vector<16xi32> -> vector<16xf32>
        %add3A_600 = arith.addf %add3A_576, %bitcast_convert_type3A_599 : vector<16xf32>
        %scan3A_601 = arith.constant 2 : i32
        %scan3A_602 = arith.addi %scan3A_553, %scan3A_601 : i32
        %get3A_603 = arith.index_cast %scan3A_602 : i32 to index
        %get3A_604 = arith.constant 0 : index
        %get3A_605 = tpu.vector_load %arg8[%get3A_603, %get3A_604] {strides = array<i32>} : memref<80x32xi32, #tpu.memory_space<vmem>>, vector<1x16xi32>,
        %get3A_606 = vector.shape_cast %get3A_605 : vector<1x16xi32> to vector<16xi32>
        %get3A_607 = arith.index_cast %scan3A_602 : i32 to index
        %get3A_608 = arith.constant 16 : index
        %get3A_609 = tpu.vector_load %arg8[%get3A_607, %get3A_608] {strides = array<i32>} : memref<80x32xi32, #tpu.memory_space<vmem>>, vector<1x16xi32>,
        %get3A_610 = vector.shape_cast %get3A_609 : vector<1x16xi32> to vector<16xi32>
        %bitcast_convert_type3A_611 = tpu.bitcast %get3A_606 : vector<16xi32> -> vector<16xf32>
        %add3A_612 = arith.addf %add3A_588, %bitcast_convert_type3A_611 : vector<16xf32>
        %bitcast_convert_type3A_613 = tpu.bitcast %get3A_610 : vector<16xi32> -> vector<16xf32>
        %add3A_614 = arith.addf %add3A_590, %bitcast_convert_type3A_613 : vector<16xf32>
        %shift_left3A_615 = arith.constant 16 : i32
        %shift_left3A_616 = vector.broadcast %shift_left3A_615 : i32 to vector<16xi32>
        %shift_left3A_617 = arith.shli %get3A_606, %shift_left3A_616 : vector<16xi32>
        %bitcast_convert_type3A_618 = tpu.bitcast %shift_left3A_617 : vector<16xi32> -> vector<16xf32>
        %add3A_619 = arith.addf %add3A_595, %bitcast_convert_type3A_618 : vector<16xf32>
        %shift_left3A_620 = arith.constant 16 : i32
        %shift_left3A_621 = vector.broadcast %shift_left3A_620 : i32 to vector<16xi32>
        %shift_left3A_622 = arith.shli %get3A_610, %shift_left3A_621 : vector<16xi32>
        %bitcast_convert_type3A_623 = tpu.bitcast %shift_left3A_622 : vector<16xi32> -> vector<16xf32>
        %add3A_624 = arith.addf %add3A_600, %bitcast_convert_type3A_623 : vector<16xf32>
        %scan3A_625 = arith.constant 3 : i32
        %scan3A_626 = arith.addi %scan3A_553, %scan3A_625 : i32
        %get3A_627 = arith.index_cast %scan3A_626 : i32 to index
        %get3A_628 = arith.constant 0 : index
        %get3A_629 = tpu.vector_load %arg8[%get3A_627, %get3A_628] {strides = array<i32>} : memref<80x32xi32, #tpu.memory_space<vmem>>, vector<1x16xi32>,
        %get3A_630 = vector.shape_cast %get3A_629 : vector<1x16xi32> to vector<16xi32>
        %get3A_631 = arith.index_cast %scan3A_626 : i32 to index
        %get3A_632 = arith.constant 16 : index
        %get3A_633 = tpu.vector_load %arg8[%get3A_631, %get3A_632] {strides = array<i32>} : memref<80x32xi32, #tpu.memory_space<vmem>>, vector<1x16xi32>,
        %get3A_634 = vector.shape_cast %get3A_633 : vector<1x16xi32> to vector<16xi32>
        %bitcast_convert_type3A_635 = tpu.bitcast %get3A_630 : vector<16xi32> -> vector<16xf32>
        %add3A_636 = arith.addf %add3A_612, %bitcast_convert_type3A_635 : vector<16xf32>
        %bitcast_convert_type3A_637 = tpu.bitcast %get3A_634 : vector<16xi32> -> vector<16xf32>
        %add3A_638 = arith.addf %add3A_614, %bitcast_convert_type3A_637 : vector<16xf32>
        %shift_left3A_639 = arith.constant 16 : i32
        %shift_left3A_640 = vector.broadcast %shift_left3A_639 : i32 to vector<16xi32>
        %shift_left3A_641 = arith.shli %get3A_630, %shift_left3A_640 : vector<16xi32>
        %bitcast_convert_type3A_642 = tpu.bitcast %shift_left3A_641 : vector<16xi32> -> vector<16xf32>
        %add3A_643 = arith.addf %add3A_619, %bitcast_convert_type3A_642 : vector<16xf32>
        %shift_left3A_644 = arith.constant 16 : i32
        %shift_left3A_645 = vector.broadcast %shift_left3A_644 : i32 to vector<16xi32>
        %shift_left3A_646 = arith.shli %get3A_634, %shift_left3A_645 : vector<16xi32>
        %bitcast_convert_type3A_647 = tpu.bitcast %shift_left3A_646 : vector<16xi32> -> vector<16xf32>
        %add3A_648 = arith.addf %add3A_624, %bitcast_convert_type3A_647 : vector<16xf32>
        %scan3A_649 = arith.constant 4 : i32
        %scan3A_650 = arith.addi %scan3A_553, %scan3A_649 : i32
        %get3A_651 = arith.index_cast %scan3A_650 : i32 to index
        %get3A_652 = arith.constant 0 : index
        %get3A_653 = tpu.vector_load %arg8[%get3A_651, %get3A_652] {strides = array<i32>} : memref<80x32xi32, #tpu.memory_space<vmem>>, vector<1x16xi32>,
        %get3A_654 = vector.shape_cast %get3A_653 : vector<1x16xi32> to vector<16xi32>
        %get3A_655 = arith.index_cast %scan3A_650 : i32 to index
        %get3A_656 = arith.constant 16 : index
        %get3A_657 = tpu.vector_load %arg8[%get3A_655, %get3A_656] {strides = array<i32>} : memref<80x32xi32, #tpu.memory_space<vmem>>, vector<1x16xi32>,
        %get3A_658 = vector.shape_cast %get3A_657 : vector<1x16xi32> to vector<16xi32>
        %bitcast_convert_type3A_659 = tpu.bitcast %get3A_654 : vector<16xi32> -> vector<16xf32>
        %add3A_660 = arith.addf %add3A_636, %bitcast_convert_type3A_659 : vector<16xf32>
        %bitcast_convert_type3A_661 = tpu.bitcast %get3A_658 : vector<16xi32> -> vector<16xf32>
        %add3A_662 = arith.addf %add3A_638, %bitcast_convert_type3A_661 : vector<16xf32>
        %shift_left3A_663 = arith.constant 16 : i32
        %shift_left3A_664 = vector.broadcast %shift_left3A_663 : i32 to vector<16xi32>
        %shift_left3A_665 = arith.shli %get3A_654, %shift_left3A_664 : vector<16xi32>
        %bitcast_convert_type3A_666 = tpu.bitcast %shift_left3A_665 : vector<16xi32> -> vector<16xf32>
        %add3A_667 = arith.addf %add3A_643, %bitcast_convert_type3A_666 : vector<16xf32>
        %shift_left3A_668 = arith.constant 16 : i32
        %shift_left3A_669 = vector.broadcast %shift_left3A_668 : i32 to vector<16xi32>
        %shift_left3A_670 = arith.shli %get3A_658, %shift_left3A_669 : vector<16xi32>
        %bitcast_convert_type3A_671 = tpu.bitcast %shift_left3A_670 : vector<16xi32> -> vector<16xf32>
        %add3A_672 = arith.addf %add3A_648, %bitcast_convert_type3A_671 : vector<16xf32>
        %scan3A_673 = arith.constant 5 : i32
        %scan3A_674 = arith.addi %scan3A_553, %scan3A_673 : i32
        %get3A_675 = arith.index_cast %scan3A_674 : i32 to index
        %get3A_676 = arith.constant 0 : index
        %get3A_677 = tpu.vector_load %arg8[%get3A_675, %get3A_676] {strides = array<i32>} : memref<80x32xi32, #tpu.memory_space<vmem>>, vector<1x16xi32>,
        %get3A_678 = vector.shape_cast %get3A_677 : vector<1x16xi32> to vector<16xi32>
        %get3A_679 = arith.index_cast %scan3A_674 : i32 to index
        %get3A_680 = arith.constant 16 : index
        %get3A_681 = tpu.vector_load %arg8[%get3A_679, %get3A_680] {strides = array<i32>} : memref<80x32xi32, #tpu.memory_space<vmem>>, vector<1x16xi32>,
        %get3A_682 = vector.shape_cast %get3A_681 : vector<1x16xi32> to vector<16xi32>
        %bitcast_convert_type3A_683 = tpu.bitcast %get3A_678 : vector<16xi32> -> vector<16xf32>
        %add3A_684 = arith.addf %add3A_660, %bitcast_convert_type3A_683 : vector<16xf32>
        %bitcast_convert_type3A_685 = tpu.bitcast %get3A_682 : vector<16xi32> -> vector<16xf32>
        %add3A_686 = arith.addf %add3A_662, %bitcast_convert_type3A_685 : vector<16xf32>
        %shift_left3A_687 = arith.constant 16 : i32
        %shift_left3A_688 = vector.broadcast %shift_left3A_687 : i32 to vector<16xi32>
        %shift_left3A_689 = arith.shli %get3A_678, %shift_left3A_688 : vector<16xi32>
        %bitcast_convert_type3A_690 = tpu.bitcast %shift_left3A_689 : vector<16xi32> -> vector<16xf32>
        %add3A_691 = arith.addf %add3A_667, %bitcast_convert_type3A_690 : vector<16xf32>
        %shift_left3A_692 = arith.constant 16 : i32
        %shift_left3A_693 = vector.broadcast %shift_left3A_692 : i32 to vector<16xi32>
        %shift_left3A_694 = arith.shli %get3A_682, %shift_left3A_693 : vector<16xi32>
        %bitcast_convert_type3A_695 = tpu.bitcast %shift_left3A_694 : vector<16xi32> -> vector<16xf32>
        %add3A_696 = arith.addf %add3A_672, %bitcast_convert_type3A_695 : vector<16xf32>
        %scan3A_697 = arith.constant 6 : i32
        %scan3A_698 = arith.addi %scan3A_553, %scan3A_697 : i32
        %get3A_699 = arith.index_cast %scan3A_698 : i32 to index
        %get3A_700 = arith.constant 0 : index
        %get3A_701 = tpu.vector_load %arg8[%get3A_699, %get3A_700] {strides = array<i32>} : memref<80x32xi32, #tpu.memory_space<vmem>>, vector<1x16xi32>,
        %get3A_702 = vector.shape_cast %get3A_701 : vector<1x16xi32> to vector<16xi32>
        %get3A_703 = arith.index_cast %scan3A_698 : i32 to index
        %get3A_704 = arith.constant 16 : index
        %get3A_705 = tpu.vector_load %arg8[%get3A_703, %get3A_704] {strides = array<i32>} : memref<80x32xi32, #tpu.memory_space<vmem>>, vector<1x16xi32>,
        %get3A_706 = vector.shape_cast %get3A_705 : vector<1x16xi32> to vector<16xi32>
        %bitcast_convert_type3A_707 = tpu.bitcast %get3A_702 : vector<16xi32> -> vector<16xf32>
        %add3A_708 = arith.addf %add3A_684, %bitcast_convert_type3A_707 : vector<16xf32>
        %bitcast_convert_type3A_709 = tpu.bitcast %get3A_706 : vector<16xi32> -> vector<16xf32>
        %add3A_710 = arith.addf %add3A_686, %bitcast_convert_type3A_709 : vector<16xf32>
        %shift_left3A_711 = arith.constant 16 : i32
        %shift_left3A_712 = vector.broadcast %shift_left3A_711 : i32 to vector<16xi32>
        %shift_left3A_713 = arith.shli %get3A_702, %shift_left3A_712 : vector<16xi32>
        %bitcast_convert_type3A_714 = tpu.bitcast %shift_left3A_713 : vector<16xi32> -> vector<16xf32>
        %add3A_715 = arith.addf %add3A_691, %bitcast_convert_type3A_714 : vector<16xf32>
        %shift_left3A_716 = arith.constant 16 : i32
        %shift_left3A_717 = vector.broadcast %shift_left3A_716 : i32 to vector<16xi32>
        %shift_left3A_718 = arith.shli %get3A_706, %shift_left3A_717 : vector<16xi32>
        %bitcast_convert_type3A_719 = tpu.bitcast %shift_left3A_718 : vector<16xi32> -> vector<16xf32>
        %add3A_720 = arith.addf %add3A_696, %bitcast_convert_type3A_719 : vector<16xf32>
        %scan3A_721 = arith.constant 7 : i32
        %scan3A_722 = arith.addi %scan3A_553, %scan3A_721 : i32
        %get3A_723 = arith.index_cast %scan3A_722 : i32 to index
        %get3A_724 = arith.constant 0 : index
        %get3A_725 = tpu.vector_load %arg8[%get3A_723, %get3A_724] {strides = array<i32>} : memref<80x32xi32, #tpu.memory_space<vmem>>, vector<1x16xi32>,
        %get3A_726 = vector.shape_cast %get3A_725 : vector<1x16xi32> to vector<16xi32>
        %get3A_727 = arith.index_cast %scan3A_722 : i32 to index
        %get3A_728 = arith.constant 16 : index
        %get3A_729 = tpu.vector_load %arg8[%get3A_727, %get3A_728] {strides = array<i32>} : memref<80x32xi32, #tpu.memory_space<vmem>>, vector<1x16xi32>,
        %get3A_730 = vector.shape_cast %get3A_729 : vector<1x16xi32> to vector<16xi32>
        %bitcast_convert_type3A_731 = tpu.bitcast %get3A_726 : vector<16xi32> -> vector<16xf32>
        %add3A_732 = arith.addf %add3A_708, %bitcast_convert_type3A_731 : vector<16xf32>
        %bitcast_convert_type3A_733 = tpu.bitcast %get3A_730 : vector<16xi32> -> vector<16xf32>
        %add3A_734 = arith.addf %add3A_710, %bitcast_convert_type3A_733 : vector<16xf32>
        %shift_left3A_735 = arith.constant 16 : i32
        %shift_left3A_736 = vector.broadcast %shift_left3A_735 : i32 to vector<16xi32>
        %shift_left3A_737 = arith.shli %get3A_726, %shift_left3A_736 : vector<16xi32>
        %bitcast_convert_type3A_738 = tpu.bitcast %shift_left3A_737 : vector<16xi32> -> vector<16xf32>
        %add3A_739 = arith.addf %add3A_715, %bitcast_convert_type3A_738 : vector<16xf32>
        %shift_left3A_740 = arith.constant 16 : i32
        %shift_left3A_741 = vector.broadcast %shift_left3A_740 : i32 to vector<16xi32>
        %shift_left3A_742 = arith.shli %get3A_730, %shift_left3A_741 : vector<16xi32>
        %bitcast_convert_type3A_743 = tpu.bitcast %shift_left3A_742 : vector<16xi32> -> vector<16xf32>
        %add3A_744 = arith.addf %add3A_720, %bitcast_convert_type3A_743 : vector<16xf32>
        scf.yield %add3A_732, %add3A_734, %add3A_739, %add3A_744 : vector<16xf32>, vector<16xf32>, vector<16xf32>, vector<16xf32>
      }
      %scan3A_174 = arith.constant 40 : i32
      %scan3A_175 = arith.constant 40 : i32
      %scan3A_176 = arith.constant 40 : i32
      %scan3A_177 = arith.addi %scan3A_175, %scan3A_176 : i32
      %scan3A_178 = arith.constant 8 : i32
      %scan3A_179:4 = scf.for %scan3A_553 = %scan3A_175 to %scan3A_177 step %scan3A_178 iter_args(%scan3A_554 = %broadcast_in_dim3A_91, %scan3A_555 = %broadcast_in_dim3A_93, %scan3A_556 = %broadcast_in_dim3A_95, %scan3A_557 = %broadcast_in_dim3A_97) -> (vector<16xf32>, vector<16xf32>, vector<16xf32>, vector<16xf32>)  : i32 {
        %get3A = arith.index_cast %scan3A_553 : i32 to index
        %get3A_558 = arith.constant 0 : index
        %get3A_559 = tpu.vector_load %arg8[%get3A, %get3A_558] {strides = array<i32>} : memref<80x32xi32, #tpu.memory_space<vmem>>, vector<1x16xi32>,
        %get3A_560 = vector.shape_cast %get3A_559 : vector<1x16xi32> to vector<16xi32>
        %get3A_561 = arith.index_cast %scan3A_553 : i32 to index
        %get3A_562 = arith.constant 16 : index
        %get3A_563 = tpu.vector_load %arg8[%get3A_561, %get3A_562] {strides = array<i32>} : memref<80x32xi32, #tpu.memory_space<vmem>>, vector<1x16xi32>,
        %get3A_564 = vector.shape_cast %get3A_563 : vector<1x16xi32> to vector<16xi32>
        %bitcast_convert_type3A = tpu.bitcast %get3A_560 : vector<16xi32> -> vector<16xf32>
        %add3A_565 = arith.addf %scan3A_554, %bitcast_convert_type3A : vector<16xf32>
        %bitcast_convert_type3A_566 = tpu.bitcast %get3A_564 : vector<16xi32> -> vector<16xf32>
        %add3A_567 = arith.addf %scan3A_555, %bitcast_convert_type3A_566 : vector<16xf32>
        %shift_left3A = arith.constant 16 : i32
        %shift_left3A_568 = vector.broadcast %shift_left3A : i32 to vector<16xi32>
        %shift_left3A_569 = arith.shli %get3A_560, %shift_left3A_568 : vector<16xi32>
        %bitcast_convert_type3A_570 = tpu.bitcast %shift_left3A_569 : vector<16xi32> -> vector<16xf32>
        %add3A_571 = arith.addf %scan3A_556, %bitcast_convert_type3A_570 : vector<16xf32>
        %shift_left3A_572 = arith.constant 16 : i32
        %shift_left3A_573 = vector.broadcast %shift_left3A_572 : i32 to vector<16xi32>
        %shift_left3A_574 = arith.shli %get3A_564, %shift_left3A_573 : vector<16xi32>
        %bitcast_convert_type3A_575 = tpu.bitcast %shift_left3A_574 : vector<16xi32> -> vector<16xf32>
        %add3A_576 = arith.addf %scan3A_557, %bitcast_convert_type3A_575 : vector<16xf32>
        %scan3A_577 = arith.constant 1 : i32
        %scan3A_578 = arith.addi %scan3A_553, %scan3A_577 : i32
        %get3A_579 = arith.index_cast %scan3A_578 : i32 to index
        %get3A_580 = arith.constant 0 : index
        %get3A_581 = tpu.vector_load %arg8[%get3A_579, %get3A_580] {strides = array<i32>} : memref<80x32xi32, #tpu.memory_space<vmem>>, vector<1x16xi32>,
        %get3A_582 = vector.shape_cast %get3A_581 : vector<1x16xi32> to vector<16xi32>
        %get3A_583 = arith.index_cast %scan3A_578 : i32 to index
        %get3A_584 = arith.constant 16 : index
        %get3A_585 = tpu.vector_load %arg8[%get3A_583, %get3A_584] {strides = array<i32>} : memref<80x32xi32, #tpu.memory_space<vmem>>, vector<1x16xi32>,
        %get3A_586 = vector.shape_cast %get3A_585 : vector<1x16xi32> to vector<16xi32>
        %bitcast_convert_type3A_587 = tpu.bitcast %get3A_582 : vector<16xi32> -> vector<16xf32>
        %add3A_588 = arith.addf %add3A_565, %bitcast_convert_type3A_587 : vector<16xf32>
        %bitcast_convert_type3A_589 = tpu.bitcast %get3A_586 : vector<16xi32> -> vector<16xf32>
        %add3A_590 = arith.addf %add3A_567, %bitcast_convert_type3A_589 : vector<16xf32>
        %shift_left3A_591 = arith.constant 16 : i32
        %shift_left3A_592 = vector.broadcast %shift_left3A_591 : i32 to vector<16xi32>
        %shift_left3A_593 = arith.shli %get3A_582, %shift_left3A_592 : vector<16xi32>
        %bitcast_convert_type3A_594 = tpu.bitcast %shift_left3A_593 : vector<16xi32> -> vector<16xf32>
        %add3A_595 = arith.addf %add3A_571, %bitcast_convert_type3A_594 : vector<16xf32>
        %shift_left3A_596 = arith.constant 16 : i32
        %shift_left3A_597 = vector.broadcast %shift_left3A_596 : i32 to vector<16xi32>
        %shift_left3A_598 = arith.shli %get3A_586, %shift_left3A_597 : vector<16xi32>
        %bitcast_convert_type3A_599 = tpu.bitcast %shift_left3A_598 : vector<16xi32> -> vector<16xf32>
        %add3A_600 = arith.addf %add3A_576, %bitcast_convert_type3A_599 : vector<16xf32>
        %scan3A_601 = arith.constant 2 : i32
        %scan3A_602 = arith.addi %scan3A_553, %scan3A_601 : i32
        %get3A_603 = arith.index_cast %scan3A_602 : i32 to index
        %get3A_604 = arith.constant 0 : index
        %get3A_605 = tpu.vector_load %arg8[%get3A_603, %get3A_604] {strides = array<i32>} : memref<80x32xi32, #tpu.memory_space<vmem>>, vector<1x16xi32>,
        %get3A_606 = vector.shape_cast %get3A_605 : vector<1x16xi32> to vector<16xi32>
        %get3A_607 = arith.index_cast %scan3A_602 : i32 to index
        %get3A_608 = arith.constant 16 : index
        %get3A_609 = tpu.vector_load %arg8[%get3A_607, %get3A_608] {strides = array<i32>} : memref<80x32xi32, #tpu.memory_space<vmem>>, vector<1x16xi32>,
        %get3A_610 = vector.shape_cast %get3A_609 : vector<1x16xi32> to vector<16xi32>
        %bitcast_convert_type3A_611 = tpu.bitcast %get3A_606 : vector<16xi32> -> vector<16xf32>
        %add3A_612 = arith.addf %add3A_588, %bitcast_convert_type3A_611 : vector<16xf32>
        %bitcast_convert_type3A_613 = tpu.bitcast %get3A_610 : vector<16xi32> -> vector<16xf32>
        %add3A_614 = arith.addf %add3A_590, %bitcast_convert_type3A_613 : vector<16xf32>
        %shift_left3A_615 = arith.constant 16 : i32
        %shift_left3A_616 = vector.broadcast %shift_left3A_615 : i32 to vector<16xi32>
        %shift_left3A_617 = arith.shli %get3A_606, %shift_left3A_616 : vector<16xi32>
        %bitcast_convert_type3A_618 = tpu.bitcast %shift_left3A_617 : vector<16xi32> -> vector<16xf32>
        %add3A_619 = arith.addf %add3A_595, %bitcast_convert_type3A_618 : vector<16xf32>
        %shift_left3A_620 = arith.constant 16 : i32
        %shift_left3A_621 = vector.broadcast %shift_left3A_620 : i32 to vector<16xi32>
        %shift_left3A_622 = arith.shli %get3A_610, %shift_left3A_621 : vector<16xi32>
        %bitcast_convert_type3A_623 = tpu.bitcast %shift_left3A_622 : vector<16xi32> -> vector<16xf32>
        %add3A_624 = arith.addf %add3A_600, %bitcast_convert_type3A_623 : vector<16xf32>
        %scan3A_625 = arith.constant 3 : i32
        %scan3A_626 = arith.addi %scan3A_553, %scan3A_625 : i32
        %get3A_627 = arith.index_cast %scan3A_626 : i32 to index
        %get3A_628 = arith.constant 0 : index
        %get3A_629 = tpu.vector_load %arg8[%get3A_627, %get3A_628] {strides = array<i32>} : memref<80x32xi32, #tpu.memory_space<vmem>>, vector<1x16xi32>,
        %get3A_630 = vector.shape_cast %get3A_629 : vector<1x16xi32> to vector<16xi32>
        %get3A_631 = arith.index_cast %scan3A_626 : i32 to index
        %get3A_632 = arith.constant 16 : index
        %get3A_633 = tpu.vector_load %arg8[%get3A_631, %get3A_632] {strides = array<i32>} : memref<80x32xi32, #tpu.memory_space<vmem>>, vector<1x16xi32>,
        %get3A_634 = vector.shape_cast %get3A_633 : vector<1x16xi32> to vector<16xi32>
        %bitcast_convert_type3A_635 = tpu.bitcast %get3A_630 : vector<16xi32> -> vector<16xf32>
        %add3A_636 = arith.addf %add3A_612, %bitcast_convert_type3A_635 : vector<16xf32>
        %bitcast_convert_type3A_637 = tpu.bitcast %get3A_634 : vector<16xi32> -> vector<16xf32>
        %add3A_638 = arith.addf %add3A_614, %bitcast_convert_type3A_637 : vector<16xf32>
        %shift_left3A_639 = arith.constant 16 : i32
        %shift_left3A_640 = vector.broadcast %shift_left3A_639 : i32 to vector<16xi32>
        %shift_left3A_641 = arith.shli %get3A_630, %shift_left3A_640 : vector<16xi32>
        %bitcast_convert_type3A_642 = tpu.bitcast %shift_left3A_641 : vector<16xi32> -> vector<16xf32>
        %add3A_643 = arith.addf %add3A_619, %bitcast_convert_type3A_642 : vector<16xf32>
        %shift_left3A_644 = arith.constant 16 : i32
        %shift_left3A_645 = vector.broadcast %shift_left3A_644 : i32 to vector<16xi32>
        %shift_left3A_646 = arith.shli %get3A_634, %shift_left3A_645 : vector<16xi32>
        %bitcast_convert_type3A_647 = tpu.bitcast %shift_left3A_646 : vector<16xi32> -> vector<16xf32>
        %add3A_648 = arith.addf %add3A_624, %bitcast_convert_type3A_647 : vector<16xf32>
        %scan3A_649 = arith.constant 4 : i32
        %scan3A_650 = arith.addi %scan3A_553, %scan3A_649 : i32
        %get3A_651 = arith.index_cast %scan3A_650 : i32 to index
        %get3A_652 = arith.constant 0 : index
        %get3A_653 = tpu.vector_load %arg8[%get3A_651, %get3A_652] {strides = array<i32>} : memref<80x32xi32, #tpu.memory_space<vmem>>, vector<1x16xi32>,
        %get3A_654 = vector.shape_cast %get3A_653 : vector<1x16xi32> to vector<16xi32>
        %get3A_655 = arith.index_cast %scan3A_650 : i32 to index
        %get3A_656 = arith.constant 16 : index
        %get3A_657 = tpu.vector_load %arg8[%get3A_655, %get3A_656] {strides = array<i32>} : memref<80x32xi32, #tpu.memory_space<vmem>>, vector<1x16xi32>,
        %get3A_658 = vector.shape_cast %get3A_657 : vector<1x16xi32> to vector<16xi32>
        %bitcast_convert_type3A_659 = tpu.bitcast %get3A_654 : vector<16xi32> -> vector<16xf32>
        %add3A_660 = arith.addf %add3A_636, %bitcast_convert_type3A_659 : vector<16xf32>
        %bitcast_convert_type3A_661 = tpu.bitcast %get3A_658 : vector<16xi32> -> vector<16xf32>
        %add3A_662 = arith.addf %add3A_638, %bitcast_convert_type3A_661 : vector<16xf32>
        %shift_left3A_663 = arith.constant 16 : i32
        %shift_left3A_664 = vector.broadcast %shift_left3A_663 : i32 to vector<16xi32>
        %shift_left3A_665 = arith.shli %get3A_654, %shift_left3A_664 : vector<16xi32>
        %bitcast_convert_type3A_666 = tpu.bitcast %shift_left3A_665 : vector<16xi32> -> vector<16xf32>
        %add3A_667 = arith.addf %add3A_643, %bitcast_convert_type3A_666 : vector<16xf32>
        %shift_left3A_668 = arith.constant 16 : i32
        %shift_left3A_669 = vector.broadcast %shift_left3A_668 : i32 to vector<16xi32>
        %shift_left3A_670 = arith.shli %get3A_658, %shift_left3A_669 : vector<16xi32>
        %bitcast_convert_type3A_671 = tpu.bitcast %shift_left3A_670 : vector<16xi32> -> vector<16xf32>
        %add3A_672 = arith.addf %add3A_648, %bitcast_convert_type3A_671 : vector<16xf32>
        %scan3A_673 = arith.constant 5 : i32
        %scan3A_674 = arith.addi %scan3A_553, %scan3A_673 : i32
        %get3A_675 = arith.index_cast %scan3A_674 : i32 to index
        %get3A_676 = arith.constant 0 : index
        %get3A_677 = tpu.vector_load %arg8[%get3A_675, %get3A_676] {strides = array<i32>} : memref<80x32xi32, #tpu.memory_space<vmem>>, vector<1x16xi32>,
        %get3A_678 = vector.shape_cast %get3A_677 : vector<1x16xi32> to vector<16xi32>
        %get3A_679 = arith.index_cast %scan3A_674 : i32 to index
        %get3A_680 = arith.constant 16 : index
        %get3A_681 = tpu.vector_load %arg8[%get3A_679, %get3A_680] {strides = array<i32>} : memref<80x32xi32, #tpu.memory_space<vmem>>, vector<1x16xi32>,
        %get3A_682 = vector.shape_cast %get3A_681 : vector<1x16xi32> to vector<16xi32>
        %bitcast_convert_type3A_683 = tpu.bitcast %get3A_678 : vector<16xi32> -> vector<16xf32>
        %add3A_684 = arith.addf %add3A_660, %bitcast_convert_type3A_683 : vector<16xf32>
        %bitcast_convert_type3A_685 = tpu.bitcast %get3A_682 : vector<16xi32> -> vector<16xf32>
        %add3A_686 = arith.addf %add3A_662, %bitcast_convert_type3A_685 : vector<16xf32>
        %shift_left3A_687 = arith.constant 16 : i32
        %shift_left3A_688 = vector.broadcast %shift_left3A_687 : i32 to vector<16xi32>
        %shift_left3A_689 = arith.shli %get3A_678, %shift_left3A_688 : vector<16xi32>
        %bitcast_convert_type3A_690 = tpu.bitcast %shift_left3A_689 : vector<16xi32> -> vector<16xf32>
        %add3A_691 = arith.addf %add3A_667, %bitcast_convert_type3A_690 : vector<16xf32>
        %shift_left3A_692 = arith.constant 16 : i32
        %shift_left3A_693 = vector.broadcast %shift_left3A_692 : i32 to vector<16xi32>
        %shift_left3A_694 = arith.shli %get3A_682, %shift_left3A_693 : vector<16xi32>
        %bitcast_convert_type3A_695 = tpu.bitcast %shift_left3A_694 : vector<16xi32> -> vector<16xf32>
        %add3A_696 = arith.addf %add3A_672, %bitcast_convert_type3A_695 : vector<16xf32>
        %scan3A_697 = arith.constant 6 : i32
        %scan3A_698 = arith.addi %scan3A_553, %scan3A_697 : i32
        %get3A_699 = arith.index_cast %scan3A_698 : i32 to index
        %get3A_700 = arith.constant 0 : index
        %get3A_701 = tpu.vector_load %arg8[%get3A_699, %get3A_700] {strides = array<i32>} : memref<80x32xi32, #tpu.memory_space<vmem>>, vector<1x16xi32>,
        %get3A_702 = vector.shape_cast %get3A_701 : vector<1x16xi32> to vector<16xi32>
        %get3A_703 = arith.index_cast %scan3A_698 : i32 to index
        %get3A_704 = arith.constant 16 : index
        %get3A_705 = tpu.vector_load %arg8[%get3A_703, %get3A_704] {strides = array<i32>} : memref<80x32xi32, #tpu.memory_space<vmem>>, vector<1x16xi32>,
        %get3A_706 = vector.shape_cast %get3A_705 : vector<1x16xi32> to vector<16xi32>
        %bitcast_convert_type3A_707 = tpu.bitcast %get3A_702 : vector<16xi32> -> vector<16xf32>
        %add3A_708 = arith.addf %add3A_684, %bitcast_convert_type3A_707 : vector<16xf32>
        %bitcast_convert_type3A_709 = tpu.bitcast %get3A_706 : vector<16xi32> -> vector<16xf32>
        %add3A_710 = arith.addf %add3A_686, %bitcast_convert_type3A_709 : vector<16xf32>
        %shift_left3A_711 = arith.constant 16 : i32
        %shift_left3A_712 = vector.broadcast %shift_left3A_711 : i32 to vector<16xi32>
        %shift_left3A_713 = arith.shli %get3A_702, %shift_left3A_712 : vector<16xi32>
        %bitcast_convert_type3A_714 = tpu.bitcast %shift_left3A_713 : vector<16xi32> -> vector<16xf32>
        %add3A_715 = arith.addf %add3A_691, %bitcast_convert_type3A_714 : vector<16xf32>
        %shift_left3A_716 = arith.constant 16 : i32
        %shift_left3A_717 = vector.broadcast %shift_left3A_716 : i32 to vector<16xi32>
        %shift_left3A_718 = arith.shli %get3A_706, %shift_left3A_717 : vector<16xi32>
        %bitcast_convert_type3A_719 = tpu.bitcast %shift_left3A_718 : vector<16xi32> -> vector<16xf32>
        %add3A_720 = arith.addf %add3A_696, %bitcast_convert_type3A_719 : vector<16xf32>
        %scan3A_721 = arith.constant 7 : i32
        %scan3A_722 = arith.addi %scan3A_553, %scan3A_721 : i32
        %get3A_723 = arith.index_cast %scan3A_722 : i32 to index
        %get3A_724 = arith.constant 0 : index
        %get3A_725 = tpu.vector_load %arg8[%get3A_723, %get3A_724] {strides = array<i32>} : memref<80x32xi32, #tpu.memory_space<vmem>>, vector<1x16xi32>,
        %get3A_726 = vector.shape_cast %get3A_725 : vector<1x16xi32> to vector<16xi32>
        %get3A_727 = arith.index_cast %scan3A_722 : i32 to index
        %get3A_728 = arith.constant 16 : index
        %get3A_729 = tpu.vector_load %arg8[%get3A_727, %get3A_728] {strides = array<i32>} : memref<80x32xi32, #tpu.memory_space<vmem>>, vector<1x16xi32>,
        %get3A_730 = vector.shape_cast %get3A_729 : vector<1x16xi32> to vector<16xi32>
        %bitcast_convert_type3A_731 = tpu.bitcast %get3A_726 : vector<16xi32> -> vector<16xf32>
        %add3A_732 = arith.addf %add3A_708, %bitcast_convert_type3A_731 : vector<16xf32>
        %bitcast_convert_type3A_733 = tpu.bitcast %get3A_730 : vector<16xi32> -> vector<16xf32>
        %add3A_734 = arith.addf %add3A_710, %bitcast_convert_type3A_733 : vector<16xf32>
        %shift_left3A_735 = arith.constant 16 : i32
        %shift_left3A_736 = vector.broadcast %shift_left3A_735 : i32 to vector<16xi32>
        %shift_left3A_737 = arith.shli %get3A_726, %shift_left3A_736 : vector<16xi32>
        %bitcast_convert_type3A_738 = tpu.bitcast %shift_left3A_737 : vector<16xi32> -> vector<16xf32>
        %add3A_739 = arith.addf %add3A_715, %bitcast_convert_type3A_738 : vector<16xf32>
        %shift_left3A_740 = arith.constant 16 : i32
        %shift_left3A_741 = vector.broadcast %shift_left3A_740 : i32 to vector<16xi32>
        %shift_left3A_742 = arith.shli %get3A_730, %shift_left3A_741 : vector<16xi32>
        %bitcast_convert_type3A_743 = tpu.bitcast %shift_left3A_742 : vector<16xi32> -> vector<16xf32>
        %add3A_744 = arith.addf %add3A_720, %bitcast_convert_type3A_743 : vector<16xf32>
        scf.yield %add3A_732, %add3A_734, %add3A_739, %add3A_744 : vector<16xf32>, vector<16xf32>, vector<16xf32>, vector<16xf32>
      }
      %scan3A_180 = arith.constant 40 : i32
      %add3A_181 = arith.constant 10 : i32
      %add3A_182 = arith.addi %add3A_161, %add3A_181 : i32
      %lt3A_183 = arith.constant 320 : i32
      %lt3A_184 = arith.cmpi slt, %add3A_182, %lt3A_183 : i32
      %convert_element_type3A_185 = arith.extui %lt3A_184 : i1 to i32
      %cond3A_186 = arith.constant 0 : i32
      %cond3A_187 = arith.cmpi ne, %convert_element_type3A_185, %cond3A_186 : i32
      scf.if %cond3A_187 {
        %add3A_553 = arith.constant 10 : i32
        %add3A_554 = arith.addi %add3A_161, %add3A_553 : i32
        %dma_start3A_555 = arith.constant 0 : i32
        %dma_start3A_556 = tpu.memref_slice %arg5[%add3A_554, %dma_start3A_555] : memref<320x80xi32, #tpu.memory_space<vmem>> -> memref<1x80xi32, #tpu.memory_space<vmem>>
        %dma_start3A_557 = tpu.memref_squeeze %dma_start3A_556 : memref<1x80xi32, #tpu.memory_space<vmem>> -> memref<80xi32, #tpu.memory_space<vmem>>
        %dma_start3A_558 = arith.constant 0 : i32
        %dma_start3A_559 = arith.constant 0 : i32
        %dma_start3A_560 = tpu.memref_slice %arg3[%dma_start3A_558, %dma_start3A_559] : memref<1015808x32xi32, #tpu.memory_space<hbm>> -> memref<1015808x32xi32, #tpu.memory_space<hbm>>
        tpu.enqueue_indirect_dma source(%dma_start3A_560 : memref<1015808x32xi32, #tpu.memory_space<hbm>>) target(%arg8 : memref<80x32xi32, #tpu.memory_space<vmem>>) offsets(%dma_start3A_557 : memref<80xi32, #tpu.memory_space<vmem>>) semaphore(%arg19 : memref<!tpu.dma_semaphore, #tpu.memory_space<semaphore_mem>>)
      } else {
      }
      %mul3A_188 = arith.constant 10 : i32
      %mul3A_189 = arith.muli %add3A_82, %mul3A_188 : i32
      %add3A_190 = arith.constant 3 : i32
      %add3A_191 = arith.addi %mul3A_189, %add3A_190 : i32
      %dma_wait3A_192 = arith.constant 0 : i32
      %dma_wait3A_193 = arith.constant 0 : i32
      %dma_wait3A_194 = tpu.memref_slice %arg5[%dma_wait3A_192, %dma_wait3A_193] : memref<320x80xi32, #tpu.memory_space<vmem>> -> memref<1x80xi32, #tpu.memory_space<vmem>>
      %dma_wait3A_195 = tpu.memref_squeeze %dma_wait3A_194 : memref<1x80xi32, #tpu.memory_space<vmem>> -> memref<80xi32, #tpu.memory_space<vmem>>
      %dma_wait3A_196 = arith.constant 0 : i32
      %dma_wait3A_197 = arith.constant 0 : i32
      %dma_wait3A_198 = tpu.memref_slice %arg3[%dma_wait3A_196, %dma_wait3A_197] : memref<1015808x32xi32, #tpu.memory_space<hbm>> -> memref<1015808x32xi32, #tpu.memory_space<hbm>>
      tpu.wait_indirect_dma semaphore(%arg20 : memref<!tpu.dma_semaphore, #tpu.memory_space<semaphore_mem>>) src(%dma_wait3A_198 : memref<1015808x32xi32, #tpu.memory_space<hbm>>) dst(%arg9 : memref<80x32xi32, #tpu.memory_space<vmem>>)
      %scan3A_199 = arith.constant 0 : i32
      %scan3A_200 = arith.constant 80 : i32
      %scan3A_201 = arith.addi %scan3A_199, %scan3A_200 : i32
      %scan3A_202 = arith.constant 8 : i32
      %scan3A_203:4 = scf.for %scan3A_553 = %scan3A_199 to %scan3A_201 step %scan3A_202 iter_args(%scan3A_554 = %scan3A_179#0, %scan3A_555 = %scan3A_179#1, %scan3A_556 = %scan3A_179#2, %scan3A_557 = %scan3A_179#3) -> (vector<16xf32>, vector<16xf32>, vector<16xf32>, vector<16xf32>)  : i32 {
        %get3A = arith.index_cast %scan3A_553 : i32 to index
        %get3A_558 = arith.constant 0 : index
        %get3A_559 = tpu.vector_load %arg9[%get3A, %get3A_558] {strides = array<i32>} : memref<80x32xi32, #tpu.memory_space<vmem>>, vector<1x16xi32>,
        %get3A_560 = vector.shape_cast %get3A_559 : vector<1x16xi32> to vector<16xi32>
        %get3A_561 = arith.index_cast %scan3A_553 : i32 to index
        %get3A_562 = arith.constant 16 : index
        %get3A_563 = tpu.vector_load %arg9[%get3A_561, %get3A_562] {strides = array<i32>} : memref<80x32xi32, #tpu.memory_space<vmem>>, vector<1x16xi32>,
        %get3A_564 = vector.shape_cast %get3A_563 : vector<1x16xi32> to vector<16xi32>
        %bitcast_convert_type3A = tpu.bitcast %get3A_560 : vector<16xi32> -> vector<16xf32>
        %add3A_565 = arith.addf %scan3A_554, %bitcast_convert_type3A : vector<16xf32>
        %bitcast_convert_type3A_566 = tpu.bitcast %get3A_564 : vector<16xi32> -> vector<16xf32>
        %add3A_567 = arith.addf %scan3A_555, %bitcast_convert_type3A_566 : vector<16xf32>
        %shift_left3A = arith.constant 16 : i32
        %shift_left3A_568 = vector.broadcast %shift_left3A : i32 to vector<16xi32>
        %shift_left3A_569 = arith.shli %get3A_560, %shift_left3A_568 : vector<16xi32>
        %bitcast_convert_type3A_570 = tpu.bitcast %shift_left3A_569 : vector<16xi32> -> vector<16xf32>
        %add3A_571 = arith.addf %scan3A_556, %bitcast_convert_type3A_570 : vector<16xf32>
        %shift_left3A_572 = arith.constant 16 : i32
        %shift_left3A_573 = vector.broadcast %shift_left3A_572 : i32 to vector<16xi32>
        %shift_left3A_574 = arith.shli %get3A_564, %shift_left3A_573 : vector<16xi32>
        %bitcast_convert_type3A_575 = tpu.bitcast %shift_left3A_574 : vector<16xi32> -> vector<16xf32>
        %add3A_576 = arith.addf %scan3A_557, %bitcast_convert_type3A_575 : vector<16xf32>
        %scan3A_577 = arith.constant 1 : i32
        %scan3A_578 = arith.addi %scan3A_553, %scan3A_577 : i32
        %get3A_579 = arith.index_cast %scan3A_578 : i32 to index
        %get3A_580 = arith.constant 0 : index
        %get3A_581 = tpu.vector_load %arg9[%get3A_579, %get3A_580] {strides = array<i32>} : memref<80x32xi32, #tpu.memory_space<vmem>>, vector<1x16xi32>,
        %get3A_582 = vector.shape_cast %get3A_581 : vector<1x16xi32> to vector<16xi32>
        %get3A_583 = arith.index_cast %scan3A_578 : i32 to index
        %get3A_584 = arith.constant 16 : index
        %get3A_585 = tpu.vector_load %arg9[%get3A_583, %get3A_584] {strides = array<i32>} : memref<80x32xi32, #tpu.memory_space<vmem>>, vector<1x16xi32>,
        %get3A_586 = vector.shape_cast %get3A_585 : vector<1x16xi32> to vector<16xi32>
        %bitcast_convert_type3A_587 = tpu.bitcast %get3A_582 : vector<16xi32> -> vector<16xf32>
        %add3A_588 = arith.addf %add3A_565, %bitcast_convert_type3A_587 : vector<16xf32>
        %bitcast_convert_type3A_589 = tpu.bitcast %get3A_586 : vector<16xi32> -> vector<16xf32>
        %add3A_590 = arith.addf %add3A_567, %bitcast_convert_type3A_589 : vector<16xf32>
        %shift_left3A_591 = arith.constant 16 : i32
        %shift_left3A_592 = vector.broadcast %shift_left3A_591 : i32 to vector<16xi32>
        %shift_left3A_593 = arith.shli %get3A_582, %shift_left3A_592 : vector<16xi32>
        %bitcast_convert_type3A_594 = tpu.bitcast %shift_left3A_593 : vector<16xi32> -> vector<16xf32>
        %add3A_595 = arith.addf %add3A_571, %bitcast_convert_type3A_594 : vector<16xf32>
        %shift_left3A_596 = arith.constant 16 : i32
        %shift_left3A_597 = vector.broadcast %shift_left3A_596 : i32 to vector<16xi32>
        %shift_left3A_598 = arith.shli %get3A_586, %shift_left3A_597 : vector<16xi32>
        %bitcast_convert_type3A_599 = tpu.bitcast %shift_left3A_598 : vector<16xi32> -> vector<16xf32>
        %add3A_600 = arith.addf %add3A_576, %bitcast_convert_type3A_599 : vector<16xf32>
        %scan3A_601 = arith.constant 2 : i32
        %scan3A_602 = arith.addi %scan3A_553, %scan3A_601 : i32
        %get3A_603 = arith.index_cast %scan3A_602 : i32 to index
        %get3A_604 = arith.constant 0 : index
        %get3A_605 = tpu.vector_load %arg9[%get3A_603, %get3A_604] {strides = array<i32>} : memref<80x32xi32, #tpu.memory_space<vmem>>, vector<1x16xi32>,
        %get3A_606 = vector.shape_cast %get3A_605 : vector<1x16xi32> to vector<16xi32>
        %get3A_607 = arith.index_cast %scan3A_602 : i32 to index
        %get3A_608 = arith.constant 16 : index
        %get3A_609 = tpu.vector_load %arg9[%get3A_607, %get3A_608] {strides = array<i32>} : memref<80x32xi32, #tpu.memory_space<vmem>>, vector<1x16xi32>,
        %get3A_610 = vector.shape_cast %get3A_609 : vector<1x16xi32> to vector<16xi32>
        %bitcast_convert_type3A_611 = tpu.bitcast %get3A_606 : vector<16xi32> -> vector<16xf32>
        %add3A_612 = arith.addf %add3A_588, %bitcast_convert_type3A_611 : vector<16xf32>
        %bitcast_convert_type3A_613 = tpu.bitcast %get3A_610 : vector<16xi32> -> vector<16xf32>
        %add3A_614 = arith.addf %add3A_590, %bitcast_convert_type3A_613 : vector<16xf32>
        %shift_left3A_615 = arith.constant 16 : i32
        %shift_left3A_616 = vector.broadcast %shift_left3A_615 : i32 to vector<16xi32>
        %shift_left3A_617 = arith.shli %get3A_606, %shift_left3A_616 : vector<16xi32>
        %bitcast_convert_type3A_618 = tpu.bitcast %shift_left3A_617 : vector<16xi32> -> vector<16xf32>
        %add3A_619 = arith.addf %add3A_595, %bitcast_convert_type3A_618 : vector<16xf32>
        %shift_left3A_620 = arith.constant 16 : i32
        %shift_left3A_621 = vector.broadcast %shift_left3A_620 : i32 to vector<16xi32>
        %shift_left3A_622 = arith.shli %get3A_610, %shift_left3A_621 : vector<16xi32>
        %bitcast_convert_type3A_623 = tpu.bitcast %shift_left3A_622 : vector<16xi32> -> vector<16xf32>
        %add3A_624 = arith.addf %add3A_600, %bitcast_convert_type3A_623 : vector<16xf32>
        %scan3A_625 = arith.constant 3 : i32
        %scan3A_626 = arith.addi %scan3A_553, %scan3A_625 : i32
        %get3A_627 = arith.index_cast %scan3A_626 : i32 to index
        %get3A_628 = arith.constant 0 : index
        %get3A_629 = tpu.vector_load %arg9[%get3A_627, %get3A_628] {strides = array<i32>} : memref<80x32xi32, #tpu.memory_space<vmem>>, vector<1x16xi32>,
        %get3A_630 = vector.shape_cast %get3A_629 : vector<1x16xi32> to vector<16xi32>
        %get3A_631 = arith.index_cast %scan3A_626 : i32 to index
        %get3A_632 = arith.constant 16 : index
        %get3A_633 = tpu.vector_load %arg9[%get3A_631, %get3A_632] {strides = array<i32>} : memref<80x32xi32, #tpu.memory_space<vmem>>, vector<1x16xi32>,
        %get3A_634 = vector.shape_cast %get3A_633 : vector<1x16xi32> to vector<16xi32>
        %bitcast_convert_type3A_635 = tpu.bitcast %get3A_630 : vector<16xi32> -> vector<16xf32>
        %add3A_636 = arith.addf %add3A_612, %bitcast_convert_type3A_635 : vector<16xf32>
        %bitcast_convert_type3A_637 = tpu.bitcast %get3A_634 : vector<16xi32> -> vector<16xf32>
        %add3A_638 = arith.addf %add3A_614, %bitcast_convert_type3A_637 : vector<16xf32>
        %shift_left3A_639 = arith.constant 16 : i32
        %shift_left3A_640 = vector.broadcast %shift_left3A_639 : i32 to vector<16xi32>
        %shift_left3A_641 = arith.shli %get3A_630, %shift_left3A_640 : vector<16xi32>
        %bitcast_convert_type3A_642 = tpu.bitcast %shift_left3A_641 : vector<16xi32> -> vector<16xf32>
        %add3A_643 = arith.addf %add3A_619, %bitcast_convert_type3A_642 : vector<16xf32>
        %shift_left3A_644 = arith.constant 16 : i32
        %shift_left3A_645 = vector.broadcast %shift_left3A_644 : i32 to vector<16xi32>
        %shift_left3A_646 = arith.shli %get3A_634, %shift_left3A_645 : vector<16xi32>
        %bitcast_convert_type3A_647 = tpu.bitcast %shift_left3A_646 : vector<16xi32> -> vector<16xf32>
        %add3A_648 = arith.addf %add3A_624, %bitcast_convert_type3A_647 : vector<16xf32>
        %scan3A_649 = arith.constant 4 : i32
        %scan3A_650 = arith.addi %scan3A_553, %scan3A_649 : i32
        %get3A_651 = arith.index_cast %scan3A_650 : i32 to index
        %get3A_652 = arith.constant 0 : index
        %get3A_653 = tpu.vector_load %arg9[%get3A_651, %get3A_652] {strides = array<i32>} : memref<80x32xi32, #tpu.memory_space<vmem>>, vector<1x16xi32>,
        %get3A_654 = vector.shape_cast %get3A_653 : vector<1x16xi32> to vector<16xi32>
        %get3A_655 = arith.index_cast %scan3A_650 : i32 to index
        %get3A_656 = arith.constant 16 : index
        %get3A_657 = tpu.vector_load %arg9[%get3A_655, %get3A_656] {strides = array<i32>} : memref<80x32xi32, #tpu.memory_space<vmem>>, vector<1x16xi32>,
        %get3A_658 = vector.shape_cast %get3A_657 : vector<1x16xi32> to vector<16xi32>
        %bitcast_convert_type3A_659 = tpu.bitcast %get3A_654 : vector<16xi32> -> vector<16xf32>
        %add3A_660 = arith.addf %add3A_636, %bitcast_convert_type3A_659 : vector<16xf32>
        %bitcast_convert_type3A_661 = tpu.bitcast %get3A_658 : vector<16xi32> -> vector<16xf32>
        %add3A_662 = arith.addf %add3A_638, %bitcast_convert_type3A_661 : vector<16xf32>
        %shift_left3A_663 = arith.constant 16 : i32
        %shift_left3A_664 = vector.broadcast %shift_left3A_663 : i32 to vector<16xi32>
        %shift_left3A_665 = arith.shli %get3A_654, %shift_left3A_664 : vector<16xi32>
        %bitcast_convert_type3A_666 = tpu.bitcast %shift_left3A_665 : vector<16xi32> -> vector<16xf32>
        %add3A_667 = arith.addf %add3A_643, %bitcast_convert_type3A_666 : vector<16xf32>
        %shift_left3A_668 = arith.constant 16 : i32
        %shift_left3A_669 = vector.broadcast %shift_left3A_668 : i32 to vector<16xi32>
        %shift_left3A_670 = arith.shli %get3A_658, %shift_left3A_669 : vector<16xi32>
        %bitcast_convert_type3A_671 = tpu.bitcast %shift_left3A_670 : vector<16xi32> -> vector<16xf32>
        %add3A_672 = arith.addf %add3A_648, %bitcast_convert_type3A_671 : vector<16xf32>
        %scan3A_673 = arith.constant 5 : i32
        %scan3A_674 = arith.addi %scan3A_553, %scan3A_673 : i32
        %get3A_675 = arith.index_cast %scan3A_674 : i32 to index
        %get3A_676 = arith.constant 0 : index
        %get3A_677 = tpu.vector_load %arg9[%get3A_675, %get3A_676] {strides = array<i32>} : memref<80x32xi32, #tpu.memory_space<vmem>>, vector<1x16xi32>,
        %get3A_678 = vector.shape_cast %get3A_677 : vector<1x16xi32> to vector<16xi32>
        %get3A_679 = arith.index_cast %scan3A_674 : i32 to index
        %get3A_680 = arith.constant 16 : index
        %get3A_681 = tpu.vector_load %arg9[%get3A_679, %get3A_680] {strides = array<i32>} : memref<80x32xi32, #tpu.memory_space<vmem>>, vector<1x16xi32>,
        %get3A_682 = vector.shape_cast %get3A_681 : vector<1x16xi32> to vector<16xi32>
        %bitcast_convert_type3A_683 = tpu.bitcast %get3A_678 : vector<16xi32> -> vector<16xf32>
        %add3A_684 = arith.addf %add3A_660, %bitcast_convert_type3A_683 : vector<16xf32>
        %bitcast_convert_type3A_685 = tpu.bitcast %get3A_682 : vector<16xi32> -> vector<16xf32>
        %add3A_686 = arith.addf %add3A_662, %bitcast_convert_type3A_685 : vector<16xf32>
        %shift_left3A_687 = arith.constant 16 : i32
        %shift_left3A_688 = vector.broadcast %shift_left3A_687 : i32 to vector<16xi32>
        %shift_left3A_689 = arith.shli %get3A_678, %shift_left3A_688 : vector<16xi32>
        %bitcast_convert_type3A_690 = tpu.bitcast %shift_left3A_689 : vector<16xi32> -> vector<16xf32>
        %add3A_691 = arith.addf %add3A_667, %bitcast_convert_type3A_690 : vector<16xf32>
        %shift_left3A_692 = arith.constant 16 : i32
        %shift_left3A_693 = vector.broadcast %shift_left3A_692 : i32 to vector<16xi32>
        %shift_left3A_694 = arith.shli %get3A_682, %shift_left3A_693 : vector<16xi32>
        %bitcast_convert_type3A_695 = tpu.bitcast %shift_left3A_694 : vector<16xi32> -> vector<16xf32>
        %add3A_696 = arith.addf %add3A_672, %bitcast_convert_type3A_695 : vector<16xf32>
        %scan3A_697 = arith.constant 6 : i32
        %scan3A_698 = arith.addi %scan3A_553, %scan3A_697 : i32
        %get3A_699 = arith.index_cast %scan3A_698 : i32 to index
        %get3A_700 = arith.constant 0 : index
        %get3A_701 = tpu.vector_load %arg9[%get3A_699, %get3A_700] {strides = array<i32>} : memref<80x32xi32, #tpu.memory_space<vmem>>, vector<1x16xi32>,
        %get3A_702 = vector.shape_cast %get3A_701 : vector<1x16xi32> to vector<16xi32>
        %get3A_703 = arith.index_cast %scan3A_698 : i32 to index
        %get3A_704 = arith.constant 16 : index
        %get3A_705 = tpu.vector_load %arg9[%get3A_703, %get3A_704] {strides = array<i32>} : memref<80x32xi32, #tpu.memory_space<vmem>>, vector<1x16xi32>,
        %get3A_706 = vector.shape_cast %get3A_705 : vector<1x16xi32> to vector<16xi32>
        %bitcast_convert_type3A_707 = tpu.bitcast %get3A_702 : vector<16xi32> -> vector<16xf32>
        %add3A_708 = arith.addf %add3A_684, %bitcast_convert_type3A_707 : vector<16xf32>
        %bitcast_convert_type3A_709 = tpu.bitcast %get3A_706 : vector<16xi32> -> vector<16xf32>
        %add3A_710 = arith.addf %add3A_686, %bitcast_convert_type3A_709 : vector<16xf32>
        %shift_left3A_711 = arith.constant 16 : i32
        %shift_left3A_712 = vector.broadcast %shift_left3A_711 : i32 to vector<16xi32>
        %shift_left3A_713 = arith.shli %get3A_702, %shift_left3A_712 : vector<16xi32>
        %bitcast_convert_type3A_714 = tpu.bitcast %shift_left3A_713 : vector<16xi32> -> vector<16xf32>
        %add3A_715 = arith.addf %add3A_691, %bitcast_convert_type3A_714 : vector<16xf32>
        %shift_left3A_716 = arith.constant 16 : i32
        %shift_left3A_717 = vector.broadcast %shift_left3A_716 : i32 to vector<16xi32>
        %shift_left3A_718 = arith.shli %get3A_706, %shift_left3A_717 : vector<16xi32>
        %bitcast_convert_type3A_719 = tpu.bitcast %shift_left3A_718 : vector<16xi32> -> vector<16xf32>
        %add3A_720 = arith.addf %add3A_696, %bitcast_convert_type3A_719 : vector<16xf32>
        %scan3A_721 = arith.constant 7 : i32
        %scan3A_722 = arith.addi %scan3A_553, %scan3A_721 : i32
        %get3A_723 = arith.index_cast %scan3A_722 : i32 to index
        %get3A_724 = arith.constant 0 : index
        %get3A_725 = tpu.vector_load %arg9[%get3A_723, %get3A_724] {strides = array<i32>} : memref<80x32xi32, #tpu.memory_space<vmem>>, vector<1x16xi32>,
        %get3A_726 = vector.shape_cast %get3A_725 : vector<1x16xi32> to vector<16xi32>
        %get3A_727 = arith.index_cast %scan3A_722 : i32 to index
        %get3A_728 = arith.constant 16 : index
        %get3A_729 = tpu.vector_load %arg9[%get3A_727, %get3A_728] {strides = array<i32>} : memref<80x32xi32, #tpu.memory_space<vmem>>, vector<1x16xi32>,
        %get3A_730 = vector.shape_cast %get3A_729 : vector<1x16xi32> to vector<16xi32>
        %bitcast_convert_type3A_731 = tpu.bitcast %get3A_726 : vector<16xi32> -> vector<16xf32>
        %add3A_732 = arith.addf %add3A_708, %bitcast_convert_type3A_731 : vector<16xf32>
        %bitcast_convert_type3A_733 = tpu.bitcast %get3A_730 : vector<16xi32> -> vector<16xf32>
        %add3A_734 = arith.addf %add3A_710, %bitcast_convert_type3A_733 : vector<16xf32>
        %shift_left3A_735 = arith.constant 16 : i32
        %shift_left3A_736 = vector.broadcast %shift_left3A_735 : i32 to vector<16xi32>
        %shift_left3A_737 = arith.shli %get3A_726, %shift_left3A_736 : vector<16xi32>
        %bitcast_convert_type3A_738 = tpu.bitcast %shift_left3A_737 : vector<16xi32> -> vector<16xf32>
        %add3A_739 = arith.addf %add3A_715, %bitcast_convert_type3A_738 : vector<16xf32>
        %shift_left3A_740 = arith.constant 16 : i32
        %shift_left3A_741 = vector.broadcast %shift_left3A_740 : i32 to vector<16xi32>
        %shift_left3A_742 = arith.shli %get3A_730, %shift_left3A_741 : vector<16xi32>
        %bitcast_convert_type3A_743 = tpu.bitcast %shift_left3A_742 : vector<16xi32> -> vector<16xf32>
        %add3A_744 = arith.addf %add3A_720, %bitcast_convert_type3A_743 : vector<16xf32>
        scf.yield %add3A_732, %add3A_734, %add3A_739, %add3A_744 : vector<16xf32>, vector<16xf32>, vector<16xf32>, vector<16xf32>
      }
      %scan3A_204 = arith.constant 80 : i32
      %add3A_205 = arith.constant 10 : i32
      %add3A_206 = arith.addi %add3A_191, %add3A_205 : i32
      %lt3A_207 = arith.constant 320 : i32
      %lt3A_208 = arith.cmpi slt, %add3A_206, %lt3A_207 : i32
      %convert_element_type3A_209 = arith.extui %lt3A_208 : i1 to i32
      %cond3A_210 = arith.constant 0 : i32
      %cond3A_211 = arith.cmpi ne, %convert_element_type3A_209, %cond3A_210 : i32
      scf.if %cond3A_211 {
        %add3A_553 = arith.constant 10 : i32
        %add3A_554 = arith.addi %add3A_191, %add3A_553 : i32
        %dma_start3A_555 = arith.constant 0 : i32
        %dma_start3A_556 = tpu.memref_slice %arg5[%add3A_554, %dma_start3A_555] : memref<320x80xi32, #tpu.memory_space<vmem>> -> memref<1x80xi32, #tpu.memory_space<vmem>>
        %dma_start3A_557 = tpu.memref_squeeze %dma_start3A_556 : memref<1x80xi32, #tpu.memory_space<vmem>> -> memref<80xi32, #tpu.memory_space<vmem>>
        %dma_start3A_558 = arith.constant 0 : i32
        %dma_start3A_559 = arith.constant 0 : i32
        %dma_start3A_560 = tpu.memref_slice %arg3[%dma_start3A_558, %dma_start3A_559] : memref<1015808x32xi32, #tpu.memory_space<hbm>> -> memref<1015808x32xi32, #tpu.memory_space<hbm>>
        tpu.enqueue_indirect_dma source(%dma_start3A_560 : memref<1015808x32xi32, #tpu.memory_space<hbm>>) target(%arg9 : memref<80x32xi32, #tpu.memory_space<vmem>>) offsets(%dma_start3A_557 : memref<80xi32, #tpu.memory_space<vmem>>) semaphore(%arg20 : memref<!tpu.dma_semaphore, #tpu.memory_space<semaphore_mem>>)
      } else {
      }
      %mul3A_212 = arith.constant 10 : i32
      %mul3A_213 = arith.muli %add3A_82, %mul3A_212 : i32
      %add3A_214 = arith.constant 4 : i32
      %add3A_215 = arith.addi %mul3A_213, %add3A_214 : i32
      %dma_wait3A_216 = arith.constant 0 : i32
      %dma_wait3A_217 = arith.constant 0 : i32
      %dma_wait3A_218 = tpu.memref_slice %arg5[%dma_wait3A_216, %dma_wait3A_217] : memref<320x80xi32, #tpu.memory_space<vmem>> -> memref<1x80xi32, #tpu.memory_space<vmem>>
      %dma_wait3A_219 = tpu.memref_squeeze %dma_wait3A_218 : memref<1x80xi32, #tpu.memory_space<vmem>> -> memref<80xi32, #tpu.memory_space<vmem>>
      %dma_wait3A_220 = arith.constant 0 : i32
      %dma_wait3A_221 = arith.constant 0 : i32
      %dma_wait3A_222 = tpu.memref_slice %arg3[%dma_wait3A_220, %dma_wait3A_221] : memref<1015808x32xi32, #tpu.memory_space<hbm>> -> memref<1015808x32xi32, #tpu.memory_space<hbm>>
      tpu.wait_indirect_dma semaphore(%arg21 : memref<!tpu.dma_semaphore, #tpu.memory_space<semaphore_mem>>) src(%dma_wait3A_222 : memref<1015808x32xi32, #tpu.memory_space<hbm>>) dst(%arg10 : memref<80x32xi32, #tpu.memory_space<vmem>>)
      %scan3A_223 = arith.constant 0 : i32
      %scan3A_224 = arith.constant 80 : i32
      %scan3A_225 = arith.addi %scan3A_223, %scan3A_224 : i32
      %scan3A_226 = arith.constant 8 : i32
      %scan3A_227:4 = scf.for %scan3A_553 = %scan3A_223 to %scan3A_225 step %scan3A_226 iter_args(%scan3A_554 = %scan3A_203#0, %scan3A_555 = %scan3A_203#1, %scan3A_556 = %scan3A_203#2, %scan3A_557 = %scan3A_203#3) -> (vector<16xf32>, vector<16xf32>, vector<16xf32>, vector<16xf32>)  : i32 {
        %get3A = arith.index_cast %scan3A_553 : i32 to index
        %get3A_558 = arith.constant 0 : index
        %get3A_559 = tpu.vector_load %arg10[%get3A, %get3A_558] {strides = array<i32>} : memref<80x32xi32, #tpu.memory_space<vmem>>, vector<1x16xi32>,
        %get3A_560 = vector.shape_cast %get3A_559 : vector<1x16xi32> to vector<16xi32>
        %get3A_561 = arith.index_cast %scan3A_553 : i32 to index
        %get3A_562 = arith.constant 16 : index
        %get3A_563 = tpu.vector_load %arg10[%get3A_561, %get3A_562] {strides = array<i32>} : memref<80x32xi32, #tpu.memory_space<vmem>>, vector<1x16xi32>,
        %get3A_564 = vector.shape_cast %get3A_563 : vector<1x16xi32> to vector<16xi32>
        %bitcast_convert_type3A = tpu.bitcast %get3A_560 : vector<16xi32> -> vector<16xf32>
        %add3A_565 = arith.addf %scan3A_554, %bitcast_convert_type3A : vector<16xf32>
        %bitcast_convert_type3A_566 = tpu.bitcast %get3A_564 : vector<16xi32> -> vector<16xf32>
        %add3A_567 = arith.addf %scan3A_555, %bitcast_convert_type3A_566 : vector<16xf32>
        %shift_left3A = arith.constant 16 : i32
        %shift_left3A_568 = vector.broadcast %shift_left3A : i32 to vector<16xi32>
        %shift_left3A_569 = arith.shli %get3A_560, %shift_left3A_568 : vector<16xi32>
        %bitcast_convert_type3A_570 = tpu.bitcast %shift_left3A_569 : vector<16xi32> -> vector<16xf32>
        %add3A_571 = arith.addf %scan3A_556, %bitcast_convert_type3A_570 : vector<16xf32>
        %shift_left3A_572 = arith.constant 16 : i32
        %shift_left3A_573 = vector.broadcast %shift_left3A_572 : i32 to vector<16xi32>
        %shift_left3A_574 = arith.shli %get3A_564, %shift_left3A_573 : vector<16xi32>
        %bitcast_convert_type3A_575 = tpu.bitcast %shift_left3A_574 : vector<16xi32> -> vector<16xf32>
        %add3A_576 = arith.addf %scan3A_557, %bitcast_convert_type3A_575 : vector<16xf32>
        %scan3A_577 = arith.constant 1 : i32
        %scan3A_578 = arith.addi %scan3A_553, %scan3A_577 : i32
        %get3A_579 = arith.index_cast %scan3A_578 : i32 to index
        %get3A_580 = arith.constant 0 : index
        %get3A_581 = tpu.vector_load %arg10[%get3A_579, %get3A_580] {strides = array<i32>} : memref<80x32xi32, #tpu.memory_space<vmem>>, vector<1x16xi32>,
        %get3A_582 = vector.shape_cast %get3A_581 : vector<1x16xi32> to vector<16xi32>
        %get3A_583 = arith.index_cast %scan3A_578 : i32 to index
        %get3A_584 = arith.constant 16 : index
        %get3A_585 = tpu.vector_load %arg10[%get3A_583, %get3A_584] {strides = array<i32>} : memref<80x32xi32, #tpu.memory_space<vmem>>, vector<1x16xi32>,
        %get3A_586 = vector.shape_cast %get3A_585 : vector<1x16xi32> to vector<16xi32>
        %bitcast_convert_type3A_587 = tpu.bitcast %get3A_582 : vector<16xi32> -> vector<16xf32>
        %add3A_588 = arith.addf %add3A_565, %bitcast_convert_type3A_587 : vector<16xf32>
        %bitcast_convert_type3A_589 = tpu.bitcast %get3A_586 : vector<16xi32> -> vector<16xf32>
        %add3A_590 = arith.addf %add3A_567, %bitcast_convert_type3A_589 : vector<16xf32>
        %shift_left3A_591 = arith.constant 16 : i32
        %shift_left3A_592 = vector.broadcast %shift_left3A_591 : i32 to vector<16xi32>
        %shift_left3A_593 = arith.shli %get3A_582, %shift_left3A_592 : vector<16xi32>
        %bitcast_convert_type3A_594 = tpu.bitcast %shift_left3A_593 : vector<16xi32> -> vector<16xf32>
        %add3A_595 = arith.addf %add3A_571, %bitcast_convert_type3A_594 : vector<16xf32>
        %shift_left3A_596 = arith.constant 16 : i32
        %shift_left3A_597 = vector.broadcast %shift_left3A_596 : i32 to vector<16xi32>
        %shift_left3A_598 = arith.shli %get3A_586, %shift_left3A_597 : vector<16xi32>
        %bitcast_convert_type3A_599 = tpu.bitcast %shift_left3A_598 : vector<16xi32> -> vector<16xf32>
        %add3A_600 = arith.addf %add3A_576, %bitcast_convert_type3A_599 : vector<16xf32>
        %scan3A_601 = arith.constant 2 : i32
        %scan3A_602 = arith.addi %scan3A_553, %scan3A_601 : i32
        %get3A_603 = arith.index_cast %scan3A_602 : i32 to index
        %get3A_604 = arith.constant 0 : index
        %get3A_605 = tpu.vector_load %arg10[%get3A_603, %get3A_604] {strides = array<i32>} : memref<80x32xi32, #tpu.memory_space<vmem>>, vector<1x16xi32>,
        %get3A_606 = vector.shape_cast %get3A_605 : vector<1x16xi32> to vector<16xi32>
        %get3A_607 = arith.index_cast %scan3A_602 : i32 to index
        %get3A_608 = arith.constant 16 : index
        %get3A_609 = tpu.vector_load %arg10[%get3A_607, %get3A_608] {strides = array<i32>} : memref<80x32xi32, #tpu.memory_space<vmem>>, vector<1x16xi32>,
        %get3A_610 = vector.shape_cast %get3A_609 : vector<1x16xi32> to vector<16xi32>
        %bitcast_convert_type3A_611 = tpu.bitcast %get3A_606 : vector<16xi32> -> vector<16xf32>
        %add3A_612 = arith.addf %add3A_588, %bitcast_convert_type3A_611 : vector<16xf32>
        %bitcast_convert_type3A_613 = tpu.bitcast %get3A_610 : vector<16xi32> -> vector<16xf32>
        %add3A_614 = arith.addf %add3A_590, %bitcast_convert_type3A_613 : vector<16xf32>
        %shift_left3A_615 = arith.constant 16 : i32
        %shift_left3A_616 = vector.broadcast %shift_left3A_615 : i32 to vector<16xi32>
        %shift_left3A_617 = arith.shli %get3A_606, %shift_left3A_616 : vector<16xi32>
        %bitcast_convert_type3A_618 = tpu.bitcast %shift_left3A_617 : vector<16xi32> -> vector<16xf32>
        %add3A_619 = arith.addf %add3A_595, %bitcast_convert_type3A_618 : vector<16xf32>
        %shift_left3A_620 = arith.constant 16 : i32
        %shift_left3A_621 = vector.broadcast %shift_left3A_620 : i32 to vector<16xi32>
        %shift_left3A_622 = arith.shli %get3A_610, %shift_left3A_621 : vector<16xi32>
        %bitcast_convert_type3A_623 = tpu.bitcast %shift_left3A_622 : vector<16xi32> -> vector<16xf32>
        %add3A_624 = arith.addf %add3A_600, %bitcast_convert_type3A_623 : vector<16xf32>
        %scan3A_625 = arith.constant 3 : i32
        %scan3A_626 = arith.addi %scan3A_553, %scan3A_625 : i32
        %get3A_627 = arith.index_cast %scan3A_626 : i32 to index
        %get3A_628 = arith.constant 0 : index
        %get3A_629 = tpu.vector_load %arg10[%get3A_627, %get3A_628] {strides = array<i32>} : memref<80x32xi32, #tpu.memory_space<vmem>>, vector<1x16xi32>,
        %get3A_630 = vector.shape_cast %get3A_629 : vector<1x16xi32> to vector<16xi32>
        %get3A_631 = arith.index_cast %scan3A_626 : i32 to index
        %get3A_632 = arith.constant 16 : index
        %get3A_633 = tpu.vector_load %arg10[%get3A_631, %get3A_632] {strides = array<i32>} : memref<80x32xi32, #tpu.memory_space<vmem>>, vector<1x16xi32>,
        %get3A_634 = vector.shape_cast %get3A_633 : vector<1x16xi32> to vector<16xi32>
        %bitcast_convert_type3A_635 = tpu.bitcast %get3A_630 : vector<16xi32> -> vector<16xf32>
        %add3A_636 = arith.addf %add3A_612, %bitcast_convert_type3A_635 : vector<16xf32>
        %bitcast_convert_type3A_637 = tpu.bitcast %get3A_634 : vector<16xi32> -> vector<16xf32>
        %add3A_638 = arith.addf %add3A_614, %bitcast_convert_type3A_637 : vector<16xf32>
        %shift_left3A_639 = arith.constant 16 : i32
        %shift_left3A_640 = vector.broadcast %shift_left3A_639 : i32 to vector<16xi32>
        %shift_left3A_641 = arith.shli %get3A_630, %shift_left3A_640 : vector<16xi32>
        %bitcast_convert_type3A_642 = tpu.bitcast %shift_left3A_641 : vector<16xi32> -> vector<16xf32>
        %add3A_643 = arith.addf %add3A_619, %bitcast_convert_type3A_642 : vector<16xf32>
        %shift_left3A_644 = arith.constant 16 : i32
        %shift_left3A_645 = vector.broadcast %shift_left3A_644 : i32 to vector<16xi32>
        %shift_left3A_646 = arith.shli %get3A_634, %shift_left3A_645 : vector<16xi32>
        %bitcast_convert_type3A_647 = tpu.bitcast %shift_left3A_646 : vector<16xi32> -> vector<16xf32>
        %add3A_648 = arith.addf %add3A_624, %bitcast_convert_type3A_647 : vector<16xf32>
        %scan3A_649 = arith.constant 4 : i32
        %scan3A_650 = arith.addi %scan3A_553, %scan3A_649 : i32
        %get3A_651 = arith.index_cast %scan3A_650 : i32 to index
        %get3A_652 = arith.constant 0 : index
        %get3A_653 = tpu.vector_load %arg10[%get3A_651, %get3A_652] {strides = array<i32>} : memref<80x32xi32, #tpu.memory_space<vmem>>, vector<1x16xi32>,
        %get3A_654 = vector.shape_cast %get3A_653 : vector<1x16xi32> to vector<16xi32>
        %get3A_655 = arith.index_cast %scan3A_650 : i32 to index
        %get3A_656 = arith.constant 16 : index
        %get3A_657 = tpu.vector_load %arg10[%get3A_655, %get3A_656] {strides = array<i32>} : memref<80x32xi32, #tpu.memory_space<vmem>>, vector<1x16xi32>,
        %get3A_658 = vector.shape_cast %get3A_657 : vector<1x16xi32> to vector<16xi32>
        %bitcast_convert_type3A_659 = tpu.bitcast %get3A_654 : vector<16xi32> -> vector<16xf32>
        %add3A_660 = arith.addf %add3A_636, %bitcast_convert_type3A_659 : vector<16xf32>
        %bitcast_convert_type3A_661 = tpu.bitcast %get3A_658 : vector<16xi32> -> vector<16xf32>
        %add3A_662 = arith.addf %add3A_638, %bitcast_convert_type3A_661 : vector<16xf32>
        %shift_left3A_663 = arith.constant 16 : i32
        %shift_left3A_664 = vector.broadcast %shift_left3A_663 : i32 to vector<16xi32>
        %shift_left3A_665 = arith.shli %get3A_654, %shift_left3A_664 : vector<16xi32>
        %bitcast_convert_type3A_666 = tpu.bitcast %shift_left3A_665 : vector<16xi32> -> vector<16xf32>
        %add3A_667 = arith.addf %add3A_643, %bitcast_convert_type3A_666 : vector<16xf32>
        %shift_left3A_668 = arith.constant 16 : i32
        %shift_left3A_669 = vector.broadcast %shift_left3A_668 : i32 to vector<16xi32>
        %shift_left3A_670 = arith.shli %get3A_658, %shift_left3A_669 : vector<16xi32>
        %bitcast_convert_type3A_671 = tpu.bitcast %shift_left3A_670 : vector<16xi32> -> vector<16xf32>
        %add3A_672 = arith.addf %add3A_648, %bitcast_convert_type3A_671 : vector<16xf32>
        %scan3A_673 = arith.constant 5 : i32
        %scan3A_674 = arith.addi %scan3A_553, %scan3A_673 : i32
        %get3A_675 = arith.index_cast %scan3A_674 : i32 to index
        %get3A_676 = arith.constant 0 : index
        %get3A_677 = tpu.vector_load %arg10[%get3A_675, %get3A_676] {strides = array<i32>} : memref<80x32xi32, #tpu.memory_space<vmem>>, vector<1x16xi32>,
        %get3A_678 = vector.shape_cast %get3A_677 : vector<1x16xi32> to vector<16xi32>
        %get3A_679 = arith.index_cast %scan3A_674 : i32 to index
        %get3A_680 = arith.constant 16 : index
        %get3A_681 = tpu.vector_load %arg10[%get3A_679, %get3A_680] {strides = array<i32>} : memref<80x32xi32, #tpu.memory_space<vmem>>, vector<1x16xi32>,
        %get3A_682 = vector.shape_cast %get3A_681 : vector<1x16xi32> to vector<16xi32>
        %bitcast_convert_type3A_683 = tpu.bitcast %get3A_678 : vector<16xi32> -> vector<16xf32>
        %add3A_684 = arith.addf %add3A_660, %bitcast_convert_type3A_683 : vector<16xf32>
        %bitcast_convert_type3A_685 = tpu.bitcast %get3A_682 : vector<16xi32> -> vector<16xf32>
        %add3A_686 = arith.addf %add3A_662, %bitcast_convert_type3A_685 : vector<16xf32>
        %shift_left3A_687 = arith.constant 16 : i32
        %shift_left3A_688 = vector.broadcast %shift_left3A_687 : i32 to vector<16xi32>
        %shift_left3A_689 = arith.shli %get3A_678, %shift_left3A_688 : vector<16xi32>
        %bitcast_convert_type3A_690 = tpu.bitcast %shift_left3A_689 : vector<16xi32> -> vector<16xf32>
        %add3A_691 = arith.addf %add3A_667, %bitcast_convert_type3A_690 : vector<16xf32>
        %shift_left3A_692 = arith.constant 16 : i32
        %shift_left3A_693 = vector.broadcast %shift_left3A_692 : i32 to vector<16xi32>
        %shift_left3A_694 = arith.shli %get3A_682, %shift_left3A_693 : vector<16xi32>
        %bitcast_convert_type3A_695 = tpu.bitcast %shift_left3A_694 : vector<16xi32> -> vector<16xf32>
        %add3A_696 = arith.addf %add3A_672, %bitcast_convert_type3A_695 : vector<16xf32>
        %scan3A_697 = arith.constant 6 : i32
        %scan3A_698 = arith.addi %scan3A_553, %scan3A_697 : i32
        %get3A_699 = arith.index_cast %scan3A_698 : i32 to index
        %get3A_700 = arith.constant 0 : index
        %get3A_701 = tpu.vector_load %arg10[%get3A_699, %get3A_700] {strides = array<i32>} : memref<80x32xi32, #tpu.memory_space<vmem>>, vector<1x16xi32>,
        %get3A_702 = vector.shape_cast %get3A_701 : vector<1x16xi32> to vector<16xi32>
        %get3A_703 = arith.index_cast %scan3A_698 : i32 to index
        %get3A_704 = arith.constant 16 : index
        %get3A_705 = tpu.vector_load %arg10[%get3A_703, %get3A_704] {strides = array<i32>} : memref<80x32xi32, #tpu.memory_space<vmem>>, vector<1x16xi32>,
        %get3A_706 = vector.shape_cast %get3A_705 : vector<1x16xi32> to vector<16xi32>
        %bitcast_convert_type3A_707 = tpu.bitcast %get3A_702 : vector<16xi32> -> vector<16xf32>
        %add3A_708 = arith.addf %add3A_684, %bitcast_convert_type3A_707 : vector<16xf32>
        %bitcast_convert_type3A_709 = tpu.bitcast %get3A_706 : vector<16xi32> -> vector<16xf32>
        %add3A_710 = arith.addf %add3A_686, %bitcast_convert_type3A_709 : vector<16xf32>
        %shift_left3A_711 = arith.constant 16 : i32
        %shift_left3A_712 = vector.broadcast %shift_left3A_711 : i32 to vector<16xi32>
        %shift_left3A_713 = arith.shli %get3A_702, %shift_left3A_712 : vector<16xi32>
        %bitcast_convert_type3A_714 = tpu.bitcast %shift_left3A_713 : vector<16xi32> -> vector<16xf32>
        %add3A_715 = arith.addf %add3A_691, %bitcast_convert_type3A_714 : vector<16xf32>
        %shift_left3A_716 = arith.constant 16 : i32
        %shift_left3A_717 = vector.broadcast %shift_left3A_716 : i32 to vector<16xi32>
        %shift_left3A_718 = arith.shli %get3A_706, %shift_left3A_717 : vector<16xi32>
        %bitcast_convert_type3A_719 = tpu.bitcast %shift_left3A_718 : vector<16xi32> -> vector<16xf32>
        %add3A_720 = arith.addf %add3A_696, %bitcast_convert_type3A_719 : vector<16xf32>
        %scan3A_721 = arith.constant 7 : i32
        %scan3A_722 = arith.addi %scan3A_553, %scan3A_721 : i32
        %get3A_723 = arith.index_cast %scan3A_722 : i32 to index
        %get3A_724 = arith.constant 0 : index
        %get3A_725 = tpu.vector_load %arg10[%get3A_723, %get3A_724] {strides = array<i32>} : memref<80x32xi32, #tpu.memory_space<vmem>>, vector<1x16xi32>,
        %get3A_726 = vector.shape_cast %get3A_725 : vector<1x16xi32> to vector<16xi32>
        %get3A_727 = arith.index_cast %scan3A_722 : i32 to index
        %get3A_728 = arith.constant 16 : index
        %get3A_729 = tpu.vector_load %arg10[%get3A_727, %get3A_728] {strides = array<i32>} : memref<80x32xi32, #tpu.memory_space<vmem>>, vector<1x16xi32>,
        %get3A_730 = vector.shape_cast %get3A_729 : vector<1x16xi32> to vector<16xi32>
        %bitcast_convert_type3A_731 = tpu.bitcast %get3A_726 : vector<16xi32> -> vector<16xf32>
        %add3A_732 = arith.addf %add3A_708, %bitcast_convert_type3A_731 : vector<16xf32>
        %bitcast_convert_type3A_733 = tpu.bitcast %get3A_730 : vector<16xi32> -> vector<16xf32>
        %add3A_734 = arith.addf %add3A_710, %bitcast_convert_type3A_733 : vector<16xf32>
        %shift_left3A_735 = arith.constant 16 : i32
        %shift_left3A_736 = vector.broadcast %shift_left3A_735 : i32 to vector<16xi32>
        %shift_left3A_737 = arith.shli %get3A_726, %shift_left3A_736 : vector<16xi32>
        %bitcast_convert_type3A_738 = tpu.bitcast %shift_left3A_737 : vector<16xi32> -> vector<16xf32>
        %add3A_739 = arith.addf %add3A_715, %bitcast_convert_type3A_738 : vector<16xf32>
        %shift_left3A_740 = arith.constant 16 : i32
        %shift_left3A_741 = vector.broadcast %shift_left3A_740 : i32 to vector<16xi32>
        %shift_left3A_742 = arith.shli %get3A_730, %shift_left3A_741 : vector<16xi32>
        %bitcast_convert_type3A_743 = tpu.bitcast %shift_left3A_742 : vector<16xi32> -> vector<16xf32>
        %add3A_744 = arith.addf %add3A_720, %bitcast_convert_type3A_743 : vector<16xf32>
        scf.yield %add3A_732, %add3A_734, %add3A_739, %add3A_744 : vector<16xf32>, vector<16xf32>, vector<16xf32>, vector<16xf32>
      }
      %scan3A_228 = arith.constant 80 : i32
      %add3A_229 = arith.constant 10 : i32
      %add3A_230 = arith.addi %add3A_215, %add3A_229 : i32
      %lt3A_231 = arith.constant 320 : i32
      %lt3A_232 = arith.cmpi slt, %add3A_230, %lt3A_231 : i32
      %convert_element_type3A_233 = arith.extui %lt3A_232 : i1 to i32
      %cond3A_234 = arith.constant 0 : i32
      %cond3A_235 = arith.cmpi ne, %convert_element_type3A_233, %cond3A_234 : i32
      scf.if %cond3A_235 {
        %add3A_553 = arith.constant 10 : i32
        %add3A_554 = arith.addi %add3A_215, %add3A_553 : i32
        %dma_start3A_555 = arith.constant 0 : i32
        %dma_start3A_556 = tpu.memref_slice %arg5[%add3A_554, %dma_start3A_555] : memref<320x80xi32, #tpu.memory_space<vmem>> -> memref<1x80xi32, #tpu.memory_space<vmem>>
        %dma_start3A_557 = tpu.memref_squeeze %dma_start3A_556 : memref<1x80xi32, #tpu.memory_space<vmem>> -> memref<80xi32, #tpu.memory_space<vmem>>
        %dma_start3A_558 = arith.constant 0 : i32
        %dma_start3A_559 = arith.constant 0 : i32
        %dma_start3A_560 = tpu.memref_slice %arg3[%dma_start3A_558, %dma_start3A_559] : memref<1015808x32xi32, #tpu.memory_space<hbm>> -> memref<1015808x32xi32, #tpu.memory_space<hbm>>
        tpu.enqueue_indirect_dma source(%dma_start3A_560 : memref<1015808x32xi32, #tpu.memory_space<hbm>>) target(%arg10 : memref<80x32xi32, #tpu.memory_space<vmem>>) offsets(%dma_start3A_557 : memref<80xi32, #tpu.memory_space<vmem>>) semaphore(%arg21 : memref<!tpu.dma_semaphore, #tpu.memory_space<semaphore_mem>>)
      } else {
      }
      %mul3A_236 = arith.constant 10 : i32
      %mul3A_237 = arith.muli %add3A_82, %mul3A_236 : i32
      %add3A_238 = arith.constant 5 : i32
      %add3A_239 = arith.addi %mul3A_237, %add3A_238 : i32
      %dma_wait3A_240 = arith.constant 0 : i32
      %dma_wait3A_241 = arith.constant 0 : i32
      %dma_wait3A_242 = tpu.memref_slice %arg5[%dma_wait3A_240, %dma_wait3A_241] : memref<320x80xi32, #tpu.memory_space<vmem>> -> memref<1x80xi32, #tpu.memory_space<vmem>>
      %dma_wait3A_243 = tpu.memref_squeeze %dma_wait3A_242 : memref<1x80xi32, #tpu.memory_space<vmem>> -> memref<80xi32, #tpu.memory_space<vmem>>
      %dma_wait3A_244 = arith.constant 0 : i32
      %dma_wait3A_245 = arith.constant 0 : i32
      %dma_wait3A_246 = tpu.memref_slice %arg3[%dma_wait3A_244, %dma_wait3A_245] : memref<1015808x32xi32, #tpu.memory_space<hbm>> -> memref<1015808x32xi32, #tpu.memory_space<hbm>>
      tpu.wait_indirect_dma semaphore(%arg22 : memref<!tpu.dma_semaphore, #tpu.memory_space<semaphore_mem>>) src(%dma_wait3A_246 : memref<1015808x32xi32, #tpu.memory_space<hbm>>) dst(%arg11 : memref<80x32xi32, #tpu.memory_space<vmem>>)
      %scan3A_247 = arith.constant 0 : i32
      %scan3A_248 = arith.constant 80 : i32
      %scan3A_249 = arith.addi %scan3A_247, %scan3A_248 : i32
      %scan3A_250 = arith.constant 8 : i32
      %scan3A_251:4 = scf.for %scan3A_553 = %scan3A_247 to %scan3A_249 step %scan3A_250 iter_args(%scan3A_554 = %broadcast_in_dim3A_99, %scan3A_555 = %broadcast_in_dim3A_101, %scan3A_556 = %broadcast_in_dim3A_103, %scan3A_557 = %broadcast_in_dim3A_105) -> (vector<16xf32>, vector<16xf32>, vector<16xf32>, vector<16xf32>)  : i32 {
        %get3A = arith.index_cast %scan3A_553 : i32 to index
        %get3A_558 = arith.constant 0 : index
        %get3A_559 = tpu.vector_load %arg11[%get3A, %get3A_558] {strides = array<i32>} : memref<80x32xi32, #tpu.memory_space<vmem>>, vector<1x16xi32>,
        %get3A_560 = vector.shape_cast %get3A_559 : vector<1x16xi32> to vector<16xi32>
        %get3A_561 = arith.index_cast %scan3A_553 : i32 to index
        %get3A_562 = arith.constant 16 : index
        %get3A_563 = tpu.vector_load %arg11[%get3A_561, %get3A_562] {strides = array<i32>} : memref<80x32xi32, #tpu.memory_space<vmem>>, vector<1x16xi32>,
        %get3A_564 = vector.shape_cast %get3A_563 : vector<1x16xi32> to vector<16xi32>
        %bitcast_convert_type3A = tpu.bitcast %get3A_560 : vector<16xi32> -> vector<16xf32>
        %add3A_565 = arith.addf %scan3A_554, %bitcast_convert_type3A : vector<16xf32>
        %bitcast_convert_type3A_566 = tpu.bitcast %get3A_564 : vector<16xi32> -> vector<16xf32>
        %add3A_567 = arith.addf %scan3A_555, %bitcast_convert_type3A_566 : vector<16xf32>
        %shift_left3A = arith.constant 16 : i32
        %shift_left3A_568 = vector.broadcast %shift_left3A : i32 to vector<16xi32>
        %shift_left3A_569 = arith.shli %get3A_560, %shift_left3A_568 : vector<16xi32>
        %bitcast_convert_type3A_570 = tpu.bitcast %shift_left3A_569 : vector<16xi32> -> vector<16xf32>
        %add3A_571 = arith.addf %scan3A_556, %bitcast_convert_type3A_570 : vector<16xf32>
        %shift_left3A_572 = arith.constant 16 : i32
        %shift_left3A_573 = vector.broadcast %shift_left3A_572 : i32 to vector<16xi32>
        %shift_left3A_574 = arith.shli %get3A_564, %shift_left3A_573 : vector<16xi32>
        %bitcast_convert_type3A_575 = tpu.bitcast %shift_left3A_574 : vector<16xi32> -> vector<16xf32>
        %add3A_576 = arith.addf %scan3A_557, %bitcast_convert_type3A_575 : vector<16xf32>
        %scan3A_577 = arith.constant 1 : i32
        %scan3A_578 = arith.addi %scan3A_553, %scan3A_577 : i32
        %get3A_579 = arith.index_cast %scan3A_578 : i32 to index
        %get3A_580 = arith.constant 0 : index
        %get3A_581 = tpu.vector_load %arg11[%get3A_579, %get3A_580] {strides = array<i32>} : memref<80x32xi32, #tpu.memory_space<vmem>>, vector<1x16xi32>,
        %get3A_582 = vector.shape_cast %get3A_581 : vector<1x16xi32> to vector<16xi32>
        %get3A_583 = arith.index_cast %scan3A_578 : i32 to index
        %get3A_584 = arith.constant 16 : index
        %get3A_585 = tpu.vector_load %arg11[%get3A_583, %get3A_584] {strides = array<i32>} : memref<80x32xi32, #tpu.memory_space<vmem>>, vector<1x16xi32>,
        %get3A_586 = vector.shape_cast %get3A_585 : vector<1x16xi32> to vector<16xi32>
        %bitcast_convert_type3A_587 = tpu.bitcast %get3A_582 : vector<16xi32> -> vector<16xf32>
        %add3A_588 = arith.addf %add3A_565, %bitcast_convert_type3A_587 : vector<16xf32>
        %bitcast_convert_type3A_589 = tpu.bitcast %get3A_586 : vector<16xi32> -> vector<16xf32>
        %add3A_590 = arith.addf %add3A_567, %bitcast_convert_type3A_589 : vector<16xf32>
        %shift_left3A_591 = arith.constant 16 : i32
        %shift_left3A_592 = vector.broadcast %shift_left3A_591 : i32 to vector<16xi32>
        %shift_left3A_593 = arith.shli %get3A_582, %shift_left3A_592 : vector<16xi32>
        %bitcast_convert_type3A_594 = tpu.bitcast %shift_left3A_593 : vector<16xi32> -> vector<16xf32>
        %add3A_595 = arith.addf %add3A_571, %bitcast_convert_type3A_594 : vector<16xf32>
        %shift_left3A_596 = arith.constant 16 : i32
        %shift_left3A_597 = vector.broadcast %shift_left3A_596 : i32 to vector<16xi32>
        %shift_left3A_598 = arith.shli %get3A_586, %shift_left3A_597 : vector<16xi32>
        %bitcast_convert_type3A_599 = tpu.bitcast %shift_left3A_598 : vector<16xi32> -> vector<16xf32>
        %add3A_600 = arith.addf %add3A_576, %bitcast_convert_type3A_599 : vector<16xf32>
        %scan3A_601 = arith.constant 2 : i32
        %scan3A_602 = arith.addi %scan3A_553, %scan3A_601 : i32
        %get3A_603 = arith.index_cast %scan3A_602 : i32 to index
        %get3A_604 = arith.constant 0 : index
        %get3A_605 = tpu.vector_load %arg11[%get3A_603, %get3A_604] {strides = array<i32>} : memref<80x32xi32, #tpu.memory_space<vmem>>, vector<1x16xi32>,
        %get3A_606 = vector.shape_cast %get3A_605 : vector<1x16xi32> to vector<16xi32>
        %get3A_607 = arith.index_cast %scan3A_602 : i32 to index
        %get3A_608 = arith.constant 16 : index
        %get3A_609 = tpu.vector_load %arg11[%get3A_607, %get3A_608] {strides = array<i32>} : memref<80x32xi32, #tpu.memory_space<vmem>>, vector<1x16xi32>,
        %get3A_610 = vector.shape_cast %get3A_609 : vector<1x16xi32> to vector<16xi32>
        %bitcast_convert_type3A_611 = tpu.bitcast %get3A_606 : vector<16xi32> -> vector<16xf32>
        %add3A_612 = arith.addf %add3A_588, %bitcast_convert_type3A_611 : vector<16xf32>
        %bitcast_convert_type3A_613 = tpu.bitcast %get3A_610 : vector<16xi32> -> vector<16xf32>
        %add3A_614 = arith.addf %add3A_590, %bitcast_convert_type3A_613 : vector<16xf32>
        %shift_left3A_615 = arith.constant 16 : i32
        %shift_left3A_616 = vector.broadcast %shift_left3A_615 : i32 to vector<16xi32>
        %shift_left3A_617 = arith.shli %get3A_606, %shift_left3A_616 : vector<16xi32>
        %bitcast_convert_type3A_618 = tpu.bitcast %shift_left3A_617 : vector<16xi32> -> vector<16xf32>
        %add3A_619 = arith.addf %add3A_595, %bitcast_convert_type3A_618 : vector<16xf32>
        %shift_left3A_620 = arith.constant 16 : i32
        %shift_left3A_621 = vector.broadcast %shift_left3A_620 : i32 to vector<16xi32>
        %shift_left3A_622 = arith.shli %get3A_610, %shift_left3A_621 : vector<16xi32>
        %bitcast_convert_type3A_623 = tpu.bitcast %shift_left3A_622 : vector<16xi32> -> vector<16xf32>
        %add3A_624 = arith.addf %add3A_600, %bitcast_convert_type3A_623 : vector<16xf32>
        %scan3A_625 = arith.constant 3 : i32
        %scan3A_626 = arith.addi %scan3A_553, %scan3A_625 : i32
        %get3A_627 = arith.index_cast %scan3A_626 : i32 to index
        %get3A_628 = arith.constant 0 : index
        %get3A_629 = tpu.vector_load %arg11[%get3A_627, %get3A_628] {strides = array<i32>} : memref<80x32xi32, #tpu.memory_space<vmem>>, vector<1x16xi32>,
        %get3A_630 = vector.shape_cast %get3A_629 : vector<1x16xi32> to vector<16xi32>
        %get3A_631 = arith.index_cast %scan3A_626 : i32 to index
        %get3A_632 = arith.constant 16 : index
        %get3A_633 = tpu.vector_load %arg11[%get3A_631, %get3A_632] {strides = array<i32>} : memref<80x32xi32, #tpu.memory_space<vmem>>, vector<1x16xi32>,
        %get3A_634 = vector.shape_cast %get3A_633 : vector<1x16xi32> to vector<16xi32>
        %bitcast_convert_type3A_635 = tpu.bitcast %get3A_630 : vector<16xi32> -> vector<16xf32>
        %add3A_636 = arith.addf %add3A_612, %bitcast_convert_type3A_635 : vector<16xf32>
        %bitcast_convert_type3A_637 = tpu.bitcast %get3A_634 : vector<16xi32> -> vector<16xf32>
        %add3A_638 = arith.addf %add3A_614, %bitcast_convert_type3A_637 : vector<16xf32>
        %shift_left3A_639 = arith.constant 16 : i32
        %shift_left3A_640 = vector.broadcast %shift_left3A_639 : i32 to vector<16xi32>
        %shift_left3A_641 = arith.shli %get3A_630, %shift_left3A_640 : vector<16xi32>
        %bitcast_convert_type3A_642 = tpu.bitcast %shift_left3A_641 : vector<16xi32> -> vector<16xf32>
        %add3A_643 = arith.addf %add3A_619, %bitcast_convert_type3A_642 : vector<16xf32>
        %shift_left3A_644 = arith.constant 16 : i32
        %shift_left3A_645 = vector.broadcast %shift_left3A_644 : i32 to vector<16xi32>
        %shift_left3A_646 = arith.shli %get3A_634, %shift_left3A_645 : vector<16xi32>
        %bitcast_convert_type3A_647 = tpu.bitcast %shift_left3A_646 : vector<16xi32> -> vector<16xf32>
        %add3A_648 = arith.addf %add3A_624, %bitcast_convert_type3A_647 : vector<16xf32>
        %scan3A_649 = arith.constant 4 : i32
        %scan3A_650 = arith.addi %scan3A_553, %scan3A_649 : i32
        %get3A_651 = arith.index_cast %scan3A_650 : i32 to index
        %get3A_652 = arith.constant 0 : index
        %get3A_653 = tpu.vector_load %arg11[%get3A_651, %get3A_652] {strides = array<i32>} : memref<80x32xi32, #tpu.memory_space<vmem>>, vector<1x16xi32>,
        %get3A_654 = vector.shape_cast %get3A_653 : vector<1x16xi32> to vector<16xi32>
        %get3A_655 = arith.index_cast %scan3A_650 : i32 to index
        %get3A_656 = arith.constant 16 : index
        %get3A_657 = tpu.vector_load %arg11[%get3A_655, %get3A_656] {strides = array<i32>} : memref<80x32xi32, #tpu.memory_space<vmem>>, vector<1x16xi32>,
        %get3A_658 = vector.shape_cast %get3A_657 : vector<1x16xi32> to vector<16xi32>
        %bitcast_convert_type3A_659 = tpu.bitcast %get3A_654 : vector<16xi32> -> vector<16xf32>
        %add3A_660 = arith.addf %add3A_636, %bitcast_convert_type3A_659 : vector<16xf32>
        %bitcast_convert_type3A_661 = tpu.bitcast %get3A_658 : vector<16xi32> -> vector<16xf32>
        %add3A_662 = arith.addf %add3A_638, %bitcast_convert_type3A_661 : vector<16xf32>
        %shift_left3A_663 = arith.constant 16 : i32
        %shift_left3A_664 = vector.broadcast %shift_left3A_663 : i32 to vector<16xi32>
        %shift_left3A_665 = arith.shli %get3A_654, %shift_left3A_664 : vector<16xi32>
        %bitcast_convert_type3A_666 = tpu.bitcast %shift_left3A_665 : vector<16xi32> -> vector<16xf32>
        %add3A_667 = arith.addf %add3A_643, %bitcast_convert_type3A_666 : vector<16xf32>
        %shift_left3A_668 = arith.constant 16 : i32
        %shift_left3A_669 = vector.broadcast %shift_left3A_668 : i32 to vector<16xi32>
        %shift_left3A_670 = arith.shli %get3A_658, %shift_left3A_669 : vector<16xi32>
        %bitcast_convert_type3A_671 = tpu.bitcast %shift_left3A_670 : vector<16xi32> -> vector<16xf32>
        %add3A_672 = arith.addf %add3A_648, %bitcast_convert_type3A_671 : vector<16xf32>
        %scan3A_673 = arith.constant 5 : i32
        %scan3A_674 = arith.addi %scan3A_553, %scan3A_673 : i32
        %get3A_675 = arith.index_cast %scan3A_674 : i32 to index
        %get3A_676 = arith.constant 0 : index
        %get3A_677 = tpu.vector_load %arg11[%get3A_675, %get3A_676] {strides = array<i32>} : memref<80x32xi32, #tpu.memory_space<vmem>>, vector<1x16xi32>,
        %get3A_678 = vector.shape_cast %get3A_677 : vector<1x16xi32> to vector<16xi32>
        %get3A_679 = arith.index_cast %scan3A_674 : i32 to index
        %get3A_680 = arith.constant 16 : index
        %get3A_681 = tpu.vector_load %arg11[%get3A_679, %get3A_680] {strides = array<i32>} : memref<80x32xi32, #tpu.memory_space<vmem>>, vector<1x16xi32>,
        %get3A_682 = vector.shape_cast %get3A_681 : vector<1x16xi32> to vector<16xi32>
        %bitcast_convert_type3A_683 = tpu.bitcast %get3A_678 : vector<16xi32> -> vector<16xf32>
        %add3A_684 = arith.addf %add3A_660, %bitcast_convert_type3A_683 : vector<16xf32>
        %bitcast_convert_type3A_685 = tpu.bitcast %get3A_682 : vector<16xi32> -> vector<16xf32>
        %add3A_686 = arith.addf %add3A_662, %bitcast_convert_type3A_685 : vector<16xf32>
        %shift_left3A_687 = arith.constant 16 : i32
        %shift_left3A_688 = vector.broadcast %shift_left3A_687 : i32 to vector<16xi32>
        %shift_left3A_689 = arith.shli %get3A_678, %shift_left3A_688 : vector<16xi32>
        %bitcast_convert_type3A_690 = tpu.bitcast %shift_left3A_689 : vector<16xi32> -> vector<16xf32>
        %add3A_691 = arith.addf %add3A_667, %bitcast_convert_type3A_690 : vector<16xf32>
        %shift_left3A_692 = arith.constant 16 : i32
        %shift_left3A_693 = vector.broadcast %shift_left3A_692 : i32 to vector<16xi32>
        %shift_left3A_694 = arith.shli %get3A_682, %shift_left3A_693 : vector<16xi32>
        %bitcast_convert_type3A_695 = tpu.bitcast %shift_left3A_694 : vector<16xi32> -> vector<16xf32>
        %add3A_696 = arith.addf %add3A_672, %bitcast_convert_type3A_695 : vector<16xf32>
        %scan3A_697 = arith.constant 6 : i32
        %scan3A_698 = arith.addi %scan3A_553, %scan3A_697 : i32
        %get3A_699 = arith.index_cast %scan3A_698 : i32 to index
        %get3A_700 = arith.constant 0 : index
        %get3A_701 = tpu.vector_load %arg11[%get3A_699, %get3A_700] {strides = array<i32>} : memref<80x32xi32, #tpu.memory_space<vmem>>, vector<1x16xi32>,
        %get3A_702 = vector.shape_cast %get3A_701 : vector<1x16xi32> to vector<16xi32>
        %get3A_703 = arith.index_cast %scan3A_698 : i32 to index
        %get3A_704 = arith.constant 16 : index
        %get3A_705 = tpu.vector_load %arg11[%get3A_703, %get3A_704] {strides = array<i32>} : memref<80x32xi32, #tpu.memory_space<vmem>>, vector<1x16xi32>,
        %get3A_706 = vector.shape_cast %get3A_705 : vector<1x16xi32> to vector<16xi32>
        %bitcast_convert_type3A_707 = tpu.bitcast %get3A_702 : vector<16xi32> -> vector<16xf32>
        %add3A_708 = arith.addf %add3A_684, %bitcast_convert_type3A_707 : vector<16xf32>
        %bitcast_convert_type3A_709 = tpu.bitcast %get3A_706 : vector<16xi32> -> vector<16xf32>
        %add3A_710 = arith.addf %add3A_686, %bitcast_convert_type3A_709 : vector<16xf32>
        %shift_left3A_711 = arith.constant 16 : i32
        %shift_left3A_712 = vector.broadcast %shift_left3A_711 : i32 to vector<16xi32>
        %shift_left3A_713 = arith.shli %get3A_702, %shift_left3A_712 : vector<16xi32>
        %bitcast_convert_type3A_714 = tpu.bitcast %shift_left3A_713 : vector<16xi32> -> vector<16xf32>
        %add3A_715 = arith.addf %add3A_691, %bitcast_convert_type3A_714 : vector<16xf32>
        %shift_left3A_716 = arith.constant 16 : i32
        %shift_left3A_717 = vector.broadcast %shift_left3A_716 : i32 to vector<16xi32>
        %shift_left3A_718 = arith.shli %get3A_706, %shift_left3A_717 : vector<16xi32>
        %bitcast_convert_type3A_719 = tpu.bitcast %shift_left3A_718 : vector<16xi32> -> vector<16xf32>
        %add3A_720 = arith.addf %add3A_696, %bitcast_convert_type3A_719 : vector<16xf32>
        %scan3A_721 = arith.constant 7 : i32
        %scan3A_722 = arith.addi %scan3A_553, %scan3A_721 : i32
        %get3A_723 = arith.index_cast %scan3A_722 : i32 to index
        %get3A_724 = arith.constant 0 : index
        %get3A_725 = tpu.vector_load %arg11[%get3A_723, %get3A_724] {strides = array<i32>} : memref<80x32xi32, #tpu.memory_space<vmem>>, vector<1x16xi32>,
        %get3A_726 = vector.shape_cast %get3A_725 : vector<1x16xi32> to vector<16xi32>
        %get3A_727 = arith.index_cast %scan3A_722 : i32 to index
        %get3A_728 = arith.constant 16 : index
        %get3A_729 = tpu.vector_load %arg11[%get3A_727, %get3A_728] {strides = array<i32>} : memref<80x32xi32, #tpu.memory_space<vmem>>, vector<1x16xi32>,
        %get3A_730 = vector.shape_cast %get3A_729 : vector<1x16xi32> to vector<16xi32>
        %bitcast_convert_type3A_731 = tpu.bitcast %get3A_726 : vector<16xi32> -> vector<16xf32>
        %add3A_732 = arith.addf %add3A_708, %bitcast_convert_type3A_731 : vector<16xf32>
        %bitcast_convert_type3A_733 = tpu.bitcast %get3A_730 : vector<16xi32> -> vector<16xf32>
        %add3A_734 = arith.addf %add3A_710, %bitcast_convert_type3A_733 : vector<16xf32>
        %shift_left3A_735 = arith.constant 16 : i32
        %shift_left3A_736 = vector.broadcast %shift_left3A_735 : i32 to vector<16xi32>
        %shift_left3A_737 = arith.shli %get3A_726, %shift_left3A_736 : vector<16xi32>
        %bitcast_convert_type3A_738 = tpu.bitcast %shift_left3A_737 : vector<16xi32> -> vector<16xf32>
        %add3A_739 = arith.addf %add3A_715, %bitcast_convert_type3A_738 : vector<16xf32>
        %shift_left3A_740 = arith.constant 16 : i32
        %shift_left3A_741 = vector.broadcast %shift_left3A_740 : i32 to vector<16xi32>
        %shift_left3A_742 = arith.shli %get3A_730, %shift_left3A_741 : vector<16xi32>
        %bitcast_convert_type3A_743 = tpu.bitcast %shift_left3A_742 : vector<16xi32> -> vector<16xf32>
        %add3A_744 = arith.addf %add3A_720, %bitcast_convert_type3A_743 : vector<16xf32>
        scf.yield %add3A_732, %add3A_734, %add3A_739, %add3A_744 : vector<16xf32>, vector<16xf32>, vector<16xf32>, vector<16xf32>
      }
      %scan3A_252 = arith.constant 80 : i32
      %add3A_253 = arith.constant 10 : i32
      %add3A_254 = arith.addi %add3A_239, %add3A_253 : i32
      %lt3A_255 = arith.constant 320 : i32
      %lt3A_256 = arith.cmpi slt, %add3A_254, %lt3A_255 : i32
      %convert_element_type3A_257 = arith.extui %lt3A_256 : i1 to i32
      %cond3A_258 = arith.constant 0 : i32
      %cond3A_259 = arith.cmpi ne, %convert_element_type3A_257, %cond3A_258 : i32
      scf.if %cond3A_259 {
        %add3A_553 = arith.constant 10 : i32
        %add3A_554 = arith.addi %add3A_239, %add3A_553 : i32
        %dma_start3A_555 = arith.constant 0 : i32
        %dma_start3A_556 = tpu.memref_slice %arg5[%add3A_554, %dma_start3A_555] : memref<320x80xi32, #tpu.memory_space<vmem>> -> memref<1x80xi32, #tpu.memory_space<vmem>>
        %dma_start3A_557 = tpu.memref_squeeze %dma_start3A_556 : memref<1x80xi32, #tpu.memory_space<vmem>> -> memref<80xi32, #tpu.memory_space<vmem>>
        %dma_start3A_558 = arith.constant 0 : i32
        %dma_start3A_559 = arith.constant 0 : i32
        %dma_start3A_560 = tpu.memref_slice %arg3[%dma_start3A_558, %dma_start3A_559] : memref<1015808x32xi32, #tpu.memory_space<hbm>> -> memref<1015808x32xi32, #tpu.memory_space<hbm>>
        tpu.enqueue_indirect_dma source(%dma_start3A_560 : memref<1015808x32xi32, #tpu.memory_space<hbm>>) target(%arg11 : memref<80x32xi32, #tpu.memory_space<vmem>>) offsets(%dma_start3A_557 : memref<80xi32, #tpu.memory_space<vmem>>) semaphore(%arg22 : memref<!tpu.dma_semaphore, #tpu.memory_space<semaphore_mem>>)
      } else {
      }
      %mul3A_260 = arith.constant 10 : i32
      %mul3A_261 = arith.muli %add3A_82, %mul3A_260 : i32
      %add3A_262 = arith.constant 6 : i32
      %add3A_263 = arith.addi %mul3A_261, %add3A_262 : i32
      %dma_wait3A_264 = arith.constant 0 : i32
      %dma_wait3A_265 = arith.constant 0 : i32
      %dma_wait3A_266 = tpu.memref_slice %arg5[%dma_wait3A_264, %dma_wait3A_265] : memref<320x80xi32, #tpu.memory_space<vmem>> -> memref<1x80xi32, #tpu.memory_space<vmem>>
      %dma_wait3A_267 = tpu.memref_squeeze %dma_wait3A_266 : memref<1x80xi32, #tpu.memory_space<vmem>> -> memref<80xi32, #tpu.memory_space<vmem>>
      %dma_wait3A_268 = arith.constant 0 : i32
      %dma_wait3A_269 = arith.constant 0 : i32
      %dma_wait3A_270 = tpu.memref_slice %arg3[%dma_wait3A_268, %dma_wait3A_269] : memref<1015808x32xi32, #tpu.memory_space<hbm>> -> memref<1015808x32xi32, #tpu.memory_space<hbm>>
      tpu.wait_indirect_dma semaphore(%arg23 : memref<!tpu.dma_semaphore, #tpu.memory_space<semaphore_mem>>) src(%dma_wait3A_270 : memref<1015808x32xi32, #tpu.memory_space<hbm>>) dst(%arg12 : memref<80x32xi32, #tpu.memory_space<vmem>>)
      %scan3A_271 = arith.constant 0 : i32
      %scan3A_272 = arith.constant 80 : i32
      %scan3A_273 = arith.addi %scan3A_271, %scan3A_272 : i32
      %scan3A_274 = arith.constant 8 : i32
      %scan3A_275:4 = scf.for %scan3A_553 = %scan3A_271 to %scan3A_273 step %scan3A_274 iter_args(%scan3A_554 = %scan3A_251#0, %scan3A_555 = %scan3A_251#1, %scan3A_556 = %scan3A_251#2, %scan3A_557 = %scan3A_251#3) -> (vector<16xf32>, vector<16xf32>, vector<16xf32>, vector<16xf32>)  : i32 {
        %get3A = arith.index_cast %scan3A_553 : i32 to index
        %get3A_558 = arith.constant 0 : index
        %get3A_559 = tpu.vector_load %arg12[%get3A, %get3A_558] {strides = array<i32>} : memref<80x32xi32, #tpu.memory_space<vmem>>, vector<1x16xi32>,
        %get3A_560 = vector.shape_cast %get3A_559 : vector<1x16xi32> to vector<16xi32>
        %get3A_561 = arith.index_cast %scan3A_553 : i32 to index
        %get3A_562 = arith.constant 16 : index
        %get3A_563 = tpu.vector_load %arg12[%get3A_561, %get3A_562] {strides = array<i32>} : memref<80x32xi32, #tpu.memory_space<vmem>>, vector<1x16xi32>,
        %get3A_564 = vector.shape_cast %get3A_563 : vector<1x16xi32> to vector<16xi32>
        %bitcast_convert_type3A = tpu.bitcast %get3A_560 : vector<16xi32> -> vector<16xf32>
        %add3A_565 = arith.addf %scan3A_554, %bitcast_convert_type3A : vector<16xf32>
        %bitcast_convert_type3A_566 = tpu.bitcast %get3A_564 : vector<16xi32> -> vector<16xf32>
        %add3A_567 = arith.addf %scan3A_555, %bitcast_convert_type3A_566 : vector<16xf32>
        %shift_left3A = arith.constant 16 : i32
        %shift_left3A_568 = vector.broadcast %shift_left3A : i32 to vector<16xi32>
        %shift_left3A_569 = arith.shli %get3A_560, %shift_left3A_568 : vector<16xi32>
        %bitcast_convert_type3A_570 = tpu.bitcast %shift_left3A_569 : vector<16xi32> -> vector<16xf32>
        %add3A_571 = arith.addf %scan3A_556, %bitcast_convert_type3A_570 : vector<16xf32>
        %shift_left3A_572 = arith.constant 16 : i32
        %shift_left3A_573 = vector.broadcast %shift_left3A_572 : i32 to vector<16xi32>
        %shift_left3A_574 = arith.shli %get3A_564, %shift_left3A_573 : vector<16xi32>
        %bitcast_convert_type3A_575 = tpu.bitcast %shift_left3A_574 : vector<16xi32> -> vector<16xf32>
        %add3A_576 = arith.addf %scan3A_557, %bitcast_convert_type3A_575 : vector<16xf32>
        %scan3A_577 = arith.constant 1 : i32
        %scan3A_578 = arith.addi %scan3A_553, %scan3A_577 : i32
        %get3A_579 = arith.index_cast %scan3A_578 : i32 to index
        %get3A_580 = arith.constant 0 : index
        %get3A_581 = tpu.vector_load %arg12[%get3A_579, %get3A_580] {strides = array<i32>} : memref<80x32xi32, #tpu.memory_space<vmem>>, vector<1x16xi32>,
        %get3A_582 = vector.shape_cast %get3A_581 : vector<1x16xi32> to vector<16xi32>
        %get3A_583 = arith.index_cast %scan3A_578 : i32 to index
        %get3A_584 = arith.constant 16 : index
        %get3A_585 = tpu.vector_load %arg12[%get3A_583, %get3A_584] {strides = array<i32>} : memref<80x32xi32, #tpu.memory_space<vmem>>, vector<1x16xi32>,
        %get3A_586 = vector.shape_cast %get3A_585 : vector<1x16xi32> to vector<16xi32>
        %bitcast_convert_type3A_587 = tpu.bitcast %get3A_582 : vector<16xi32> -> vector<16xf32>
        %add3A_588 = arith.addf %add3A_565, %bitcast_convert_type3A_587 : vector<16xf32>
        %bitcast_convert_type3A_589 = tpu.bitcast %get3A_586 : vector<16xi32> -> vector<16xf32>
        %add3A_590 = arith.addf %add3A_567, %bitcast_convert_type3A_589 : vector<16xf32>
        %shift_left3A_591 = arith.constant 16 : i32
        %shift_left3A_592 = vector.broadcast %shift_left3A_591 : i32 to vector<16xi32>
        %shift_left3A_593 = arith.shli %get3A_582, %shift_left3A_592 : vector<16xi32>
        %bitcast_convert_type3A_594 = tpu.bitcast %shift_left3A_593 : vector<16xi32> -> vector<16xf32>
        %add3A_595 = arith.addf %add3A_571, %bitcast_convert_type3A_594 : vector<16xf32>
        %shift_left3A_596 = arith.constant 16 : i32
        %shift_left3A_597 = vector.broadcast %shift_left3A_596 : i32 to vector<16xi32>
        %shift_left3A_598 = arith.shli %get3A_586, %shift_left3A_597 : vector<16xi32>
        %bitcast_convert_type3A_599 = tpu.bitcast %shift_left3A_598 : vector<16xi32> -> vector<16xf32>
        %add3A_600 = arith.addf %add3A_576, %bitcast_convert_type3A_599 : vector<16xf32>
        %scan3A_601 = arith.constant 2 : i32
        %scan3A_602 = arith.addi %scan3A_553, %scan3A_601 : i32
        %get3A_603 = arith.index_cast %scan3A_602 : i32 to index
        %get3A_604 = arith.constant 0 : index
        %get3A_605 = tpu.vector_load %arg12[%get3A_603, %get3A_604] {strides = array<i32>} : memref<80x32xi32, #tpu.memory_space<vmem>>, vector<1x16xi32>,
        %get3A_606 = vector.shape_cast %get3A_605 : vector<1x16xi32> to vector<16xi32>
        %get3A_607 = arith.index_cast %scan3A_602 : i32 to index
        %get3A_608 = arith.constant 16 : index
        %get3A_609 = tpu.vector_load %arg12[%get3A_607, %get3A_608] {strides = array<i32>} : memref<80x32xi32, #tpu.memory_space<vmem>>, vector<1x16xi32>,
        %get3A_610 = vector.shape_cast %get3A_609 : vector<1x16xi32> to vector<16xi32>
        %bitcast_convert_type3A_611 = tpu.bitcast %get3A_606 : vector<16xi32> -> vector<16xf32>
        %add3A_612 = arith.addf %add3A_588, %bitcast_convert_type3A_611 : vector<16xf32>
        %bitcast_convert_type3A_613 = tpu.bitcast %get3A_610 : vector<16xi32> -> vector<16xf32>
        %add3A_614 = arith.addf %add3A_590, %bitcast_convert_type3A_613 : vector<16xf32>
        %shift_left3A_615 = arith.constant 16 : i32
        %shift_left3A_616 = vector.broadcast %shift_left3A_615 : i32 to vector<16xi32>
        %shift_left3A_617 = arith.shli %get3A_606, %shift_left3A_616 : vector<16xi32>
        %bitcast_convert_type3A_618 = tpu.bitcast %shift_left3A_617 : vector<16xi32> -> vector<16xf32>
        %add3A_619 = arith.addf %add3A_595, %bitcast_convert_type3A_618 : vector<16xf32>
        %shift_left3A_620 = arith.constant 16 : i32
        %shift_left3A_621 = vector.broadcast %shift_left3A_620 : i32 to vector<16xi32>
        %shift_left3A_622 = arith.shli %get3A_610, %shift_left3A_621 : vector<16xi32>
        %bitcast_convert_type3A_623 = tpu.bitcast %shift_left3A_622 : vector<16xi32> -> vector<16xf32>
        %add3A_624 = arith.addf %add3A_600, %bitcast_convert_type3A_623 : vector<16xf32>
        %scan3A_625 = arith.constant 3 : i32
        %scan3A_626 = arith.addi %scan3A_553, %scan3A_625 : i32
        %get3A_627 = arith.index_cast %scan3A_626 : i32 to index
        %get3A_628 = arith.constant 0 : index
        %get3A_629 = tpu.vector_load %arg12[%get3A_627, %get3A_628] {strides = array<i32>} : memref<80x32xi32, #tpu.memory_space<vmem>>, vector<1x16xi32>,
        %get3A_630 = vector.shape_cast %get3A_629 : vector<1x16xi32> to vector<16xi32>
        %get3A_631 = arith.index_cast %scan3A_626 : i32 to index
        %get3A_632 = arith.constant 16 : index
        %get3A_633 = tpu.vector_load %arg12[%get3A_631, %get3A_632] {strides = array<i32>} : memref<80x32xi32, #tpu.memory_space<vmem>>, vector<1x16xi32>,
        %get3A_634 = vector.shape_cast %get3A_633 : vector<1x16xi32> to vector<16xi32>
        %bitcast_convert_type3A_635 = tpu.bitcast %get3A_630 : vector<16xi32> -> vector<16xf32>
        %add3A_636 = arith.addf %add3A_612, %bitcast_convert_type3A_635 : vector<16xf32>
        %bitcast_convert_type3A_637 = tpu.bitcast %get3A_634 : vector<16xi32> -> vector<16xf32>
        %add3A_638 = arith.addf %add3A_614, %bitcast_convert_type3A_637 : vector<16xf32>
        %shift_left3A_639 = arith.constant 16 : i32
        %shift_left3A_640 = vector.broadcast %shift_left3A_639 : i32 to vector<16xi32>
        %shift_left3A_641 = arith.shli %get3A_630, %shift_left3A_640 : vector<16xi32>
        %bitcast_convert_type3A_642 = tpu.bitcast %shift_left3A_641 : vector<16xi32> -> vector<16xf32>
        %add3A_643 = arith.addf %add3A_619, %bitcast_convert_type3A_642 : vector<16xf32>
        %shift_left3A_644 = arith.constant 16 : i32
        %shift_left3A_645 = vector.broadcast %shift_left3A_644 : i32 to vector<16xi32>
        %shift_left3A_646 = arith.shli %get3A_634, %shift_left3A_645 : vector<16xi32>
        %bitcast_convert_type3A_647 = tpu.bitcast %shift_left3A_646 : vector<16xi32> -> vector<16xf32>
        %add3A_648 = arith.addf %add3A_624, %bitcast_convert_type3A_647 : vector<16xf32>
        %scan3A_649 = arith.constant 4 : i32
        %scan3A_650 = arith.addi %scan3A_553, %scan3A_649 : i32
        %get3A_651 = arith.index_cast %scan3A_650 : i32 to index
        %get3A_652 = arith.constant 0 : index
        %get3A_653 = tpu.vector_load %arg12[%get3A_651, %get3A_652] {strides = array<i32>} : memref<80x32xi32, #tpu.memory_space<vmem>>, vector<1x16xi32>,
        %get3A_654 = vector.shape_cast %get3A_653 : vector<1x16xi32> to vector<16xi32>
        %get3A_655 = arith.index_cast %scan3A_650 : i32 to index
        %get3A_656 = arith.constant 16 : index
        %get3A_657 = tpu.vector_load %arg12[%get3A_655, %get3A_656] {strides = array<i32>} : memref<80x32xi32, #tpu.memory_space<vmem>>, vector<1x16xi32>,
        %get3A_658 = vector.shape_cast %get3A_657 : vector<1x16xi32> to vector<16xi32>
        %bitcast_convert_type3A_659 = tpu.bitcast %get3A_654 : vector<16xi32> -> vector<16xf32>
        %add3A_660 = arith.addf %add3A_636, %bitcast_convert_type3A_659 : vector<16xf32>
        %bitcast_convert_type3A_661 = tpu.bitcast %get3A_658 : vector<16xi32> -> vector<16xf32>
        %add3A_662 = arith.addf %add3A_638, %bitcast_convert_type3A_661 : vector<16xf32>
        %shift_left3A_663 = arith.constant 16 : i32
        %shift_left3A_664 = vector.broadcast %shift_left3A_663 : i32 to vector<16xi32>
        %shift_left3A_665 = arith.shli %get3A_654, %shift_left3A_664 : vector<16xi32>
        %bitcast_convert_type3A_666 = tpu.bitcast %shift_left3A_665 : vector<16xi32> -> vector<16xf32>
        %add3A_667 = arith.addf %add3A_643, %bitcast_convert_type3A_666 : vector<16xf32>
        %shift_left3A_668 = arith.constant 16 : i32
        %shift_left3A_669 = vector.broadcast %shift_left3A_668 : i32 to vector<16xi32>
        %shift_left3A_670 = arith.shli %get3A_658, %shift_left3A_669 : vector<16xi32>
        %bitcast_convert_type3A_671 = tpu.bitcast %shift_left3A_670 : vector<16xi32> -> vector<16xf32>
        %add3A_672 = arith.addf %add3A_648, %bitcast_convert_type3A_671 : vector<16xf32>
        %scan3A_673 = arith.constant 5 : i32
        %scan3A_674 = arith.addi %scan3A_553, %scan3A_673 : i32
        %get3A_675 = arith.index_cast %scan3A_674 : i32 to index
        %get3A_676 = arith.constant 0 : index
        %get3A_677 = tpu.vector_load %arg12[%get3A_675, %get3A_676] {strides = array<i32>} : memref<80x32xi32, #tpu.memory_space<vmem>>, vector<1x16xi32>,
        %get3A_678 = vector.shape_cast %get3A_677 : vector<1x16xi32> to vector<16xi32>
        %get3A_679 = arith.index_cast %scan3A_674 : i32 to index
        %get3A_680 = arith.constant 16 : index
        %get3A_681 = tpu.vector_load %arg12[%get3A_679, %get3A_680] {strides = array<i32>} : memref<80x32xi32, #tpu.memory_space<vmem>>, vector<1x16xi32>,
        %get3A_682 = vector.shape_cast %get3A_681 : vector<1x16xi32> to vector<16xi32>
        %bitcast_convert_type3A_683 = tpu.bitcast %get3A_678 : vector<16xi32> -> vector<16xf32>
        %add3A_684 = arith.addf %add3A_660, %bitcast_convert_type3A_683 : vector<16xf32>
        %bitcast_convert_type3A_685 = tpu.bitcast %get3A_682 : vector<16xi32> -> vector<16xf32>
        %add3A_686 = arith.addf %add3A_662, %bitcast_convert_type3A_685 : vector<16xf32>
        %shift_left3A_687 = arith.constant 16 : i32
        %shift_left3A_688 = vector.broadcast %shift_left3A_687 : i32 to vector<16xi32>
        %shift_left3A_689 = arith.shli %get3A_678, %shift_left3A_688 : vector<16xi32>
        %bitcast_convert_type3A_690 = tpu.bitcast %shift_left3A_689 : vector<16xi32> -> vector<16xf32>
        %add3A_691 = arith.addf %add3A_667, %bitcast_convert_type3A_690 : vector<16xf32>
        %shift_left3A_692 = arith.constant 16 : i32
        %shift_left3A_693 = vector.broadcast %shift_left3A_692 : i32 to vector<16xi32>
        %shift_left3A_694 = arith.shli %get3A_682, %shift_left3A_693 : vector<16xi32>
        %bitcast_convert_type3A_695 = tpu.bitcast %shift_left3A_694 : vector<16xi32> -> vector<16xf32>
        %add3A_696 = arith.addf %add3A_672, %bitcast_convert_type3A_695 : vector<16xf32>
        %scan3A_697 = arith.constant 6 : i32
        %scan3A_698 = arith.addi %scan3A_553, %scan3A_697 : i32
        %get3A_699 = arith.index_cast %scan3A_698 : i32 to index
        %get3A_700 = arith.constant 0 : index
        %get3A_701 = tpu.vector_load %arg12[%get3A_699, %get3A_700] {strides = array<i32>} : memref<80x32xi32, #tpu.memory_space<vmem>>, vector<1x16xi32>,
        %get3A_702 = vector.shape_cast %get3A_701 : vector<1x16xi32> to vector<16xi32>
        %get3A_703 = arith.index_cast %scan3A_698 : i32 to index
        %get3A_704 = arith.constant 16 : index
        %get3A_705 = tpu.vector_load %arg12[%get3A_703, %get3A_704] {strides = array<i32>} : memref<80x32xi32, #tpu.memory_space<vmem>>, vector<1x16xi32>,
        %get3A_706 = vector.shape_cast %get3A_705 : vector<1x16xi32> to vector<16xi32>
        %bitcast_convert_type3A_707 = tpu.bitcast %get3A_702 : vector<16xi32> -> vector<16xf32>
        %add3A_708 = arith.addf %add3A_684, %bitcast_convert_type3A_707 : vector<16xf32>
        %bitcast_convert_type3A_709 = tpu.bitcast %get3A_706 : vector<16xi32> -> vector<16xf32>
        %add3A_710 = arith.addf %add3A_686, %bitcast_convert_type3A_709 : vector<16xf32>
        %shift_left3A_711 = arith.constant 16 : i32
        %shift_left3A_712 = vector.broadcast %shift_left3A_711 : i32 to vector<16xi32>
        %shift_left3A_713 = arith.shli %get3A_702, %shift_left3A_712 : vector<16xi32>
        %bitcast_convert_type3A_714 = tpu.bitcast %shift_left3A_713 : vector<16xi32> -> vector<16xf32>
        %add3A_715 = arith.addf %add3A_691, %bitcast_convert_type3A_714 : vector<16xf32>
        %shift_left3A_716 = arith.constant 16 : i32
        %shift_left3A_717 = vector.broadcast %shift_left3A_716 : i32 to vector<16xi32>
        %shift_left3A_718 = arith.shli %get3A_706, %shift_left3A_717 : vector<16xi32>
        %bitcast_convert_type3A_719 = tpu.bitcast %shift_left3A_718 : vector<16xi32> -> vector<16xf32>
        %add3A_720 = arith.addf %add3A_696, %bitcast_convert_type3A_719 : vector<16xf32>
        %scan3A_721 = arith.constant 7 : i32
        %scan3A_722 = arith.addi %scan3A_553, %scan3A_721 : i32
        %get3A_723 = arith.index_cast %scan3A_722 : i32 to index
        %get3A_724 = arith.constant 0 : index
        %get3A_725 = tpu.vector_load %arg12[%get3A_723, %get3A_724] {strides = array<i32>} : memref<80x32xi32, #tpu.memory_space<vmem>>, vector<1x16xi32>,
        %get3A_726 = vector.shape_cast %get3A_725 : vector<1x16xi32> to vector<16xi32>
        %get3A_727 = arith.index_cast %scan3A_722 : i32 to index
        %get3A_728 = arith.constant 16 : index
        %get3A_729 = tpu.vector_load %arg12[%get3A_727, %get3A_728] {strides = array<i32>} : memref<80x32xi32, #tpu.memory_space<vmem>>, vector<1x16xi32>,
        %get3A_730 = vector.shape_cast %get3A_729 : vector<1x16xi32> to vector<16xi32>
        %bitcast_convert_type3A_731 = tpu.bitcast %get3A_726 : vector<16xi32> -> vector<16xf32>
        %add3A_732 = arith.addf %add3A_708, %bitcast_convert_type3A_731 : vector<16xf32>
        %bitcast_convert_type3A_733 = tpu.bitcast %get3A_730 : vector<16xi32> -> vector<16xf32>
        %add3A_734 = arith.addf %add3A_710, %bitcast_convert_type3A_733 : vector<16xf32>
        %shift_left3A_735 = arith.constant 16 : i32
        %shift_left3A_736 = vector.broadcast %shift_left3A_735 : i32 to vector<16xi32>
        %shift_left3A_737 = arith.shli %get3A_726, %shift_left3A_736 : vector<16xi32>
        %bitcast_convert_type3A_738 = tpu.bitcast %shift_left3A_737 : vector<16xi32> -> vector<16xf32>
        %add3A_739 = arith.addf %add3A_715, %bitcast_convert_type3A_738 : vector<16xf32>
        %shift_left3A_740 = arith.constant 16 : i32
        %shift_left3A_741 = vector.broadcast %shift_left3A_740 : i32 to vector<16xi32>
        %shift_left3A_742 = arith.shli %get3A_730, %shift_left3A_741 : vector<16xi32>
        %bitcast_convert_type3A_743 = tpu.bitcast %shift_left3A_742 : vector<16xi32> -> vector<16xf32>
        %add3A_744 = arith.addf %add3A_720, %bitcast_convert_type3A_743 : vector<16xf32>
        scf.yield %add3A_732, %add3A_734, %add3A_739, %add3A_744 : vector<16xf32>, vector<16xf32>, vector<16xf32>, vector<16xf32>
      }
      %scan3A_276 = arith.constant 80 : i32
      %add3A_277 = arith.constant 10 : i32
      %add3A_278 = arith.addi %add3A_263, %add3A_277 : i32
      %lt3A_279 = arith.constant 320 : i32
      %lt3A_280 = arith.cmpi slt, %add3A_278, %lt3A_279 : i32
      %convert_element_type3A_281 = arith.extui %lt3A_280 : i1 to i32
      %cond3A_282 = arith.constant 0 : i32
      %cond3A_283 = arith.cmpi ne, %convert_element_type3A_281, %cond3A_282 : i32
      scf.if %cond3A_283 {
        %add3A_553 = arith.constant 10 : i32
        %add3A_554 = arith.addi %add3A_263, %add3A_553 : i32
        %dma_start3A_555 = arith.constant 0 : i32
        %dma_start3A_556 = tpu.memref_slice %arg5[%add3A_554, %dma_start3A_555] : memref<320x80xi32, #tpu.memory_space<vmem>> -> memref<1x80xi32, #tpu.memory_space<vmem>>
        %dma_start3A_557 = tpu.memref_squeeze %dma_start3A_556 : memref<1x80xi32, #tpu.memory_space<vmem>> -> memref<80xi32, #tpu.memory_space<vmem>>
        %dma_start3A_558 = arith.constant 0 : i32
        %dma_start3A_559 = arith.constant 0 : i32
        %dma_start3A_560 = tpu.memref_slice %arg3[%dma_start3A_558, %dma_start3A_559] : memref<1015808x32xi32, #tpu.memory_space<hbm>> -> memref<1015808x32xi32, #tpu.memory_space<hbm>>
        tpu.enqueue_indirect_dma source(%dma_start3A_560 : memref<1015808x32xi32, #tpu.memory_space<hbm>>) target(%arg12 : memref<80x32xi32, #tpu.memory_space<vmem>>) offsets(%dma_start3A_557 : memref<80xi32, #tpu.memory_space<vmem>>) semaphore(%arg23 : memref<!tpu.dma_semaphore, #tpu.memory_space<semaphore_mem>>)
      } else {
      }
      %mul3A_284 = arith.constant 10 : i32
      %mul3A_285 = arith.muli %add3A_82, %mul3A_284 : i32
      %add3A_286 = arith.constant 7 : i32
      %add3A_287 = arith.addi %mul3A_285, %add3A_286 : i32
      %dma_wait3A_288 = arith.constant 0 : i32
      %dma_wait3A_289 = arith.constant 0 : i32
      %dma_wait3A_290 = tpu.memref_slice %arg5[%dma_wait3A_288, %dma_wait3A_289] : memref<320x80xi32, #tpu.memory_space<vmem>> -> memref<1x80xi32, #tpu.memory_space<vmem>>
      %dma_wait3A_291 = tpu.memref_squeeze %dma_wait3A_290 : memref<1x80xi32, #tpu.memory_space<vmem>> -> memref<80xi32, #tpu.memory_space<vmem>>
      %dma_wait3A_292 = arith.constant 0 : i32
      %dma_wait3A_293 = arith.constant 0 : i32
      %dma_wait3A_294 = tpu.memref_slice %arg3[%dma_wait3A_292, %dma_wait3A_293] : memref<1015808x32xi32, #tpu.memory_space<hbm>> -> memref<1015808x32xi32, #tpu.memory_space<hbm>>
      tpu.wait_indirect_dma semaphore(%arg24 : memref<!tpu.dma_semaphore, #tpu.memory_space<semaphore_mem>>) src(%dma_wait3A_294 : memref<1015808x32xi32, #tpu.memory_space<hbm>>) dst(%arg13 : memref<80x32xi32, #tpu.memory_space<vmem>>)
      %scan3A_295 = arith.constant 0 : i32
      %scan3A_296 = arith.constant 40 : i32
      %scan3A_297 = arith.addi %scan3A_295, %scan3A_296 : i32
      %scan3A_298 = arith.constant 8 : i32
      %scan3A_299:4 = scf.for %scan3A_553 = %scan3A_295 to %scan3A_297 step %scan3A_298 iter_args(%scan3A_554 = %scan3A_275#0, %scan3A_555 = %scan3A_275#1, %scan3A_556 = %scan3A_275#2, %scan3A_557 = %scan3A_275#3) -> (vector<16xf32>, vector<16xf32>, vector<16xf32>, vector<16xf32>)  : i32 {
        %get3A = arith.index_cast %scan3A_553 : i32 to index
        %get3A_558 = arith.constant 0 : index
        %get3A_559 = tpu.vector_load %arg13[%get3A, %get3A_558] {strides = array<i32>} : memref<80x32xi32, #tpu.memory_space<vmem>>, vector<1x16xi32>,
        %get3A_560 = vector.shape_cast %get3A_559 : vector<1x16xi32> to vector<16xi32>
        %get3A_561 = arith.index_cast %scan3A_553 : i32 to index
        %get3A_562 = arith.constant 16 : index
        %get3A_563 = tpu.vector_load %arg13[%get3A_561, %get3A_562] {strides = array<i32>} : memref<80x32xi32, #tpu.memory_space<vmem>>, vector<1x16xi32>,
        %get3A_564 = vector.shape_cast %get3A_563 : vector<1x16xi32> to vector<16xi32>
        %bitcast_convert_type3A = tpu.bitcast %get3A_560 : vector<16xi32> -> vector<16xf32>
        %add3A_565 = arith.addf %scan3A_554, %bitcast_convert_type3A : vector<16xf32>
        %bitcast_convert_type3A_566 = tpu.bitcast %get3A_564 : vector<16xi32> -> vector<16xf32>
        %add3A_567 = arith.addf %scan3A_555, %bitcast_convert_type3A_566 : vector<16xf32>
        %shift_left3A = arith.constant 16 : i32
        %shift_left3A_568 = vector.broadcast %shift_left3A : i32 to vector<16xi32>
        %shift_left3A_569 = arith.shli %get3A_560, %shift_left3A_568 : vector<16xi32>
        %bitcast_convert_type3A_570 = tpu.bitcast %shift_left3A_569 : vector<16xi32> -> vector<16xf32>
        %add3A_571 = arith.addf %scan3A_556, %bitcast_convert_type3A_570 : vector<16xf32>
        %shift_left3A_572 = arith.constant 16 : i32
        %shift_left3A_573 = vector.broadcast %shift_left3A_572 : i32 to vector<16xi32>
        %shift_left3A_574 = arith.shli %get3A_564, %shift_left3A_573 : vector<16xi32>
        %bitcast_convert_type3A_575 = tpu.bitcast %shift_left3A_574 : vector<16xi32> -> vector<16xf32>
        %add3A_576 = arith.addf %scan3A_557, %bitcast_convert_type3A_575 : vector<16xf32>
        %scan3A_577 = arith.constant 1 : i32
        %scan3A_578 = arith.addi %scan3A_553, %scan3A_577 : i32
        %get3A_579 = arith.index_cast %scan3A_578 : i32 to index
        %get3A_580 = arith.constant 0 : index
        %get3A_581 = tpu.vector_load %arg13[%get3A_579, %get3A_580] {strides = array<i32>} : memref<80x32xi32, #tpu.memory_space<vmem>>, vector<1x16xi32>,
        %get3A_582 = vector.shape_cast %get3A_581 : vector<1x16xi32> to vector<16xi32>
        %get3A_583 = arith.index_cast %scan3A_578 : i32 to index
        %get3A_584 = arith.constant 16 : index
        %get3A_585 = tpu.vector_load %arg13[%get3A_583, %get3A_584] {strides = array<i32>} : memref<80x32xi32, #tpu.memory_space<vmem>>, vector<1x16xi32>,
        %get3A_586 = vector.shape_cast %get3A_585 : vector<1x16xi32> to vector<16xi32>
        %bitcast_convert_type3A_587 = tpu.bitcast %get3A_582 : vector<16xi32> -> vector<16xf32>
        %add3A_588 = arith.addf %add3A_565, %bitcast_convert_type3A_587 : vector<16xf32>
        %bitcast_convert_type3A_589 = tpu.bitcast %get3A_586 : vector<16xi32> -> vector<16xf32>
        %add3A_590 = arith.addf %add3A_567, %bitcast_convert_type3A_589 : vector<16xf32>
        %shift_left3A_591 = arith.constant 16 : i32
        %shift_left3A_592 = vector.broadcast %shift_left3A_591 : i32 to vector<16xi32>
        %shift_left3A_593 = arith.shli %get3A_582, %shift_left3A_592 : vector<16xi32>
        %bitcast_convert_type3A_594 = tpu.bitcast %shift_left3A_593 : vector<16xi32> -> vector<16xf32>
        %add3A_595 = arith.addf %add3A_571, %bitcast_convert_type3A_594 : vector<16xf32>
        %shift_left3A_596 = arith.constant 16 : i32
        %shift_left3A_597 = vector.broadcast %shift_left3A_596 : i32 to vector<16xi32>
        %shift_left3A_598 = arith.shli %get3A_586, %shift_left3A_597 : vector<16xi32>
        %bitcast_convert_type3A_599 = tpu.bitcast %shift_left3A_598 : vector<16xi32> -> vector<16xf32>
        %add3A_600 = arith.addf %add3A_576, %bitcast_convert_type3A_599 : vector<16xf32>
        %scan3A_601 = arith.constant 2 : i32
        %scan3A_602 = arith.addi %scan3A_553, %scan3A_601 : i32
        %get3A_603 = arith.index_cast %scan3A_602 : i32 to index
        %get3A_604 = arith.constant 0 : index
        %get3A_605 = tpu.vector_load %arg13[%get3A_603, %get3A_604] {strides = array<i32>} : memref<80x32xi32, #tpu.memory_space<vmem>>, vector<1x16xi32>,
        %get3A_606 = vector.shape_cast %get3A_605 : vector<1x16xi32> to vector<16xi32>
        %get3A_607 = arith.index_cast %scan3A_602 : i32 to index
        %get3A_608 = arith.constant 16 : index
        %get3A_609 = tpu.vector_load %arg13[%get3A_607, %get3A_608] {strides = array<i32>} : memref<80x32xi32, #tpu.memory_space<vmem>>, vector<1x16xi32>,
        %get3A_610 = vector.shape_cast %get3A_609 : vector<1x16xi32> to vector<16xi32>
        %bitcast_convert_type3A_611 = tpu.bitcast %get3A_606 : vector<16xi32> -> vector<16xf32>
        %add3A_612 = arith.addf %add3A_588, %bitcast_convert_type3A_611 : vector<16xf32>
        %bitcast_convert_type3A_613 = tpu.bitcast %get3A_610 : vector<16xi32> -> vector<16xf32>
        %add3A_614 = arith.addf %add3A_590, %bitcast_convert_type3A_613 : vector<16xf32>
        %shift_left3A_615 = arith.constant 16 : i32
        %shift_left3A_616 = vector.broadcast %shift_left3A_615 : i32 to vector<16xi32>
        %shift_left3A_617 = arith.shli %get3A_606, %shift_left3A_616 : vector<16xi32>
        %bitcast_convert_type3A_618 = tpu.bitcast %shift_left3A_617 : vector<16xi32> -> vector<16xf32>
        %add3A_619 = arith.addf %add3A_595, %bitcast_convert_type3A_618 : vector<16xf32>
        %shift_left3A_620 = arith.constant 16 : i32
        %shift_left3A_621 = vector.broadcast %shift_left3A_620 : i32 to vector<16xi32>
        %shift_left3A_622 = arith.shli %get3A_610, %shift_left3A_621 : vector<16xi32>
        %bitcast_convert_type3A_623 = tpu.bitcast %shift_left3A_622 : vector<16xi32> -> vector<16xf32>
        %add3A_624 = arith.addf %add3A_600, %bitcast_convert_type3A_623 : vector<16xf32>
        %scan3A_625 = arith.constant 3 : i32
        %scan3A_626 = arith.addi %scan3A_553, %scan3A_625 : i32
        %get3A_627 = arith.index_cast %scan3A_626 : i32 to index
        %get3A_628 = arith.constant 0 : index
        %get3A_629 = tpu.vector_load %arg13[%get3A_627, %get3A_628] {strides = array<i32>} : memref<80x32xi32, #tpu.memory_space<vmem>>, vector<1x16xi32>,
        %get3A_630 = vector.shape_cast %get3A_629 : vector<1x16xi32> to vector<16xi32>
        %get3A_631 = arith.index_cast %scan3A_626 : i32 to index
        %get3A_632 = arith.constant 16 : index
        %get3A_633 = tpu.vector_load %arg13[%get3A_631, %get3A_632] {strides = array<i32>} : memref<80x32xi32, #tpu.memory_space<vmem>>, vector<1x16xi32>,
        %get3A_634 = vector.shape_cast %get3A_633 : vector<1x16xi32> to vector<16xi32>
        %bitcast_convert_type3A_635 = tpu.bitcast %get3A_630 : vector<16xi32> -> vector<16xf32>
        %add3A_636 = arith.addf %add3A_612, %bitcast_convert_type3A_635 : vector<16xf32>
        %bitcast_convert_type3A_637 = tpu.bitcast %get3A_634 : vector<16xi32> -> vector<16xf32>
        %add3A_638 = arith.addf %add3A_614, %bitcast_convert_type3A_637 : vector<16xf32>
        %shift_left3A_639 = arith.constant 16 : i32
        %shift_left3A_640 = vector.broadcast %shift_left3A_639 : i32 to vector<16xi32>
        %shift_left3A_641 = arith.shli %get3A_630, %shift_left3A_640 : vector<16xi32>
        %bitcast_convert_type3A_642 = tpu.bitcast %shift_left3A_641 : vector<16xi32> -> vector<16xf32>
        %add3A_643 = arith.addf %add3A_619, %bitcast_convert_type3A_642 : vector<16xf32>
        %shift_left3A_644 = arith.constant 16 : i32
        %shift_left3A_645 = vector.broadcast %shift_left3A_644 : i32 to vector<16xi32>
        %shift_left3A_646 = arith.shli %get3A_634, %shift_left3A_645 : vector<16xi32>
        %bitcast_convert_type3A_647 = tpu.bitcast %shift_left3A_646 : vector<16xi32> -> vector<16xf32>
        %add3A_648 = arith.addf %add3A_624, %bitcast_convert_type3A_647 : vector<16xf32>
        %scan3A_649 = arith.constant 4 : i32
        %scan3A_650 = arith.addi %scan3A_553, %scan3A_649 : i32
        %get3A_651 = arith.index_cast %scan3A_650 : i32 to index
        %get3A_652 = arith.constant 0 : index
        %get3A_653 = tpu.vector_load %arg13[%get3A_651, %get3A_652] {strides = array<i32>} : memref<80x32xi32, #tpu.memory_space<vmem>>, vector<1x16xi32>,
        %get3A_654 = vector.shape_cast %get3A_653 : vector<1x16xi32> to vector<16xi32>
        %get3A_655 = arith.index_cast %scan3A_650 : i32 to index
        %get3A_656 = arith.constant 16 : index
        %get3A_657 = tpu.vector_load %arg13[%get3A_655, %get3A_656] {strides = array<i32>} : memref<80x32xi32, #tpu.memory_space<vmem>>, vector<1x16xi32>,
        %get3A_658 = vector.shape_cast %get3A_657 : vector<1x16xi32> to vector<16xi32>
        %bitcast_convert_type3A_659 = tpu.bitcast %get3A_654 : vector<16xi32> -> vector<16xf32>
        %add3A_660 = arith.addf %add3A_636, %bitcast_convert_type3A_659 : vector<16xf32>
        %bitcast_convert_type3A_661 = tpu.bitcast %get3A_658 : vector<16xi32> -> vector<16xf32>
        %add3A_662 = arith.addf %add3A_638, %bitcast_convert_type3A_661 : vector<16xf32>
        %shift_left3A_663 = arith.constant 16 : i32
        %shift_left3A_664 = vector.broadcast %shift_left3A_663 : i32 to vector<16xi32>
        %shift_left3A_665 = arith.shli %get3A_654, %shift_left3A_664 : vector<16xi32>
        %bitcast_convert_type3A_666 = tpu.bitcast %shift_left3A_665 : vector<16xi32> -> vector<16xf32>
        %add3A_667 = arith.addf %add3A_643, %bitcast_convert_type3A_666 : vector<16xf32>
        %shift_left3A_668 = arith.constant 16 : i32
        %shift_left3A_669 = vector.broadcast %shift_left3A_668 : i32 to vector<16xi32>
        %shift_left3A_670 = arith.shli %get3A_658, %shift_left3A_669 : vector<16xi32>
        %bitcast_convert_type3A_671 = tpu.bitcast %shift_left3A_670 : vector<16xi32> -> vector<16xf32>
        %add3A_672 = arith.addf %add3A_648, %bitcast_convert_type3A_671 : vector<16xf32>
        %scan3A_673 = arith.constant 5 : i32
        %scan3A_674 = arith.addi %scan3A_553, %scan3A_673 : i32
        %get3A_675 = arith.index_cast %scan3A_674 : i32 to index
        %get3A_676 = arith.constant 0 : index
        %get3A_677 = tpu.vector_load %arg13[%get3A_675, %get3A_676] {strides = array<i32>} : memref<80x32xi32, #tpu.memory_space<vmem>>, vector<1x16xi32>,
        %get3A_678 = vector.shape_cast %get3A_677 : vector<1x16xi32> to vector<16xi32>
        %get3A_679 = arith.index_cast %scan3A_674 : i32 to index
        %get3A_680 = arith.constant 16 : index
        %get3A_681 = tpu.vector_load %arg13[%get3A_679, %get3A_680] {strides = array<i32>} : memref<80x32xi32, #tpu.memory_space<vmem>>, vector<1x16xi32>,
        %get3A_682 = vector.shape_cast %get3A_681 : vector<1x16xi32> to vector<16xi32>
        %bitcast_convert_type3A_683 = tpu.bitcast %get3A_678 : vector<16xi32> -> vector<16xf32>
        %add3A_684 = arith.addf %add3A_660, %bitcast_convert_type3A_683 : vector<16xf32>
        %bitcast_convert_type3A_685 = tpu.bitcast %get3A_682 : vector<16xi32> -> vector<16xf32>
        %add3A_686 = arith.addf %add3A_662, %bitcast_convert_type3A_685 : vector<16xf32>
        %shift_left3A_687 = arith.constant 16 : i32
        %shift_left3A_688 = vector.broadcast %shift_left3A_687 : i32 to vector<16xi32>
        %shift_left3A_689 = arith.shli %get3A_678, %shift_left3A_688 : vector<16xi32>
        %bitcast_convert_type3A_690 = tpu.bitcast %shift_left3A_689 : vector<16xi32> -> vector<16xf32>
        %add3A_691 = arith.addf %add3A_667, %bitcast_convert_type3A_690 : vector<16xf32>
        %shift_left3A_692 = arith.constant 16 : i32
        %shift_left3A_693 = vector.broadcast %shift_left3A_692 : i32 to vector<16xi32>
        %shift_left3A_694 = arith.shli %get3A_682, %shift_left3A_693 : vector<16xi32>
        %bitcast_convert_type3A_695 = tpu.bitcast %shift_left3A_694 : vector<16xi32> -> vector<16xf32>
        %add3A_696 = arith.addf %add3A_672, %bitcast_convert_type3A_695 : vector<16xf32>
        %scan3A_697 = arith.constant 6 : i32
        %scan3A_698 = arith.addi %scan3A_553, %scan3A_697 : i32
        %get3A_699 = arith.index_cast %scan3A_698 : i32 to index
        %get3A_700 = arith.constant 0 : index
        %get3A_701 = tpu.vector_load %arg13[%get3A_699, %get3A_700] {strides = array<i32>} : memref<80x32xi32, #tpu.memory_space<vmem>>, vector<1x16xi32>,
        %get3A_702 = vector.shape_cast %get3A_701 : vector<1x16xi32> to vector<16xi32>
        %get3A_703 = arith.index_cast %scan3A_698 : i32 to index
        %get3A_704 = arith.constant 16 : index
        %get3A_705 = tpu.vector_load %arg13[%get3A_703, %get3A_704] {strides = array<i32>} : memref<80x32xi32, #tpu.memory_space<vmem>>, vector<1x16xi32>,
        %get3A_706 = vector.shape_cast %get3A_705 : vector<1x16xi32> to vector<16xi32>
        %bitcast_convert_type3A_707 = tpu.bitcast %get3A_702 : vector<16xi32> -> vector<16xf32>
        %add3A_708 = arith.addf %add3A_684, %bitcast_convert_type3A_707 : vector<16xf32>
        %bitcast_convert_type3A_709 = tpu.bitcast %get3A_706 : vector<16xi32> -> vector<16xf32>
        %add3A_710 = arith.addf %add3A_686, %bitcast_convert_type3A_709 : vector<16xf32>
        %shift_left3A_711 = arith.constant 16 : i32
        %shift_left3A_712 = vector.broadcast %shift_left3A_711 : i32 to vector<16xi32>
        %shift_left3A_713 = arith.shli %get3A_702, %shift_left3A_712 : vector<16xi32>
        %bitcast_convert_type3A_714 = tpu.bitcast %shift_left3A_713 : vector<16xi32> -> vector<16xf32>
        %add3A_715 = arith.addf %add3A_691, %bitcast_convert_type3A_714 : vector<16xf32>
        %shift_left3A_716 = arith.constant 16 : i32
        %shift_left3A_717 = vector.broadcast %shift_left3A_716 : i32 to vector<16xi32>
        %shift_left3A_718 = arith.shli %get3A_706, %shift_left3A_717 : vector<16xi32>
        %bitcast_convert_type3A_719 = tpu.bitcast %shift_left3A_718 : vector<16xi32> -> vector<16xf32>
        %add3A_720 = arith.addf %add3A_696, %bitcast_convert_type3A_719 : vector<16xf32>
        %scan3A_721 = arith.constant 7 : i32
        %scan3A_722 = arith.addi %scan3A_553, %scan3A_721 : i32
        %get3A_723 = arith.index_cast %scan3A_722 : i32 to index
        %get3A_724 = arith.constant 0 : index
        %get3A_725 = tpu.vector_load %arg13[%get3A_723, %get3A_724] {strides = array<i32>} : memref<80x32xi32, #tpu.memory_space<vmem>>, vector<1x16xi32>,
        %get3A_726 = vector.shape_cast %get3A_725 : vector<1x16xi32> to vector<16xi32>
        %get3A_727 = arith.index_cast %scan3A_722 : i32 to index
        %get3A_728 = arith.constant 16 : index
        %get3A_729 = tpu.vector_load %arg13[%get3A_727, %get3A_728] {strides = array<i32>} : memref<80x32xi32, #tpu.memory_space<vmem>>, vector<1x16xi32>,
        %get3A_730 = vector.shape_cast %get3A_729 : vector<1x16xi32> to vector<16xi32>
        %bitcast_convert_type3A_731 = tpu.bitcast %get3A_726 : vector<16xi32> -> vector<16xf32>
        %add3A_732 = arith.addf %add3A_708, %bitcast_convert_type3A_731 : vector<16xf32>
        %bitcast_convert_type3A_733 = tpu.bitcast %get3A_730 : vector<16xi32> -> vector<16xf32>
        %add3A_734 = arith.addf %add3A_710, %bitcast_convert_type3A_733 : vector<16xf32>
        %shift_left3A_735 = arith.constant 16 : i32
        %shift_left3A_736 = vector.broadcast %shift_left3A_735 : i32 to vector<16xi32>
        %shift_left3A_737 = arith.shli %get3A_726, %shift_left3A_736 : vector<16xi32>
        %bitcast_convert_type3A_738 = tpu.bitcast %shift_left3A_737 : vector<16xi32> -> vector<16xf32>
        %add3A_739 = arith.addf %add3A_715, %bitcast_convert_type3A_738 : vector<16xf32>
        %shift_left3A_740 = arith.constant 16 : i32
        %shift_left3A_741 = vector.broadcast %shift_left3A_740 : i32 to vector<16xi32>
        %shift_left3A_742 = arith.shli %get3A_730, %shift_left3A_741 : vector<16xi32>
        %bitcast_convert_type3A_743 = tpu.bitcast %shift_left3A_742 : vector<16xi32> -> vector<16xf32>
        %add3A_744 = arith.addf %add3A_720, %bitcast_convert_type3A_743 : vector<16xf32>
        scf.yield %add3A_732, %add3A_734, %add3A_739, %add3A_744 : vector<16xf32>, vector<16xf32>, vector<16xf32>, vector<16xf32>
      }
      %scan3A_300 = arith.constant 40 : i32
      %scan3A_301 = arith.constant 40 : i32
      %scan3A_302 = arith.constant 40 : i32
      %scan3A_303 = arith.addi %scan3A_301, %scan3A_302 : i32
      %scan3A_304 = arith.constant 8 : i32
      %scan3A_305:4 = scf.for %scan3A_553 = %scan3A_301 to %scan3A_303 step %scan3A_304 iter_args(%scan3A_554 = %broadcast_in_dim3A_107, %scan3A_555 = %broadcast_in_dim3A_109, %scan3A_556 = %broadcast_in_dim3A_111, %scan3A_557 = %broadcast_in_dim3A_113) -> (vector<16xf32>, vector<16xf32>, vector<16xf32>, vector<16xf32>)  : i32 {
        %get3A = arith.index_cast %scan3A_553 : i32 to index
        %get3A_558 = arith.constant 0 : index
        %get3A_559 = tpu.vector_load %arg13[%get3A, %get3A_558] {strides = array<i32>} : memref<80x32xi32, #tpu.memory_space<vmem>>, vector<1x16xi32>,
        %get3A_560 = vector.shape_cast %get3A_559 : vector<1x16xi32> to vector<16xi32>
        %get3A_561 = arith.index_cast %scan3A_553 : i32 to index
        %get3A_562 = arith.constant 16 : index
        %get3A_563 = tpu.vector_load %arg13[%get3A_561, %get3A_562] {strides = array<i32>} : memref<80x32xi32, #tpu.memory_space<vmem>>, vector<1x16xi32>,
        %get3A_564 = vector.shape_cast %get3A_563 : vector<1x16xi32> to vector<16xi32>
        %bitcast_convert_type3A = tpu.bitcast %get3A_560 : vector<16xi32> -> vector<16xf32>
        %add3A_565 = arith.addf %scan3A_554, %bitcast_convert_type3A : vector<16xf32>
        %bitcast_convert_type3A_566 = tpu.bitcast %get3A_564 : vector<16xi32> -> vector<16xf32>
        %add3A_567 = arith.addf %scan3A_555, %bitcast_convert_type3A_566 : vector<16xf32>
        %shift_left3A = arith.constant 16 : i32
        %shift_left3A_568 = vector.broadcast %shift_left3A : i32 to vector<16xi32>
        %shift_left3A_569 = arith.shli %get3A_560, %shift_left3A_568 : vector<16xi32>
        %bitcast_convert_type3A_570 = tpu.bitcast %shift_left3A_569 : vector<16xi32> -> vector<16xf32>
        %add3A_571 = arith.addf %scan3A_556, %bitcast_convert_type3A_570 : vector<16xf32>
        %shift_left3A_572 = arith.constant 16 : i32
        %shift_left3A_573 = vector.broadcast %shift_left3A_572 : i32 to vector<16xi32>
        %shift_left3A_574 = arith.shli %get3A_564, %shift_left3A_573 : vector<16xi32>
        %bitcast_convert_type3A_575 = tpu.bitcast %shift_left3A_574 : vector<16xi32> -> vector<16xf32>
        %add3A_576 = arith.addf %scan3A_557, %bitcast_convert_type3A_575 : vector<16xf32>
        %scan3A_577 = arith.constant 1 : i32
        %scan3A_578 = arith.addi %scan3A_553, %scan3A_577 : i32
        %get3A_579 = arith.index_cast %scan3A_578 : i32 to index
        %get3A_580 = arith.constant 0 : index
        %get3A_581 = tpu.vector_load %arg13[%get3A_579, %get3A_580] {strides = array<i32>} : memref<80x32xi32, #tpu.memory_space<vmem>>, vector<1x16xi32>,
        %get3A_582 = vector.shape_cast %get3A_581 : vector<1x16xi32> to vector<16xi32>
        %get3A_583 = arith.index_cast %scan3A_578 : i32 to index
        %get3A_584 = arith.constant 16 : index
        %get3A_585 = tpu.vector_load %arg13[%get3A_583, %get3A_584] {strides = array<i32>} : memref<80x32xi32, #tpu.memory_space<vmem>>, vector<1x16xi32>,
        %get3A_586 = vector.shape_cast %get3A_585 : vector<1x16xi32> to vector<16xi32>
        %bitcast_convert_type3A_587 = tpu.bitcast %get3A_582 : vector<16xi32> -> vector<16xf32>
        %add3A_588 = arith.addf %add3A_565, %bitcast_convert_type3A_587 : vector<16xf32>
        %bitcast_convert_type3A_589 = tpu.bitcast %get3A_586 : vector<16xi32> -> vector<16xf32>
        %add3A_590 = arith.addf %add3A_567, %bitcast_convert_type3A_589 : vector<16xf32>
        %shift_left3A_591 = arith.constant 16 : i32
        %shift_left3A_592 = vector.broadcast %shift_left3A_591 : i32 to vector<16xi32>
        %shift_left3A_593 = arith.shli %get3A_582, %shift_left3A_592 : vector<16xi32>
        %bitcast_convert_type3A_594 = tpu.bitcast %shift_left3A_593 : vector<16xi32> -> vector<16xf32>
        %add3A_595 = arith.addf %add3A_571, %bitcast_convert_type3A_594 : vector<16xf32>
        %shift_left3A_596 = arith.constant 16 : i32
        %shift_left3A_597 = vector.broadcast %shift_left3A_596 : i32 to vector<16xi32>
        %shift_left3A_598 = arith.shli %get3A_586, %shift_left3A_597 : vector<16xi32>
        %bitcast_convert_type3A_599 = tpu.bitcast %shift_left3A_598 : vector<16xi32> -> vector<16xf32>
        %add3A_600 = arith.addf %add3A_576, %bitcast_convert_type3A_599 : vector<16xf32>
        %scan3A_601 = arith.constant 2 : i32
        %scan3A_602 = arith.addi %scan3A_553, %scan3A_601 : i32
        %get3A_603 = arith.index_cast %scan3A_602 : i32 to index
        %get3A_604 = arith.constant 0 : index
        %get3A_605 = tpu.vector_load %arg13[%get3A_603, %get3A_604] {strides = array<i32>} : memref<80x32xi32, #tpu.memory_space<vmem>>, vector<1x16xi32>,
        %get3A_606 = vector.shape_cast %get3A_605 : vector<1x16xi32> to vector<16xi32>
        %get3A_607 = arith.index_cast %scan3A_602 : i32 to index
        %get3A_608 = arith.constant 16 : index
        %get3A_609 = tpu.vector_load %arg13[%get3A_607, %get3A_608] {strides = array<i32>} : memref<80x32xi32, #tpu.memory_space<vmem>>, vector<1x16xi32>,
        %get3A_610 = vector.shape_cast %get3A_609 : vector<1x16xi32> to vector<16xi32>
        %bitcast_convert_type3A_611 = tpu.bitcast %get3A_606 : vector<16xi32> -> vector<16xf32>
        %add3A_612 = arith.addf %add3A_588, %bitcast_convert_type3A_611 : vector<16xf32>
        %bitcast_convert_type3A_613 = tpu.bitcast %get3A_610 : vector<16xi32> -> vector<16xf32>
        %add3A_614 = arith.addf %add3A_590, %bitcast_convert_type3A_613 : vector<16xf32>
        %shift_left3A_615 = arith.constant 16 : i32
        %shift_left3A_616 = vector.broadcast %shift_left3A_615 : i32 to vector<16xi32>
        %shift_left3A_617 = arith.shli %get3A_606, %shift_left3A_616 : vector<16xi32>
        %bitcast_convert_type3A_618 = tpu.bitcast %shift_left3A_617 : vector<16xi32> -> vector<16xf32>
        %add3A_619 = arith.addf %add3A_595, %bitcast_convert_type3A_618 : vector<16xf32>
        %shift_left3A_620 = arith.constant 16 : i32
        %shift_left3A_621 = vector.broadcast %shift_left3A_620 : i32 to vector<16xi32>
        %shift_left3A_622 = arith.shli %get3A_610, %shift_left3A_621 : vector<16xi32>
        %bitcast_convert_type3A_623 = tpu.bitcast %shift_left3A_622 : vector<16xi32> -> vector<16xf32>
        %add3A_624 = arith.addf %add3A_600, %bitcast_convert_type3A_623 : vector<16xf32>
        %scan3A_625 = arith.constant 3 : i32
        %scan3A_626 = arith.addi %scan3A_553, %scan3A_625 : i32
        %get3A_627 = arith.index_cast %scan3A_626 : i32 to index
        %get3A_628 = arith.constant 0 : index
        %get3A_629 = tpu.vector_load %arg13[%get3A_627, %get3A_628] {strides = array<i32>} : memref<80x32xi32, #tpu.memory_space<vmem>>, vector<1x16xi32>,
        %get3A_630 = vector.shape_cast %get3A_629 : vector<1x16xi32> to vector<16xi32>
        %get3A_631 = arith.index_cast %scan3A_626 : i32 to index
        %get3A_632 = arith.constant 16 : index
        %get3A_633 = tpu.vector_load %arg13[%get3A_631, %get3A_632] {strides = array<i32>} : memref<80x32xi32, #tpu.memory_space<vmem>>, vector<1x16xi32>,
        %get3A_634 = vector.shape_cast %get3A_633 : vector<1x16xi32> to vector<16xi32>
        %bitcast_convert_type3A_635 = tpu.bitcast %get3A_630 : vector<16xi32> -> vector<16xf32>
        %add3A_636 = arith.addf %add3A_612, %bitcast_convert_type3A_635 : vector<16xf32>
        %bitcast_convert_type3A_637 = tpu.bitcast %get3A_634 : vector<16xi32> -> vector<16xf32>
        %add3A_638 = arith.addf %add3A_614, %bitcast_convert_type3A_637 : vector<16xf32>
        %shift_left3A_639 = arith.constant 16 : i32
        %shift_left3A_640 = vector.broadcast %shift_left3A_639 : i32 to vector<16xi32>
        %shift_left3A_641 = arith.shli %get3A_630, %shift_left3A_640 : vector<16xi32>
        %bitcast_convert_type3A_642 = tpu.bitcast %shift_left3A_641 : vector<16xi32> -> vector<16xf32>
        %add3A_643 = arith.addf %add3A_619, %bitcast_convert_type3A_642 : vector<16xf32>
        %shift_left3A_644 = arith.constant 16 : i32
        %shift_left3A_645 = vector.broadcast %shift_left3A_644 : i32 to vector<16xi32>
        %shift_left3A_646 = arith.shli %get3A_634, %shift_left3A_645 : vector<16xi32>
        %bitcast_convert_type3A_647 = tpu.bitcast %shift_left3A_646 : vector<16xi32> -> vector<16xf32>
        %add3A_648 = arith.addf %add3A_624, %bitcast_convert_type3A_647 : vector<16xf32>
        %scan3A_649 = arith.constant 4 : i32
        %scan3A_650 = arith.addi %scan3A_553, %scan3A_649 : i32
        %get3A_651 = arith.index_cast %scan3A_650 : i32 to index
        %get3A_652 = arith.constant 0 : index
        %get3A_653 = tpu.vector_load %arg13[%get3A_651, %get3A_652] {strides = array<i32>} : memref<80x32xi32, #tpu.memory_space<vmem>>, vector<1x16xi32>,
        %get3A_654 = vector.shape_cast %get3A_653 : vector<1x16xi32> to vector<16xi32>
        %get3A_655 = arith.index_cast %scan3A_650 : i32 to index
        %get3A_656 = arith.constant 16 : index
        %get3A_657 = tpu.vector_load %arg13[%get3A_655, %get3A_656] {strides = array<i32>} : memref<80x32xi32, #tpu.memory_space<vmem>>, vector<1x16xi32>,
        %get3A_658 = vector.shape_cast %get3A_657 : vector<1x16xi32> to vector<16xi32>
        %bitcast_convert_type3A_659 = tpu.bitcast %get3A_654 : vector<16xi32> -> vector<16xf32>
        %add3A_660 = arith.addf %add3A_636, %bitcast_convert_type3A_659 : vector<16xf32>
        %bitcast_convert_type3A_661 = tpu.bitcast %get3A_658 : vector<16xi32> -> vector<16xf32>
        %add3A_662 = arith.addf %add3A_638, %bitcast_convert_type3A_661 : vector<16xf32>
        %shift_left3A_663 = arith.constant 16 : i32
        %shift_left3A_664 = vector.broadcast %shift_left3A_663 : i32 to vector<16xi32>
        %shift_left3A_665 = arith.shli %get3A_654, %shift_left3A_664 : vector<16xi32>
        %bitcast_convert_type3A_666 = tpu.bitcast %shift_left3A_665 : vector<16xi32> -> vector<16xf32>
        %add3A_667 = arith.addf %add3A_643, %bitcast_convert_type3A_666 : vector<16xf32>
        %shift_left3A_668 = arith.constant 16 : i32
        %shift_left3A_669 = vector.broadcast %shift_left3A_668 : i32 to vector<16xi32>
        %shift_left3A_670 = arith.shli %get3A_658, %shift_left3A_669 : vector<16xi32>
        %bitcast_convert_type3A_671 = tpu.bitcast %shift_left3A_670 : vector<16xi32> -> vector<16xf32>
        %add3A_672 = arith.addf %add3A_648, %bitcast_convert_type3A_671 : vector<16xf32>
        %scan3A_673 = arith.constant 5 : i32
        %scan3A_674 = arith.addi %scan3A_553, %scan3A_673 : i32
        %get3A_675 = arith.index_cast %scan3A_674 : i32 to index
        %get3A_676 = arith.constant 0 : index
        %get3A_677 = tpu.vector_load %arg13[%get3A_675, %get3A_676] {strides = array<i32>} : memref<80x32xi32, #tpu.memory_space<vmem>>, vector<1x16xi32>,
        %get3A_678 = vector.shape_cast %get3A_677 : vector<1x16xi32> to vector<16xi32>
        %get3A_679 = arith.index_cast %scan3A_674 : i32 to index
        %get3A_680 = arith.constant 16 : index
        %get3A_681 = tpu.vector_load %arg13[%get3A_679, %get3A_680] {strides = array<i32>} : memref<80x32xi32, #tpu.memory_space<vmem>>, vector<1x16xi32>,
        %get3A_682 = vector.shape_cast %get3A_681 : vector<1x16xi32> to vector<16xi32>
        %bitcast_convert_type3A_683 = tpu.bitcast %get3A_678 : vector<16xi32> -> vector<16xf32>
        %add3A_684 = arith.addf %add3A_660, %bitcast_convert_type3A_683 : vector<16xf32>
        %bitcast_convert_type3A_685 = tpu.bitcast %get3A_682 : vector<16xi32> -> vector<16xf32>
        %add3A_686 = arith.addf %add3A_662, %bitcast_convert_type3A_685 : vector<16xf32>
        %shift_left3A_687 = arith.constant 16 : i32
        %shift_left3A_688 = vector.broadcast %shift_left3A_687 : i32 to vector<16xi32>
        %shift_left3A_689 = arith.shli %get3A_678, %shift_left3A_688 : vector<16xi32>
        %bitcast_convert_type3A_690 = tpu.bitcast %shift_left3A_689 : vector<16xi32> -> vector<16xf32>
        %add3A_691 = arith.addf %add3A_667, %bitcast_convert_type3A_690 : vector<16xf32>
        %shift_left3A_692 = arith.constant 16 : i32
        %shift_left3A_693 = vector.broadcast %shift_left3A_692 : i32 to vector<16xi32>
        %shift_left3A_694 = arith.shli %get3A_682, %shift_left3A_693 : vector<16xi32>
        %bitcast_convert_type3A_695 = tpu.bitcast %shift_left3A_694 : vector<16xi32> -> vector<16xf32>
        %add3A_696 = arith.addf %add3A_672, %bitcast_convert_type3A_695 : vector<16xf32>
        %scan3A_697 = arith.constant 6 : i32
        %scan3A_698 = arith.addi %scan3A_553, %scan3A_697 : i32
        %get3A_699 = arith.index_cast %scan3A_698 : i32 to index
        %get3A_700 = arith.constant 0 : index
        %get3A_701 = tpu.vector_load %arg13[%get3A_699, %get3A_700] {strides = array<i32>} : memref<80x32xi32, #tpu.memory_space<vmem>>, vector<1x16xi32>,
        %get3A_702 = vector.shape_cast %get3A_701 : vector<1x16xi32> to vector<16xi32>
        %get3A_703 = arith.index_cast %scan3A_698 : i32 to index
        %get3A_704 = arith.constant 16 : index
        %get3A_705 = tpu.vector_load %arg13[%get3A_703, %get3A_704] {strides = array<i32>} : memref<80x32xi32, #tpu.memory_space<vmem>>, vector<1x16xi32>,
        %get3A_706 = vector.shape_cast %get3A_705 : vector<1x16xi32> to vector<16xi32>
        %bitcast_convert_type3A_707 = tpu.bitcast %get3A_702 : vector<16xi32> -> vector<16xf32>
        %add3A_708 = arith.addf %add3A_684, %bitcast_convert_type3A_707 : vector<16xf32>
        %bitcast_convert_type3A_709 = tpu.bitcast %get3A_706 : vector<16xi32> -> vector<16xf32>
        %add3A_710 = arith.addf %add3A_686, %bitcast_convert_type3A_709 : vector<16xf32>
        %shift_left3A_711 = arith.constant 16 : i32
        %shift_left3A_712 = vector.broadcast %shift_left3A_711 : i32 to vector<16xi32>
        %shift_left3A_713 = arith.shli %get3A_702, %shift_left3A_712 : vector<16xi32>
        %bitcast_convert_type3A_714 = tpu.bitcast %shift_left3A_713 : vector<16xi32> -> vector<16xf32>
        %add3A_715 = arith.addf %add3A_691, %bitcast_convert_type3A_714 : vector<16xf32>
        %shift_left3A_716 = arith.constant 16 : i32
        %shift_left3A_717 = vector.broadcast %shift_left3A_716 : i32 to vector<16xi32>
        %shift_left3A_718 = arith.shli %get3A_706, %shift_left3A_717 : vector<16xi32>
        %bitcast_convert_type3A_719 = tpu.bitcast %shift_left3A_718 : vector<16xi32> -> vector<16xf32>
        %add3A_720 = arith.addf %add3A_696, %bitcast_convert_type3A_719 : vector<16xf32>
        %scan3A_721 = arith.constant 7 : i32
        %scan3A_722 = arith.addi %scan3A_553, %scan3A_721 : i32
        %get3A_723 = arith.index_cast %scan3A_722 : i32 to index
        %get3A_724 = arith.constant 0 : index
        %get3A_725 = tpu.vector_load %arg13[%get3A_723, %get3A_724] {strides = array<i32>} : memref<80x32xi32, #tpu.memory_space<vmem>>, vector<1x16xi32>,
        %get3A_726 = vector.shape_cast %get3A_725 : vector<1x16xi32> to vector<16xi32>
        %get3A_727 = arith.index_cast %scan3A_722 : i32 to index
        %get3A_728 = arith.constant 16 : index
        %get3A_729 = tpu.vector_load %arg13[%get3A_727, %get3A_728] {strides = array<i32>} : memref<80x32xi32, #tpu.memory_space<vmem>>, vector<1x16xi32>,
        %get3A_730 = vector.shape_cast %get3A_729 : vector<1x16xi32> to vector<16xi32>
        %bitcast_convert_type3A_731 = tpu.bitcast %get3A_726 : vector<16xi32> -> vector<16xf32>
        %add3A_732 = arith.addf %add3A_708, %bitcast_convert_type3A_731 : vector<16xf32>
        %bitcast_convert_type3A_733 = tpu.bitcast %get3A_730 : vector<16xi32> -> vector<16xf32>
        %add3A_734 = arith.addf %add3A_710, %bitcast_convert_type3A_733 : vector<16xf32>
        %shift_left3A_735 = arith.constant 16 : i32
        %shift_left3A_736 = vector.broadcast %shift_left3A_735 : i32 to vector<16xi32>
        %shift_left3A_737 = arith.shli %get3A_726, %shift_left3A_736 : vector<16xi32>
        %bitcast_convert_type3A_738 = tpu.bitcast %shift_left3A_737 : vector<16xi32> -> vector<16xf32>
        %add3A_739 = arith.addf %add3A_715, %bitcast_convert_type3A_738 : vector<16xf32>
        %shift_left3A_740 = arith.constant 16 : i32
        %shift_left3A_741 = vector.broadcast %shift_left3A_740 : i32 to vector<16xi32>
        %shift_left3A_742 = arith.shli %get3A_730, %shift_left3A_741 : vector<16xi32>
        %bitcast_convert_type3A_743 = tpu.bitcast %shift_left3A_742 : vector<16xi32> -> vector<16xf32>
        %add3A_744 = arith.addf %add3A_720, %bitcast_convert_type3A_743 : vector<16xf32>
        scf.yield %add3A_732, %add3A_734, %add3A_739, %add3A_744 : vector<16xf32>, vector<16xf32>, vector<16xf32>, vector<16xf32>
      }
      %scan3A_306 = arith.constant 40 : i32
      %add3A_307 = arith.constant 10 : i32
      %add3A_308 = arith.addi %add3A_287, %add3A_307 : i32
      %lt3A_309 = arith.constant 320 : i32
      %lt3A_310 = arith.cmpi slt, %add3A_308, %lt3A_309 : i32
      %convert_element_type3A_311 = arith.extui %lt3A_310 : i1 to i32
      %cond3A_312 = arith.constant 0 : i32
      %cond3A_313 = arith.cmpi ne, %convert_element_type3A_311, %cond3A_312 : i32
      scf.if %cond3A_313 {
        %add3A_553 = arith.constant 10 : i32
        %add3A_554 = arith.addi %add3A_287, %add3A_553 : i32
        %dma_start3A_555 = arith.constant 0 : i32
        %dma_start3A_556 = tpu.memref_slice %arg5[%add3A_554, %dma_start3A_555] : memref<320x80xi32, #tpu.memory_space<vmem>> -> memref<1x80xi32, #tpu.memory_space<vmem>>
        %dma_start3A_557 = tpu.memref_squeeze %dma_start3A_556 : memref<1x80xi32, #tpu.memory_space<vmem>> -> memref<80xi32, #tpu.memory_space<vmem>>
        %dma_start3A_558 = arith.constant 0 : i32
        %dma_start3A_559 = arith.constant 0 : i32
        %dma_start3A_560 = tpu.memref_slice %arg3[%dma_start3A_558, %dma_start3A_559] : memref<1015808x32xi32, #tpu.memory_space<hbm>> -> memref<1015808x32xi32, #tpu.memory_space<hbm>>
        tpu.enqueue_indirect_dma source(%dma_start3A_560 : memref<1015808x32xi32, #tpu.memory_space<hbm>>) target(%arg13 : memref<80x32xi32, #tpu.memory_space<vmem>>) offsets(%dma_start3A_557 : memref<80xi32, #tpu.memory_space<vmem>>) semaphore(%arg24 : memref<!tpu.dma_semaphore, #tpu.memory_space<semaphore_mem>>)
      } else {
      }
      %mul3A_314 = arith.constant 10 : i32
      %mul3A_315 = arith.muli %add3A_82, %mul3A_314 : i32
      %add3A_316 = arith.constant 8 : i32
      %add3A_317 = arith.addi %mul3A_315, %add3A_316 : i32
      %dma_wait3A_318 = arith.constant 0 : i32
      %dma_wait3A_319 = arith.constant 0 : i32
      %dma_wait3A_320 = tpu.memref_slice %arg5[%dma_wait3A_318, %dma_wait3A_319] : memref<320x80xi32, #tpu.memory_space<vmem>> -> memref<1x80xi32, #tpu.memory_space<vmem>>
      %dma_wait3A_321 = tpu.memref_squeeze %dma_wait3A_320 : memref<1x80xi32, #tpu.memory_space<vmem>> -> memref<80xi32, #tpu.memory_space<vmem>>
      %dma_wait3A_322 = arith.constant 0 : i32
      %dma_wait3A_323 = arith.constant 0 : i32
      %dma_wait3A_324 = tpu.memref_slice %arg3[%dma_wait3A_322, %dma_wait3A_323] : memref<1015808x32xi32, #tpu.memory_space<hbm>> -> memref<1015808x32xi32, #tpu.memory_space<hbm>>
      tpu.wait_indirect_dma semaphore(%arg25 : memref<!tpu.dma_semaphore, #tpu.memory_space<semaphore_mem>>) src(%dma_wait3A_324 : memref<1015808x32xi32, #tpu.memory_space<hbm>>) dst(%arg14 : memref<80x32xi32, #tpu.memory_space<vmem>>)
      %scan3A_325 = arith.constant 0 : i32
      %scan3A_326 = arith.constant 80 : i32
      %scan3A_327 = arith.addi %scan3A_325, %scan3A_326 : i32
      %scan3A_328 = arith.constant 8 : i32
      %scan3A_329:4 = scf.for %scan3A_553 = %scan3A_325 to %scan3A_327 step %scan3A_328 iter_args(%scan3A_554 = %scan3A_305#0, %scan3A_555 = %scan3A_305#1, %scan3A_556 = %scan3A_305#2, %scan3A_557 = %scan3A_305#3) -> (vector<16xf32>, vector<16xf32>, vector<16xf32>, vector<16xf32>)  : i32 {
        %get3A = arith.index_cast %scan3A_553 : i32 to index
        %get3A_558 = arith.constant 0 : index
        %get3A_559 = tpu.vector_load %arg14[%get3A, %get3A_558] {strides = array<i32>} : memref<80x32xi32, #tpu.memory_space<vmem>>, vector<1x16xi32>,
        %get3A_560 = vector.shape_cast %get3A_559 : vector<1x16xi32> to vector<16xi32>
        %get3A_561 = arith.index_cast %scan3A_553 : i32 to index
        %get3A_562 = arith.constant 16 : index
        %get3A_563 = tpu.vector_load %arg14[%get3A_561, %get3A_562] {strides = array<i32>} : memref<80x32xi32, #tpu.memory_space<vmem>>, vector<1x16xi32>,
        %get3A_564 = vector.shape_cast %get3A_563 : vector<1x16xi32> to vector<16xi32>
        %bitcast_convert_type3A = tpu.bitcast %get3A_560 : vector<16xi32> -> vector<16xf32>
        %add3A_565 = arith.addf %scan3A_554, %bitcast_convert_type3A : vector<16xf32>
        %bitcast_convert_type3A_566 = tpu.bitcast %get3A_564 : vector<16xi32> -> vector<16xf32>
        %add3A_567 = arith.addf %scan3A_555, %bitcast_convert_type3A_566 : vector<16xf32>
        %shift_left3A = arith.constant 16 : i32
        %shift_left3A_568 = vector.broadcast %shift_left3A : i32 to vector<16xi32>
        %shift_left3A_569 = arith.shli %get3A_560, %shift_left3A_568 : vector<16xi32>
        %bitcast_convert_type3A_570 = tpu.bitcast %shift_left3A_569 : vector<16xi32> -> vector<16xf32>
        %add3A_571 = arith.addf %scan3A_556, %bitcast_convert_type3A_570 : vector<16xf32>
        %shift_left3A_572 = arith.constant 16 : i32
        %shift_left3A_573 = vector.broadcast %shift_left3A_572 : i32 to vector<16xi32>
        %shift_left3A_574 = arith.shli %get3A_564, %shift_left3A_573 : vector<16xi32>
        %bitcast_convert_type3A_575 = tpu.bitcast %shift_left3A_574 : vector<16xi32> -> vector<16xf32>
        %add3A_576 = arith.addf %scan3A_557, %bitcast_convert_type3A_575 : vector<16xf32>
        %scan3A_577 = arith.constant 1 : i32
        %scan3A_578 = arith.addi %scan3A_553, %scan3A_577 : i32
        %get3A_579 = arith.index_cast %scan3A_578 : i32 to index
        %get3A_580 = arith.constant 0 : index
        %get3A_581 = tpu.vector_load %arg14[%get3A_579, %get3A_580] {strides = array<i32>} : memref<80x32xi32, #tpu.memory_space<vmem>>, vector<1x16xi32>,
        %get3A_582 = vector.shape_cast %get3A_581 : vector<1x16xi32> to vector<16xi32>
        %get3A_583 = arith.index_cast %scan3A_578 : i32 to index
        %get3A_584 = arith.constant 16 : index
        %get3A_585 = tpu.vector_load %arg14[%get3A_583, %get3A_584] {strides = array<i32>} : memref<80x32xi32, #tpu.memory_space<vmem>>, vector<1x16xi32>,
        %get3A_586 = vector.shape_cast %get3A_585 : vector<1x16xi32> to vector<16xi32>
        %bitcast_convert_type3A_587 = tpu.bitcast %get3A_582 : vector<16xi32> -> vector<16xf32>
        %add3A_588 = arith.addf %add3A_565, %bitcast_convert_type3A_587 : vector<16xf32>
        %bitcast_convert_type3A_589 = tpu.bitcast %get3A_586 : vector<16xi32> -> vector<16xf32>
        %add3A_590 = arith.addf %add3A_567, %bitcast_convert_type3A_589 : vector<16xf32>
        %shift_left3A_591 = arith.constant 16 : i32
        %shift_left3A_592 = vector.broadcast %shift_left3A_591 : i32 to vector<16xi32>
        %shift_left3A_593 = arith.shli %get3A_582, %shift_left3A_592 : vector<16xi32>
        %bitcast_convert_type3A_594 = tpu.bitcast %shift_left3A_593 : vector<16xi32> -> vector<16xf32>
        %add3A_595 = arith.addf %add3A_571, %bitcast_convert_type3A_594 : vector<16xf32>
        %shift_left3A_596 = arith.constant 16 : i32
        %shift_left3A_597 = vector.broadcast %shift_left3A_596 : i32 to vector<16xi32>
        %shift_left3A_598 = arith.shli %get3A_586, %shift_left3A_597 : vector<16xi32>
        %bitcast_convert_type3A_599 = tpu.bitcast %shift_left3A_598 : vector<16xi32> -> vector<16xf32>
        %add3A_600 = arith.addf %add3A_576, %bitcast_convert_type3A_599 : vector<16xf32>
        %scan3A_601 = arith.constant 2 : i32
        %scan3A_602 = arith.addi %scan3A_553, %scan3A_601 : i32
        %get3A_603 = arith.index_cast %scan3A_602 : i32 to index
        %get3A_604 = arith.constant 0 : index
        %get3A_605 = tpu.vector_load %arg14[%get3A_603, %get3A_604] {strides = array<i32>} : memref<80x32xi32, #tpu.memory_space<vmem>>, vector<1x16xi32>,
        %get3A_606 = vector.shape_cast %get3A_605 : vector<1x16xi32> to vector<16xi32>
        %get3A_607 = arith.index_cast %scan3A_602 : i32 to index
        %get3A_608 = arith.constant 16 : index
        %get3A_609 = tpu.vector_load %arg14[%get3A_607, %get3A_608] {strides = array<i32>} : memref<80x32xi32, #tpu.memory_space<vmem>>, vector<1x16xi32>,
        %get3A_610 = vector.shape_cast %get3A_609 : vector<1x16xi32> to vector<16xi32>
        %bitcast_convert_type3A_611 = tpu.bitcast %get3A_606 : vector<16xi32> -> vector<16xf32>
        %add3A_612 = arith.addf %add3A_588, %bitcast_convert_type3A_611 : vector<16xf32>
        %bitcast_convert_type3A_613 = tpu.bitcast %get3A_610 : vector<16xi32> -> vector<16xf32>
        %add3A_614 = arith.addf %add3A_590, %bitcast_convert_type3A_613 : vector<16xf32>
        %shift_left3A_615 = arith.constant 16 : i32
        %shift_left3A_616 = vector.broadcast %shift_left3A_615 : i32 to vector<16xi32>
        %shift_left3A_617 = arith.shli %get3A_606, %shift_left3A_616 : vector<16xi32>
        %bitcast_convert_type3A_618 = tpu.bitcast %shift_left3A_617 : vector<16xi32> -> vector<16xf32>
        %add3A_619 = arith.addf %add3A_595, %bitcast_convert_type3A_618 : vector<16xf32>
        %shift_left3A_620 = arith.constant 16 : i32
        %shift_left3A_621 = vector.broadcast %shift_left3A_620 : i32 to vector<16xi32>
        %shift_left3A_622 = arith.shli %get3A_610, %shift_left3A_621 : vector<16xi32>
        %bitcast_convert_type3A_623 = tpu.bitcast %shift_left3A_622 : vector<16xi32> -> vector<16xf32>
        %add3A_624 = arith.addf %add3A_600, %bitcast_convert_type3A_623 : vector<16xf32>
        %scan3A_625 = arith.constant 3 : i32
        %scan3A_626 = arith.addi %scan3A_553, %scan3A_625 : i32
        %get3A_627 = arith.index_cast %scan3A_626 : i32 to index
        %get3A_628 = arith.constant 0 : index
        %get3A_629 = tpu.vector_load %arg14[%get3A_627, %get3A_628] {strides = array<i32>} : memref<80x32xi32, #tpu.memory_space<vmem>>, vector<1x16xi32>,
        %get3A_630 = vector.shape_cast %get3A_629 : vector<1x16xi32> to vector<16xi32>
        %get3A_631 = arith.index_cast %scan3A_626 : i32 to index
        %get3A_632 = arith.constant 16 : index
        %get3A_633 = tpu.vector_load %arg14[%get3A_631, %get3A_632] {strides = array<i32>} : memref<80x32xi32, #tpu.memory_space<vmem>>, vector<1x16xi32>,
        %get3A_634 = vector.shape_cast %get3A_633 : vector<1x16xi32> to vector<16xi32>
        %bitcast_convert_type3A_635 = tpu.bitcast %get3A_630 : vector<16xi32> -> vector<16xf32>
        %add3A_636 = arith.addf %add3A_612, %bitcast_convert_type3A_635 : vector<16xf32>
        %bitcast_convert_type3A_637 = tpu.bitcast %get3A_634 : vector<16xi32> -> vector<16xf32>
        %add3A_638 = arith.addf %add3A_614, %bitcast_convert_type3A_637 : vector<16xf32>
        %shift_left3A_639 = arith.constant 16 : i32
        %shift_left3A_640 = vector.broadcast %shift_left3A_639 : i32 to vector<16xi32>
        %shift_left3A_641 = arith.shli %get3A_630, %shift_left3A_640 : vector<16xi32>
        %bitcast_convert_type3A_642 = tpu.bitcast %shift_left3A_641 : vector<16xi32> -> vector<16xf32>
        %add3A_643 = arith.addf %add3A_619, %bitcast_convert_type3A_642 : vector<16xf32>
        %shift_left3A_644 = arith.constant 16 : i32
        %shift_left3A_645 = vector.broadcast %shift_left3A_644 : i32 to vector<16xi32>
        %shift_left3A_646 = arith.shli %get3A_634, %shift_left3A_645 : vector<16xi32>
        %bitcast_convert_type3A_647 = tpu.bitcast %shift_left3A_646 : vector<16xi32> -> vector<16xf32>
        %add3A_648 = arith.addf %add3A_624, %bitcast_convert_type3A_647 : vector<16xf32>
        %scan3A_649 = arith.constant 4 : i32
        %scan3A_650 = arith.addi %scan3A_553, %scan3A_649 : i32
        %get3A_651 = arith.index_cast %scan3A_650 : i32 to index
        %get3A_652 = arith.constant 0 : index
        %get3A_653 = tpu.vector_load %arg14[%get3A_651, %get3A_652] {strides = array<i32>} : memref<80x32xi32, #tpu.memory_space<vmem>>, vector<1x16xi32>,
        %get3A_654 = vector.shape_cast %get3A_653 : vector<1x16xi32> to vector<16xi32>
        %get3A_655 = arith.index_cast %scan3A_650 : i32 to index
        %get3A_656 = arith.constant 16 : index
        %get3A_657 = tpu.vector_load %arg14[%get3A_655, %get3A_656] {strides = array<i32>} : memref<80x32xi32, #tpu.memory_space<vmem>>, vector<1x16xi32>,
        %get3A_658 = vector.shape_cast %get3A_657 : vector<1x16xi32> to vector<16xi32>
        %bitcast_convert_type3A_659 = tpu.bitcast %get3A_654 : vector<16xi32> -> vector<16xf32>
        %add3A_660 = arith.addf %add3A_636, %bitcast_convert_type3A_659 : vector<16xf32>
        %bitcast_convert_type3A_661 = tpu.bitcast %get3A_658 : vector<16xi32> -> vector<16xf32>
        %add3A_662 = arith.addf %add3A_638, %bitcast_convert_type3A_661 : vector<16xf32>
        %shift_left3A_663 = arith.constant 16 : i32
        %shift_left3A_664 = vector.broadcast %shift_left3A_663 : i32 to vector<16xi32>
        %shift_left3A_665 = arith.shli %get3A_654, %shift_left3A_664 : vector<16xi32>
        %bitcast_convert_type3A_666 = tpu.bitcast %shift_left3A_665 : vector<16xi32> -> vector<16xf32>
        %add3A_667 = arith.addf %add3A_643, %bitcast_convert_type3A_666 : vector<16xf32>
        %shift_left3A_668 = arith.constant 16 : i32
        %shift_left3A_669 = vector.broadcast %shift_left3A_668 : i32 to vector<16xi32>
        %shift_left3A_670 = arith.shli %get3A_658, %shift_left3A_669 : vector<16xi32>
        %bitcast_convert_type3A_671 = tpu.bitcast %shift_left3A_670 : vector<16xi32> -> vector<16xf32>
        %add3A_672 = arith.addf %add3A_648, %bitcast_convert_type3A_671 : vector<16xf32>
        %scan3A_673 = arith.constant 5 : i32
        %scan3A_674 = arith.addi %scan3A_553, %scan3A_673 : i32
        %get3A_675 = arith.index_cast %scan3A_674 : i32 to index
        %get3A_676 = arith.constant 0 : index
        %get3A_677 = tpu.vector_load %arg14[%get3A_675, %get3A_676] {strides = array<i32>} : memref<80x32xi32, #tpu.memory_space<vmem>>, vector<1x16xi32>,
        %get3A_678 = vector.shape_cast %get3A_677 : vector<1x16xi32> to vector<16xi32>
        %get3A_679 = arith.index_cast %scan3A_674 : i32 to index
        %get3A_680 = arith.constant 16 : index
        %get3A_681 = tpu.vector_load %arg14[%get3A_679, %get3A_680] {strides = array<i32>} : memref<80x32xi32, #tpu.memory_space<vmem>>, vector<1x16xi32>,
        %get3A_682 = vector.shape_cast %get3A_681 : vector<1x16xi32> to vector<16xi32>
        %bitcast_convert_type3A_683 = tpu.bitcast %get3A_678 : vector<16xi32> -> vector<16xf32>
        %add3A_684 = arith.addf %add3A_660, %bitcast_convert_type3A_683 : vector<16xf32>
        %bitcast_convert_type3A_685 = tpu.bitcast %get3A_682 : vector<16xi32> -> vector<16xf32>
        %add3A_686 = arith.addf %add3A_662, %bitcast_convert_type3A_685 : vector<16xf32>
        %shift_left3A_687 = arith.constant 16 : i32
        %shift_left3A_688 = vector.broadcast %shift_left3A_687 : i32 to vector<16xi32>
        %shift_left3A_689 = arith.shli %get3A_678, %shift_left3A_688 : vector<16xi32>
        %bitcast_convert_type3A_690 = tpu.bitcast %shift_left3A_689 : vector<16xi32> -> vector<16xf32>
        %add3A_691 = arith.addf %add3A_667, %bitcast_convert_type3A_690 : vector<16xf32>
        %shift_left3A_692 = arith.constant 16 : i32
        %shift_left3A_693 = vector.broadcast %shift_left3A_692 : i32 to vector<16xi32>
        %shift_left3A_694 = arith.shli %get3A_682, %shift_left3A_693 : vector<16xi32>
        %bitcast_convert_type3A_695 = tpu.bitcast %shift_left3A_694 : vector<16xi32> -> vector<16xf32>
        %add3A_696 = arith.addf %add3A_672, %bitcast_convert_type3A_695 : vector<16xf32>
        %scan3A_697 = arith.constant 6 : i32
        %scan3A_698 = arith.addi %scan3A_553, %scan3A_697 : i32
        %get3A_699 = arith.index_cast %scan3A_698 : i32 to index
        %get3A_700 = arith.constant 0 : index
        %get3A_701 = tpu.vector_load %arg14[%get3A_699, %get3A_700] {strides = array<i32>} : memref<80x32xi32, #tpu.memory_space<vmem>>, vector<1x16xi32>,
        %get3A_702 = vector.shape_cast %get3A_701 : vector<1x16xi32> to vector<16xi32>
        %get3A_703 = arith.index_cast %scan3A_698 : i32 to index
        %get3A_704 = arith.constant 16 : index
        %get3A_705 = tpu.vector_load %arg14[%get3A_703, %get3A_704] {strides = array<i32>} : memref<80x32xi32, #tpu.memory_space<vmem>>, vector<1x16xi32>,
        %get3A_706 = vector.shape_cast %get3A_705 : vector<1x16xi32> to vector<16xi32>
        %bitcast_convert_type3A_707 = tpu.bitcast %get3A_702 : vector<16xi32> -> vector<16xf32>
        %add3A_708 = arith.addf %add3A_684, %bitcast_convert_type3A_707 : vector<16xf32>
        %bitcast_convert_type3A_709 = tpu.bitcast %get3A_706 : vector<16xi32> -> vector<16xf32>
        %add3A_710 = arith.addf %add3A_686, %bitcast_convert_type3A_709 : vector<16xf32>
        %shift_left3A_711 = arith.constant 16 : i32
        %shift_left3A_712 = vector.broadcast %shift_left3A_711 : i32 to vector<16xi32>
        %shift_left3A_713 = arith.shli %get3A_702, %shift_left3A_712 : vector<16xi32>
        %bitcast_convert_type3A_714 = tpu.bitcast %shift_left3A_713 : vector<16xi32> -> vector<16xf32>
        %add3A_715 = arith.addf %add3A_691, %bitcast_convert_type3A_714 : vector<16xf32>
        %shift_left3A_716 = arith.constant 16 : i32
        %shift_left3A_717 = vector.broadcast %shift_left3A_716 : i32 to vector<16xi32>
        %shift_left3A_718 = arith.shli %get3A_706, %shift_left3A_717 : vector<16xi32>
        %bitcast_convert_type3A_719 = tpu.bitcast %shift_left3A_718 : vector<16xi32> -> vector<16xf32>
        %add3A_720 = arith.addf %add3A_696, %bitcast_convert_type3A_719 : vector<16xf32>
        %scan3A_721 = arith.constant 7 : i32
        %scan3A_722 = arith.addi %scan3A_553, %scan3A_721 : i32
        %get3A_723 = arith.index_cast %scan3A_722 : i32 to index
        %get3A_724 = arith.constant 0 : index
        %get3A_725 = tpu.vector_load %arg14[%get3A_723, %get3A_724] {strides = array<i32>} : memref<80x32xi32, #tpu.memory_space<vmem>>, vector<1x16xi32>,
        %get3A_726 = vector.shape_cast %get3A_725 : vector<1x16xi32> to vector<16xi32>
        %get3A_727 = arith.index_cast %scan3A_722 : i32 to index
        %get3A_728 = arith.constant 16 : index
        %get3A_729 = tpu.vector_load %arg14[%get3A_727, %get3A_728] {strides = array<i32>} : memref<80x32xi32, #tpu.memory_space<vmem>>, vector<1x16xi32>,
        %get3A_730 = vector.shape_cast %get3A_729 : vector<1x16xi32> to vector<16xi32>
        %bitcast_convert_type3A_731 = tpu.bitcast %get3A_726 : vector<16xi32> -> vector<16xf32>
        %add3A_732 = arith.addf %add3A_708, %bitcast_convert_type3A_731 : vector<16xf32>
        %bitcast_convert_type3A_733 = tpu.bitcast %get3A_730 : vector<16xi32> -> vector<16xf32>
        %add3A_734 = arith.addf %add3A_710, %bitcast_convert_type3A_733 : vector<16xf32>
        %shift_left3A_735 = arith.constant 16 : i32
        %shift_left3A_736 = vector.broadcast %shift_left3A_735 : i32 to vector<16xi32>
        %shift_left3A_737 = arith.shli %get3A_726, %shift_left3A_736 : vector<16xi32>
        %bitcast_convert_type3A_738 = tpu.bitcast %shift_left3A_737 : vector<16xi32> -> vector<16xf32>
        %add3A_739 = arith.addf %add3A_715, %bitcast_convert_type3A_738 : vector<16xf32>
        %shift_left3A_740 = arith.constant 16 : i32
        %shift_left3A_741 = vector.broadcast %shift_left3A_740 : i32 to vector<16xi32>
        %shift_left3A_742 = arith.shli %get3A_730, %shift_left3A_741 : vector<16xi32>
        %bitcast_convert_type3A_743 = tpu.bitcast %shift_left3A_742 : vector<16xi32> -> vector<16xf32>
        %add3A_744 = arith.addf %add3A_720, %bitcast_convert_type3A_743 : vector<16xf32>
        scf.yield %add3A_732, %add3A_734, %add3A_739, %add3A_744 : vector<16xf32>, vector<16xf32>, vector<16xf32>, vector<16xf32>
      }
      %scan3A_330 = arith.constant 80 : i32
      %add3A_331 = arith.constant 10 : i32
      %add3A_332 = arith.addi %add3A_317, %add3A_331 : i32
      %lt3A_333 = arith.constant 320 : i32
      %lt3A_334 = arith.cmpi slt, %add3A_332, %lt3A_333 : i32
      %convert_element_type3A_335 = arith.extui %lt3A_334 : i1 to i32
      %cond3A_336 = arith.constant 0 : i32
      %cond3A_337 = arith.cmpi ne, %convert_element_type3A_335, %cond3A_336 : i32
      scf.if %cond3A_337 {
        %add3A_553 = arith.constant 10 : i32
        %add3A_554 = arith.addi %add3A_317, %add3A_553 : i32
        %dma_start3A_555 = arith.constant 0 : i32
        %dma_start3A_556 = tpu.memref_slice %arg5[%add3A_554, %dma_start3A_555] : memref<320x80xi32, #tpu.memory_space<vmem>> -> memref<1x80xi32, #tpu.memory_space<vmem>>
        %dma_start3A_557 = tpu.memref_squeeze %dma_start3A_556 : memref<1x80xi32, #tpu.memory_space<vmem>> -> memref<80xi32, #tpu.memory_space<vmem>>
        %dma_start3A_558 = arith.constant 0 : i32
        %dma_start3A_559 = arith.constant 0 : i32
        %dma_start3A_560 = tpu.memref_slice %arg3[%dma_start3A_558, %dma_start3A_559] : memref<1015808x32xi32, #tpu.memory_space<hbm>> -> memref<1015808x32xi32, #tpu.memory_space<hbm>>
        tpu.enqueue_indirect_dma source(%dma_start3A_560 : memref<1015808x32xi32, #tpu.memory_space<hbm>>) target(%arg14 : memref<80x32xi32, #tpu.memory_space<vmem>>) offsets(%dma_start3A_557 : memref<80xi32, #tpu.memory_space<vmem>>) semaphore(%arg25 : memref<!tpu.dma_semaphore, #tpu.memory_space<semaphore_mem>>)
      } else {
      }
      %mul3A_338 = arith.constant 10 : i32
      %mul3A_339 = arith.muli %add3A_82, %mul3A_338 : i32
      %add3A_340 = arith.constant 9 : i32
      %add3A_341 = arith.addi %mul3A_339, %add3A_340 : i32
      %dma_wait3A_342 = arith.constant 0 : i32
      %dma_wait3A_343 = arith.constant 0 : i32
      %dma_wait3A_344 = tpu.memref_slice %arg5[%dma_wait3A_342, %dma_wait3A_343] : memref<320x80xi32, #tpu.memory_space<vmem>> -> memref<1x80xi32, #tpu.memory_space<vmem>>
      %dma_wait3A_345 = tpu.memref_squeeze %dma_wait3A_344 : memref<1x80xi32, #tpu.memory_space<vmem>> -> memref<80xi32, #tpu.memory_space<vmem>>
      %dma_wait3A_346 = arith.constant 0 : i32
      %dma_wait3A_347 = arith.constant 0 : i32
      %dma_wait3A_348 = tpu.memref_slice %arg3[%dma_wait3A_346, %dma_wait3A_347] : memref<1015808x32xi32, #tpu.memory_space<hbm>> -> memref<1015808x32xi32, #tpu.memory_space<hbm>>
      tpu.wait_indirect_dma semaphore(%arg26 : memref<!tpu.dma_semaphore, #tpu.memory_space<semaphore_mem>>) src(%dma_wait3A_348 : memref<1015808x32xi32, #tpu.memory_space<hbm>>) dst(%arg15 : memref<80x32xi32, #tpu.memory_space<vmem>>)
      %scan3A_349 = arith.constant 0 : i32
      %scan3A_350 = arith.constant 80 : i32
      %scan3A_351 = arith.addi %scan3A_349, %scan3A_350 : i32
      %scan3A_352 = arith.constant 8 : i32
      %scan3A_353:4 = scf.for %scan3A_553 = %scan3A_349 to %scan3A_351 step %scan3A_352 iter_args(%scan3A_554 = %scan3A_329#0, %scan3A_555 = %scan3A_329#1, %scan3A_556 = %scan3A_329#2, %scan3A_557 = %scan3A_329#3) -> (vector<16xf32>, vector<16xf32>, vector<16xf32>, vector<16xf32>)  : i32 {
        %get3A = arith.index_cast %scan3A_553 : i32 to index
        %get3A_558 = arith.constant 0 : index
        %get3A_559 = tpu.vector_load %arg15[%get3A, %get3A_558] {strides = array<i32>} : memref<80x32xi32, #tpu.memory_space<vmem>>, vector<1x16xi32>,
        %get3A_560 = vector.shape_cast %get3A_559 : vector<1x16xi32> to vector<16xi32>
        %get3A_561 = arith.index_cast %scan3A_553 : i32 to index
        %get3A_562 = arith.constant 16 : index
        %get3A_563 = tpu.vector_load %arg15[%get3A_561, %get3A_562] {strides = array<i32>} : memref<80x32xi32, #tpu.memory_space<vmem>>, vector<1x16xi32>,
        %get3A_564 = vector.shape_cast %get3A_563 : vector<1x16xi32> to vector<16xi32>
        %bitcast_convert_type3A = tpu.bitcast %get3A_560 : vector<16xi32> -> vector<16xf32>
        %add3A_565 = arith.addf %scan3A_554, %bitcast_convert_type3A : vector<16xf32>
        %bitcast_convert_type3A_566 = tpu.bitcast %get3A_564 : vector<16xi32> -> vector<16xf32>
        %add3A_567 = arith.addf %scan3A_555, %bitcast_convert_type3A_566 : vector<16xf32>
        %shift_left3A = arith.constant 16 : i32
        %shift_left3A_568 = vector.broadcast %shift_left3A : i32 to vector<16xi32>
        %shift_left3A_569 = arith.shli %get3A_560, %shift_left3A_568 : vector<16xi32>
        %bitcast_convert_type3A_570 = tpu.bitcast %shift_left3A_569 : vector<16xi32> -> vector<16xf32>
        %add3A_571 = arith.addf %scan3A_556, %bitcast_convert_type3A_570 : vector<16xf32>
        %shift_left3A_572 = arith.constant 16 : i32
        %shift_left3A_573 = vector.broadcast %shift_left3A_572 : i32 to vector<16xi32>
        %shift_left3A_574 = arith.shli %get3A_564, %shift_left3A_573 : vector<16xi32>
        %bitcast_convert_type3A_575 = tpu.bitcast %shift_left3A_574 : vector<16xi32> -> vector<16xf32>
        %add3A_576 = arith.addf %scan3A_557, %bitcast_convert_type3A_575 : vector<16xf32>
        %scan3A_577 = arith.constant 1 : i32
        %scan3A_578 = arith.addi %scan3A_553, %scan3A_577 : i32
        %get3A_579 = arith.index_cast %scan3A_578 : i32 to index
        %get3A_580 = arith.constant 0 : index
        %get3A_581 = tpu.vector_load %arg15[%get3A_579, %get3A_580] {strides = array<i32>} : memref<80x32xi32, #tpu.memory_space<vmem>>, vector<1x16xi32>,
        %get3A_582 = vector.shape_cast %get3A_581 : vector<1x16xi32> to vector<16xi32>
        %get3A_583 = arith.index_cast %scan3A_578 : i32 to index
        %get3A_584 = arith.constant 16 : index
        %get3A_585 = tpu.vector_load %arg15[%get3A_583, %get3A_584] {strides = array<i32>} : memref<80x32xi32, #tpu.memory_space<vmem>>, vector<1x16xi32>,
        %get3A_586 = vector.shape_cast %get3A_585 : vector<1x16xi32> to vector<16xi32>
        %bitcast_convert_type3A_587 = tpu.bitcast %get3A_582 : vector<16xi32> -> vector<16xf32>
        %add3A_588 = arith.addf %add3A_565, %bitcast_convert_type3A_587 : vector<16xf32>
        %bitcast_convert_type3A_589 = tpu.bitcast %get3A_586 : vector<16xi32> -> vector<16xf32>
        %add3A_590 = arith.addf %add3A_567, %bitcast_convert_type3A_589 : vector<16xf32>
        %shift_left3A_591 = arith.constant 16 : i32
        %shift_left3A_592 = vector.broadcast %shift_left3A_591 : i32 to vector<16xi32>
        %shift_left3A_593 = arith.shli %get3A_582, %shift_left3A_592 : vector<16xi32>
        %bitcast_convert_type3A_594 = tpu.bitcast %shift_left3A_593 : vector<16xi32> -> vector<16xf32>
        %add3A_595 = arith.addf %add3A_571, %bitcast_convert_type3A_594 : vector<16xf32>
        %shift_left3A_596 = arith.constant 16 : i32
        %shift_left3A_597 = vector.broadcast %shift_left3A_596 : i32 to vector<16xi32>
        %shift_left3A_598 = arith.shli %get3A_586, %shift_left3A_597 : vector<16xi32>
        %bitcast_convert_type3A_599 = tpu.bitcast %shift_left3A_598 : vector<16xi32> -> vector<16xf32>
        %add3A_600 = arith.addf %add3A_576, %bitcast_convert_type3A_599 : vector<16xf32>
        %scan3A_601 = arith.constant 2 : i32
        %scan3A_602 = arith.addi %scan3A_553, %scan3A_601 : i32
        %get3A_603 = arith.index_cast %scan3A_602 : i32 to index
        %get3A_604 = arith.constant 0 : index
        %get3A_605 = tpu.vector_load %arg15[%get3A_603, %get3A_604] {strides = array<i32>} : memref<80x32xi32, #tpu.memory_space<vmem>>, vector<1x16xi32>,
        %get3A_606 = vector.shape_cast %get3A_605 : vector<1x16xi32> to vector<16xi32>
        %get3A_607 = arith.index_cast %scan3A_602 : i32 to index
        %get3A_608 = arith.constant 16 : index
        %get3A_609 = tpu.vector_load %arg15[%get3A_607, %get3A_608] {strides = array<i32>} : memref<80x32xi32, #tpu.memory_space<vmem>>, vector<1x16xi32>,
        %get3A_610 = vector.shape_cast %get3A_609 : vector<1x16xi32> to vector<16xi32>
        %bitcast_convert_type3A_611 = tpu.bitcast %get3A_606 : vector<16xi32> -> vector<16xf32>
        %add3A_612 = arith.addf %add3A_588, %bitcast_convert_type3A_611 : vector<16xf32>
        %bitcast_convert_type3A_613 = tpu.bitcast %get3A_610 : vector<16xi32> -> vector<16xf32>
        %add3A_614 = arith.addf %add3A_590, %bitcast_convert_type3A_613 : vector<16xf32>
        %shift_left3A_615 = arith.constant 16 : i32
        %shift_left3A_616 = vector.broadcast %shift_left3A_615 : i32 to vector<16xi32>
        %shift_left3A_617 = arith.shli %get3A_606, %shift_left3A_616 : vector<16xi32>
        %bitcast_convert_type3A_618 = tpu.bitcast %shift_left3A_617 : vector<16xi32> -> vector<16xf32>
        %add3A_619 = arith.addf %add3A_595, %bitcast_convert_type3A_618 : vector<16xf32>
        %shift_left3A_620 = arith.constant 16 : i32
        %shift_left3A_621 = vector.broadcast %shift_left3A_620 : i32 to vector<16xi32>
        %shift_left3A_622 = arith.shli %get3A_610, %shift_left3A_621 : vector<16xi32>
        %bitcast_convert_type3A_623 = tpu.bitcast %shift_left3A_622 : vector<16xi32> -> vector<16xf32>
        %add3A_624 = arith.addf %add3A_600, %bitcast_convert_type3A_623 : vector<16xf32>
        %scan3A_625 = arith.constant 3 : i32
        %scan3A_626 = arith.addi %scan3A_553, %scan3A_625 : i32
        %get3A_627 = arith.index_cast %scan3A_626 : i32 to index
        %get3A_628 = arith.constant 0 : index
        %get3A_629 = tpu.vector_load %arg15[%get3A_627, %get3A_628] {strides = array<i32>} : memref<80x32xi32, #tpu.memory_space<vmem>>, vector<1x16xi32>,
        %get3A_630 = vector.shape_cast %get3A_629 : vector<1x16xi32> to vector<16xi32>
        %get3A_631 = arith.index_cast %scan3A_626 : i32 to index
        %get3A_632 = arith.constant 16 : index
        %get3A_633 = tpu.vector_load %arg15[%get3A_631, %get3A_632] {strides = array<i32>} : memref<80x32xi32, #tpu.memory_space<vmem>>, vector<1x16xi32>,
        %get3A_634 = vector.shape_cast %get3A_633 : vector<1x16xi32> to vector<16xi32>
        %bitcast_convert_type3A_635 = tpu.bitcast %get3A_630 : vector<16xi32> -> vector<16xf32>
        %add3A_636 = arith.addf %add3A_612, %bitcast_convert_type3A_635 : vector<16xf32>
        %bitcast_convert_type3A_637 = tpu.bitcast %get3A_634 : vector<16xi32> -> vector<16xf32>
        %add3A_638 = arith.addf %add3A_614, %bitcast_convert_type3A_637 : vector<16xf32>
        %shift_left3A_639 = arith.constant 16 : i32
        %shift_left3A_640 = vector.broadcast %shift_left3A_639 : i32 to vector<16xi32>
        %shift_left3A_641 = arith.shli %get3A_630, %shift_left3A_640 : vector<16xi32>
        %bitcast_convert_type3A_642 = tpu.bitcast %shift_left3A_641 : vector<16xi32> -> vector<16xf32>
        %add3A_643 = arith.addf %add3A_619, %bitcast_convert_type3A_642 : vector<16xf32>
        %shift_left3A_644 = arith.constant 16 : i32
        %shift_left3A_645 = vector.broadcast %shift_left3A_644 : i32 to vector<16xi32>
        %shift_left3A_646 = arith.shli %get3A_634, %shift_left3A_645 : vector<16xi32>
        %bitcast_convert_type3A_647 = tpu.bitcast %shift_left3A_646 : vector<16xi32> -> vector<16xf32>
        %add3A_648 = arith.addf %add3A_624, %bitcast_convert_type3A_647 : vector<16xf32>
        %scan3A_649 = arith.constant 4 : i32
        %scan3A_650 = arith.addi %scan3A_553, %scan3A_649 : i32
        %get3A_651 = arith.index_cast %scan3A_650 : i32 to index
        %get3A_652 = arith.constant 0 : index
        %get3A_653 = tpu.vector_load %arg15[%get3A_651, %get3A_652] {strides = array<i32>} : memref<80x32xi32, #tpu.memory_space<vmem>>, vector<1x16xi32>,
        %get3A_654 = vector.shape_cast %get3A_653 : vector<1x16xi32> to vector<16xi32>
        %get3A_655 = arith.index_cast %scan3A_650 : i32 to index
        %get3A_656 = arith.constant 16 : index
        %get3A_657 = tpu.vector_load %arg15[%get3A_655, %get3A_656] {strides = array<i32>} : memref<80x32xi32, #tpu.memory_space<vmem>>, vector<1x16xi32>,
        %get3A_658 = vector.shape_cast %get3A_657 : vector<1x16xi32> to vector<16xi32>
        %bitcast_convert_type3A_659 = tpu.bitcast %get3A_654 : vector<16xi32> -> vector<16xf32>
        %add3A_660 = arith.addf %add3A_636, %bitcast_convert_type3A_659 : vector<16xf32>
        %bitcast_convert_type3A_661 = tpu.bitcast %get3A_658 : vector<16xi32> -> vector<16xf32>
        %add3A_662 = arith.addf %add3A_638, %bitcast_convert_type3A_661 : vector<16xf32>
        %shift_left3A_663 = arith.constant 16 : i32
        %shift_left3A_664 = vector.broadcast %shift_left3A_663 : i32 to vector<16xi32>
        %shift_left3A_665 = arith.shli %get3A_654, %shift_left3A_664 : vector<16xi32>
        %bitcast_convert_type3A_666 = tpu.bitcast %shift_left3A_665 : vector<16xi32> -> vector<16xf32>
        %add3A_667 = arith.addf %add3A_643, %bitcast_convert_type3A_666 : vector<16xf32>
        %shift_left3A_668 = arith.constant 16 : i32
        %shift_left3A_669 = vector.broadcast %shift_left3A_668 : i32 to vector<16xi32>
        %shift_left3A_670 = arith.shli %get3A_658, %shift_left3A_669 : vector<16xi32>
        %bitcast_convert_type3A_671 = tpu.bitcast %shift_left3A_670 : vector<16xi32> -> vector<16xf32>
        %add3A_672 = arith.addf %add3A_648, %bitcast_convert_type3A_671 : vector<16xf32>
        %scan3A_673 = arith.constant 5 : i32
        %scan3A_674 = arith.addi %scan3A_553, %scan3A_673 : i32
        %get3A_675 = arith.index_cast %scan3A_674 : i32 to index
        %get3A_676 = arith.constant 0 : index
        %get3A_677 = tpu.vector_load %arg15[%get3A_675, %get3A_676] {strides = array<i32>} : memref<80x32xi32, #tpu.memory_space<vmem>>, vector<1x16xi32>,
        %get3A_678 = vector.shape_cast %get3A_677 : vector<1x16xi32> to vector<16xi32>
        %get3A_679 = arith.index_cast %scan3A_674 : i32 to index
        %get3A_680 = arith.constant 16 : index
        %get3A_681 = tpu.vector_load %arg15[%get3A_679, %get3A_680] {strides = array<i32>} : memref<80x32xi32, #tpu.memory_space<vmem>>, vector<1x16xi32>,
        %get3A_682 = vector.shape_cast %get3A_681 : vector<1x16xi32> to vector<16xi32>
        %bitcast_convert_type3A_683 = tpu.bitcast %get3A_678 : vector<16xi32> -> vector<16xf32>
        %add3A_684 = arith.addf %add3A_660, %bitcast_convert_type3A_683 : vector<16xf32>
        %bitcast_convert_type3A_685 = tpu.bitcast %get3A_682 : vector<16xi32> -> vector<16xf32>
        %add3A_686 = arith.addf %add3A_662, %bitcast_convert_type3A_685 : vector<16xf32>
        %shift_left3A_687 = arith.constant 16 : i32
        %shift_left3A_688 = vector.broadcast %shift_left3A_687 : i32 to vector<16xi32>
        %shift_left3A_689 = arith.shli %get3A_678, %shift_left3A_688 : vector<16xi32>
        %bitcast_convert_type3A_690 = tpu.bitcast %shift_left3A_689 : vector<16xi32> -> vector<16xf32>
        %add3A_691 = arith.addf %add3A_667, %bitcast_convert_type3A_690 : vector<16xf32>
        %shift_left3A_692 = arith.constant 16 : i32
        %shift_left3A_693 = vector.broadcast %shift_left3A_692 : i32 to vector<16xi32>
        %shift_left3A_694 = arith.shli %get3A_682, %shift_left3A_693 : vector<16xi32>
        %bitcast_convert_type3A_695 = tpu.bitcast %shift_left3A_694 : vector<16xi32> -> vector<16xf32>
        %add3A_696 = arith.addf %add3A_672, %bitcast_convert_type3A_695 : vector<16xf32>
        %scan3A_697 = arith.constant 6 : i32
        %scan3A_698 = arith.addi %scan3A_553, %scan3A_697 : i32
        %get3A_699 = arith.index_cast %scan3A_698 : i32 to index
        %get3A_700 = arith.constant 0 : index
        %get3A_701 = tpu.vector_load %arg15[%get3A_699, %get3A_700] {strides = array<i32>} : memref<80x32xi32, #tpu.memory_space<vmem>>, vector<1x16xi32>,
        %get3A_702 = vector.shape_cast %get3A_701 : vector<1x16xi32> to vector<16xi32>
        %get3A_703 = arith.index_cast %scan3A_698 : i32 to index
        %get3A_704 = arith.constant 16 : index
        %get3A_705 = tpu.vector_load %arg15[%get3A_703, %get3A_704] {strides = array<i32>} : memref<80x32xi32, #tpu.memory_space<vmem>>, vector<1x16xi32>,
        %get3A_706 = vector.shape_cast %get3A_705 : vector<1x16xi32> to vector<16xi32>
        %bitcast_convert_type3A_707 = tpu.bitcast %get3A_702 : vector<16xi32> -> vector<16xf32>
        %add3A_708 = arith.addf %add3A_684, %bitcast_convert_type3A_707 : vector<16xf32>
        %bitcast_convert_type3A_709 = tpu.bitcast %get3A_706 : vector<16xi32> -> vector<16xf32>
        %add3A_710 = arith.addf %add3A_686, %bitcast_convert_type3A_709 : vector<16xf32>
        %shift_left3A_711 = arith.constant 16 : i32
        %shift_left3A_712 = vector.broadcast %shift_left3A_711 : i32 to vector<16xi32>
        %shift_left3A_713 = arith.shli %get3A_702, %shift_left3A_712 : vector<16xi32>
        %bitcast_convert_type3A_714 = tpu.bitcast %shift_left3A_713 : vector<16xi32> -> vector<16xf32>
        %add3A_715 = arith.addf %add3A_691, %bitcast_convert_type3A_714 : vector<16xf32>
        %shift_left3A_716 = arith.constant 16 : i32
        %shift_left3A_717 = vector.broadcast %shift_left3A_716 : i32 to vector<16xi32>
        %shift_left3A_718 = arith.shli %get3A_706, %shift_left3A_717 : vector<16xi32>
        %bitcast_convert_type3A_719 = tpu.bitcast %shift_left3A_718 : vector<16xi32> -> vector<16xf32>
        %add3A_720 = arith.addf %add3A_696, %bitcast_convert_type3A_719 : vector<16xf32>
        %scan3A_721 = arith.constant 7 : i32
        %scan3A_722 = arith.addi %scan3A_553, %scan3A_721 : i32
        %get3A_723 = arith.index_cast %scan3A_722 : i32 to index
        %get3A_724 = arith.constant 0 : index
        %get3A_725 = tpu.vector_load %arg15[%get3A_723, %get3A_724] {strides = array<i32>} : memref<80x32xi32, #tpu.memory_space<vmem>>, vector<1x16xi32>,
        %get3A_726 = vector.shape_cast %get3A_725 : vector<1x16xi32> to vector<16xi32>
        %get3A_727 = arith.index_cast %scan3A_722 : i32 to index
        %get3A_728 = arith.constant 16 : index
        %get3A_729 = tpu.vector_load %arg15[%get3A_727, %get3A_728] {strides = array<i32>} : memref<80x32xi32, #tpu.memory_space<vmem>>, vector<1x16xi32>,
        %get3A_730 = vector.shape_cast %get3A_729 : vector<1x16xi32> to vector<16xi32>
        %bitcast_convert_type3A_731 = tpu.bitcast %get3A_726 : vector<16xi32> -> vector<16xf32>
        %add3A_732 = arith.addf %add3A_708, %bitcast_convert_type3A_731 : vector<16xf32>
        %bitcast_convert_type3A_733 = tpu.bitcast %get3A_730 : vector<16xi32> -> vector<16xf32>
        %add3A_734 = arith.addf %add3A_710, %bitcast_convert_type3A_733 : vector<16xf32>
        %shift_left3A_735 = arith.constant 16 : i32
        %shift_left3A_736 = vector.broadcast %shift_left3A_735 : i32 to vector<16xi32>
        %shift_left3A_737 = arith.shli %get3A_726, %shift_left3A_736 : vector<16xi32>
        %bitcast_convert_type3A_738 = tpu.bitcast %shift_left3A_737 : vector<16xi32> -> vector<16xf32>
        %add3A_739 = arith.addf %add3A_715, %bitcast_convert_type3A_738 : vector<16xf32>
        %shift_left3A_740 = arith.constant 16 : i32
        %shift_left3A_741 = vector.broadcast %shift_left3A_740 : i32 to vector<16xi32>
        %shift_left3A_742 = arith.shli %get3A_730, %shift_left3A_741 : vector<16xi32>
        %bitcast_convert_type3A_743 = tpu.bitcast %shift_left3A_742 : vector<16xi32> -> vector<16xf32>
        %add3A_744 = arith.addf %add3A_720, %bitcast_convert_type3A_743 : vector<16xf32>
        scf.yield %add3A_732, %add3A_734, %add3A_739, %add3A_744 : vector<16xf32>, vector<16xf32>, vector<16xf32>, vector<16xf32>
      }
      %scan3A_354 = arith.constant 80 : i32
      %add3A_355 = arith.constant 10 : i32
      %add3A_356 = arith.addi %add3A_341, %add3A_355 : i32
      %lt3A_357 = arith.constant 320 : i32
      %lt3A_358 = arith.cmpi slt, %add3A_356, %lt3A_357 : i32
      %convert_element_type3A_359 = arith.extui %lt3A_358 : i1 to i32
      %cond3A_360 = arith.constant 0 : i32
      %cond3A_361 = arith.cmpi ne, %convert_element_type3A_359, %cond3A_360 : i32
      scf.if %cond3A_361 {
        %add3A_553 = arith.constant 10 : i32
        %add3A_554 = arith.addi %add3A_341, %add3A_553 : i32
        %dma_start3A_555 = arith.constant 0 : i32
        %dma_start3A_556 = tpu.memref_slice %arg5[%add3A_554, %dma_start3A_555] : memref<320x80xi32, #tpu.memory_space<vmem>> -> memref<1x80xi32, #tpu.memory_space<vmem>>
        %dma_start3A_557 = tpu.memref_squeeze %dma_start3A_556 : memref<1x80xi32, #tpu.memory_space<vmem>> -> memref<80xi32, #tpu.memory_space<vmem>>
        %dma_start3A_558 = arith.constant 0 : i32
        %dma_start3A_559 = arith.constant 0 : i32
        %dma_start3A_560 = tpu.memref_slice %arg3[%dma_start3A_558, %dma_start3A_559] : memref<1015808x32xi32, #tpu.memory_space<hbm>> -> memref<1015808x32xi32, #tpu.memory_space<hbm>>
        tpu.enqueue_indirect_dma source(%dma_start3A_560 : memref<1015808x32xi32, #tpu.memory_space<hbm>>) target(%arg15 : memref<80x32xi32, #tpu.memory_space<vmem>>) offsets(%dma_start3A_557 : memref<80xi32, #tpu.memory_space<vmem>>) semaphore(%arg26 : memref<!tpu.dma_semaphore, #tpu.memory_space<semaphore_mem>>)
      } else {
      }
      %mul3A_362 = arith.constant 5.000000e-03 : f32
      %mul3A_363 = vector.broadcast %mul3A_362 : f32 to vector<16xf32>
      %mul3A_364 = arith.mulf %scan3A_173#0, %mul3A_363 : vector<16xf32>
      %mul3A_365 = arith.constant 4 : i32
      %mul3A_366 = arith.muli %mul3A_365, %add3A_82 : i32
      %add3A_367 = arith.constant 0 : i32
      %add3A_368 = arith.addi %mul3A_366, %add3A_367 : i32
      %swap3A = arith.index_cast %add3A_368 : i32 to index
      %swap3A_369 = arith.constant 0 : index
      %swap3A_370 = tpu.vector_load %arg16[%swap3A, %swap3A_369] {strides = array<i32>} : memref<128x64xf32, #tpu.memory_space<vmem>>, vector<1x16xf32>,
      %swap3A_371 = vector.shape_cast %swap3A_370 : vector<1x16xf32> to vector<16xf32>
      %swap3A_372 = vector.shape_cast %mul3A_364 : vector<16xf32> to vector<1x16xf32>
      tpu.vector_store %arg16[%swap3A, %swap3A_369], %swap3A_372 {strides = array<i32>} : memref<128x64xf32, #tpu.memory_space<vmem>>, vector<1x16xf32>,
      %mul3A_373 = arith.constant 5.000000e-03 : f32
      %mul3A_374 = vector.broadcast %mul3A_373 : f32 to vector<16xf32>
      %mul3A_375 = arith.mulf %scan3A_173#1, %mul3A_374 : vector<16xf32>
      %mul3A_376 = arith.constant 4 : i32
      %mul3A_377 = arith.muli %mul3A_376, %add3A_82 : i32
      %add3A_378 = arith.constant 0 : i32
      %add3A_379 = arith.addi %mul3A_377, %add3A_378 : i32
      %swap3A_380 = arith.index_cast %add3A_379 : i32 to index
      %swap3A_381 = arith.constant 16 : index
      %swap3A_382 = tpu.vector_load %arg16[%swap3A_380, %swap3A_381] {strides = array<i32>} : memref<128x64xf32, #tpu.memory_space<vmem>>, vector<1x16xf32>,
      %swap3A_383 = vector.shape_cast %swap3A_382 : vector<1x16xf32> to vector<16xf32>
      %swap3A_384 = vector.shape_cast %mul3A_375 : vector<16xf32> to vector<1x16xf32>
      tpu.vector_store %arg16[%swap3A_380, %swap3A_381], %swap3A_384 {strides = array<i32>} : memref<128x64xf32, #tpu.memory_space<vmem>>, vector<1x16xf32>,
      %mul3A_385 = arith.constant 5.000000e-03 : f32
      %mul3A_386 = vector.broadcast %mul3A_385 : f32 to vector<16xf32>
      %mul3A_387 = arith.mulf %scan3A_173#2, %mul3A_386 : vector<16xf32>
      %mul3A_388 = arith.constant 4 : i32
      %mul3A_389 = arith.muli %mul3A_388, %add3A_82 : i32
      %add3A_390 = arith.constant 0 : i32
      %add3A_391 = arith.addi %mul3A_389, %add3A_390 : i32
      %swap3A_392 = arith.index_cast %add3A_391 : i32 to index
      %swap3A_393 = arith.constant 32 : index
      %swap3A_394 = tpu.vector_load %arg16[%swap3A_392, %swap3A_393] {strides = array<i32>} : memref<128x64xf32, #tpu.memory_space<vmem>>, vector<1x16xf32>,
      %swap3A_395 = vector.shape_cast %swap3A_394 : vector<1x16xf32> to vector<16xf32>
      %swap3A_396 = vector.shape_cast %mul3A_387 : vector<16xf32> to vector<1x16xf32>
      tpu.vector_store %arg16[%swap3A_392, %swap3A_393], %swap3A_396 {strides = array<i32>} : memref<128x64xf32, #tpu.memory_space<vmem>>, vector<1x16xf32>,
      %mul3A_397 = arith.constant 5.000000e-03 : f32
      %mul3A_398 = vector.broadcast %mul3A_397 : f32 to vector<16xf32>
      %mul3A_399 = arith.mulf %scan3A_173#3, %mul3A_398 : vector<16xf32>
      %mul3A_400 = arith.constant 4 : i32
      %mul3A_401 = arith.muli %mul3A_400, %add3A_82 : i32
      %add3A_402 = arith.constant 0 : i32
      %add3A_403 = arith.addi %mul3A_401, %add3A_402 : i32
      %swap3A_404 = arith.index_cast %add3A_403 : i32 to index
      %swap3A_405 = arith.constant 48 : index
      %swap3A_406 = tpu.vector_load %arg16[%swap3A_404, %swap3A_405] {strides = array<i32>} : memref<128x64xf32, #tpu.memory_space<vmem>>, vector<1x16xf32>,
      %swap3A_407 = vector.shape_cast %swap3A_406 : vector<1x16xf32> to vector<16xf32>
      %swap3A_408 = vector.shape_cast %mul3A_399 : vector<16xf32> to vector<1x16xf32>
      tpu.vector_store %arg16[%swap3A_404, %swap3A_405], %swap3A_408 {strides = array<i32>} : memref<128x64xf32, #tpu.memory_space<vmem>>, vector<1x16xf32>,
      %mul3A_409 = arith.constant 5.000000e-03 : f32
      %mul3A_410 = vector.broadcast %mul3A_409 : f32 to vector<16xf32>
      %mul3A_411 = arith.mulf %scan3A_227#0, %mul3A_410 : vector<16xf32>
      %mul3A_412 = arith.constant 4 : i32
      %mul3A_413 = arith.muli %mul3A_412, %add3A_82 : i32
      %add3A_414 = arith.constant 1 : i32
      %add3A_415 = arith.addi %mul3A_413, %add3A_414 : i32
      %swap3A_416 = arith.index_cast %add3A_415 : i32 to index
      %swap3A_417 = arith.constant 0 : index
      %swap3A_418 = tpu.vector_load %arg16[%swap3A_416, %swap3A_417] {strides = array<i32>} : memref<128x64xf32, #tpu.memory_space<vmem>>, vector<1x16xf32>,
      %swap3A_419 = vector.shape_cast %swap3A_418 : vector<1x16xf32> to vector<16xf32>
      %swap3A_420 = vector.shape_cast %mul3A_411 : vector<16xf32> to vector<1x16xf32>
      tpu.vector_store %arg16[%swap3A_416, %swap3A_417], %swap3A_420 {strides = array<i32>} : memref<128x64xf32, #tpu.memory_space<vmem>>, vector<1x16xf32>,
      %mul3A_421 = arith.constant 5.000000e-03 : f32
      %mul3A_422 = vector.broadcast %mul3A_421 : f32 to vector<16xf32>
      %mul3A_423 = arith.mulf %scan3A_227#1, %mul3A_422 : vector<16xf32>
      %mul3A_424 = arith.constant 4 : i32
      %mul3A_425 = arith.muli %mul3A_424, %add3A_82 : i32
      %add3A_426 = arith.constant 1 : i32
      %add3A_427 = arith.addi %mul3A_425, %add3A_426 : i32
      %swap3A_428 = arith.index_cast %add3A_427 : i32 to index
      %swap3A_429 = arith.constant 16 : index
      %swap3A_430 = tpu.vector_load %arg16[%swap3A_428, %swap3A_429] {strides = array<i32>} : memref<128x64xf32, #tpu.memory_space<vmem>>, vector<1x16xf32>,
      %swap3A_431 = vector.shape_cast %swap3A_430 : vector<1x16xf32> to vector<16xf32>
      %swap3A_432 = vector.shape_cast %mul3A_423 : vector<16xf32> to vector<1x16xf32>
      tpu.vector_store %arg16[%swap3A_428, %swap3A_429], %swap3A_432 {strides = array<i32>} : memref<128x64xf32, #tpu.memory_space<vmem>>, vector<1x16xf32>,
      %mul3A_433 = arith.constant 5.000000e-03 : f32
      %mul3A_434 = vector.broadcast %mul3A_433 : f32 to vector<16xf32>
      %mul3A_435 = arith.mulf %scan3A_227#2, %mul3A_434 : vector<16xf32>
      %mul3A_436 = arith.constant 4 : i32
      %mul3A_437 = arith.muli %mul3A_436, %add3A_82 : i32
      %add3A_438 = arith.constant 1 : i32
      %add3A_439 = arith.addi %mul3A_437, %add3A_438 : i32
      %swap3A_440 = arith.index_cast %add3A_439 : i32 to index
      %swap3A_441 = arith.constant 32 : index
      %swap3A_442 = tpu.vector_load %arg16[%swap3A_440, %swap3A_441] {strides = array<i32>} : memref<128x64xf32, #tpu.memory_space<vmem>>, vector<1x16xf32>,
      %swap3A_443 = vector.shape_cast %swap3A_442 : vector<1x16xf32> to vector<16xf32>
      %swap3A_444 = vector.shape_cast %mul3A_435 : vector<16xf32> to vector<1x16xf32>
      tpu.vector_store %arg16[%swap3A_440, %swap3A_441], %swap3A_444 {strides = array<i32>} : memref<128x64xf32, #tpu.memory_space<vmem>>, vector<1x16xf32>,
      %mul3A_445 = arith.constant 5.000000e-03 : f32
      %mul3A_446 = vector.broadcast %mul3A_445 : f32 to vector<16xf32>
      %mul3A_447 = arith.mulf %scan3A_227#3, %mul3A_446 : vector<16xf32>
      %mul3A_448 = arith.constant 4 : i32
      %mul3A_449 = arith.muli %mul3A_448, %add3A_82 : i32
      %add3A_450 = arith.constant 1 : i32
      %add3A_451 = arith.addi %mul3A_449, %add3A_450 : i32
      %swap3A_452 = arith.index_cast %add3A_451 : i32 to index
      %swap3A_453 = arith.constant 48 : index
      %swap3A_454 = tpu.vector_load %arg16[%swap3A_452, %swap3A_453] {strides = array<i32>} : memref<128x64xf32, #tpu.memory_space<vmem>>, vector<1x16xf32>,
      %swap3A_455 = vector.shape_cast %swap3A_454 : vector<1x16xf32> to vector<16xf32>
      %swap3A_456 = vector.shape_cast %mul3A_447 : vector<16xf32> to vector<1x16xf32>
      tpu.vector_store %arg16[%swap3A_452, %swap3A_453], %swap3A_456 {strides = array<i32>} : memref<128x64xf32, #tpu.memory_space<vmem>>, vector<1x16xf32>,
      %mul3A_457 = arith.constant 5.000000e-03 : f32
      %mul3A_458 = vector.broadcast %mul3A_457 : f32 to vector<16xf32>
      %mul3A_459 = arith.mulf %scan3A_299#0, %mul3A_458 : vector<16xf32>
      %mul3A_460 = arith.constant 4 : i32
      %mul3A_461 = arith.muli %mul3A_460, %add3A_82 : i32
      %add3A_462 = arith.constant 2 : i32
      %add3A_463 = arith.addi %mul3A_461, %add3A_462 : i32
      %swap3A_464 = arith.index_cast %add3A_463 : i32 to index
      %swap3A_465 = arith.constant 0 : index
      %swap3A_466 = tpu.vector_load %arg16[%swap3A_464, %swap3A_465] {strides = array<i32>} : memref<128x64xf32, #tpu.memory_space<vmem>>, vector<1x16xf32>,
      %swap3A_467 = vector.shape_cast %swap3A_466 : vector<1x16xf32> to vector<16xf32>
      %swap3A_468 = vector.shape_cast %mul3A_459 : vector<16xf32> to vector<1x16xf32>
      tpu.vector_store %arg16[%swap3A_464, %swap3A_465], %swap3A_468 {strides = array<i32>} : memref<128x64xf32, #tpu.memory_space<vmem>>, vector<1x16xf32>,
      %mul3A_469 = arith.constant 5.000000e-03 : f32
      %mul3A_470 = vector.broadcast %mul3A_469 : f32 to vector<16xf32>
      %mul3A_471 = arith.mulf %scan3A_299#1, %mul3A_470 : vector<16xf32>
      %mul3A_472 = arith.constant 4 : i32
      %mul3A_473 = arith.muli %mul3A_472, %add3A_82 : i32
      %add3A_474 = arith.constant 2 : i32
      %add3A_475 = arith.addi %mul3A_473, %add3A_474 : i32
      %swap3A_476 = arith.index_cast %add3A_475 : i32 to index
      %swap3A_477 = arith.constant 16 : index
      %swap3A_478 = tpu.vector_load %arg16[%swap3A_476, %swap3A_477] {strides = array<i32>} : memref<128x64xf32, #tpu.memory_space<vmem>>, vector<1x16xf32>,
      %swap3A_479 = vector.shape_cast %swap3A_478 : vector<1x16xf32> to vector<16xf32>
      %swap3A_480 = vector.shape_cast %mul3A_471 : vector<16xf32> to vector<1x16xf32>
      tpu.vector_store %arg16[%swap3A_476, %swap3A_477], %swap3A_480 {strides = array<i32>} : memref<128x64xf32, #tpu.memory_space<vmem>>, vector<1x16xf32>,
      %mul3A_481 = arith.constant 5.000000e-03 : f32
      %mul3A_482 = vector.broadcast %mul3A_481 : f32 to vector<16xf32>
      %mul3A_483 = arith.mulf %scan3A_299#2, %mul3A_482 : vector<16xf32>
      %mul3A_484 = arith.constant 4 : i32
      %mul3A_485 = arith.muli %mul3A_484, %add3A_82 : i32
      %add3A_486 = arith.constant 2 : i32
      %add3A_487 = arith.addi %mul3A_485, %add3A_486 : i32
      %swap3A_488 = arith.index_cast %add3A_487 : i32 to index
      %swap3A_489 = arith.constant 32 : index
      %swap3A_490 = tpu.vector_load %arg16[%swap3A_488, %swap3A_489] {strides = array<i32>} : memref<128x64xf32, #tpu.memory_space<vmem>>, vector<1x16xf32>,
      %swap3A_491 = vector.shape_cast %swap3A_490 : vector<1x16xf32> to vector<16xf32>
      %swap3A_492 = vector.shape_cast %mul3A_483 : vector<16xf32> to vector<1x16xf32>
      tpu.vector_store %arg16[%swap3A_488, %swap3A_489], %swap3A_492 {strides = array<i32>} : memref<128x64xf32, #tpu.memory_space<vmem>>, vector<1x16xf32>,
      %mul3A_493 = arith.constant 5.000000e-03 : f32
      %mul3A_494 = vector.broadcast %mul3A_493 : f32 to vector<16xf32>
      %mul3A_495 = arith.mulf %scan3A_299#3, %mul3A_494 : vector<16xf32>
      %mul3A_496 = arith.constant 4 : i32
      %mul3A_497 = arith.muli %mul3A_496, %add3A_82 : i32
      %add3A_498 = arith.constant 2 : i32
      %add3A_499 = arith.addi %mul3A_497, %add3A_498 : i32
      %swap3A_500 = arith.index_cast %add3A_499 : i32 to index
      %swap3A_501 = arith.constant 48 : index
      %swap3A_502 = tpu.vector_load %arg16[%swap3A_500, %swap3A_501] {strides = array<i32>} : memref<128x64xf32, #tpu.memory_space<vmem>>, vector<1x16xf32>,
      %swap3A_503 = vector.shape_cast %swap3A_502 : vector<1x16xf32> to vector<16xf32>
      %swap3A_504 = vector.shape_cast %mul3A_495 : vector<16xf32> to vector<1x16xf32>
      tpu.vector_store %arg16[%swap3A_500, %swap3A_501], %swap3A_504 {strides = array<i32>} : memref<128x64xf32, #tpu.memory_space<vmem>>, vector<1x16xf32>,
      %mul3A_505 = arith.constant 5.000000e-03 : f32
      %mul3A_506 = vector.broadcast %mul3A_505 : f32 to vector<16xf32>
      %mul3A_507 = arith.mulf %scan3A_353#0, %mul3A_506 : vector<16xf32>
      %mul3A_508 = arith.constant 4 : i32
      %mul3A_509 = arith.muli %mul3A_508, %add3A_82 : i32
      %add3A_510 = arith.constant 3 : i32
      %add3A_511 = arith.addi %mul3A_509, %add3A_510 : i32
      %swap3A_512 = arith.index_cast %add3A_511 : i32 to index
      %swap3A_513 = arith.constant 0 : index
      %swap3A_514 = tpu.vector_load %arg16[%swap3A_512, %swap3A_513] {strides = array<i32>} : memref<128x64xf32, #tpu.memory_space<vmem>>, vector<1x16xf32>,
      %swap3A_515 = vector.shape_cast %swap3A_514 : vector<1x16xf32> to vector<16xf32>
      %swap3A_516 = vector.shape_cast %mul3A_507 : vector<16xf32> to vector<1x16xf32>
      tpu.vector_store %arg16[%swap3A_512, %swap3A_513], %swap3A_516 {strides = array<i32>} : memref<128x64xf32, #tpu.memory_space<vmem>>, vector<1x16xf32>,
      %mul3A_517 = arith.constant 5.000000e-03 : f32
      %mul3A_518 = vector.broadcast %mul3A_517 : f32 to vector<16xf32>
      %mul3A_519 = arith.mulf %scan3A_353#1, %mul3A_518 : vector<16xf32>
      %mul3A_520 = arith.constant 4 : i32
      %mul3A_521 = arith.muli %mul3A_520, %add3A_82 : i32
      %add3A_522 = arith.constant 3 : i32
      %add3A_523 = arith.addi %mul3A_521, %add3A_522 : i32
      %swap3A_524 = arith.index_cast %add3A_523 : i32 to index
      %swap3A_525 = arith.constant 16 : index
      %swap3A_526 = tpu.vector_load %arg16[%swap3A_524, %swap3A_525] {strides = array<i32>} : memref<128x64xf32, #tpu.memory_space<vmem>>, vector<1x16xf32>,
      %swap3A_527 = vector.shape_cast %swap3A_526 : vector<1x16xf32> to vector<16xf32>
      %swap3A_528 = vector.shape_cast %mul3A_519 : vector<16xf32> to vector<1x16xf32>
      tpu.vector_store %arg16[%swap3A_524, %swap3A_525], %swap3A_528 {strides = array<i32>} : memref<128x64xf32, #tpu.memory_space<vmem>>, vector<1x16xf32>,
      %mul3A_529 = arith.constant 5.000000e-03 : f32
      %mul3A_530 = vector.broadcast %mul3A_529 : f32 to vector<16xf32>
      %mul3A_531 = arith.mulf %scan3A_353#2, %mul3A_530 : vector<16xf32>
      %mul3A_532 = arith.constant 4 : i32
      %mul3A_533 = arith.muli %mul3A_532, %add3A_82 : i32
      %add3A_534 = arith.constant 3 : i32
      %add3A_535 = arith.addi %mul3A_533, %add3A_534 : i32
      %swap3A_536 = arith.index_cast %add3A_535 : i32 to index
      %swap3A_537 = arith.constant 32 : index
      %swap3A_538 = tpu.vector_load %arg16[%swap3A_536, %swap3A_537] {strides = array<i32>} : memref<128x64xf32, #tpu.memory_space<vmem>>, vector<1x16xf32>,
      %swap3A_539 = vector.shape_cast %swap3A_538 : vector<1x16xf32> to vector<16xf32>
      %swap3A_540 = vector.shape_cast %mul3A_531 : vector<16xf32> to vector<1x16xf32>
      tpu.vector_store %arg16[%swap3A_536, %swap3A_537], %swap3A_540 {strides = array<i32>} : memref<128x64xf32, #tpu.memory_space<vmem>>, vector<1x16xf32>,
      %mul3A_541 = arith.constant 5.000000e-03 : f32
      %mul3A_542 = vector.broadcast %mul3A_541 : f32 to vector<16xf32>
      %mul3A_543 = arith.mulf %scan3A_353#3, %mul3A_542 : vector<16xf32>
      %mul3A_544 = arith.constant 4 : i32
      %mul3A_545 = arith.muli %mul3A_544, %add3A_82 : i32
      %add3A_546 = arith.constant 3 : i32
      %add3A_547 = arith.addi %mul3A_545, %add3A_546 : i32
      %swap3A_548 = arith.index_cast %add3A_547 : i32 to index
      %swap3A_549 = arith.constant 48 : index
      %swap3A_550 = tpu.vector_load %arg16[%swap3A_548, %swap3A_549] {strides = array<i32>} : memref<128x64xf32, #tpu.memory_space<vmem>>, vector<1x16xf32>,
      %swap3A_551 = vector.shape_cast %swap3A_550 : vector<1x16xf32> to vector<16xf32>
      %swap3A_552 = vector.shape_cast %mul3A_543 : vector<16xf32> to vector<1x16xf32>
      tpu.vector_store %arg16[%swap3A_548, %swap3A_549], %swap3A_552 {strides = array<i32>} : memref<128x64xf32, #tpu.memory_space<vmem>>, vector<1x16xf32>,
    }
    %scan3A_75 = arith.constant 32 : i32
    %mul3A_76 = arith.constant 128 : i32
    %mul3A_77 = arith.muli %add3A, %mul3A_76 : i32
    "tpu.region"() ({
      %run_scoped3A = tpu.sem_alloc : memref<!tpu.dma_semaphore, #tpu.memory_space<semaphore_mem>>
      %dma_start3A_78 = arith.constant 0 : i32
      %dma_start3A_79 = tpu.memref_slice %arg4[%mul3A_77, %dma_start3A_78] : memref<4096x64xf32, #tpu.memory_space<hbm>> -> memref<128x64xf32, #tpu.memory_space<hbm>>
      %dma_start3A_80 = arith.constant 0 : i32
      %dma_start3A_81 = tpu.memref_slice %arg4[%mul3A_77, %dma_start3A_80] : memref<4096x64xf32, #tpu.memory_space<hbm>> -> memref<128x64xf32, #tpu.memory_space<hbm>>
      tpu.enqueue_dma source(%arg16 : memref<128x64xf32, #tpu.memory_space<vmem>>) target(%dma_start3A_81 : memref<128x64xf32, #tpu.memory_space<hbm>>) target_semaphore(%run_scoped3A : memref<!tpu.dma_semaphore, #tpu.memory_space<semaphore_mem>>)
      %dma_wait3A = arith.constant 0 : i32
      %dma_wait3A_82 = tpu.memref_slice %arg4[%mul3A_77, %dma_wait3A] : memref<4096x64xf32, #tpu.memory_space<hbm>> -> memref<128x64xf32, #tpu.memory_space<hbm>>
      %dma_wait3A_83 = arith.constant 0 : i32
      %dma_wait3A_84 = tpu.memref_slice %arg4[%mul3A_77, %dma_wait3A_83] : memref<4096x64xf32, #tpu.memory_space<hbm>> -> memref<128x64xf32, #tpu.memory_space<hbm>>
      tpu.wait_dma2 semaphore(%run_scoped3A : memref<!tpu.dma_semaphore, #tpu.memory_space<semaphore_mem>>) src(%arg16 : memref<128x64xf32, #tpu.memory_space<vmem>>) dst(%dma_wait3A_84 : memref<128x64xf32, #tpu.memory_space<hbm>>)
      tpu.yield
    }) : () -> ()
    return
  }
}

</mosaic_0001>

<sc_bundles>
// kernel: _sc_embed.3.cloned.1.call-start
scs
__scs_entry_jumppad:
0x0: {  	(pc) =	sbr.rel $0x88, $3  }
0x1: {  	(tag) =	ssettag $0x0;
	lr =	simm.s32 $0x1  }
0x2: {  	[smem:$0x3F9F] =	sst lr;
	_ =	strace $0xD0000000  }
0x3: {  	_ = 	snop  }
0x4: {  	_ = 	snop  }
0x5: {  	_ = 	snop  }
0x6: {  	_ = 	snop  }
0x7: {  	_ = 	snop  }
__scs_overlays_trampoline_lowered:
0x8: {  	[smem:$0x3FAE] =	sst s0  }
0x9: {  	[smem:$0x3FAF] =	sst s1  }
0xa: {  	[smem:$0x3FB0] =	sst s2  }
0xb: {  	[smem:$0x3FB1] =	sst s3  }
0xc: {  	[smem:$0x3FB2] =	sst s4  }
0xd: {  	[smem:$0x3FB3] =	sst s5  }
0xe: {  	[smem:$0x3FB4] =	sst s6  }
0xf: {  	[smem:$0x3FB5] =	sst s7  }
0x10: {  	[smem:$0x3FB6] =	sst s8  }
0x11: {  	[smem:$0x3FB7] =	sst s9;
	s0 =	simm.s32 @!p0 $0x0  }
0x12: {  	s1 =	sld [smem:$0x3F9D];
	s0 =	simm.s32 @p0 $0x1  }
0x13: {  	[smem:$0x3FB8] =	sst s0;
	s0 =	simm.s32 @!p1 $0x0  }
0x14: {  	s2 =	sld [smem:$0x3F9C];
	s0 =	simm.s32 @p1 $0x1  }
0x15: {  	[smem:$0x3FB9] =	sst s0;
	s0 =	simm.s32 @!p2 $0x0  }
0x16: {  	s3 =	sld [smem:$0x3FDB];
	s0 =	simm.s32 @p2 $0x1  }
0x17: {  	s4 =	simm.s32 $0x1BF5;
	[smem:$0x3FBB] =	sst s0  }
0x18: {  	s0 =	sld [smem:$0x3F9E];
	_ =	swait.ge [sflag:s4], $0x0  }
0x19: {  	s7 =	sld [smem:$0x3F9F]  }
0x1a: {  	s8 =	sadd.s32 $0xFFFFE003, lr  }
0x1b: {  	s9 =	sadd.s32 $0xFFFFFEF7, lr;
	s5 =	simm.s32 $0xFFFFFFFF;
	p2 =	slt.u32 s8, $0xFFFFF086  }
0x1c: {  	p1 =	slt.u32 s9, $0xF7A;
	s5 =	simm.s32 @!p2 $0x0  }
0x1d: {  	s5 =	simm.s32 @p1 $0x1;
	p0 =	seq.s32 s7, s2  }
0x1e: {  	s7 =	smul.u32 @!p0 $0xF7A, s2;
	p2 =	seq.s32 @!p0 s5, $0x0  }
0x1f: {  	s9 =	smul.u32 $0xF7A, s1;
	s8 =	simm.s32 @!p0 $0x1BF5;
	p2 =	por !p2, p0  }
0x20: {  	[sflag:s8] =	ssyncset.s32 @!p0 $0xFFFFF086;
	s6 =	sadd.s32 @!p0 s3, s7;
	s7 =	simm.s32 @!p0 $0x108  }
0x21: {  	s3 =	sadd.s32 s3, s9;
	s6 =	sadd.s32 @!p0 $0x88, s6;
	s7 =	simm.s32 @p2 $0x1082  }
0x22: {  	[simem:s7], [sflag:s8] =	dma.local @!p0 [hbm:s6], $0xF7A  }
0x23: {  	s9 =	sor.u32 $0xD0000000, s2;
	s6 =	simm.s32 $0x108;
	_ =	swait.ge @!p0 [sflag:s8], $0x0  }
0x24: {  	s3 =	sadd.s32 $0x88, s3;
	s6 =	simm.s32 @!p1 $0x1082;
	[sflag:s4] =	ssyncset.s32 $0xFFFFF086  }
0x25: {  	[simem:s6], [sflag:s4] =	dma.local [hbm:s3], $0xF7A  }
0x26: {  	[smem:$0x3F9F] =	sst s1;
	(tag) =	ssettag s2;
	_ =	strace s9  }
0x27: {  	s1 =	sld [smem:$0x3FAF]  }
0x28: {  	s2 =	sld [smem:$0x3FB0]  }
0x29: {  	s4 =	sld [smem:$0x3FB2]  }
0x2a: {  	p0 =	seq.s32 s5, $0x0;
	s5 =	sld [smem:$0x3FB3]  }
0x2b: {  	s6 =	sld [smem:$0x3FB4]  }
0x2c: {  	s7 =	sld [smem:$0x3FB5]  }
0x2d: {  	s3 =	simm.s32 $0x108;
	s8 =	sld [smem:$0x3FB6]  }
0x2e: {  	s3 =	simm.s32 @!p0 $0x1082;
	s9 =	sld [smem:$0x3FB7]  }
0x2f: {  	lr =	sadd.s32 s0, s3;
	s0 =	sld [smem:$0x3FAE]  }
0x30: {  	s3 =	sld [smem:$0x3FB1]  }
0x31: {  	[smem:$0x3FBA] =	sst s10  }
0x32: {  	s10 =	sld [smem:$0x3FB8];
	_ =	sdelay $0x3  }
0x33: {  	p0 =	seq.s32 s10, $0x1;
	s10 =	sld [smem:$0x3FBA];
	_ =	sdelay $0x3  }
0x34: {  	[smem:$0x3FBA] =	sst s10  }
0x35: {  	s10 =	sld [smem:$0x3FB9];
	_ =	sdelay $0x3  }
0x36: {  	p1 =	seq.s32 s10, $0x1;
	s10 =	sld [smem:$0x3FBA];
	_ =	sdelay $0x3  }
0x37: {  	[smem:$0x3FBA] =	sst s10  }
0x38: {  	s10 =	sld [smem:$0x3FBB]  }
0x39: {  	_ = 	snop;
	(pc) =	sbr.ind lr, $3  }
0x3a: {  	_ = 	snop  }
0x3b: {  	_ = 	snop  }
0x3c: {  	p2 =	seq.s32 s10, $0x1;
	s10 =	sld [smem:$0x3FBA]  }
0x3d: {  	_ =	shalt  }
0x3e: {  	_ =	shalt  }
0x3f: {  	_ =	shalt  }
0x40: {  	_ =	shalt  }
0x41: {  	_ =	shalt  }
0x42: {  	_ =	shalt  }
0x43: {  	_ =	shalt  }
0x44: {  	_ =	shalt  }
0x45: {  	_ =	shalt  }
0x46: {  	_ =	shalt  }
0x47: {  	_ =	shalt  }
0x48: {  	_ =	shalt  }
0x49: {  	_ =	shalt  }
0x4a: {  	_ =	shalt  }
0x4b: {  	_ =	shalt  }
0x4c: {  	_ =	shalt  }
0x4d: {  	_ =	shalt  }
0x4e: {  	_ =	shalt  }
0x4f: {  	_ =	shalt  }
0x50: {  	_ =	shalt  }
0x51: {  	_ =	shalt  }
0x52: {  	_ =	shalt  }
0x53: {  	_ =	shalt  }
0x54: {  	_ =	shalt  }
0x55: {  	_ =	shalt  }
0x56: {  	_ =	shalt  }
0x57: {  	_ =	shalt  }
0x58: {  	_ =	shalt  }
0x59: {  	_ =	shalt  }
0x5a: {  	_ =	shalt  }
0x5b: {  	_ =	shalt  }
0x5c: {  	_ =	shalt  }
0x5d: {  	_ =	shalt  }
0x5e: {  	_ =	shalt  }
0x5f: {  	_ =	shalt  }
0x60: {  	_ =	shalt  }
0x61: {  	_ =	shalt  }
0x62: {  	_ =	shalt  }
0x63: {  	_ =	shalt  }
0x64: {  	_ =	shalt  }
0x65: {  	_ =	shalt  }
0x66: {  	_ =	shalt  }
0x67: {  	_ =	shalt  }
0x68: {  	_ =	shalt  }
0x69: {  	_ =	shalt  }
0x6a: {  	_ =	shalt  }
0x6b: {  	_ =	shalt  }
0x6c: {  	_ =	shalt  }
0x6d: {  	_ =	shalt  }
0x6e: {  	_ =	shalt  }
0x6f: {  	_ =	shalt  }
0x70: {  	_ =	shalt  }
0x71: {  	_ =	shalt  }
0x72: {  	_ =	shalt  }
0x73: {  	_ =	shalt  }
0x74: {  	_ =	shalt  }
0x75: {  	_ =	shalt  }
0x76: {  	_ =	shalt  }
0x77: {  	_ =	shalt  }
0x78: {  	_ =	shalt  }
0x79: {  	_ =	shalt  }
0x7a: {  	_ =	shalt  }
0x7b: {  	_ =	shalt  }
0x7c: {  	_ =	shalt  }
0x7d: {  	_ =	shalt  }
0x7e: {  	_ =	shalt  }
0x7f: {  	_ =	shalt  }
0x80: {  	_ =	shalt  }
0x81: {  	_ =	shalt  }
0x82: {  	_ =	shalt  }
0x83: {  	_ =	shalt  }
0x84: {  	_ =	shalt  }
0x85: {  	_ =	shalt  }
0x86: {  	_ =	shalt  }
0x87: {  	_ =	shalt  }
.Lfunc_end0:
.L_simem_size_0:
called_computation_lowered:
.L_overlay_start_0:
0x88: {  	s2 =	sld [smem:$0x3FD9]  }
0x89: {  	s3 =	sld [smem:$0x3FFE];
	_ =	sdelay $0x1  }
0x8a: {  	s1 =	srdreg.scid  }
0x8b: {  	s0 =	sand.u32 $0x1, s1  }
0x8c: {  	s17 =	sshll.u32 s0, $0xA;
	s2 =	sadd.s32 s3, s2  }
0x8d: {  	s2 =	sadd.s32 s2, s17  }
0x8e: {  	[smem:$0x3FC6] =	sst s2  }
0x8f: {  	_ = 	snop  }
0x90: {  	s2 =	sld [smem:$0x3FD0];
	(tm) =	ssettm $0x1  }
0x91: {  	s18 =	sld [smem:$0x3FFB];
	_ =	sdelay $0x3  }
0x92: {  	_ =	strace s18  }
0x93: {  	s3 =	sld [smem:$0x3FFC];
	_ =	sdelay $0x3  }
0x94: {  	_ =	strace s3  }
0x95: {  	s3 =	sld [smem:$0x3FFD];
	_ =	sdelay $0x3  }
0x96: {  	_ =	strace s3  }
0x97: {  	_ =	strace $0x8FFFFFFF  }
0x98: {  	s19 =	sld [smem:$0x3FDB];
	_ =	sdelay $0x1  }
0x99: {  	s4 =	simm.s32 $_scs_section_size  }
0x9a: {  	s5 =	simm.s32 $_size__tile_overlayer_lowered;
	s6 =	simm.s32 $_tile_overlayer_lowered  }
0x9b: {  	s22 =	simm.s32 $0x1BFF;
	s21 =	sshll.u32 s6, $0x1;
	s3 =	sadd.s32 s4, s19  }
0x9c: {  	s7 =	simm.s32 $0x0;
	s20 =	sshll.u32 s5, $0x1;
	s5 =	sadd.s32 s21, s3  }
0x9d: {  	[timem:s7], [sflag:s22] =	dma.local [hbm:s5], s20  }
0x9e: {  	_ =	swait.ge [sflag:s22], s20  }
0x9f: {  	s4 =	ssub.s32 $0x0, s20;
	[sflag:s22] =	ssyncset.done $0x0  }
0xa0: {  	[sflag:s22] =	ssyncadd.s32 s4;
	_ =	sdelay $0x1  }
0xa1: {  	s23 =	simm.s32 $0x1B8B  }
0xa2: {  	_ =	swait.ge [sflag:s23], $0x1  }
0xa3: {  	[sflag:s23] =	ssyncset.done $0x0  }
0xa4: {  	s25 =	simm.s32 $0x1B8E;
	s24 =	sld [smem:$0x3FFE];
	[sflag:s23] =	ssyncadd.s32 $0xFFFFFFFF  }
0xa5: {  	s26 =	simm.s32 $execute0_lowered;
	[smem:$0x3FD2] =	sst s25  }
0xa6: {  	s5 =	sshll.u32 s26, $0x1;
	_ =	strace $0x80000046;
	[dreg:$0x1] =	wrdreg $0xFFFFFFFF  }
0xa7: {  	s28 =	simm.s32 $_size_execute0_lowered;
	s3 =	sadd.s32 s3, s5;
	[dreg:$0x0] =	wrdreg $0x0  }
0xa8: {  	s5 =	sshll.u32 s28, $0x1;
	[dreg:$0x2] =	wrdreg s3  }
0xa9: {  	[dreg:$0x3] =	wrdreg s5  }
0xaa: {  	[dreg:$0x4] =	wrdreg $0xC0  }
0xab: {  	_ =	task [dreg:s7], $0x5FFFF  }
0xac: {  	[dreg:$0x1] =	wrdreg $0xFFFFFFFF  }
0xad: {  	[dreg:$0x0] =	wrdreg $0x60  }
0xae: {  	[dreg:$0x2] =	wrdreg s24  }
0xaf: {  	[dreg:$0x3] =	wrdreg s2  }
0xb0: {  	[dreg:$0x4] =	wrdreg $0x9  }
0xb1: {  	_ =	task.clear_ibuf [dreg:s7], $0x5FFFF;
	_ =	strace $0x90000046  }
0xb2: {  	s29 =	simm.s32 $0x9;
	_ =	strace $0x80000048  }
0xb3: {  	_ =	swait.ge [sflag:s29], $0x1  }
0xb4: {  	[sflag:s29] =	ssyncadd.s32 $0xFFFFFFFF  }
0xb5: {  	_ =	strace $0x90000048  }
0xb6: {  	_ =	sfence  }
0xb7: {  	s30 =	sld [smem:$0x0];
	_ =	sdelay $0x2  }
0xb8: {  	s31 =	sshll.u32 s1, $0xD;
	s1 =	sshrl.u32 s1, $0x2  }
0xb9: {  	s3 =	sand.u32 $0x4000, s31;
	s1 =	sadd.s32 s1, s30  }
0xba: {  	s0 =	sor.u32 s3, s0;
	s1 =	sshll.u32 s1, $0x11  }
0xbb: {  	s0 =	sor.u32 s1, s0  }
0xbc: {  	s0 =	sadd.s32 $0x8F2B, s0  }
0xbd: {  	[sflag:s0] =	ssyncadd.remote.s32 $0x1  }
0xbe: {  	_ =	sfence.sel $0xFFFF  }
0xbf: {  	[dreg:$0x0] =	wrdreg $0xFFFFFFFF;
	(pc) =	sbr.abs _section_cstart, $3  }
0xc0: {  	[dreg:$0x1] =	wrdreg $0xFFFFFFFF  }
0xc1: {  	_ =	task.clear_ibuf [dreg:s7], $0x2FFFF;
	_ =	strace $0x9FFFFFFF  }
0xc2: {  	(tm) =	ssettm $0x7FFFFFFF  }
0xc3: {  	_ =	shalt  }
tec
execute0_lowered:
.L_overlay_start_1:
0x0: {  	(tag) =	ssettag $0x1  }
0x1: {  	s0 =	srdreg.scid;
	s1 =	rddreg [dreg:$0x0]  }
0x2: {  	s2 =	stileid.u32;
	s5 =	rddreg [dreg:$0x1];
	s8 =	simm.s32 $0x50  }
0x3: {  	s20 =	simm.s32 $0xA000;
	s21 =	simm.s32 $0x230;
	s22 =	simm.s32 $0xAA00  }
0x4: {  	s23 =	simm.s32 $0x280;
	s24 =	simm.s32 $0xB400;
	s25 =	simm.s32 $0x2D0  }
0x5: {  	s28 =	simm.s32 $0x1;
	s29 =	simm.s32 $0x2;
	s30 =	simm.s32 $0x3  }
0x6: {  	s31 =	simm.s32 $0x4;
	s9 =	simm.s32 $0x7;
	s10 =	simm.s32 $0x8  }
0x7: {  	s11 =	simm.s32 $0x9;
	s12 =	simm.s32 $0xA;
	s13 =	simm.s32 $0xC800  }
0x8: {  	s14 =	simm.s32 $0x0;
	s0 =	sand.u32 $0x1, s0;
	s2 =	sshll.u32 s2, $0x1  }
0x9: {  	s4 =	sor.u32 s0, s2;
	s2 =	simm.s32 $0x0;
	s0 =	ssub.s32 $0x2, s0  }
0xa: {  	s3 =	smul.u32 $0xC80, s4;
	[smem:$0x7FF] =	sst s2;
	s26 =	sshrl.u32 s0, $0x1  }
0xb: {  	s7 =	sshll.u32 s4, $0xA;
	_ =	strace $0x80000047;
	s0 =	ssub.s32 s0, s26  }
0xc: {  	s5 =	sadd.s32 s5, s7;
	s7 =	simm.s32 $0xB;
	s26 =	simm.s32 $0xBE00  }
0xd: {  	s6 =	sadd.s32 s3, s1;
	s3 =	sadd.s32 $0xF80600, s1;
	s1 =	simm.s32 $0x5  }
0xe: {  	s4 =	sadd.s32 $0x600, s6;
	s6 =	smax.u32 s0, $0x1;
	s0 =	simm.s32 $0x6  }
.LBB2_1:
0xf: {  	[tilespmem:s2], [sflag:$0xB] =	stream.linear.gather [hbm4b:s4+s2], $0x6400, $0x38;
	[tilespmem:$0xE800] =	vst v63  }
0x10: {  	_ =	swait.ge [sflag:s7], $0x6400  }
0x11: {  	[sflag:s7] =	ssyncset.done $0x0  }
0x12: {  	s15 =	simm.s32 $0x6400;
	[sflag:s7] =	ssyncadd.s32 $0xFFFF9C00  }
0x13: {  	[tilespmem:s15], [sflag:$0x1] =	stream.indirect.gather [hbm4b:s3+s8], $0x20, s2, s8, $0xb8;
	[tilespmem:$0xE800] =	vst v63  }
0x14: {  	s18 =	simm.s32 $0x6E00  }
0x15: {  	[tilespmem:s18], [sflag:$0x2] =	stream.indirect.gather [hbm4b:s3+s8], $0x20, s8, s8, $0xb8;
	[tilespmem:$0xE800] =	vst v63  }
0x16: {  	s19 =	simm.s32 $0xA0;
	s16 =	simm.s32 $0x7800  }
0x17: {  	[tilespmem:s16], [sflag:$0x3] =	stream.indirect.gather [hbm4b:s3+s8], $0x20, s19, s8, $0xb8;
	[tilespmem:$0xE800] =	vst v63  }
0x18: {  	s17 =	simm.s32 $0x8200;
	s16 =	simm.s32 $0xF0  }
0x19: {  	[tilespmem:s17], [sflag:$0x4] =	stream.indirect.gather [hbm4b:s3+s8], $0x20, s16, s8, $0xb8;
	[tilespmem:$0xE800] =	vst v63  }
0x1a: {  	s18 =	simm.s32 $0x140;
	s19 =	simm.s32 $0x8C00  }
0x1b: {  	[tilespmem:s19], [sflag:$0x5] =	stream.indirect.gather [hbm4b:s3+s8], $0x20, s18, s8, $0xb8;
	[tilespmem:$0xE800] =	vst v63  }
0x1c: {  	s17 =	simm.s32 $0x190;
	s18 =	simm.s32 $0x9600  }
0x1d: {  	[tilespmem:s18], [sflag:$0x6] =	stream.indirect.gather [hbm4b:s3+s8], $0x20, s17, s8, $0xb8;
	[tilespmem:$0xE800] =	vst v63  }
0x1e: {  	s19 =	simm.s32 $0x1E0  }
0x1f: {  	[tilespmem:s20], [sflag:$0x7] =	stream.indirect.gather [hbm4b:s3+s8], $0x20, s19, s8, $0xb8;
	[tilespmem:$0xE800] =	vst v63  }
0x20: {  	_ = 	snop  }
0x21: {  	[tilespmem:s22], [sflag:$0x8] =	stream.indirect.gather [hbm4b:s3+s8], $0x20, s21, s8, $0xb8;
	[tilespmem:$0xE800] =	vst v63  }
0x22: {  	_ = 	snop  }
0x23: {  	[tilespmem:s24], [sflag:$0x9] =	stream.indirect.gather [hbm4b:s3+s8], $0x20, s23, s8, $0xb8;
	[tilespmem:$0xE800] =	vst v63  }
0x24: {  	s15 =	simm.s32 $0x0  }
0x25: {  	[tilespmem:s26], [sflag:$0xA] =	stream.indirect.gather [hbm4b:s3+s8], $0x20, s25, s8, $0xb8;
	[tilespmem:$0xE800] =	vst v63  }
.LBB2_2:
0x26: {  	_ =	swait.ge [sflag:s28], $0xA00  }
0x27: {  	[sflag:s28] =	ssyncset.done $0x0  }
0x28: {  	s17 =	simm.s32 $0x6480;
	[sflag:s28] =	ssyncadd.s32 $0xFFFFF600  }
0x29: {  	v0 =	vld [tilespmem:s17+$0xFFFFFF80]  }
0x2a: {  	v1 =	vld [tilespmem:s17+$0xFFFFFF90]  }
0x2b: {  	v2 =	vld [tilespmem:s17+$0xFFFFFFA0]  }
0x2c: {  	v3 =	vld [tilespmem:s17+$0xFFFFFFB0]  }
0x2d: {  	v4 =	vld [tilespmem:s17+$0xFFFFFFC0]  }
0x2e: {  	v5 =	vimm.f32 $0.0e+00;
	v7 =	vld [tilespmem:s17+$0xFFFFFFD0];
	v6 =	vshll.u32 v0, $0x10  }
0x2f: {  	v9 =	vld [tilespmem:s17+$0xFFFFFFE0];
	v0 =	vadd.f32 v0, v5;
	v8 =	vadd.f32 v1, v5;
	v1 =	vshll.u32 v1, $0x10  }
0x30: {  	v10 =	vld [tilespmem:s17+$0xFFFFFFF0];
	v6 =	vadd.f32 v6, v5;
	v1 =	vadd.f32 v1, v5;
	v5 =	vshll.u32 v2, $0x10  }
0x31: {  	v0 =	vadd.f32 v2, v0;
	v2 =	vadd.f32 v3, v8;
	v3 =	vshll.u32 v3, $0x10;
	v8 =	vld [tilespmem:s17+$0x0]  }
0x32: {  	v11 =	vld [tilespmem:s17+$0x10];
	v5 =	vadd.f32 v5, v6;
	v1 =	vadd.f32 v3, v1;
	v3 =	vshll.u32 v4, $0x10  }
0x33: {  	v6 =	vshll.u32 v7, $0x10;
	v0 =	vadd.f32 v4, v0;
	v4 =	vadd.f32 v7, v2;
	v2 =	vld [tilespmem:s17+$0x20]  }
0x34: {  	v3 =	vadd.f32 v3, v5;
	v1 =	vadd.f32 v6, v1;
	v6 =	vshll.u32 v9, $0x10;
	v5 =	vld [tilespmem:s17+$0x30]  }
0x35: {  	v7 =	vadd.f32 v9, v0;
	v4 =	vadd.f32 v10, v4;
	v9 =	vshll.u32 v10, $0x10;
	v0 =	vld [tilespmem:s17+$0x40]  }
0x36: {  	v10 =	vadd.f32 v6, v3;
	v9 =	vadd.f32 v9, v1;
	v12 =	vshll.u32 v8, $0x10;
	v3 =	vld [tilespmem:s17+$0x50]  }
0x37: {  	v1 =	vld [tilespmem:s17+$0x60];
	v6 =	vadd.f32 v8, v7;
	v7 =	vadd.f32 v11, v4;
	v4 =	vshll.u32 v11, $0x10  }
0x38: {  	s16 =	simm.s32 $0x0;
	v8 =	vadd.f32 v12, v10;
	v9 =	vadd.f32 v4, v9;
	v10 =	vshll.u32 v2, $0x10;
	v4 =	vld [tilespmem:s17+$0x70];
	s17 =	simm.s32 $0x6580  }
.LBB2_3:
0x39: {  	v11 =	vld [tilespmem:s17+$0xFFFFFF80];
	v2 =	vadd.f32 v2, v6;
	v6 =	vadd.f32 v5, v7;
	v5 =	vshll.u32 v5, $0x10  }
0x3a: {  	s16 =	sadd.s32 $0x8, s16;
	v7 =	vld [tilespmem:s17+$0xFFFFFF90];
	v8 =	vadd.f32 v10, v8;
	v5 =	vadd.f32 v5, v9;
	v9 =	vshll.u32 v0, $0x10  }
0x3b: {  	p0 =	slt.u32 s16, $0x48;
	v10 =	vld [tilespmem:s17+$0xFFFFFFA0];
	v0 =	vadd.f32 v0, v2;
	v2 =	vadd.f32 v3, v6;
	v3 =	vshll.u32 v3, $0x10  }
0x3c: {  	v6 =	vld [tilespmem:s17+$0xFFFFFFB0];
	v8 =	vadd.f32 v9, v8;
	v3 =	vadd.f32 v3, v5;
	v5 =	vshll.u32 v1, $0x10  }
0x3d: {  	v9 =	vld [tilespmem:s17+$0xFFFFFFC0];
	v0 =	vadd.f32 v1, v0;
	v1 =	vadd.f32 v4, v2;
	v2 =	vshll.u32 v4, $0x10  }
0x3e: {  	v4 =	vshll.u32 v11, $0x10;
	v12 =	vld [tilespmem:s17+$0xFFFFFFD0];
	v5 =	vadd.f32 v5, v8;
	v2 =	vadd.f32 v2, v3  }
0x3f: {  	v0 =	vadd.f32 v11, v0;
	v1 =	vadd.f32 v7, v1;
	v3 =	vshll.u32 v7, $0x10;
	v7 =	vld [tilespmem:s17+$0xFFFFFFE0]  }
0x40: {  	v4 =	vadd.f32 v4, v5;
	v2 =	vadd.f32 v3, v2;
	v3 =	vshll.u32 v10, $0x10;
	v8 =	vld [tilespmem:s17+$0xFFFFFFF0]  }
0x41: {  	v0 =	vadd.f32 v10, v0;
	v1 =	vadd.f32 v6, v1;
	v5 =	vshll.u32 v6, $0x10;
	v6 =	vld [tilespmem:s17+$0x0]  }
0x42: {  	v3 =	vadd.f32 v3, v4;
	v4 =	vadd.f32 v5, v2;
	v5 =	vshll.u32 v9, $0x10;
	v10 =	vld [tilespmem:s17+$0x10]  }
0x43: {  	v0 =	vadd.f32 v9, v0;
	v1 =	vadd.f32 v12, v1;
	v9 =	vshll.u32 v12, $0x10;
	v2 =	vld [tilespmem:s17+$0x20]  }
.Ltmp0:
0x44: {  	v3 =	vadd.f32 v5, v3;
	v4 =	vadd.f32 v9, v4;
	v9 =	vshll.u32 v7, $0x10;
	v5 =	vld [tilespmem:s17+$0x30];
	(pc) =	sbr.rel @p0 .LBB2_3-.Ltmp0, $4  }
0x45: {  	v7 =	vadd.f32 v7, v0;
	v1 =	vadd.f32 v8, v1;
	v8 =	vshll.u32 v8, $0x10;
	v0 =	vld [tilespmem:s17+$0x40]  }
0x46: {  	v9 =	vadd.f32 v9, v3;
	v4 =	vadd.f32 v8, v4;
	v8 =	vshll.u32 v6, $0x10;
	v3 =	vld [tilespmem:s17+$0x50]  }
0x47: {  	v6 =	vadd.f32 v6, v7;
	v7 =	vadd.f32 v10, v1;
	v10 =	vshll.u32 v10, $0x10;
	v1 =	vld [tilespmem:s17+$0x60]  }
0x48: {  	v8 =	vadd.f32 v8, v9;
	v9 =	vadd.f32 v10, v4;
	v10 =	vshll.u32 v2, $0x10;
	v4 =	vld [tilespmem:s17+$0x70];
	s17 =	sadd.s32 $0x100, s17  }
0x49: {  	p0 =	seq.s32 s15, $0x1F  }
0x4a: {  	s16 =	smul.u32 @!p0 $0xC80, s15;
	_ =	sdelay $0x1  }
0x4b: {  	s16 =	sshra.s32 @!p0 s16, $0x2  }
0x4c: {  	s18 =	simm.s32 @!p0 $0x50;
	s19 =	simm.s32 @!p0 $0x6400;
	s17 =	sadd.s32 @!p0 $0x320, s16  }
0x4d: {  	[tilespmem:s19], [sflag:$0x1] =	stream.indirect.gather @!p0 [hbm4b:s3+s18], $0x20, s17, s18, $0xb8;
	[tilespmem:$0xE800] =	vst v63  }
0x4e: {  	_ =	swait.ge [sflag:s29], $0xA00  }
0x4f: {  	[sflag:s29] =	ssyncset.done $0x0  }
0x50: {  	s19 =	simm.s32 $0x6E80;
	[sflag:s29] =	ssyncadd.s32 $0xFFFFF600  }
0x51: {  	v2 =	vadd.f32 v2, v6;
	v6 =	vadd.f32 v5, v7;
	v5 =	vshll.u32 v5, $0x10;
	v7 =	vld [tilespmem:s19+$0xFFFFFF80]  }
0x52: {  	v8 =	vadd.f32 v10, v8;
	v5 =	vadd.f32 v5, v9;
	v9 =	vshll.u32 v0, $0x10;
	v10 =	vld [tilespmem:s19+$0xFFFFFF90]  }
0x53: {  	v0 =	vadd.f32 v0, v2;
	v2 =	vadd.f32 v3, v6;
	v3 =	vshll.u32 v3, $0x10;
	v6 =	vld [tilespmem:s19+$0xFFFFFFA0]  }
0x54: {  	v8 =	vadd.f32 v9, v8;
	v3 =	vadd.f32 v3, v5;
	v5 =	vshll.u32 v1, $0x10;
	v9 =	vld [tilespmem:s19+$0xFFFFFFB0]  }
0x55: {  	v0 =	vadd.f32 v1, v0;
	v1 =	vadd.f32 v4, v2;
	v2 =	vshll.u32 v4, $0x10;
	v4 =	vld [tilespmem:s19+$0xFFFFFFC0]  }
0x56: {  	v5 =	vadd.f32 v5, v8;
	v2 =	vadd.f32 v2, v3;
	v8 =	vld [tilespmem:s19+$0xFFFFFFD0];
	v3 =	vshll.u32 v7, $0x10  }
0x57: {  	v0 =	vadd.f32 v7, v0;
	v1 =	vadd.f32 v10, v1;
	v7 =	vshll.u32 v10, $0x10;
	v10 =	vld [tilespmem:s19+$0xFFFFFFE0]  }
0x58: {  	v3 =	vadd.f32 v3, v5;
	v2 =	vadd.f32 v7, v2;
	v5 =	vshll.u32 v6, $0x10;
	v7 =	vld [tilespmem:s19+$0xFFFFFFF0]  }
0x59: {  	v0 =	vadd.f32 v6, v0;
	v1 =	vadd.f32 v9, v1;
	v6 =	vshll.u32 v9, $0x10;
	v9 =	vld [tilespmem:s19+$0x0]  }
0x5a: {  	v11 =	vld [tilespmem:s19+$0x10];
	v3 =	vadd.f32 v5, v3;
	v5 =	vadd.f32 v6, v2;
	v6 =	vshll.u32 v4, $0x10  }
0x5b: {  	v2 =	vld [tilespmem:s19+$0x20];
	v0 =	vadd.f32 v4, v0;
	v1 =	vadd.f32 v8, v1;
	v4 =	vshll.u32 v8, $0x10  }
0x5c: {  	v3 =	vadd.f32 v6, v3;
	v4 =	vadd.f32 v4, v5;
	v6 =	vshll.u32 v10, $0x10;
	v5 =	vld [tilespmem:s19+$0x30]  }
0x5d: {  	v8 =	vadd.f32 v10, v0;
	v1 =	vadd.f32 v7, v1;
	v7 =	vshll.u32 v7, $0x10;
	v0 =	vld [tilespmem:s19+$0x40]  }
0x5e: {  	v10 =	vadd.f32 v6, v3;
	v4 =	vadd.f32 v7, v4;
	v12 =	vshll.u32 v9, $0x10;
	v3 =	vld [tilespmem:s19+$0x50]  }
0x5f: {  	v6 =	vadd.f32 v9, v8;
	v7 =	vadd.f32 v11, v1;
	v9 =	vshll.u32 v11, $0x10;
	v1 =	vld [tilespmem:s19+$0x60]  }
0x60: {  	s17 =	simm.s32 $0x0;
	s18 =	simm.s32 $0x6F80;
	v8 =	vadd.f32 v12, v10;
	v9 =	vadd.f32 v9, v4;
	v10 =	vshll.u32 v2, $0x10;
	v4 =	vld [tilespmem:s19+$0x70]  }
.LBB2_5:
0x61: {  	v11 =	vld [tilespmem:s18+$0xFFFFFF80];
	v2 =	vadd.f32 v2, v6;
	v6 =	vadd.f32 v5, v7;
	v5 =	vshll.u32 v5, $0x10  }
0x62: {  	s17 =	sadd.s32 $0x8, s17;
	v7 =	vld [tilespmem:s18+$0xFFFFFF90];
	v8 =	vadd.f32 v10, v8;
	v5 =	vadd.f32 v5, v9;
	v9 =	vshll.u32 v0, $0x10  }
0x63: {  	p1 =	slt.u32 s17, $0x48;
	v10 =	vld [tilespmem:s18+$0xFFFFFFA0];
	v0 =	vadd.f32 v0, v2;
	v2 =	vadd.f32 v3, v6;
	v3 =	vshll.u32 v3, $0x10  }
0x64: {  	v6 =	vld [tilespmem:s18+$0xFFFFFFB0];
	v8 =	vadd.f32 v9, v8;
	v3 =	vadd.f32 v3, v5;
	v5 =	vshll.u32 v1, $0x10  }
0x65: {  	v9 =	vld [tilespmem:s18+$0xFFFFFFC0];
	v0 =	vadd.f32 v1, v0;
	v1 =	vadd.f32 v4, v2;
	v2 =	vshll.u32 v4, $0x10  }
0x66: {  	v4 =	vshll.u32 v11, $0x10;
	v12 =	vld [tilespmem:s18+$0xFFFFFFD0];
	v5 =	vadd.f32 v5, v8;
	v2 =	vadd.f32 v2, v3  }
0x67: {  	v0 =	vadd.f32 v11, v0;
	v1 =	vadd.f32 v7, v1;
	v3 =	vshll.u32 v7, $0x10;
	v7 =	vld [tilespmem:s18+$0xFFFFFFE0]  }
0x68: {  	v4 =	vadd.f32 v4, v5;
	v2 =	vadd.f32 v3, v2;
	v3 =	vshll.u32 v10, $0x10;
	v8 =	vld [tilespmem:s18+$0xFFFFFFF0]  }
0x69: {  	v0 =	vadd.f32 v10, v0;
	v1 =	vadd.f32 v6, v1;
	v5 =	vshll.u32 v6, $0x10;
	v6 =	vld [tilespmem:s18+$0x0]  }
0x6a: {  	v3 =	vadd.f32 v3, v4;
	v4 =	vadd.f32 v5, v2;
	v5 =	vshll.u32 v9, $0x10;
	v10 =	vld [tilespmem:s18+$0x10]  }
0x6b: {  	v0 =	vadd.f32 v9, v0;
	v1 =	vadd.f32 v12, v1;
	v9 =	vshll.u32 v12, $0x10;
	v2 =	vld [tilespmem:s18+$0x20]  }
.Ltmp1:
0x6c: {  	v3 =	vadd.f32 v5, v3;
	v4 =	vadd.f32 v9, v4;
	v9 =	vshll.u32 v7, $0x10;
	v5 =	vld [tilespmem:s18+$0x30];
	(pc) =	sbr.rel @p1 .LBB2_5-.Ltmp1, $4  }
0x6d: {  	v7 =	vadd.f32 v7, v0;
	v1 =	vadd.f32 v8, v1;
	v8 =	vshll.u32 v8, $0x10;
	v0 =	vld [tilespmem:s18+$0x40]  }
0x6e: {  	v9 =	vadd.f32 v9, v3;
	v4 =	vadd.f32 v8, v4;
	v8 =	vshll.u32 v6, $0x10;
	v3 =	vld [tilespmem:s18+$0x50]  }
0x6f: {  	v6 =	vadd.f32 v6, v7;
	v7 =	vadd.f32 v10, v1;
	v10 =	vshll.u32 v10, $0x10;
	v1 =	vld [tilespmem:s18+$0x60]  }
0x70: {  	v8 =	vadd.f32 v8, v9;
	v9 =	vadd.f32 v10, v4;
	v10 =	vshll.u32 v2, $0x10;
	v4 =	vld [tilespmem:s18+$0x70];
	s18 =	sadd.s32 $0x100, s18  }
0x71: {  	s17 =	sadd.s32 @!p0 $0x370, s16;
	s18 =	simm.s32 @!p0 $0x50;
	s19 =	simm.s32 @!p0 $0x6E00  }
0x72: {  	[tilespmem:s19], [sflag:$0x2] =	stream.indirect.gather @!p0 [hbm4b:s3+s18], $0x20, s17, s18, $0xb8;
	[tilespmem:$0xE800] =	vst v63  }
0x73: {  	_ =	swait.ge [sflag:s30], $0xA00  }
0x74: {  	[sflag:s30] =	ssyncset.done $0x0  }
0x75: {  	s19 =	simm.s32 $0x7880;
	[sflag:s30] =	ssyncadd.s32 $0xFFFFF600  }
0x76: {  	v2 =	vadd.f32 v2, v6;
	v6 =	vadd.f32 v5, v7;
	v5 =	vshll.u32 v5, $0x10;
	v7 =	vld [tilespmem:s19+$0xFFFFFF80]  }
0x77: {  	v8 =	vadd.f32 v10, v8;
	v5 =	vadd.f32 v5, v9;
	v9 =	vshll.u32 v0, $0x10;
	v10 =	vld [tilespmem:s19+$0xFFFFFF90]  }
0x78: {  	v0 =	vadd.f32 v0, v2;
	v2 =	vadd.f32 v3, v6;
	v3 =	vshll.u32 v3, $0x10;
	v6 =	vld [tilespmem:s19+$0xFFFFFFA0]  }
0x79: {  	v8 =	vadd.f32 v9, v8;
	v3 =	vadd.f32 v3, v5;
	v5 =	vshll.u32 v1, $0x10;
	v9 =	vld [tilespmem:s19+$0xFFFFFFB0]  }
0x7a: {  	v0 =	vadd.f32 v1, v0;
	v1 =	vadd.f32 v4, v2;
	v2 =	vshll.u32 v4, $0x10;
	v4 =	vld [tilespmem:s19+$0xFFFFFFC0]  }
0x7b: {  	v5 =	vadd.f32 v5, v8;
	v2 =	vadd.f32 v2, v3;
	v8 =	vld [tilespmem:s19+$0xFFFFFFD0];
	v3 =	vshll.u32 v7, $0x10  }
0x7c: {  	v0 =	vadd.f32 v7, v0;
	v1 =	vadd.f32 v10, v1;
	v7 =	vshll.u32 v10, $0x10;
	v10 =	vld [tilespmem:s19+$0xFFFFFFE0]  }
0x7d: {  	v3 =	vadd.f32 v3, v5;
	v2 =	vadd.f32 v7, v2;
	v5 =	vshll.u32 v6, $0x10;
	v7 =	vld [tilespmem:s19+$0xFFFFFFF0]  }
0x7e: {  	v0 =	vadd.f32 v6, v0;
	v1 =	vadd.f32 v9, v1;
	v6 =	vshll.u32 v9, $0x10;
	v9 =	vld [tilespmem:s19+$0x0]  }
0x7f: {  	v3 =	vadd.f32 v5, v3;
	v2 =	vadd.f32 v6, v2;
	v5 =	vshll.u32 v4, $0x10;
	v6 =	vld [tilespmem:s19+$0x10]  }
0x80: {  	v11 =	vld [tilespmem:s19+$0x20];
	v0 =	vadd.f32 v4, v0;
	v1 =	vadd.f32 v8, v1;
	v4 =	vshll.u32 v8, $0x10  }
0x81: {  	v12 =	vld [tilespmem:s19+$0x30];
	v3 =	vadd.f32 v5, v3;
	v2 =	vadd.f32 v4, v2;
	v4 =	vshll.u32 v10, $0x10  }
0x82: {  	v0 =	vadd.f32 v10, v0;
	v5 =	vadd.f32 v7, v1;
	v7 =	vshll.u32 v7, $0x10;
	v1 =	vld [tilespmem:s19+$0x40]  }
0x83: {  	v3 =	vadd.f32 v4, v3;
	v4 =	vadd.f32 v7, v2;
	v7 =	vshll.u32 v9, $0x10;
	v2 =	vld [tilespmem:s19+$0x50]  }
0x84: {  	v9 =	vadd.f32 v9, v0;
	v5 =	vadd.f32 v6, v5;
	v8 =	vshll.u32 v6, $0x10;
	v0 =	vld [tilespmem:s19+$0x60]  }
0x85: {  	v6 =	vadd.f32 v7, v3;
	v3 =	vadd.f32 v8, v4;
	v8 =	vshll.u32 v11, $0x10;
	v4 =	vld [tilespmem:s19+$0x70]  }
0x86: {  	s18 =	simm.s32 $0x0;
	s19 =	simm.s32 $0x7980;
	v7 =	vadd.f32 v11, v9;
	v5 =	vadd.f32 v12, v5;
	v9 =	vshll.u32 v12, $0x10  }
.LBB2_7:
0x87: {  	v10 =	vld [tilespmem:s19+$0xFFFFFF80];
	v6 =	vadd.f32 v8, v6;
	v3 =	vadd.f32 v9, v3;
	v8 =	vshll.u32 v1, $0x10  }
0x88: {  	s18 =	sadd.s32 $0x8, s18;
	v9 =	vld [tilespmem:s19+$0xFFFFFF90];
	v1 =	vadd.f32 v1, v7;
	v5 =	vadd.f32 v2, v5;
	v2 =	vshll.u32 v2, $0x10  }
0x89: {  	p1 =	slt.u32 s18, $0x20;
	v7 =	vld [tilespmem:s19+$0xFFFFFFA0];
	v6 =	vadd.f32 v8, v6;
	v2 =	vadd.f32 v2, v3;
	v3 =	vshll.u32 v0, $0x10  }
0x8a: {  	v8 =	vld [tilespmem:s19+$0xFFFFFFB0];
	v0 =	vadd.f32 v0, v1;
	v1 =	vadd.f32 v4, v5;
	v4 =	vshll.u32 v4, $0x10  }
0x8b: {  	s17 =	simm.s32 $0x7DF0;
	v5 =	vld [tilespmem:s19+$0xFFFFFFC0];
	v3 =	vadd.f32 v3, v6;
	v2 =	vadd.f32 v4, v2  }
0x8c: {  	v4 =	vshll.u32 v10, $0x10;
	v6 =	vld [tilespmem:s19+$0xFFFFFFD0]  }
0x8d: {  	v0 =	vadd.f32 v10, v0;
	v1 =	vadd.f32 v9, v1;
	v9 =	vshll.u32 v9, $0x10;
	v10 =	vld [tilespmem:s19+$0xFFFFFFE0]  }
0x8e: {  	v3 =	vadd.f32 v4, v3;
	v2 =	vadd.f32 v9, v2;
	v4 =	vshll.u32 v7, $0x10;
	v9 =	vld [tilespmem:s19+$0xFFFFFFF0]  }
0x8f: {  	v0 =	vadd.f32 v7, v0;
	v1 =	vadd.f32 v8, v1;
	v7 =	vshll.u32 v8, $0x10;
	v8 =	vld [tilespmem:s19+$0x0]  }
0x90: {  	v3 =	vadd.f32 v4, v3;
	v2 =	vadd.f32 v7, v2;
	v4 =	vshll.u32 v5, $0x10;
	v7 =	vld [tilespmem:s19+$0x10]  }
0x91: {  	v0 =	vadd.f32 v5, v0;
	v1 =	vadd.f32 v6, v1;
	v5 =	vshll.u32 v6, $0x10;
	v11 =	vld [tilespmem:s19+$0x20]  }
0x92: {  	v3 =	vadd.f32 v4, v3;
	v2 =	vadd.f32 v5, v2;
	v4 =	vshll.u32 v10, $0x10;
	v12 =	vld [tilespmem:s19+$0x30]  }
.Ltmp2:
0x93: {  	v0 =	vadd.f32 v10, v0;
	v5 =	vadd.f32 v9, v1;
	v6 =	vshll.u32 v9, $0x10;
	v1 =	vld [tilespmem:s19+$0x40];
	(pc) =	sbr.rel @p1 .LBB2_7-.Ltmp2, $4  }
0x94: {  	v3 =	vadd.f32 v4, v3;
	v4 =	vadd.f32 v6, v2;
	v6 =	vshll.u32 v8, $0x10;
	v2 =	vld [tilespmem:s19+$0x50]  }
0x95: {  	v9 =	vadd.f32 v8, v0;
	v5 =	vadd.f32 v7, v5;
	v7 =	vshll.u32 v7, $0x10;
	v0 =	vld [tilespmem:s19+$0x60]  }
0x96: {  	v6 =	vadd.f32 v6, v3;
	v3 =	vadd.f32 v7, v4;
	v8 =	vshll.u32 v11, $0x10;
	v4 =	vld [tilespmem:s19+$0x70]  }
0x97: {  	v7 =	vadd.f32 v11, v9;
	s19 =	sadd.s32 $0x100, s19;
	v5 =	vadd.f32 v12, v5;
	v9 =	vshll.u32 v12, $0x10  }
0x98: {  	v6 =	vadd.f32 v8, v6;
	v8 =	vld [tilespmem:s17+$0xFFFFFF10]  }
0x99: {  	v3 =	vadd.f32 v9, v3;
	v9 =	vshll.u32 v1, $0x10;
	v1 =	vadd.f32 v1, v7;
	v7 =	vld [tilespmem:s17+$0xFFFFFF20]  }
0x9a: {  	v5 =	vadd.f32 v2, v5;
	v2 =	vshll.u32 v2, $0x10;
	v6 =	vadd.f32 v9, v6;
	v9 =	vld [tilespmem:s17+$0xFFFFFF30]  }
0x9b: {  	v11 =	vld [tilespmem:s17+$0xFFFFFF40];
	v2 =	vadd.f32 v2, v3;
	v10 =	vshll.u32 v0, $0x10;
	v3 =	vadd.f32 v0, v1  }
0x9c: {  	v0 =	vadd.f32 v4, v5;
	v4 =	vshll.u32 v4, $0x10;
	v5 =	vld [tilespmem:s17+$0xFFFFFF50];
	v1 =	vadd.f32 v10, v6  }
0x9d: {  	v2 =	vadd.f32 v4, v2;
	v4 =	vimm.f32 $0.0e+00;
	v10 =	vld [tilespmem:s17+$0xFFFFFF60];
	v6 =	vshll.u32 v8, $0x10  }
0x9e: {  	v13 =	vld [tilespmem:s17+$0xFFFFFF70];
	v8 =	vadd.f32 v8, v4;
	v12 =	vadd.f32 v7, v4;
	v7 =	vshll.u32 v7, $0x10  }
0x9f: {  	v14 =	vld [tilespmem:s17+$0xFFFFFF80];
	v6 =	vadd.f32 v6, v4;
	v4 =	vadd.f32 v7, v4;
	v7 =	vshll.u32 v9, $0x10  }
0xa0: {  	v8 =	vadd.f32 v9, v8;
	v9 =	vadd.f32 v11, v12;
	v11 =	vshll.u32 v11, $0x10;
	v12 =	vld [tilespmem:s17+$0xFFFFFF90]  }
0xa1: {  	v15 =	vld [tilespmem:s17+$0xFFFFFFA0];
	v7 =	vadd.f32 v7, v6;
	v4 =	vadd.f32 v11, v4;
	v11 =	vshll.u32 v5, $0x10  }
0xa2: {  	v6 =	vld [tilespmem:s17+$0xFFFFFFB0];
	v5 =	vadd.f32 v5, v8;
	v8 =	vadd.f32 v10, v9;
	v9 =	vshll.u32 v10, $0x10  }
0xa3: {  	v7 =	vadd.f32 v11, v7;
	v11 =	vshll.u32 v13, $0x10;
	v10 =	vadd.f32 v9, v4;
	v9 =	vld [tilespmem:s17+$0xFFFFFFC0]  }
0xa4: {  	v5 =	vadd.f32 v13, v5;
	v13 =	vshll.u32 v14, $0x10;
	v4 =	vld [tilespmem:s17+$0xFFFFFFD0];
	v8 =	vadd.f32 v14, v8  }
0xa5: {  	v14 =	vadd.f32 v11, v7;
	v7 =	vld [tilespmem:s17+$0xFFFFFFE0];
	v13 =	vadd.f32 v13, v10;
	v16 =	vshll.u32 v12, $0x10  }
0xa6: {  	v10 =	vadd.f32 v12, v5;
	v5 =	vld [tilespmem:s17+$0xFFFFFFF0];
	v11 =	vadd.f32 v15, v8;
	v8 =	vshll.u32 v15, $0x10  }
0xa7: {  	s18 =	simm.s32 $0x28;
	v12 =	vadd.f32 v16, v14;
	v14 =	vshll.u32 v6, $0x10;
	v13 =	vadd.f32 v8, v13;
	v8 =	vld [tilespmem:s17+$0x0];
	s17 =	simm.s32 $0x7EF0  }
.LBB2_9:
0xa8: {  	v15 =	vld [tilespmem:s17+$0xFFFFFF10];
	v6 =	vadd.f32 v6, v10;
	v10 =	vadd.f32 v9, v11;
	v9 =	vshll.u32 v9, $0x10  }
0xa9: {  	s18 =	sadd.s32 $0x8, s18;
	v11 =	vld [tilespmem:s17+$0xFFFFFF20];
	v12 =	vadd.f32 v14, v12;
	v9 =	vadd.f32 v9, v13;
	v13 =	vshll.u32 v4, $0x10  }
0xaa: {  	p1 =	slt.u32 s18, $0x48;
	v14 =	vld [tilespmem:s17+$0xFFFFFF30];
	v4 =	vadd.f32 v4, v6;
	v6 =	vadd.f32 v7, v10;
	v7 =	vshll.u32 v7, $0x10  }
0xab: {  	v10 =	vld [tilespmem:s17+$0xFFFFFF40];
	v12 =	vadd.f32 v13, v12;
	v7 =	vadd.f32 v7, v9;
	v9 =	vshll.u32 v5, $0x10  }
0xac: {  	v13 =	vld [tilespmem:s17+$0xFFFFFF50];
	v4 =	vadd.f32 v5, v4;
	v5 =	vadd.f32 v8, v6;
	v6 =	vshll.u32 v8, $0x10  }
0xad: {  	v8 =	vshll.u32 v15, $0x10;
	v16 =	vld [tilespmem:s17+$0xFFFFFF60];
	v9 =	vadd.f32 v9, v12;
	v6 =	vadd.f32 v6, v7  }
0xae: {  	v4 =	vadd.f32 v15, v4;
	v5 =	vadd.f32 v11, v5;
	v7 =	vshll.u32 v11, $0x10;
	v11 =	vld [tilespmem:s17+$0xFFFFFF70]  }
0xaf: {  	v8 =	vadd.f32 v8, v9;
	v6 =	vadd.f32 v7, v6;
	v7 =	vshll.u32 v14, $0x10;
	v12 =	vld [tilespmem:s17+$0xFFFFFF80]  }
0xb0: {  	v4 =	vadd.f32 v14, v4;
	v5 =	vadd.f32 v10, v5;
	v9 =	vshll.u32 v10, $0x10;
	v10 =	vld [tilespmem:s17+$0xFFFFFF90]  }
0xb1: {  	v7 =	vadd.f32 v7, v8;
	v8 =	vadd.f32 v9, v6;
	v9 =	vshll.u32 v13, $0x10;
	v14 =	vld [tilespmem:s17+$0xFFFFFFA0]  }
0xb2: {  	v4 =	vadd.f32 v13, v4;
	v5 =	vadd.f32 v16, v5;
	v13 =	vshll.u32 v16, $0x10;
	v6 =	vld [tilespmem:s17+$0xFFFFFFB0]  }
.Ltmp3:
0xb3: {  	v7 =	vadd.f32 v9, v7;
	v8 =	vadd.f32 v13, v8;
	v13 =	vshll.u32 v11, $0x10;
	v9 =	vld [tilespmem:s17+$0xFFFFFFC0];
	(pc) =	sbr.rel @p1 .LBB2_9-.Ltmp3, $4  }
0xb4: {  	v11 =	vadd.f32 v11, v4;
	v5 =	vadd.f32 v12, v5;
	v12 =	vshll.u32 v12, $0x10;
	v4 =	vld [tilespmem:s17+$0xFFFFFFD0]  }
0xb5: {  	v13 =	vadd.f32 v13, v7;
	v8 =	vadd.f32 v12, v8;
	v12 =	vshll.u32 v10, $0x10;
	v7 =	vld [tilespmem:s17+$0xFFFFFFE0]  }
0xb6: {  	v10 =	vadd.f32 v10, v11;
	v11 =	vadd.f32 v14, v5;
	v14 =	vshll.u32 v14, $0x10;
	v5 =	vld [tilespmem:s17+$0xFFFFFFF0]  }
0xb7: {  	v12 =	vadd.f32 v12, v13;
	v13 =	vadd.f32 v14, v8;
	v14 =	vshll.u32 v6, $0x10;
	v8 =	vld [tilespmem:s17+$0x0];
	s17 =	sadd.s32 $0x100, s17  }
0xb8: {  	s17 =	sadd.s32 @!p0 $0x3C0, s16;
	s18 =	simm.s32 @!p0 $0x50;
	s19 =	simm.s32 @!p0 $0x7800  }
0xb9: {  	[tilespmem:s19], [sflag:$0x3] =	stream.indirect.gather @!p0 [hbm4b:s3+s18], $0x20, s17, s18, $0xb8;
	[tilespmem:$0xE800] =	vst v63  }
0xba: {  	_ =	swait.ge [sflag:s31], $0xA00  }
0xbb: {  	[sflag:s31] =	ssyncset.done $0x0  }
0xbc: {  	s19 =	simm.s32 $0x8280;
	[sflag:s31] =	ssyncadd.s32 $0xFFFFF600  }
0xbd: {  	v6 =	vadd.f32 v6, v10;
	v10 =	vadd.f32 v9, v11;
	v9 =	vshll.u32 v9, $0x10;
	v11 =	vld [tilespmem:s19+$0xFFFFFF80]  }
0xbe: {  	v12 =	vadd.f32 v14, v12;
	v9 =	vadd.f32 v9, v13;
	v13 =	vshll.u32 v4, $0x10;
	v14 =	vld [tilespmem:s19+$0xFFFFFF90]  }
0xbf: {  	v4 =	vadd.f32 v4, v6;
	v6 =	vadd.f32 v7, v10;
	v7 =	vshll.u32 v7, $0x10;
	v10 =	vld [tilespmem:s19+$0xFFFFFFA0]  }
0xc0: {  	v12 =	vadd.f32 v13, v12;
	v7 =	vadd.f32 v7, v9;
	v9 =	vshll.u32 v5, $0x10;
	v13 =	vld [tilespmem:s19+$0xFFFFFFB0]  }
0xc1: {  	v4 =	vadd.f32 v5, v4;
	v5 =	vadd.f32 v8, v6;
	v6 =	vshll.u32 v8, $0x10;
	v8 =	vld [tilespmem:s19+$0xFFFFFFC0]  }
0xc2: {  	v9 =	vadd.f32 v9, v12;
	v6 =	vadd.f32 v6, v7;
	v12 =	vld [tilespmem:s19+$0xFFFFFFD0];
	v7 =	vshll.u32 v11, $0x10  }
0xc3: {  	v4 =	vadd.f32 v11, v4;
	v5 =	vadd.f32 v14, v5;
	v11 =	vshll.u32 v14, $0x10;
	v14 =	vld [tilespmem:s19+$0xFFFFFFE0]  }
0xc4: {  	v7 =	vadd.f32 v7, v9;
	v6 =	vadd.f32 v11, v6;
	v9 =	vshll.u32 v10, $0x10;
	v11 =	vld [tilespmem:s19+$0xFFFFFFF0]  }
0xc5: {  	v4 =	vadd.f32 v10, v4;
	v5 =	vadd.f32 v13, v5;
	v10 =	vshll.u32 v13, $0x10;
	v13 =	vld [tilespmem:s19+$0x0]  }
0xc6: {  	v15 =	vld [tilespmem:s19+$0x10];
	v7 =	vadd.f32 v9, v7;
	v9 =	vadd.f32 v10, v6;
	v10 =	vshll.u32 v8, $0x10  }
0xc7: {  	v6 =	vld [tilespmem:s19+$0x20];
	v4 =	vadd.f32 v8, v4;
	v5 =	vadd.f32 v12, v5;
	v8 =	vshll.u32 v12, $0x10  }
0xc8: {  	v7 =	vadd.f32 v10, v7;
	v8 =	vadd.f32 v8, v9;
	v10 =	vshll.u32 v14, $0x10;
	v9 =	vld [tilespmem:s19+$0x30]  }
0xc9: {  	v12 =	vadd.f32 v14, v4;
	v5 =	vadd.f32 v11, v5;
	v11 =	vshll.u32 v11, $0x10;
	v4 =	vld [tilespmem:s19+$0x40]  }
0xca: {  	v14 =	vadd.f32 v10, v7;
	v8 =	vadd.f32 v11, v8;
	v16 =	vshll.u32 v13, $0x10;
	v7 =	vld [tilespmem:s19+$0x50]  }
0xcb: {  	v10 =	vadd.f32 v13, v12;
	v11 =	vadd.f32 v15, v5;
	v13 =	vshll.u32 v15, $0x10;
	v5 =	vld [tilespmem:s19+$0x60]  }
0xcc: {  	s17 =	simm.s32 $0x0;
	s18 =	simm.s32 $0x8380;
	v12 =	vadd.f32 v16, v14;
	v13 =	vadd.f32 v13, v8;
	v14 =	vshll.u32 v6, $0x10;
	v8 =	vld [tilespmem:s19+$0x70]  }
.LBB2_11:
0xcd: {  	v15 =	vld [tilespmem:s18+$0xFFFFFF80];
	v6 =	vadd.f32 v6, v10;
	v10 =	vadd.f32 v9, v11;
	v9 =	vshll.u32 v9, $0x10  }
0xce: {  	s17 =	sadd.s32 $0x8, s17;
	v11 =	vld [tilespmem:s18+$0xFFFFFF90];
	v12 =	vadd.f32 v14, v12;
	v9 =	vadd.f32 v9, v13;
	v13 =	vshll.u32 v4, $0x10  }
0xcf: {  	p1 =	slt.u32 s17, $0x48;
	v14 =	vld [tilespmem:s18+$0xFFFFFFA0];
	v4 =	vadd.f32 v4, v6;
	v6 =	vadd.f32 v7, v10;
	v7 =	vshll.u32 v7, $0x10  }
0xd0: {  	v10 =	vld [tilespmem:s18+$0xFFFFFFB0];
	v12 =	vadd.f32 v13, v12;
	v7 =	vadd.f32 v7, v9;
	v9 =	vshll.u32 v5, $0x10  }
0xd1: {  	v13 =	vld [tilespmem:s18+$0xFFFFFFC0];
	v4 =	vadd.f32 v5, v4;
	v5 =	vadd.f32 v8, v6;
	v6 =	vshll.u32 v8, $0x10  }
0xd2: {  	v8 =	vshll.u32 v15, $0x10;
	v16 =	vld [tilespmem:s18+$0xFFFFFFD0];
	v9 =	vadd.f32 v9, v12;
	v6 =	vadd.f32 v6, v7  }
0xd3: {  	v4 =	vadd.f32 v15, v4;
	v5 =	vadd.f32 v11, v5;
	v7 =	vshll.u32 v11, $0x10;
	v11 =	vld [tilespmem:s18+$0xFFFFFFE0]  }
0xd4: {  	v8 =	vadd.f32 v8, v9;
	v6 =	vadd.f32 v7, v6;
	v7 =	vshll.u32 v14, $0x10;
	v12 =	vld [tilespmem:s18+$0xFFFFFFF0]  }
0xd5: {  	v4 =	vadd.f32 v14, v4;
	v5 =	vadd.f32 v10, v5;
	v9 =	vshll.u32 v10, $0x10;
	v10 =	vld [tilespmem:s18+$0x0]  }
0xd6: {  	v7 =	vadd.f32 v7, v8;
	v8 =	vadd.f32 v9, v6;
	v9 =	vshll.u32 v13, $0x10;
	v14 =	vld [tilespmem:s18+$0x10]  }
0xd7: {  	v4 =	vadd.f32 v13, v4;
	v5 =	vadd.f32 v16, v5;
	v13 =	vshll.u32 v16, $0x10;
	v6 =	vld [tilespmem:s18+$0x20]  }
.Ltmp4:
0xd8: {  	v7 =	vadd.f32 v9, v7;
	v8 =	vadd.f32 v13, v8;
	v13 =	vshll.u32 v11, $0x10;
	v9 =	vld [tilespmem:s18+$0x30];
	(pc) =	sbr.rel @p1 .LBB2_11-.Ltmp4, $4  }
0xd9: {  	v11 =	vadd.f32 v11, v4;
	v5 =	vadd.f32 v12, v5;
	v12 =	vshll.u32 v12, $0x10;
	v4 =	vld [tilespmem:s18+$0x40]  }
0xda: {  	v13 =	vadd.f32 v13, v7;
	v8 =	vadd.f32 v12, v8;
	v12 =	vshll.u32 v10, $0x10;
	v7 =	vld [tilespmem:s18+$0x50]  }
0xdb: {  	v10 =	vadd.f32 v10, v11;
	v11 =	vadd.f32 v14, v5;
	v14 =	vshll.u32 v14, $0x10;
	v5 =	vld [tilespmem:s18+$0x60]  }
0xdc: {  	v12 =	vadd.f32 v12, v13;
	v13 =	vadd.f32 v14, v8;
	v14 =	vshll.u32 v6, $0x10;
	v8 =	vld [tilespmem:s18+$0x70];
	s18 =	sadd.s32 $0x100, s18  }
0xdd: {  	s17 =	sadd.s32 @!p0 $0x410, s16;
	s18 =	simm.s32 @!p0 $0x50;
	s19 =	simm.s32 @!p0 $0x8200  }
0xde: {  	[tilespmem:s19], [sflag:$0x4] =	stream.indirect.gather @!p0 [hbm4b:s3+s18], $0x20, s17, s18, $0xb8;
	[tilespmem:$0xE800] =	vst v63  }
0xdf: {  	_ =	swait.ge [sflag:s1], $0xA00  }
0xe0: {  	[sflag:s1] =	ssyncset.done $0x0  }
0xe1: {  	s19 =	simm.s32 $0x8C80;
	[sflag:s1] =	ssyncadd.s32 $0xFFFFF600  }
0xe2: {  	v6 =	vadd.f32 v6, v10;
	v10 =	vadd.f32 v9, v11;
	v9 =	vshll.u32 v9, $0x10;
	v11 =	vld [tilespmem:s19+$0xFFFFFF80]  }
0xe3: {  	v12 =	vadd.f32 v14, v12;
	v9 =	vadd.f32 v9, v13;
	v13 =	vshll.u32 v4, $0x10;
	v14 =	vld [tilespmem:s19+$0xFFFFFF90]  }
0xe4: {  	v4 =	vadd.f32 v4, v6;
	v6 =	vadd.f32 v7, v10;
	v7 =	vshll.u32 v7, $0x10;
	v10 =	vld [tilespmem:s19+$0xFFFFFFA0]  }
0xe5: {  	v12 =	vadd.f32 v13, v12;
	v7 =	vadd.f32 v7, v9;
	v9 =	vshll.u32 v5, $0x10;
	v13 =	vld [tilespmem:s19+$0xFFFFFFB0]  }
0xe6: {  	v4 =	vadd.f32 v5, v4;
	v5 =	vadd.f32 v8, v6;
	v6 =	vshll.u32 v8, $0x10;
	v8 =	vld [tilespmem:s19+$0xFFFFFFC0]  }
0xe7: {  	v9 =	vadd.f32 v9, v12;
	v6 =	vadd.f32 v6, v7;
	v12 =	vld [tilespmem:s19+$0xFFFFFFD0];
	v7 =	vshll.u32 v11, $0x10  }
0xe8: {  	v4 =	vadd.f32 v11, v4;
	v5 =	vadd.f32 v14, v5;
	v11 =	vshll.u32 v14, $0x10;
	v14 =	vld [tilespmem:s19+$0xFFFFFFE0]  }
0xe9: {  	v7 =	vadd.f32 v7, v9;
	v6 =	vadd.f32 v11, v6;
	v9 =	vshll.u32 v10, $0x10;
	v11 =	vld [tilespmem:s19+$0xFFFFFFF0]  }
0xea: {  	v4 =	vadd.f32 v10, v4;
	v5 =	vadd.f32 v13, v5;
	v10 =	vshll.u32 v13, $0x10;
	v13 =	vld [tilespmem:s19+$0x0]  }
0xeb: {  	v15 =	vld [tilespmem:s19+$0x10];
	v7 =	vadd.f32 v9, v7;
	v9 =	vadd.f32 v10, v6;
	v10 =	vshll.u32 v8, $0x10  }
0xec: {  	v6 =	vld [tilespmem:s19+$0x20];
	v4 =	vadd.f32 v8, v4;
	v5 =	vadd.f32 v12, v5;
	v8 =	vshll.u32 v12, $0x10  }
0xed: {  	v7 =	vadd.f32 v10, v7;
	v8 =	vadd.f32 v8, v9;
	v10 =	vshll.u32 v14, $0x10;
	v9 =	vld [tilespmem:s19+$0x30]  }
0xee: {  	v12 =	vadd.f32 v14, v4;
	v5 =	vadd.f32 v11, v5;
	v11 =	vshll.u32 v11, $0x10;
	v4 =	vld [tilespmem:s19+$0x40]  }
0xef: {  	v14 =	vadd.f32 v10, v7;
	v8 =	vadd.f32 v11, v8;
	v11 =	vshll.u32 v13, $0x10;
	v7 =	vld [tilespmem:s19+$0x50]  }
0xf0: {  	v13 =	vadd.f32 v13, v12;
	v10 =	vadd.f32 v15, v5;
	v15 =	vshll.u32 v15, $0x10;
	v5 =	vld [tilespmem:s19+$0x60]  }
0xf1: {  	s17 =	simm.s32 $0x0;
	s18 =	simm.s32 $0x8D80;
	v12 =	vadd.f32 v11, v14;
	v11 =	vadd.f32 v15, v8;
	v14 =	vshll.u32 v6, $0x10;
	v8 =	vld [tilespmem:s19+$0x70]  }
.LBB2_13:
0xf2: {  	v15 =	vld [tilespmem:s18+$0xFFFFFF80];
	v6 =	vadd.f32 v6, v13;
	v10 =	vadd.f32 v9, v10;
	v9 =	vshll.u32 v9, $0x10  }
0xf3: {  	s17 =	sadd.s32 $0x8, s17;
	v13 =	vld [tilespmem:s18+$0xFFFFFF90];
	v12 =	vadd.f32 v14, v12;
	v9 =	vadd.f32 v9, v11;
	v11 =	vshll.u32 v4, $0x10  }
0xf4: {  	p1 =	slt.u32 s17, $0x48;
	v14 =	vld [tilespmem:s18+$0xFFFFFFA0];
	v4 =	vadd.f32 v4, v6;
	v6 =	vadd.f32 v7, v10;
	v7 =	vshll.u32 v7, $0x10  }
0xf5: {  	v10 =	vld [tilespmem:s18+$0xFFFFFFB0];
	v11 =	vadd.f32 v11, v12;
	v7 =	vadd.f32 v7, v9;
	v9 =	vshll.u32 v5, $0x10  }
0xf6: {  	v12 =	vld [tilespmem:s18+$0xFFFFFFC0];
	v4 =	vadd.f32 v5, v4;
	v5 =	vadd.f32 v8, v6;
	v6 =	vshll.u32 v8, $0x10  }
0xf7: {  	v8 =	vshll.u32 v15, $0x10;
	v16 =	vld [tilespmem:s18+$0xFFFFFFD0];
	v9 =	vadd.f32 v9, v11;
	v6 =	vadd.f32 v6, v7  }
0xf8: {  	v4 =	vadd.f32 v15, v4;
	v5 =	vadd.f32 v13, v5;
	v7 =	vshll.u32 v13, $0x10;
	v11 =	vld [tilespmem:s18+$0xFFFFFFE0]  }
0xf9: {  	v8 =	vadd.f32 v8, v9;
	v6 =	vadd.f32 v7, v6;
	v7 =	vshll.u32 v14, $0x10;
	v13 =	vld [tilespmem:s18+$0xFFFFFFF0]  }
0xfa: {  	v4 =	vadd.f32 v14, v4;
	v5 =	vadd.f32 v10, v5;
	v9 =	vshll.u32 v10, $0x10;
	v10 =	vld [tilespmem:s18+$0x0]  }
0xfb: {  	v7 =	vadd.f32 v7, v8;
	v8 =	vadd.f32 v9, v6;
	v9 =	vshll.u32 v12, $0x10;
	v14 =	vld [tilespmem:s18+$0x10]  }
0xfc: {  	v4 =	vadd.f32 v12, v4;
	v5 =	vadd.f32 v16, v5;
	v12 =	vshll.u32 v16, $0x10;
	v6 =	vld [tilespmem:s18+$0x20]  }
.Ltmp5:
0xfd: {  	v7 =	vadd.f32 v9, v7;
	v8 =	vadd.f32 v12, v8;
	v12 =	vshll.u32 v11, $0x10;
	v9 =	vld [tilespmem:s18+$0x30];
	(pc) =	sbr.rel @p1 .LBB2_13-.Ltmp5, $4  }
0xfe: {  	v11 =	vadd.f32 v11, v4;
	v5 =	vadd.f32 v13, v5;
	v13 =	vshll.u32 v13, $0x10;
	v4 =	vld [tilespmem:s18+$0x40]  }
0xff: {  	v12 =	vadd.f32 v12, v7;
	v8 =	vadd.f32 v13, v8;
	v15 =	vshll.u32 v10, $0x10;
	v7 =	vld [tilespmem:s18+$0x50]  }
0x100: {  	v13 =	vadd.f32 v10, v11;
	v10 =	vadd.f32 v14, v5;
	v11 =	vshll.u32 v14, $0x10;
	v5 =	vld [tilespmem:s18+$0x60]  }
0x101: {  	v12 =	vadd.f32 v15, v12;
	v11 =	vadd.f32 v11, v8;
	v14 =	vshll.u32 v6, $0x10;
	v8 =	vld [tilespmem:s18+$0x70];
	s18 =	sadd.s32 $0x100, s18  }
0x102: {  	s17 =	sadd.s32 @!p0 $0x460, s16;
	s18 =	simm.s32 @!p0 $0x50;
	s19 =	simm.s32 @!p0 $0x8C00  }
0x103: {  	[tilespmem:s19], [sflag:$0x5] =	stream.indirect.gather @!p0 [hbm4b:s3+s18], $0x20, s17, s18, $0xb8;
	[tilespmem:$0xE800] =	vst v63  }
0x104: {  	_ =	swait.ge [sflag:s0], $0xA00  }
0x105: {  	[sflag:s0] =	ssyncset.done $0x0  }
0x106: {  	v6 =	vadd.f32 v6, v13;
	s19 =	simm.s32 $0x9680;
	[sflag:s0] =	ssyncadd.s32 $0xFFFFF600  }
0x107: {  	v10 =	vadd.f32 v9, v10;
	v9 =	vshll.u32 v9, $0x10;
	v12 =	vadd.f32 v14, v12;
	v13 =	vld [tilespmem:s19+$0xFFFFFF80]  }
0x108: {  	v9 =	vadd.f32 v9, v11;
	v11 =	vshll.u32 v4, $0x10;
	v4 =	vadd.f32 v4, v6;
	v14 =	vld [tilespmem:s19+$0xFFFFFF90]  }
0x109: {  	v6 =	vadd.f32 v7, v10;
	v7 =	vshll.u32 v7, $0x10;
	v10 =	vadd.f32 v11, v12;
	v11 =	vld [tilespmem:s19+$0xFFFFFFA0]  }
0x10a: {  	v9 =	vadd.f32 v7, v9;
	v12 =	vshll.u32 v5, $0x10;
	v7 =	vadd.f32 v5, v4;
	v15 =	vld [tilespmem:s19+$0xFFFFFFB0]  }
0x10b: {  	v6 =	vadd.f32 v8, v6;
	v4 =	vshll.u32 v8, $0x10;
	v5 =	vadd.f32 v12, v10;
	v8 =	vld [tilespmem:s19+$0xFFFFFFC0]  }
0x10c: {  	v4 =	vadd.f32 v4, v9;
	v9 =	vimm.f32 $0.0e+00;
	v12 =	vld [tilespmem:s19+$0xFFFFFFD0];
	v10 =	vshll.u32 v13, $0x10  }
0x10d: {  	v17 =	vld [tilespmem:s19+$0xFFFFFFE0];
	v13 =	vadd.f32 v13, v9;
	v16 =	vadd.f32 v14, v9;
	v14 =	vshll.u32 v14, $0x10  }
0x10e: {  	v18 =	vld [tilespmem:s19+$0xFFFFFFF0];
	v10 =	vadd.f32 v10, v9;
	v9 =	vadd.f32 v14, v9;
	v14 =	vshll.u32 v11, $0x10  }
0x10f: {  	v11 =	vadd.f32 v11, v13;
	v13 =	vadd.f32 v15, v16;
	v15 =	vshll.u32 v15, $0x10;
	v16 =	vld [tilespmem:s19+$0x0]  }
0x110: {  	v19 =	vld [tilespmem:s19+$0x10];
	v14 =	vadd.f32 v14, v10;
	v9 =	vadd.f32 v15, v9;
	v15 =	vshll.u32 v8, $0x10  }
0x111: {  	v10 =	vld [tilespmem:s19+$0x20];
	v8 =	vadd.f32 v8, v11;
	v11 =	vadd.f32 v12, v13;
	v12 =	vshll.u32 v12, $0x10  }
0x112: {  	v13 =	vld [tilespmem:s19+$0x30];
	v14 =	vadd.f32 v15, v14;
	v9 =	vadd.f32 v12, v9;
	v12 =	vshll.u32 v17, $0x10  }
0x113: {  	v15 =	vadd.f32 v17, v8;
	v17 =	vadd.f32 v18, v11;
	v11 =	vshll.u32 v18, $0x10;
	v8 =	vld [tilespmem:s19+$0x40]  }
0x114: {  	v12 =	vadd.f32 v12, v14;
	v18 =	vadd.f32 v11, v9;
	v20 =	vshll.u32 v16, $0x10;
	v11 =	vld [tilespmem:s19+$0x50]  }
0x115: {  	v9 =	vld [tilespmem:s19+$0x60];
	v14 =	vadd.f32 v16, v15;
	v15 =	vadd.f32 v19, v17;
	v17 =	vshll.u32 v19, $0x10  }
0x116: {  	s17 =	simm.s32 $0x0;
	s18 =	simm.s32 $0x9780;
	v16 =	vadd.f32 v20, v12;
	v17 =	vadd.f32 v17, v18;
	v18 =	vshll.u32 v10, $0x10;
	v12 =	vld [tilespmem:s19+$0x70]  }
.LBB2_15:
0x117: {  	v19 =	vld [tilespmem:s18+$0xFFFFFF80];
	v10 =	vadd.f32 v10, v14;
	v14 =	vadd.f32 v13, v15;
	v13 =	vshll.u32 v13, $0x10  }
0x118: {  	s17 =	sadd.s32 $0x8, s17;
	v15 =	vld [tilespmem:s18+$0xFFFFFF90];
	v16 =	vadd.f32 v18, v16;
	v13 =	vadd.f32 v13, v17;
	v17 =	vshll.u32 v8, $0x10  }
0x119: {  	p1 =	slt.u32 s17, $0x48;
	v18 =	vld [tilespmem:s18+$0xFFFFFFA0];
	v8 =	vadd.f32 v8, v10;
	v10 =	vadd.f32 v11, v14;
	v11 =	vshll.u32 v11, $0x10  }
0x11a: {  	v14 =	vld [tilespmem:s18+$0xFFFFFFB0];
	v16 =	vadd.f32 v17, v16;
	v11 =	vadd.f32 v11, v13;
	v13 =	vshll.u32 v9, $0x10  }
0x11b: {  	v17 =	vld [tilespmem:s18+$0xFFFFFFC0];
	v8 =	vadd.f32 v9, v8;
	v9 =	vadd.f32 v12, v10;
	v10 =	vshll.u32 v12, $0x10  }
0x11c: {  	v12 =	vshll.u32 v19, $0x10;
	v20 =	vld [tilespmem:s18+$0xFFFFFFD0];
	v13 =	vadd.f32 v13, v16;
	v10 =	vadd.f32 v10, v11  }
0x11d: {  	v8 =	vadd.f32 v19, v8;
	v9 =	vadd.f32 v15, v9;
	v11 =	vshll.u32 v15, $0x10;
	v15 =	vld [tilespmem:s18+$0xFFFFFFE0]  }
0x11e: {  	v12 =	vadd.f32 v12, v13;
	v10 =	vadd.f32 v11, v10;
	v11 =	vshll.u32 v18, $0x10;
	v16 =	vld [tilespmem:s18+$0xFFFFFFF0]  }
0x11f: {  	v8 =	vadd.f32 v18, v8;
	v9 =	vadd.f32 v14, v9;
	v13 =	vshll.u32 v14, $0x10;
	v14 =	vld [tilespmem:s18+$0x0]  }
0x120: {  	v11 =	vadd.f32 v11, v12;
	v12 =	vadd.f32 v13, v10;
	v13 =	vshll.u32 v17, $0x10;
	v18 =	vld [tilespmem:s18+$0x10]  }
0x121: {  	v8 =	vadd.f32 v17, v8;
	v9 =	vadd.f32 v20, v9;
	v17 =	vshll.u32 v20, $0x10;
	v10 =	vld [tilespmem:s18+$0x20]  }
.Ltmp6:
0x122: {  	v11 =	vadd.f32 v13, v11;
	v12 =	vadd.f32 v17, v12;
	v17 =	vshll.u32 v15, $0x10;
	v13 =	vld [tilespmem:s18+$0x30];
	(pc) =	sbr.rel @p1 .LBB2_15-.Ltmp6, $4  }
0x123: {  	v15 =	vadd.f32 v15, v8;
	v9 =	vadd.f32 v16, v9;
	v16 =	vshll.u32 v16, $0x10;
	v8 =	vld [tilespmem:s18+$0x40]  }
0x124: {  	v17 =	vadd.f32 v17, v11;
	v12 =	vadd.f32 v16, v12;
	v16 =	vshll.u32 v14, $0x10;
	v11 =	vld [tilespmem:s18+$0x50]  }
0x125: {  	v14 =	vadd.f32 v14, v15;
	v15 =	vadd.f32 v18, v9;
	v18 =	vshll.u32 v18, $0x10;
	v9 =	vld [tilespmem:s18+$0x60]  }
0x126: {  	v16 =	vadd.f32 v16, v17;
	v17 =	vadd.f32 v18, v12;
	v18 =	vshll.u32 v10, $0x10;
	v12 =	vld [tilespmem:s18+$0x70];
	s18 =	sadd.s32 $0x100, s18  }
0x127: {  	s17 =	sadd.s32 @!p0 $0x4B0, s16;
	s18 =	simm.s32 @!p0 $0x50;
	s19 =	simm.s32 @!p0 $0x9600  }
0x128: {  	[tilespmem:s19], [sflag:$0x6] =	stream.indirect.gather @!p0 [hbm4b:s3+s18], $0x20, s17, s18, $0xb8;
	[tilespmem:$0xE800] =	vst v63  }
0x129: {  	_ =	swait.ge [sflag:s9], $0xA00  }
0x12a: {  	[sflag:s9] =	ssyncset.done $0x0  }
0x12b: {  	s19 =	simm.s32 $0xA080;
	[sflag:s9] =	ssyncadd.s32 $0xFFFFF600  }
0x12c: {  	v10 =	vadd.f32 v10, v14;
	v14 =	vadd.f32 v13, v15;
	v13 =	vshll.u32 v13, $0x10;
	v15 =	vld [tilespmem:s19+$0xFFFFFF80]  }
0x12d: {  	v16 =	vadd.f32 v18, v16;
	v13 =	vadd.f32 v13, v17;
	v17 =	vshll.u32 v8, $0x10;
	v18 =	vld [tilespmem:s19+$0xFFFFFF90]  }
0x12e: {  	v8 =	vadd.f32 v8, v10;
	v10 =	vadd.f32 v11, v14;
	v11 =	vshll.u32 v11, $0x10;
	v14 =	vld [tilespmem:s19+$0xFFFFFFA0]  }
0x12f: {  	v16 =	vadd.f32 v17, v16;
	v11 =	vadd.f32 v11, v13;
	v13 =	vshll.u32 v9, $0x10;
	v17 =	vld [tilespmem:s19+$0xFFFFFFB0]  }
0x130: {  	v8 =	vadd.f32 v9, v8;
	v9 =	vadd.f32 v12, v10;
	v10 =	vshll.u32 v12, $0x10;
	v12 =	vld [tilespmem:s19+$0xFFFFFFC0]  }
0x131: {  	v13 =	vadd.f32 v13, v16;
	v10 =	vadd.f32 v10, v11;
	v16 =	vld [tilespmem:s19+$0xFFFFFFD0];
	v11 =	vshll.u32 v15, $0x10  }
0x132: {  	v8 =	vadd.f32 v15, v8;
	v9 =	vadd.f32 v18, v9;
	v15 =	vshll.u32 v18, $0x10;
	v18 =	vld [tilespmem:s19+$0xFFFFFFE0]  }
0x133: {  	v11 =	vadd.f32 v11, v13;
	v10 =	vadd.f32 v15, v10;
	v13 =	vshll.u32 v14, $0x10;
	v15 =	vld [tilespmem:s19+$0xFFFFFFF0]  }
0x134: {  	v8 =	vadd.f32 v14, v8;
	v9 =	vadd.f32 v17, v9;
	v14 =	vshll.u32 v17, $0x10;
	v17 =	vld [tilespmem:s19+$0x0]  }
0x135: {  	v19 =	vld [tilespmem:s19+$0x10];
	v11 =	vadd.f32 v13, v11;
	v13 =	vadd.f32 v14, v10;
	v14 =	vshll.u32 v12, $0x10  }
0x136: {  	v10 =	vld [tilespmem:s19+$0x20];
	v8 =	vadd.f32 v12, v8;
	v9 =	vadd.f32 v16, v9;
	v12 =	vshll.u32 v16, $0x10  }
0x137: {  	v11 =	vadd.f32 v14, v11;
	v12 =	vadd.f32 v12, v13;
	v14 =	vshll.u32 v18, $0x10;
	v13 =	vld [tilespmem:s19+$0x30]  }
0x138: {  	v16 =	vadd.f32 v18, v8;
	v9 =	vadd.f32 v15, v9;
	v15 =	vshll.u32 v15, $0x10;
	v8 =	vld [tilespmem:s19+$0x40]  }
0x139: {  	v18 =	vadd.f32 v14, v11;
	v12 =	vadd.f32 v15, v12;
	v20 =	vshll.u32 v17, $0x10;
	v11 =	vld [tilespmem:s19+$0x50]  }
0x13a: {  	v14 =	vadd.f32 v17, v16;
	v15 =	vadd.f32 v19, v9;
	v17 =	vshll.u32 v19, $0x10;
	v9 =	vld [tilespmem:s19+$0x60]  }
0x13b: {  	s17 =	simm.s32 $0x0;
	s18 =	simm.s32 $0xA180;
	v16 =	vadd.f32 v20, v18;
	v17 =	vadd.f32 v17, v12;
	v18 =	vshll.u32 v10, $0x10;
	v12 =	vld [tilespmem:s19+$0x70]  }
.LBB2_17:
0x13c: {  	v19 =	vld [tilespmem:s18+$0xFFFFFF80];
	v10 =	vadd.f32 v10, v14;
	v14 =	vadd.f32 v13, v15;
	v13 =	vshll.u32 v13, $0x10  }
0x13d: {  	s17 =	sadd.s32 $0x8, s17;
	v15 =	vld [tilespmem:s18+$0xFFFFFF90];
	v16 =	vadd.f32 v18, v16;
	v13 =	vadd.f32 v13, v17;
	v17 =	vshll.u32 v8, $0x10  }
0x13e: {  	p1 =	slt.u32 s17, $0x48;
	v18 =	vld [tilespmem:s18+$0xFFFFFFA0];
	v8 =	vadd.f32 v8, v10;
	v10 =	vadd.f32 v11, v14;
	v11 =	vshll.u32 v11, $0x10  }
0x13f: {  	v14 =	vld [tilespmem:s18+$0xFFFFFFB0];
	v16 =	vadd.f32 v17, v16;
	v11 =	vadd.f32 v11, v13;
	v13 =	vshll.u32 v9, $0x10  }
0x140: {  	v17 =	vld [tilespmem:s18+$0xFFFFFFC0];
	v8 =	vadd.f32 v9, v8;
	v9 =	vadd.f32 v12, v10;
	v10 =	vshll.u32 v12, $0x10  }
0x141: {  	v12 =	vshll.u32 v19, $0x10;
	v20 =	vld [tilespmem:s18+$0xFFFFFFD0];
	v13 =	vadd.f32 v13, v16;
	v10 =	vadd.f32 v10, v11  }
0x142: {  	v8 =	vadd.f32 v19, v8;
	v9 =	vadd.f32 v15, v9;
	v11 =	vshll.u32 v15, $0x10;
	v15 =	vld [tilespmem:s18+$0xFFFFFFE0]  }
0x143: {  	v12 =	vadd.f32 v12, v13;
	v10 =	vadd.f32 v11, v10;
	v11 =	vshll.u32 v18, $0x10;
	v16 =	vld [tilespmem:s18+$0xFFFFFFF0]  }
0x144: {  	v8 =	vadd.f32 v18, v8;
	v9 =	vadd.f32 v14, v9;
	v13 =	vshll.u32 v14, $0x10;
	v14 =	vld [tilespmem:s18+$0x0]  }
0x145: {  	v11 =	vadd.f32 v11, v12;
	v12 =	vadd.f32 v13, v10;
	v13 =	vshll.u32 v17, $0x10;
	v18 =	vld [tilespmem:s18+$0x10]  }
0x146: {  	v8 =	vadd.f32 v17, v8;
	v9 =	vadd.f32 v20, v9;
	v17 =	vshll.u32 v20, $0x10;
	v10 =	vld [tilespmem:s18+$0x20]  }
.Ltmp7:
0x147: {  	v11 =	vadd.f32 v13, v11;
	v12 =	vadd.f32 v17, v12;
	v17 =	vshll.u32 v15, $0x10;
	v13 =	vld [tilespmem:s18+$0x30];
	(pc) =	sbr.rel @p1 .LBB2_17-.Ltmp7, $4  }
0x148: {  	v15 =	vadd.f32 v15, v8;
	v9 =	vadd.f32 v16, v9;
	v16 =	vshll.u32 v16, $0x10;
	v8 =	vld [tilespmem:s18+$0x40]  }
0x149: {  	v17 =	vadd.f32 v17, v11;
	v12 =	vadd.f32 v16, v12;
	v16 =	vshll.u32 v14, $0x10;
	v11 =	vld [tilespmem:s18+$0x50]  }
0x14a: {  	v14 =	vadd.f32 v14, v15;
	v15 =	vadd.f32 v18, v9;
	v18 =	vshll.u32 v18, $0x10;
	v9 =	vld [tilespmem:s18+$0x60]  }
0x14b: {  	v16 =	vadd.f32 v16, v17;
	v17 =	vadd.f32 v18, v12;
	v18 =	vshll.u32 v10, $0x10;
	v12 =	vld [tilespmem:s18+$0x70];
	s18 =	sadd.s32 $0x100, s18  }
0x14c: {  	s17 =	sadd.s32 @!p0 $0x500, s16;
	s18 =	simm.s32 @!p0 $0x50;
	s19 =	simm.s32 @!p0 $0xA000  }
0x14d: {  	[tilespmem:s19], [sflag:$0x7] =	stream.indirect.gather @!p0 [hbm4b:s3+s18], $0x20, s17, s18, $0xb8;
	[tilespmem:$0xE800] =	vst v63  }
0x14e: {  	_ =	swait.ge [sflag:s10], $0xA00  }
0x14f: {  	[sflag:s10] =	ssyncset.done $0x0  }
0x150: {  	s19 =	simm.s32 $0xAA80;
	[sflag:s10] =	ssyncadd.s32 $0xFFFFF600  }
0x151: {  	v10 =	vadd.f32 v10, v14;
	v14 =	vadd.f32 v13, v15;
	v13 =	vshll.u32 v13, $0x10;
	v15 =	vld [tilespmem:s19+$0xFFFFFF80]  }
0x152: {  	v16 =	vadd.f32 v18, v16;
	v13 =	vadd.f32 v13, v17;
	v17 =	vshll.u32 v8, $0x10;
	v18 =	vld [tilespmem:s19+$0xFFFFFF90]  }
0x153: {  	v8 =	vadd.f32 v8, v10;
	v10 =	vadd.f32 v11, v14;
	v11 =	vshll.u32 v11, $0x10;
	v14 =	vld [tilespmem:s19+$0xFFFFFFA0]  }
0x154: {  	v16 =	vadd.f32 v17, v16;
	v11 =	vadd.f32 v11, v13;
	v13 =	vshll.u32 v9, $0x10;
	v17 =	vld [tilespmem:s19+$0xFFFFFFB0]  }
0x155: {  	v8 =	vadd.f32 v9, v8;
	v9 =	vadd.f32 v12, v10;
	v10 =	vshll.u32 v12, $0x10;
	v12 =	vld [tilespmem:s19+$0xFFFFFFC0]  }
0x156: {  	v13 =	vadd.f32 v13, v16;
	v10 =	vadd.f32 v10, v11;
	v16 =	vld [tilespmem:s19+$0xFFFFFFD0];
	v11 =	vshll.u32 v15, $0x10  }
0x157: {  	v8 =	vadd.f32 v15, v8;
	v9 =	vadd.f32 v18, v9;
	v15 =	vshll.u32 v18, $0x10;
	v18 =	vld [tilespmem:s19+$0xFFFFFFE0]  }
0x158: {  	v11 =	vadd.f32 v11, v13;
	v10 =	vadd.f32 v15, v10;
	v13 =	vshll.u32 v14, $0x10;
	v15 =	vld [tilespmem:s19+$0xFFFFFFF0]  }
0x159: {  	v8 =	vadd.f32 v14, v8;
	v9 =	vadd.f32 v17, v9;
	v14 =	vshll.u32 v17, $0x10;
	v17 =	vld [tilespmem:s19+$0x0]  }
0x15a: {  	v11 =	vadd.f32 v13, v11;
	v10 =	vadd.f32 v14, v10;
	v13 =	vshll.u32 v12, $0x10;
	v14 =	vld [tilespmem:s19+$0x10]  }
0x15b: {  	v19 =	vld [tilespmem:s19+$0x20];
	v8 =	vadd.f32 v12, v8;
	v9 =	vadd.f32 v16, v9;
	v12 =	vshll.u32 v16, $0x10  }
0x15c: {  	v20 =	vld [tilespmem:s19+$0x30];
	v11 =	vadd.f32 v13, v11;
	v10 =	vadd.f32 v12, v10;
	v12 =	vshll.u32 v18, $0x10  }
0x15d: {  	v8 =	vadd.f32 v18, v8;
	v13 =	vadd.f32 v15, v9;
	v15 =	vshll.u32 v15, $0x10;
	v9 =	vld [tilespmem:s19+$0x40]  }
0x15e: {  	v11 =	vadd.f32 v12, v11;
	v12 =	vadd.f32 v15, v10;
	v15 =	vshll.u32 v17, $0x10;
	v10 =	vld [tilespmem:s19+$0x50]  }
0x15f: {  	v17 =	vadd.f32 v17, v8;
	v13 =	vadd.f32 v14, v13;
	v16 =	vshll.u32 v14, $0x10;
	v8 =	vld [tilespmem:s19+$0x60]  }
0x160: {  	v14 =	vadd.f32 v15, v11;
	v11 =	vadd.f32 v16, v12;
	v16 =	vshll.u32 v19, $0x10;
	v12 =	vld [tilespmem:s19+$0x70]  }
0x161: {  	s18 =	simm.s32 $0x0;
	s19 =	simm.s32 $0xAB80;
	v15 =	vadd.f32 v19, v17;
	v13 =	vadd.f32 v20, v13;
	v17 =	vshll.u32 v20, $0x10  }
.LBB2_19:
0x162: {  	v18 =	vld [tilespmem:s19+$0xFFFFFF80];
	v14 =	vadd.f32 v16, v14;
	v11 =	vadd.f32 v17, v11;
	v16 =	vshll.u32 v9, $0x10  }
0x163: {  	s18 =	sadd.s32 $0x8, s18;
	v17 =	vld [tilespmem:s19+$0xFFFFFF90];
	v9 =	vadd.f32 v9, v15;
	v13 =	vadd.f32 v10, v13;
	v10 =	vshll.u32 v10, $0x10  }
0x164: {  	p1 =	slt.u32 s18, $0x20;
	v15 =	vld [tilespmem:s19+$0xFFFFFFA0];
	v14 =	vadd.f32 v16, v14;
	v10 =	vadd.f32 v10, v11;
	v11 =	vshll.u32 v8, $0x10  }
0x165: {  	v16 =	vld [tilespmem:s19+$0xFFFFFFB0];
	v8 =	vadd.f32 v8, v9;
	v9 =	vadd.f32 v12, v13;
	v12 =	vshll.u32 v12, $0x10  }
0x166: {  	s17 =	simm.s32 $0xAFF0;
	v13 =	vld [tilespmem:s19+$0xFFFFFFC0];
	v11 =	vadd.f32 v11, v14;
	v10 =	vadd.f32 v12, v10  }
0x167: {  	v12 =	vshll.u32 v18, $0x10;
	v14 =	vld [tilespmem:s19+$0xFFFFFFD0]  }
0x168: {  	v8 =	vadd.f32 v18, v8;
	v9 =	vadd.f32 v17, v9;
	v17 =	vshll.u32 v17, $0x10;
	v18 =	vld [tilespmem:s19+$0xFFFFFFE0]  }
0x169: {  	v11 =	vadd.f32 v12, v11;
	v10 =	vadd.f32 v17, v10;
	v12 =	vshll.u32 v15, $0x10;
	v17 =	vld [tilespmem:s19+$0xFFFFFFF0]  }
0x16a: {  	v8 =	vadd.f32 v15, v8;
	v9 =	vadd.f32 v16, v9;
	v15 =	vshll.u32 v16, $0x10;
	v16 =	vld [tilespmem:s19+$0x0]  }
0x16b: {  	v11 =	vadd.f32 v12, v11;
	v10 =	vadd.f32 v15, v10;
	v12 =	vshll.u32 v13, $0x10;
	v15 =	vld [tilespmem:s19+$0x10]  }
0x16c: {  	v8 =	vadd.f32 v13, v8;
	v9 =	vadd.f32 v14, v9;
	v13 =	vshll.u32 v14, $0x10;
	v19 =	vld [tilespmem:s19+$0x20]  }
0x16d: {  	v11 =	vadd.f32 v12, v11;
	v10 =	vadd.f32 v13, v10;
	v12 =	vshll.u32 v18, $0x10;
	v20 =	vld [tilespmem:s19+$0x30]  }
.Ltmp8:
0x16e: {  	v8 =	vadd.f32 v18, v8;
	v13 =	vadd.f32 v17, v9;
	v14 =	vshll.u32 v17, $0x10;
	v9 =	vld [tilespmem:s19+$0x40];
	(pc) =	sbr.rel @p1 .LBB2_19-.Ltmp8, $4  }
0x16f: {  	v11 =	vadd.f32 v12, v11;
	v12 =	vadd.f32 v14, v10;
	v14 =	vshll.u32 v16, $0x10;
	v10 =	vld [tilespmem:s19+$0x50]  }
0x170: {  	v17 =	vadd.f32 v16, v8;
	v13 =	vadd.f32 v15, v13;
	v15 =	vshll.u32 v15, $0x10;
	v8 =	vld [tilespmem:s19+$0x60]  }
0x171: {  	v14 =	vadd.f32 v14, v11;
	v11 =	vadd.f32 v15, v12;
	v16 =	vshll.u32 v19, $0x10;
	v12 =	vld [tilespmem:s19+$0x70]  }
0x172: {  	v15 =	vadd.f32 v19, v17;
	s19 =	sadd.s32 $0x100, s19;
	v13 =	vadd.f32 v20, v13;
	v17 =	vshll.u32 v20, $0x10  }
0x173: {  	v14 =	vadd.f32 v16, v14;
	v16 =	vld [tilespmem:s17+$0xFFFFFF10]  }
0x174: {  	v11 =	vadd.f32 v17, v11;
	v17 =	vshll.u32 v9, $0x10;
	v9 =	vadd.f32 v9, v15;
	v15 =	vld [tilespmem:s17+$0xFFFFFF20]  }
0x175: {  	v13 =	vadd.f32 v10, v13;
	v10 =	vshll.u32 v10, $0x10;
	v14 =	vadd.f32 v17, v14;
	v17 =	vld [tilespmem:s17+$0xFFFFFF30]  }
0x176: {  	v20 =	vld [tilespmem:s17+$0xFFFFFF40];
	v18 =	vadd.f32 v10, v11;
	v19 =	vshll.u32 v8, $0x10;
	v11 =	vadd.f32 v8, v9  }
0x177: {  	v10 =	vadd.f32 v12, v13;
	v8 =	vshll.u32 v12, $0x10;
	v12 =	vld [tilespmem:s17+$0xFFFFFF50];
	v13 =	vimm.f32 $0.0e+00  }
0x178: {  	v9 =	vadd.f32 v19, v14;
	v8 =	vadd.f32 v8, v18;
	v18 =	vld [tilespmem:s17+$0xFFFFFF60];
	v14 =	vshll.u32 v16, $0x10  }
0x179: {  	v21 =	vld [tilespmem:s17+$0xFFFFFF70];
	v16 =	vadd.f32 v16, v13;
	v19 =	vadd.f32 v15, v13;
	v15 =	vshll.u32 v15, $0x10  }
0x17a: {  	v22 =	vld [tilespmem:s17+$0xFFFFFF80];
	v14 =	vadd.f32 v14, v13;
	v13 =	vadd.f32 v15, v13;
	v15 =	vshll.u32 v17, $0x10  }
0x17b: {  	v16 =	vadd.f32 v17, v16;
	v17 =	vadd.f32 v20, v19;
	v19 =	vshll.u32 v20, $0x10;
	v20 =	vld [tilespmem:s17+$0xFFFFFF90]  }
0x17c: {  	v23 =	vld [tilespmem:s17+$0xFFFFFFA0];
	v15 =	vadd.f32 v15, v14;
	v13 =	vadd.f32 v19, v13;
	v19 =	vshll.u32 v12, $0x10  }
0x17d: {  	v14 =	vld [tilespmem:s17+$0xFFFFFFB0];
	v12 =	vadd.f32 v12, v16;
	v16 =	vadd.f32 v18, v17;
	v17 =	vshll.u32 v18, $0x10  }
0x17e: {  	v15 =	vadd.f32 v19, v15;
	v18 =	vshll.u32 v21, $0x10;
	v13 =	vadd.f32 v17, v13;
	v17 =	vld [tilespmem:s17+$0xFFFFFFC0]  }
0x17f: {  	v19 =	vadd.f32 v21, v12;
	v21 =	vshll.u32 v22, $0x10;
	v12 =	vld [tilespmem:s17+$0xFFFFFFD0];
	v16 =	vadd.f32 v22, v16  }
0x180: {  	v22 =	vadd.f32 v18, v15;
	v15 =	vld [tilespmem:s17+$0xFFFFFFE0];
	v21 =	vadd.f32 v21, v13;
	v24 =	vshll.u32 v20, $0x10  }
0x181: {  	v18 =	vadd.f32 v20, v19;
	v13 =	vld [tilespmem:s17+$0xFFFFFFF0];
	v19 =	vadd.f32 v23, v16;
	v16 =	vshll.u32 v23, $0x10  }
0x182: {  	s18 =	simm.s32 $0x28;
	v20 =	vadd.f32 v24, v22;
	v22 =	vshll.u32 v14, $0x10;
	v21 =	vadd.f32 v16, v21;
	v16 =	vld [tilespmem:s17+$0x0];
	s17 =	simm.s32 $0xB0F0  }
.LBB2_21:
0x183: {  	v23 =	vld [tilespmem:s17+$0xFFFFFF10];
	v14 =	vadd.f32 v14, v18;
	v18 =	vadd.f32 v17, v19;
	v17 =	vshll.u32 v17, $0x10  }
0x184: {  	s18 =	sadd.s32 $0x8, s18;
	v19 =	vld [tilespmem:s17+$0xFFFFFF20];
	v20 =	vadd.f32 v22, v20;
	v17 =	vadd.f32 v17, v21;
	v21 =	vshll.u32 v12, $0x10  }
0x185: {  	p1 =	slt.u32 s18, $0x48;
	v22 =	vld [tilespmem:s17+$0xFFFFFF30];
	v12 =	vadd.f32 v12, v14;
	v14 =	vadd.f32 v15, v18;
	v15 =	vshll.u32 v15, $0x10  }
0x186: {  	v18 =	vld [tilespmem:s17+$0xFFFFFF40];
	v20 =	vadd.f32 v21, v20;
	v15 =	vadd.f32 v15, v17;
	v17 =	vshll.u32 v13, $0x10  }
0x187: {  	v21 =	vld [tilespmem:s17+$0xFFFFFF50];
	v12 =	vadd.f32 v13, v12;
	v13 =	vadd.f32 v16, v14;
	v14 =	vshll.u32 v16, $0x10  }
0x188: {  	v16 =	vshll.u32 v23, $0x10;
	v24 =	vld [tilespmem:s17+$0xFFFFFF60];
	v17 =	vadd.f32 v17, v20;
	v14 =	vadd.f32 v14, v15  }
0x189: {  	v12 =	vadd.f32 v23, v12;
	v13 =	vadd.f32 v19, v13;
	v15 =	vshll.u32 v19, $0x10;
	v19 =	vld [tilespmem:s17+$0xFFFFFF70]  }
0x18a: {  	v16 =	vadd.f32 v16, v17;
	v14 =	vadd.f32 v15, v14;
	v15 =	vshll.u32 v22, $0x10;
	v20 =	vld [tilespmem:s17+$0xFFFFFF80]  }
0x18b: {  	v12 =	vadd.f32 v22, v12;
	v13 =	vadd.f32 v18, v13;
	v17 =	vshll.u32 v18, $0x10;
	v18 =	vld [tilespmem:s17+$0xFFFFFF90]  }
0x18c: {  	v15 =	vadd.f32 v15, v16;
	v16 =	vadd.f32 v17, v14;
	v17 =	vshll.u32 v21, $0x10;
	v22 =	vld [tilespmem:s17+$0xFFFFFFA0]  }
0x18d: {  	v12 =	vadd.f32 v21, v12;
	v13 =	vadd.f32 v24, v13;
	v21 =	vshll.u32 v24, $0x10;
	v14 =	vld [tilespmem:s17+$0xFFFFFFB0]  }
.Ltmp9:
0x18e: {  	v15 =	vadd.f32 v17, v15;
	v16 =	vadd.f32 v21, v16;
	v21 =	vshll.u32 v19, $0x10;
	v17 =	vld [tilespmem:s17+$0xFFFFFFC0];
	(pc) =	sbr.rel @p1 .LBB2_21-.Ltmp9, $4  }
0x18f: {  	v19 =	vadd.f32 v19, v12;
	v13 =	vadd.f32 v20, v13;
	v20 =	vshll.u32 v20, $0x10;
	v12 =	vld [tilespmem:s17+$0xFFFFFFD0]  }
0x190: {  	v21 =	vadd.f32 v21, v15;
	v16 =	vadd.f32 v20, v16;
	v20 =	vshll.u32 v18, $0x10;
	v15 =	vld [tilespmem:s17+$0xFFFFFFE0]  }
0x191: {  	v18 =	vadd.f32 v18, v19;
	v19 =	vadd.f32 v22, v13;
	v22 =	vshll.u32 v22, $0x10;
	v13 =	vld [tilespmem:s17+$0xFFFFFFF0]  }
0x192: {  	v20 =	vadd.f32 v20, v21;
	v21 =	vadd.f32 v22, v16;
	v22 =	vshll.u32 v14, $0x10;
	v16 =	vld [tilespmem:s17+$0x0];
	s17 =	sadd.s32 $0x100, s17  }
0x193: {  	s17 =	sadd.s32 @!p0 $0x550, s16;
	s18 =	simm.s32 @!p0 $0x50;
	s19 =	simm.s32 @!p0 $0xAA00  }
0x194: {  	[tilespmem:s19], [sflag:$0x8] =	stream.indirect.gather @!p0 [hbm4b:s3+s18], $0x20, s17, s18, $0xb8;
	[tilespmem:$0xE800] =	vst v63  }
0x195: {  	_ =	swait.ge [sflag:s11], $0xA00  }
0x196: {  	[sflag:s11] =	ssyncset.done $0x0  }
0x197: {  	s19 =	simm.s32 $0xB480;
	[sflag:s11] =	ssyncadd.s32 $0xFFFFF600  }
0x198: {  	v14 =	vadd.f32 v14, v18;
	v18 =	vadd.f32 v17, v19;
	v17 =	vshll.u32 v17, $0x10;
	v19 =	vld [tilespmem:s19+$0xFFFFFF80]  }
0x199: {  	v20 =	vadd.f32 v22, v20;
	v17 =	vadd.f32 v17, v21;
	v21 =	vshll.u32 v12, $0x10;
	v22 =	vld [tilespmem:s19+$0xFFFFFF90]  }
0x19a: {  	v12 =	vadd.f32 v12, v14;
	v14 =	vadd.f32 v15, v18;
	v15 =	vshll.u32 v15, $0x10;
	v18 =	vld [tilespmem:s19+$0xFFFFFFA0]  }
0x19b: {  	v20 =	vadd.f32 v21, v20;
	v15 =	vadd.f32 v15, v17;
	v17 =	vshll.u32 v13, $0x10;
	v21 =	vld [tilespmem:s19+$0xFFFFFFB0]  }
0x19c: {  	v12 =	vadd.f32 v13, v12;
	v13 =	vadd.f32 v16, v14;
	v14 =	vshll.u32 v16, $0x10;
	v16 =	vld [tilespmem:s19+$0xFFFFFFC0]  }
0x19d: {  	v17 =	vadd.f32 v17, v20;
	v14 =	vadd.f32 v14, v15;
	v20 =	vld [tilespmem:s19+$0xFFFFFFD0];
	v15 =	vshll.u32 v19, $0x10  }
0x19e: {  	v12 =	vadd.f32 v19, v12;
	v13 =	vadd.f32 v22, v13;
	v19 =	vshll.u32 v22, $0x10;
	v22 =	vld [tilespmem:s19+$0xFFFFFFE0]  }
0x19f: {  	v15 =	vadd.f32 v15, v17;
	v14 =	vadd.f32 v19, v14;
	v17 =	vshll.u32 v18, $0x10;
	v19 =	vld [tilespmem:s19+$0xFFFFFFF0]  }
0x1a0: {  	v12 =	vadd.f32 v18, v12;
	v13 =	vadd.f32 v21, v13;
	v18 =	vshll.u32 v21, $0x10;
	v21 =	vld [tilespmem:s19+$0x0]  }
0x1a1: {  	v23 =	vld [tilespmem:s19+$0x10];
	v15 =	vadd.f32 v17, v15;
	v17 =	vadd.f32 v18, v14;
	v18 =	vshll.u32 v16, $0x10  }
0x1a2: {  	v14 =	vld [tilespmem:s19+$0x20];
	v12 =	vadd.f32 v16, v12;
	v13 =	vadd.f32 v20, v13;
	v16 =	vshll.u32 v20, $0x10  }
0x1a3: {  	v15 =	vadd.f32 v18, v15;
	v16 =	vadd.f32 v16, v17;
	v18 =	vshll.u32 v22, $0x10;
	v17 =	vld [tilespmem:s19+$0x30]  }
0x1a4: {  	v20 =	vadd.f32 v22, v12;
	v13 =	vadd.f32 v19, v13;
	v19 =	vshll.u32 v19, $0x10;
	v12 =	vld [tilespmem:s19+$0x40]  }
0x1a5: {  	v22 =	vadd.f32 v18, v15;
	v16 =	vadd.f32 v19, v16;
	v24 =	vshll.u32 v21, $0x10;
	v15 =	vld [tilespmem:s19+$0x50]  }
0x1a6: {  	v18 =	vadd.f32 v21, v20;
	v19 =	vadd.f32 v23, v13;
	v21 =	vshll.u32 v23, $0x10;
	v13 =	vld [tilespmem:s19+$0x60]  }
0x1a7: {  	s17 =	simm.s32 $0x0;
	s18 =	simm.s32 $0xB580;
	v20 =	vadd.f32 v24, v22;
	v21 =	vadd.f32 v21, v16;
	v22 =	vshll.u32 v14, $0x10;
	v16 =	vld [tilespmem:s19+$0x70]  }
.LBB2_23:
0x1a8: {  	v23 =	vld [tilespmem:s18+$0xFFFFFF80];
	v14 =	vadd.f32 v14, v18;
	v18 =	vadd.f32 v17, v19;
	v17 =	vshll.u32 v17, $0x10  }
0x1a9: {  	s17 =	sadd.s32 $0x8, s17;
	v19 =	vld [tilespmem:s18+$0xFFFFFF90];
	v20 =	vadd.f32 v22, v20;
	v17 =	vadd.f32 v17, v21;
	v21 =	vshll.u32 v12, $0x10  }
0x1aa: {  	p1 =	slt.u32 s17, $0x48;
	v22 =	vld [tilespmem:s18+$0xFFFFFFA0];
	v12 =	vadd.f32 v12, v14;
	v14 =	vadd.f32 v15, v18;
	v15 =	vshll.u32 v15, $0x10  }
0x1ab: {  	v18 =	vld [tilespmem:s18+$0xFFFFFFB0];
	v20 =	vadd.f32 v21, v20;
	v15 =	vadd.f32 v15, v17;
	v17 =	vshll.u32 v13, $0x10  }
0x1ac: {  	v21 =	vld [tilespmem:s18+$0xFFFFFFC0];
	v12 =	vadd.f32 v13, v12;
	v13 =	vadd.f32 v16, v14;
	v14 =	vshll.u32 v16, $0x10  }
0x1ad: {  	v16 =	vshll.u32 v23, $0x10;
	v24 =	vld [tilespmem:s18+$0xFFFFFFD0];
	v17 =	vadd.f32 v17, v20;
	v14 =	vadd.f32 v14, v15  }
0x1ae: {  	v12 =	vadd.f32 v23, v12;
	v13 =	vadd.f32 v19, v13;
	v15 =	vshll.u32 v19, $0x10;
	v19 =	vld [tilespmem:s18+$0xFFFFFFE0]  }
0x1af: {  	v16 =	vadd.f32 v16, v17;
	v14 =	vadd.f32 v15, v14;
	v15 =	vshll.u32 v22, $0x10;
	v20 =	vld [tilespmem:s18+$0xFFFFFFF0]  }
0x1b0: {  	v12 =	vadd.f32 v22, v12;
	v13 =	vadd.f32 v18, v13;
	v17 =	vshll.u32 v18, $0x10;
	v18 =	vld [tilespmem:s18+$0x0]  }
0x1b1: {  	v15 =	vadd.f32 v15, v16;
	v16 =	vadd.f32 v17, v14;
	v17 =	vshll.u32 v21, $0x10;
	v22 =	vld [tilespmem:s18+$0x10]  }
0x1b2: {  	v12 =	vadd.f32 v21, v12;
	v13 =	vadd.f32 v24, v13;
	v21 =	vshll.u32 v24, $0x10;
	v14 =	vld [tilespmem:s18+$0x20]  }
.Ltmp10:
0x1b3: {  	v15 =	vadd.f32 v17, v15;
	v16 =	vadd.f32 v21, v16;
	v21 =	vshll.u32 v19, $0x10;
	v17 =	vld [tilespmem:s18+$0x30];
	(pc) =	sbr.rel @p1 .LBB2_23-.Ltmp10, $4  }
0x1b4: {  	v19 =	vadd.f32 v19, v12;
	v13 =	vadd.f32 v20, v13;
	v20 =	vshll.u32 v20, $0x10;
	v12 =	vld [tilespmem:s18+$0x40]  }
0x1b5: {  	v21 =	vadd.f32 v21, v15;
	v16 =	vadd.f32 v20, v16;
	v20 =	vshll.u32 v18, $0x10;
	v15 =	vld [tilespmem:s18+$0x50]  }
0x1b6: {  	v18 =	vadd.f32 v18, v19;
	v19 =	vadd.f32 v22, v13;
	v22 =	vshll.u32 v22, $0x10;
	v13 =	vld [tilespmem:s18+$0x60]  }
0x1b7: {  	v20 =	vadd.f32 v20, v21;
	v21 =	vadd.f32 v22, v16;
	v22 =	vshll.u32 v14, $0x10;
	v16 =	vld [tilespmem:s18+$0x70];
	s18 =	sadd.s32 $0x100, s18  }
0x1b8: {  	s17 =	sadd.s32 @!p0 $0x5A0, s16;
	s18 =	simm.s32 @!p0 $0x50;
	s19 =	simm.s32 @!p0 $0xB400  }
0x1b9: {  	[tilespmem:s19], [sflag:$0x9] =	stream.indirect.gather @!p0 [hbm4b:s3+s18], $0x20, s17, s18, $0xb8;
	[tilespmem:$0xE800] =	vst v63  }
0x1ba: {  	_ =	swait.ge [sflag:s12], $0xA00  }
0x1bb: {  	[sflag:s12] =	ssyncset.done $0x0  }
0x1bc: {  	s19 =	simm.s32 $0xBE80;
	[sflag:s12] =	ssyncadd.s32 $0xFFFFF600  }
0x1bd: {  	v14 =	vadd.f32 v14, v18;
	v18 =	vadd.f32 v17, v19;
	v17 =	vshll.u32 v17, $0x10;
	v19 =	vld [tilespmem:s19+$0xFFFFFF80]  }
0x1be: {  	v20 =	vadd.f32 v22, v20;
	v17 =	vadd.f32 v17, v21;
	v21 =	vshll.u32 v12, $0x10;
	v22 =	vld [tilespmem:s19+$0xFFFFFF90]  }
0x1bf: {  	v12 =	vadd.f32 v12, v14;
	v14 =	vadd.f32 v15, v18;
	v15 =	vshll.u32 v15, $0x10;
	v18 =	vld [tilespmem:s19+$0xFFFFFFA0]  }
0x1c0: {  	v20 =	vadd.f32 v21, v20;
	v15 =	vadd.f32 v15, v17;
	v17 =	vshll.u32 v13, $0x10;
	v21 =	vld [tilespmem:s19+$0xFFFFFFB0]  }
0x1c1: {  	v12 =	vadd.f32 v13, v12;
	v13 =	vadd.f32 v16, v14;
	v14 =	vshll.u32 v16, $0x10;
	v16 =	vld [tilespmem:s19+$0xFFFFFFC0]  }
0x1c2: {  	v17 =	vadd.f32 v17, v20;
	v14 =	vadd.f32 v14, v15;
	v20 =	vld [tilespmem:s19+$0xFFFFFFD0];
	v15 =	vshll.u32 v19, $0x10  }
0x1c3: {  	v12 =	vadd.f32 v19, v12;
	v13 =	vadd.f32 v22, v13;
	v19 =	vshll.u32 v22, $0x10;
	v22 =	vld [tilespmem:s19+$0xFFFFFFE0]  }
0x1c4: {  	v15 =	vadd.f32 v15, v17;
	v14 =	vadd.f32 v19, v14;
	v17 =	vshll.u32 v18, $0x10;
	v19 =	vld [tilespmem:s19+$0xFFFFFFF0]  }
0x1c5: {  	v12 =	vadd.f32 v18, v12;
	v13 =	vadd.f32 v21, v13;
	v18 =	vshll.u32 v21, $0x10;
	v21 =	vld [tilespmem:s19+$0x0]  }
0x1c6: {  	v15 =	vadd.f32 v17, v15;
	v14 =	vadd.f32 v18, v14;
	v17 =	vshll.u32 v16, $0x10;
	v18 =	vld [tilespmem:s19+$0x10]  }
0x1c7: {  	v12 =	vadd.f32 v16, v12;
	v13 =	vadd.f32 v20, v13;
	v20 =	vshll.u32 v20, $0x10;
	v16 =	vld [tilespmem:s19+$0x20]  }
0x1c8: {  	v15 =	vadd.f32 v17, v15;
	v14 =	vadd.f32 v20, v14;
	v20 =	vshll.u32 v22, $0x10;
	v17 =	vld [tilespmem:s19+$0x30]  }
0x1c9: {  	v12 =	vadd.f32 v22, v12;
	v22 =	vadd.f32 v19, v13;
	v19 =	vshll.u32 v19, $0x10;
	v13 =	vld [tilespmem:s19+$0x40]  }
0x1ca: {  	v23 =	vadd.f32 v20, v15;
	v14 =	vadd.f32 v19, v14;
	v19 =	vshll.u32 v21, $0x10;
	v15 =	vld [tilespmem:s19+$0x50]  }
0x1cb: {  	v20 =	vadd.f32 v21, v12;
	v21 =	vadd.f32 v18, v22;
	v18 =	vshll.u32 v18, $0x10;
	v12 =	vld [tilespmem:s19+$0x60]  }
0x1cc: {  	s17 =	simm.s32 $0x0;
	s18 =	simm.s32 $0xBF80;
	v19 =	vadd.f32 v19, v23;
	v18 =	vadd.f32 v18, v14;
	v22 =	vshll.u32 v16, $0x10;
	v14 =	vld [tilespmem:s19+$0x70]  }
.LBB2_25:
0x1cd: {  	v23 =	vld [tilespmem:s18+$0xFFFFFF80];
	v16 =	vadd.f32 v16, v20;
	v20 =	vadd.f32 v17, v21;
	v17 =	vshll.u32 v17, $0x10  }
0x1ce: {  	s17 =	sadd.s32 $0x8, s17;
	v21 =	vld [tilespmem:s18+$0xFFFFFF90];
	v19 =	vadd.f32 v22, v19;
	v17 =	vadd.f32 v17, v18;
	v18 =	vshll.u32 v13, $0x10  }
0x1cf: {  	p1 =	slt.u32 s17, $0x48;
	v22 =	vld [tilespmem:s18+$0xFFFFFFA0];
	v13 =	vadd.f32 v13, v16;
	v16 =	vadd.f32 v15, v20;
	v15 =	vshll.u32 v15, $0x10  }
0x1d0: {  	v20 =	vld [tilespmem:s18+$0xFFFFFFB0];
	v18 =	vadd.f32 v18, v19;
	v15 =	vadd.f32 v15, v17;
	v17 =	vshll.u32 v12, $0x10  }
0x1d1: {  	v19 =	vld [tilespmem:s18+$0xFFFFFFC0];
	v12 =	vadd.f32 v12, v13;
	v13 =	vadd.f32 v14, v16;
	v14 =	vshll.u32 v14, $0x10  }
0x1d2: {  	v16 =	vshll.u32 v23, $0x10;
	v24 =	vld [tilespmem:s18+$0xFFFFFFD0];
	v17 =	vadd.f32 v17, v18;
	v14 =	vadd.f32 v14, v15  }
0x1d3: {  	v12 =	vadd.f32 v23, v12;
	v13 =	vadd.f32 v21, v13;
	v15 =	vshll.u32 v21, $0x10;
	v18 =	vld [tilespmem:s18+$0xFFFFFFE0]  }
0x1d4: {  	v16 =	vadd.f32 v16, v17;
	v14 =	vadd.f32 v15, v14;
	v15 =	vshll.u32 v22, $0x10;
	v21 =	vld [tilespmem:s18+$0xFFFFFFF0]  }
0x1d5: {  	v12 =	vadd.f32 v22, v12;
	v13 =	vadd.f32 v20, v13;
	v17 =	vshll.u32 v20, $0x10;
	v20 =	vld [tilespmem:s18+$0x0]  }
0x1d6: {  	v15 =	vadd.f32 v15, v16;
	v14 =	vadd.f32 v17, v14;
	v17 =	vshll.u32 v19, $0x10;
	v22 =	vld [tilespmem:s18+$0x10]  }
0x1d7: {  	v12 =	vadd.f32 v19, v12;
	v13 =	vadd.f32 v24, v13;
	v19 =	vshll.u32 v24, $0x10;
	v16 =	vld [tilespmem:s18+$0x20]  }
.Ltmp11:
0x1d8: {  	v15 =	vadd.f32 v17, v15;
	v14 =	vadd.f32 v19, v14;
	v19 =	vshll.u32 v18, $0x10;
	v17 =	vld [tilespmem:s18+$0x30];
	(pc) =	sbr.rel @p1 .LBB2_25-.Ltmp11, $4  }
0x1d9: {  	v12 =	vadd.f32 v18, v12;
	v18 =	vadd.f32 v21, v13;
	v21 =	vshll.u32 v21, $0x10;
	v13 =	vld [tilespmem:s18+$0x40]  }
0x1da: {  	v19 =	vadd.f32 v19, v15;
	v14 =	vadd.f32 v21, v14;
	v23 =	vshll.u32 v20, $0x10;
	v15 =	vld [tilespmem:s18+$0x50]  }
0x1db: {  	v20 =	vadd.f32 v20, v12;
	v21 =	vadd.f32 v22, v18;
	v18 =	vshll.u32 v22, $0x10;
	v12 =	vld [tilespmem:s18+$0x60]  }
0x1dc: {  	v19 =	vadd.f32 v23, v19;
	v18 =	vadd.f32 v18, v14;
	v22 =	vshll.u32 v16, $0x10;
	v14 =	vld [tilespmem:s18+$0x70];
	s18 =	sadd.s32 $0x100, s18  }
0x1dd: {  	s16 =	sadd.s32 @!p0 $0x5F0, s16  }
0x1de: {  	s17 =	simm.s32 @!p0 $0x50;
	s18 =	simm.s32 @!p0 $0xBE00;
	s19 =	sshll.u32 s15, $0x8  }
0x1df: {  	v3 =	vmul.f32 $4.999999890e-03, v3;
	[tilespmem:s18], [sflag:$0xA] =	stream.indirect.gather @!p0 [hbm4b:s3+s17], $0x20, s16, s17, $0xb8;
	[tilespmem:$0xE800] =	vst v63  }
0x1e0: {  	v0 =	vmul.f32 $4.999999890e-03, v0;
	s16 =	sand.u32 $0x3FFFFF00, s19  }
0x1e1: {  	v1 =	vmul.f32 $4.999999890e-03, v1;
	[tilespmem:s16+$0xC800] =	vst v3  }
0x1e2: {  	v41 =	vmul.f32 $4.999999890e-03, v2;
	[tilespmem:s16+$0xC810] =	vst v0  }
0x1e3: {  	v42 =	vmul.f32 $4.999999890e-03, v7;
	[tilespmem:s16+$0xC820] =	vst v1  }
0x1e4: {  	v43 =	vadd.f32 v16, v20;
	v45 =	vmul.f32 $4.999999890e-03, v6;
	v48 =	vmul.f32 $4.999999890e-03, v5;
	[tilespmem:s16+$0xC830] =	vst v41  }
0x1e5: {  	v44 =	vadd.f32 v17, v21;
	v51 =	vmul.f32 $4.999999890e-03, v4;
	v52 =	vmul.f32 $4.999999890e-03, v11;
	[tilespmem:s16+$0xC840] =	vst v42  }
0x1e6: {  	v46 =	vshll.u32 v17, $0x10;
	v54 =	vmul.f32 $4.999999890e-03, v10;
	v55 =	vmul.f32 $4.999999890e-03, v9;
	[tilespmem:s16+$0xC850] =	vst v45  }
0x1e7: {  	v57 =	vmul.f32 $4.999999890e-03, v8;
	v47 =	vadd.f32 v22, v19;
	v2 =	vadd.f32 v13, v43;
	[tilespmem:s16+$0xC860] =	vst v48  }
0x1e8: {  	v49 =	vadd.f32 v46, v18;
	v50 =	vshll.u32 v13, $0x10;
	v3 =	vadd.f32 v15, v44;
	[tilespmem:s16+$0xC870] =	vst v51  }
0x1e9: {  	v53 =	vshll.u32 v15, $0x10;
	[tilespmem:s16+$0xC880] =	vst v52;
	v6 =	vadd.f32 v50, v47;
	v2 =	vadd.f32 v12, v2  }
0x1ea: {  	s15 =	sadd.s32 $0x1, s15;
	[tilespmem:s16+$0xC890] =	vst v54;
	v4 =	vadd.f32 v53, v49;
	v56 =	vshll.u32 v12, $0x10;
	v3 =	vadd.f32 v14, v3  }
0x1eb: {  	p0 =	sne.s32 s15, $0x20;
	[tilespmem:s16+$0xC8A0] =	vst v55;
	v58 =	vshll.u32 v14, $0x10;
	v5 =	vadd.f32 v56, v6;
	v59 =	vmul.f32 $4.999999890e-03, v2  }
.Ltmp12:
0x1ec: {  	[tilespmem:s16+$0xC8B0] =	vst v57;
	v60 =	vadd.f32 v58, v4;
	v61 =	vmul.f32 $4.999999890e-03, v3;
	(pc) =	sbr.rel @p0 .LBB2_2-.Ltmp12, $4  }
0x1ed: {  	v62 =	vmul.f32 $4.999999890e-03, v5;
	[tilespmem:s16+$0xC8C0] =	vst v59  }
0x1ee: {  	v63 =	vmul.f32 $4.999999890e-03, v60;
	[tilespmem:s16+$0xC8D0] =	vst v61  }
0x1ef: {  	[tilespmem:s16+$0xC8E0] =	vst v62  }
0x1f0: {  	[tilespmem:s16+$0xC8F0] =	vst v63  }
0x1f1: {  	s14 =	sadd.s32 $0x1, s14  }
0x1f2: {  	p0 =	sne.s32 s14, s6  }
.Ltmp13:
0x1f3: {  	_ = 	snop;
	(pc) =	sbr.rel @p0 .LBB2_1-.Ltmp13, $4  }
0x1f4: {  	[hbm4b:s5+s2] =	stream.linear.scatter [tilespmem:s13], [sflag:$0xB], $0x2000, $0x38;
	[tilespmem:$0xE800] =	vst v63  }
0x1f5: {  	_ =	swait.ge [sflag:s7], $0x2000  }
0x1f6: {  	[sflag:s7] =	ssyncset.done $0x0  }
0x1f7: {  	[sflag:s7] =	ssyncadd.s32 $0xFFFFE000  }
0x1f8: {  	_ =	sfence.sel $0x180000  }
0x1f9: {  	[bflag:$0x0] =	sbarrier.arrive $0xFFFF  }
0x1fa: {  	_ =	strace $0x90000047  }
0x1fb: {  	s0 =	stileid.u32;
	[bflag:$0x2] =	sbarrier.arrive $0xFFFF  }
0x1fc: {  	p0 =	sne.s32 s0, $0x0;
	s0 =	rddreg [dreg:$0x2]  }
0x1fd: {  	s0 =	sadd.s32 @!p0 $0x100000, s0  }
0x1fe: {  	[sflag:s0] =	ssyncadd.tile.s32 @!p0 $0x1;
	_ =	shalt  }
.Lfunc_end2:
_tile_overlayer_lowered:
.L_overlay_start_2:
0x1ff: {  	(tag) =	ssettag $0x2  }
0x200: {  	s0 =	rddreg [dreg:$0x0];
	s2 =	stileid.u32  }
0x201: {  	s1 =	rddreg [dreg:$0x1];
	p0 =	sne.s32 s2, $0x0  }
0x202: {  	s3 =	rddreg [dreg:$0x2];
	[bflag:$0x3] =	sbarrier.arrive $0xFFFF;
	s2 =	simm.s32 @!p0 $0x1C0B  }
0x203: {  	[timem:s3], [sflag:s2] =	dma.local @!p0 [hbm:s0], s1  }
0x204: {  	s0 =	simm.s32 @!p0 $0xB  }
0x205: {  	_ =	swait.ge @!p0 [sflag:s0], s1  }
0x206: {  	s1 =	ssub.s32 @!p0 $0x0, s1;
	[sflag:s0] =	ssyncset.done @!p0 $0x0  }
0x207: {  	[sflag:s0] =	ssyncadd.s32 @!p0 s1  }
0x208: {  	[bflag:$0x3] =	sbarrier.arrive $0xFFFF  }
0x209: {  	_ =	shalt  }

</sc_bundles>
